<compile_context>
chip_gen: v7x
topology: tpu7x:2x2x1
jax: 0.10.2.dev20260603
libtpu: 0.0.44.dev20260713+nightly
codegen_flags: <defaults>
</compile_context>

<pallas_src>
import jax
import jax.numpy as jnp
from jax import lax
from jax.experimental import pallas as pl

N, D = 1024, 768
NPQ = 1024
C, W, S = 128, 256, 6
BN = 128
CB = 16
NCB = C // CB
K = CB * S
LW = CB * W
KA = 104
INV_T = 100.0
NCHUNK = 4
RB = N // NCHUNK // BN


def _prep(cb_ref, p_ref, bdta_ref, n2_ref):
    bdta_ref[...] = jnp.zeros((NCB, LW, KA), jnp.float32)
    for b in range(NCB):
        for c in range(CB):
            blk = cb_ref[b * CB + c]
            bdta_ref[b, c * W:(c + 1) * W, c * S:(c + 1) * S] = blk
            bdta_ref[b, c * W:(c + 1) * W, K:K + 1] = jnp.sum(
                blk * blk, axis=1, keepdims=True)
    p = p_ref[...]
    ones = jnp.ones((8, D), jnp.float32)
    n2_ref[...] = lax.dot_general(ones, p * p, (((1,), (1,)), ((), ())),
                                  precision=lax.Precision.HIGHEST,
                                  preferred_element_type=jnp.float32)


def _stage1(v_ref, p_ref, n2_ref, simi_ref, cent_ref, rt_ref):
    v = v_ref[...]
    p = p_ref[...]
    ip = lax.dot_general(v, p, (((1,), (1,)), ((), ())),
                         preferred_element_type=jnp.float32)
    norm1 = jnp.sum(v * v, axis=1, keepdims=True)
    norm2 = n2_ref[0:1]
    simi = -(norm1 + norm2 - 2.0 * ip)
    simi_ref[...] = simi
    m = jnp.max(simi, axis=1, keepdims=True)
    iota = lax.broadcasted_iota(jnp.int32, (BN, NPQ), 1)
    idx = jnp.min(jnp.where(simi == m, iota, NPQ), axis=1, keepdims=True)
    oh = (iota == idx).astype(jnp.float32)
    centers = lax.dot_general(oh, p, (((1,), (0,)), ((), ())),
                              precision=lax.Precision.HIGHEST,
                              preferred_element_type=jnp.float32)
    cent_ref[...] = centers
    resid = v - centers
    for j in range(NCB):
        rt_ref[j] = resid[:, j * K:(j + 1) * K]


def _stage2(rt_ref, bdta_ref, assign_ref, q_ref):
    rs = rt_ref[0] * (2.0 * INV_T)
    aug = jnp.concatenate(
        [rs, jnp.full((BN, 1), -INV_T, jnp.float32),
         jnp.zeros((BN, KA - K - 1), jnp.float32)], axis=1)
    bdta = bdta_ref[0]
    logits = lax.dot_general(aug, bdta, (((1,), (1,)), ((), ())),
                             precision=lax.Precision.HIGHEST,
                             preferred_element_type=jnp.float32)
    outs = []
    ohs = []
    iota = lax.broadcasted_iota(jnp.int32, (BN, W), 1)
    for c in range(CB):
        lc = logits[:, c * W:(c + 1) * W]
        m = jnp.max(lc, axis=1, keepdims=True)
        e = jnp.exp(lc - m)
        ssum = jnp.sum(e, axis=1, keepdims=True)
        outs.append(e / ssum)
        idx = jnp.min(jnp.where(lc == m, iota, W), axis=1, keepdims=True)
        ohs.append((iota == idx).astype(jnp.float32))
    assign_ref[...] = jnp.concatenate(outs, axis=1)
    oh = jnp.concatenate(ohs, axis=1)
    q_ref[0] = lax.dot_general(oh, bdta[:, :K], (((1,), (0,)), ((), ())),
                               preferred_element_type=jnp.float32)


def _stage3(c_ref, qt_ref, out_ref):
    q = jnp.concatenate([qt_ref[j] for j in range(NCB)], axis=1)
    x = c_ref[...] + q
    n = jnp.sqrt(jnp.sum(x * x, axis=1, keepdims=True))
    out_ref[...] = x / jnp.maximum(n, 1e-12)


def kernel(vectors, pq_assign, codebooks):
    nb = N // BN

    bdta, n2 = pl.pallas_call(
        _prep,
        grid=(1,),
        in_specs=[
            pl.BlockSpec((C, W, S), lambda i: (0, 0, 0)),
            pl.BlockSpec((NPQ, D), lambda i: (0, 0)),
        ],
        out_specs=[
            pl.BlockSpec((NCB, LW, KA), lambda i: (0, 0, 0)),
            pl.BlockSpec((8, NPQ), lambda i: (0, 0)),
        ],
        out_shape=[
            jax.ShapeDtypeStruct((NCB, LW, KA), jnp.float32),
            jax.ShapeDtypeStruct((8, NPQ), jnp.float32),
        ],
    )(codebooks, pq_assign)

    simi, centers, rt = pl.pallas_call(
        _stage1,
        grid=(nb,),
        in_specs=[
            pl.BlockSpec((BN, D), lambda i: (i, 0)),
            pl.BlockSpec((NPQ, D), lambda i: (0, 0)),
            pl.BlockSpec((8, NPQ), lambda i: (0, 0)),
        ],
        out_specs=[
            pl.BlockSpec((BN, NPQ), lambda i: (i, 0)),
            pl.BlockSpec((BN, D), lambda i: (i, 0)),
            pl.BlockSpec((NCB, BN, K), lambda i: (0, i, 0)),
        ],
        out_shape=[
            jax.ShapeDtypeStruct((N, NPQ), jnp.float32),
            jax.ShapeDtypeStruct((N, D), jnp.float32),
            jax.ShapeDtypeStruct((NCB, N, K), jnp.float32),
        ],
    )(vectors, pq_assign, n2)

    NR = N // NCHUNK
    assign_chunks = []
    quant_chunks = []
    for ck in range(NCHUNK):
        a_ck, qt_ck = pl.pallas_call(
            _stage2,
            grid=(NCB, RB),
            in_specs=[
                pl.BlockSpec((1, BN, K),
                             lambda cb, i, ck=ck: (cb, ck * RB + i, 0)),
                pl.BlockSpec((1, LW, KA), lambda cb, i: (cb, 0, 0)),
            ],
            out_specs=[
                pl.BlockSpec((BN, LW), lambda cb, i: (i, cb)),
                pl.BlockSpec((1, BN, K), lambda cb, i: (cb, i, 0)),
            ],
            out_shape=[
                jax.ShapeDtypeStruct((NR, C * W), jnp.float32),
                jax.ShapeDtypeStruct((NCB, NR, K), jnp.float32),
            ],
        )(rt, bdta)
        assign_chunks.append(a_ck.reshape(NR, C, W))

        quant_chunks.append(pl.pallas_call(
            _stage3,
            grid=(RB,),
            in_specs=[
                pl.BlockSpec((BN, D), lambda i, ck=ck: (ck * RB + i, 0)),
                pl.BlockSpec((NCB, BN, K), lambda i: (0, i, 0)),
            ],
            out_specs=pl.BlockSpec((BN, D), lambda i: (i, 0)),
            out_shape=jax.ShapeDtypeStruct((NR, D), jnp.float32),
        )(centers, qt_ck))

    assign = jnp.concatenate(assign_chunks, axis=0)
    quantized = jnp.concatenate(quant_chunks, axis=0)
    return simi, centers, assign, quantized

# --- scband reference (transcript-rebuilt; emitter-appended) ---
"""Pipeline reference for scband-col-bert-model-14628658610754 (READ-ONLY COPY).

The authoritative reference and input builder live on the scoring server;
editing this copy changes nothing except your own understanding.
"""

import jax, jax.numpy as jnp
import numpy as np

N = 1024       # number of token vectors
D = 768        # emb_size = num_codebook * subvec_size
NPQ = 1024     # num_pq (IVF centers)
C = 128        # num_codebook
W = 256        # num_codeword
S = 6          # subvec_size


def setup_inputs(seed: int = 0) -> dict:
    key = jax.random.key(seed)
    k1, k2, k3 = jax.random.split(key, 3)
    vectors = jax.random.normal(k1, (N, D), dtype=jnp.float32)
    # learned parameters (match torch init: uniform(-0.1, 0.1))
    pq_assign = jax.random.uniform(k2, (NPQ, D), minval=-0.1, maxval=0.1, dtype=jnp.float32)
    codebooks = jax.random.uniform(k3, (C, W, S), minval=-0.1, maxval=0.1, dtype=jnp.float32)
    return {"vectors": vectors, "pq_assign": pq_assign, "codebooks": codebooks}


def _normalize(x, eps=1e-12):
    # matches torch.nn.functional.normalize(dim=-1)
    n = jnp.linalg.norm(x, axis=-1, keepdims=True)
    return x / jnp.maximum(n, eps)


def reference(vectors, pq_assign, codebooks):
    # rotate is None (use_rotate=False) -> identity
    # pq_selection: negative squared L2 distance to IVF centers
    ip = jnp.matmul(vectors, pq_assign.T)                      # [N, NPQ]
    norm1 = jnp.sum(vectors ** 2, axis=-1, keepdims=True)       # [N, 1]
    norm2 = jnp.sum(pq_assign ** 2, axis=-1, keepdims=True)     # [NPQ, 1]
    simi = -(norm1 + norm2.T - 2.0 * ip)                        # [N, NPQ]
    pq_index = jnp.argmax(simi, axis=-1)                        # [N]
    pq_centers = jnp.take(pq_assign, pq_index, axis=0)          # [N, D]

    # code_selection on residual
    resid = (vectors - pq_centers).reshape(vectors.shape[0], C, S)   # [N, C, S]
    diff = resid[:, :, None, :] - codebooks[None, :, :, :]           # [N, C, W, S]
    proba = -jnp.sum(diff ** 2, axis=-1)                             # [N, C, W]
    codeword_assign = jax.nn.softmax(proba / 0.01, axis=-1)          # [N, C, W]

    # STEstimator (straight-through hard assignment)
    idx = jnp.argmax(codeword_assign, axis=-1)                       # [N, C]
    assign_hard = jax.nn.one_hot(idx, W, dtype=codeword_assign.dtype)
    assign = jax.lax.stop_gradient(assign_hard) - jax.lax.stop_gradient(codeword_assign) + codeword_assign

    # quantized_vecs: [N, C, 1, W] @ [N, C, W, S] -> [N, C, S] -> [N, D]
    q = jnp.einsum('ncw,cws->ncs', assign, codebooks).reshape(assign.shape[0], -1)
    quantized_vecs = _normalize(pq_centers + q)

    return (simi, pq_centers, codeword_assign, quantized_vecs)

if __name__ == "__main__":
    import jax
    _d = setup_inputs()
    print(jax.jit(kernel)(*tuple(_d.values())))

</pallas_src>

<mosaic_0001>
module attributes {stable_mosaic.version = 14 : i64} {
  func.func @_stage1(%arg0: i32, %arg1: memref<128x768xf32, #tpu.memory_space<vmem>>, %arg2: memref<1024x768xf32, #tpu.memory_space<vmem>>, %arg3: memref<8x1024xf32, #tpu.memory_space<vmem>>, %arg4: memref<128x1024xf32, #tpu.memory_space<vmem>>, %arg5: memref<128x768xf32, #tpu.memory_space<vmem>>, %arg6: memref<8x128x96xf32, #tpu.memory_space<vmem>>) attributes {dimension_semantics = [#tpu.dimension_semantics<arbitrary>], iteration_bounds = array<i64: 8>, scalar_prefetch = 0 : i64, scratch_operands = 0 : i64, tpu.core_type = #tpu.core_type<tc>, window_params = [{transform_indices = @transform_0, window_bounds = array<i64: 128, 768>}, {pipeline_mode = #tpu.pipeline_mode<synchronous>, transform_indices = @transform_1, window_bounds = array<i64: 1024, 768>}, {pipeline_mode = #tpu.pipeline_mode<synchronous>, transform_indices = @transform_2, window_bounds = array<i64: 8, 1024>}, {transform_indices = @transform_3, window_bounds = array<i64: 128, 1024>}, {transform_indices = @transform_4, window_bounds = array<i64: 128, 768>}, {transform_indices = @transform_5, window_bounds = array<i64: 8, 128, 96>}]} {
    %get3A = arith.constant 0 : index
    %get3A_0 = arith.constant 0 : index
    %get3A_1 = vector.load %arg1[%get3A, %get3A_0] : memref<128x768xf32, #tpu.memory_space<vmem>>, vector<128x768xf32>
    %get3A_2 = arith.constant 0 : index
    %get3A_3 = arith.constant 0 : index
    %get3A_4 = vector.load %arg2[%get3A_2, %get3A_3] : memref<1024x768xf32, #tpu.memory_space<vmem>>, vector<1024x768xf32>
    %dot_general3A = arith.constant dense<0.000000e+00> : vector<128x1024xf32>
    %dot_general3A_5 = tpu.matmul %get3A_1, %get3A_4, %dot_general3A {dimension_numbers = #tpu.dot_dimension_numbers<[1], [1], [0], [0], [0, 0, 1, 0], [], []>, transpose_lhs_hint = false} : vector<128x768xf32>, vector<1024x768xf32>, vector<128x1024xf32> -> vector<128x1024xf32>
    %mul3A = arith.mulf %get3A_1, %get3A_1 : vector<128x768xf32>
    %reduce_sum3A = arith.constant dense<0.000000e+00> : vector<128xf32>
    %reduce_sum3A_6 = vector.multi_reduction <add>, %mul3A, %reduce_sum3A [1] : vector<128x768xf32> to vector<128xf32>
    %broadcast_in_dim3A = vector.shape_cast %reduce_sum3A_6 : vector<128xf32> to vector<128x1xf32>
    %get3A_7 = arith.constant 0 : index
    %get3A_8 = arith.constant 0 : index
    %get3A_9 = vector.load %arg3[%get3A_7, %get3A_8] : memref<8x1024xf32, #tpu.memory_space<vmem>>, vector<1x1024xf32>
    %add3A = vector.broadcast %broadcast_in_dim3A : vector<128x1xf32> to vector<128x1024xf32>
    %add3A_10 = vector.broadcast %get3A_9 : vector<1x1024xf32> to vector<128x1024xf32>
    %add3A_11 = arith.addf %add3A, %add3A_10 : vector<128x1024xf32>
    %mul3A_12 = arith.constant 2.000000e+00 : f32
    %mul3A_13 = vector.broadcast %mul3A_12 : f32 to vector<128x1024xf32>
    %mul3A_14 = arith.mulf %mul3A_13, %dot_general3A_5 : vector<128x1024xf32>
    %sub3A = arith.subf %add3A_11, %mul3A_14 : vector<128x1024xf32>
    %neg3A = arith.constant 0.000000e+00 : f32
    %neg3A_15 = vector.broadcast %neg3A : f32 to vector<128x1024xf32>
    %neg3A_16 = arith.subf %neg3A_15, %sub3A : vector<128x1024xf32>
    %swap3A = arith.constant 0 : index
    %swap3A_17 = arith.constant 0 : index
    %swap3A_18 = vector.load %arg4[%swap3A, %swap3A_17] : memref<128x1024xf32, #tpu.memory_space<vmem>>, vector<128x1024xf32>
    tpu.vector_store %arg4[%swap3A, %swap3A_17], %neg3A_16 {strides = array<i32>} : memref<128x1024xf32, #tpu.memory_space<vmem>>, vector<128x1024xf32>,
    %reduce_max3A = arith.constant dense<0xFF800000> : vector<128xf32>
    %reduce_max3A_19 = vector.multi_reduction <maximumf>, %neg3A_16, %reduce_max3A [1] : vector<128x1024xf32> to vector<128xf32>
    %broadcast_in_dim3A_20 = vector.shape_cast %reduce_max3A_19 : vector<128xf32> to vector<128x1xf32>
    %iota3A = tpu.iota {dimensions = array<i32: 1>} : vector<128x1024xi32>
    %eq3A = vector.broadcast %broadcast_in_dim3A_20 : vector<128x1xf32> to vector<128x1024xf32>
    %eq3A_21 = arith.cmpf oeq, %neg3A_16, %eq3A : vector<128x1024xf32>
    %jit3A = arith.constant 1024 : i32
    %broadcast_in_dim3A_22 = vector.broadcast %jit3A : i32 to vector<128x1024xi32>
    %select_n3A = arith.select %eq3A_21, %iota3A, %broadcast_in_dim3A_22 : vector<128x1024xi1>, vector<128x1024xi32>
    %reduce_min3A = arith.constant dense<2147483647> : vector<128xi32>
    %reduce_min3A_23 = vector.multi_reduction <minsi>, %select_n3A, %reduce_min3A [1] : vector<128x1024xi32> to vector<128xi32>
    %broadcast_in_dim3A_24 = vector.shape_cast %reduce_min3A_23 : vector<128xi32> to vector<128x1xi32>
    %eq3A_25 = vector.broadcast %broadcast_in_dim3A_24 : vector<128x1xi32> to vector<128x1024xi32>
    %eq3A_26 = arith.cmpi eq, %iota3A, %eq3A_25 : vector<128x1024xi32>
    %convert_element_type3A = arith.extui %eq3A_26 : vector<128x1024xi1> to vector<128x1024xi32>
    %convert_element_type3A_27 = arith.sitofp %convert_element_type3A : vector<128x1024xi32> to vector<128x1024xf32>
    %dot_general3A_28 = arith.constant dense<0.000000e+00> : vector<128x768xf32>
    %dot_general3A_29 = tpu.matmul %convert_element_type3A_27, %get3A_4, %dot_general3A_28 {dimension_numbers = #tpu.dot_dimension_numbers<[1], [0], [0], [1], [0, 0, 1, 1], [], []>, precision = #tpu.contract_precision<fp32>, transpose_lhs_hint = false} : vector<128x1024xf32>, vector<1024x768xf32>, vector<128x768xf32> -> vector<128x768xf32>
    %swap3A_30 = arith.constant 0 : index
    %swap3A_31 = arith.constant 0 : index
    %swap3A_32 = vector.load %arg5[%swap3A_30, %swap3A_31] : memref<128x768xf32, #tpu.memory_space<vmem>>, vector<128x768xf32>
    tpu.vector_store %arg5[%swap3A_30, %swap3A_31], %dot_general3A_29 {strides = array<i32>} : memref<128x768xf32, #tpu.memory_space<vmem>>, vector<128x768xf32>,
    %sub3A_33 = arith.subf %get3A_1, %dot_general3A_29 : vector<128x768xf32>
    %slice3A = vector.extract_strided_slice %sub3A_33 {offsets = [0, 0], sizes = [128, 96], strides = [1, 1]} : vector<128x768xf32> to vector<128x96xf32>
    %swap3A_34 = arith.constant 0 : index
    %swap3A_35 = arith.constant 0 : index
    %swap3A_36 = arith.constant 0 : index
    %swap3A_37 = vector.load %arg6[%swap3A_34, %swap3A_35, %swap3A_36] : memref<8x128x96xf32, #tpu.memory_space<vmem>>, vector<1x128x96xf32>
    %swap3A_38 = vector.shape_cast %swap3A_37 : vector<1x128x96xf32> to vector<128x96xf32>
    %swap3A_39 = vector.shape_cast %slice3A : vector<128x96xf32> to vector<1x128x96xf32>
    tpu.vector_store %arg6[%swap3A_34, %swap3A_35, %swap3A_36], %swap3A_39 {strides = array<i32>} : memref<8x128x96xf32, #tpu.memory_space<vmem>>, vector<1x128x96xf32>,
    %slice3A_40 = vector.extract_strided_slice %sub3A_33 {offsets = [0, 96], sizes = [128, 96], strides = [1, 1]} : vector<128x768xf32> to vector<128x96xf32>
    %swap3A_41 = arith.constant 1 : index
    %swap3A_42 = arith.constant 0 : index
    %swap3A_43 = arith.constant 0 : index
    %swap3A_44 = vector.load %arg6[%swap3A_41, %swap3A_42, %swap3A_43] : memref<8x128x96xf32, #tpu.memory_space<vmem>>, vector<1x128x96xf32>
    %swap3A_45 = vector.shape_cast %swap3A_44 : vector<1x128x96xf32> to vector<128x96xf32>
    %swap3A_46 = vector.shape_cast %slice3A_40 : vector<128x96xf32> to vector<1x128x96xf32>
    tpu.vector_store %arg6[%swap3A_41, %swap3A_42, %swap3A_43], %swap3A_46 {strides = array<i32>} : memref<8x128x96xf32, #tpu.memory_space<vmem>>, vector<1x128x96xf32>,
    %slice3A_47 = vector.extract_strided_slice %sub3A_33 {offsets = [0, 192], sizes = [128, 96], strides = [1, 1]} : vector<128x768xf32> to vector<128x96xf32>
    %swap3A_48 = arith.constant 2 : index
    %swap3A_49 = arith.constant 0 : index
    %swap3A_50 = arith.constant 0 : index
    %swap3A_51 = vector.load %arg6[%swap3A_48, %swap3A_49, %swap3A_50] : memref<8x128x96xf32, #tpu.memory_space<vmem>>, vector<1x128x96xf32>
    %swap3A_52 = vector.shape_cast %swap3A_51 : vector<1x128x96xf32> to vector<128x96xf32>
    %swap3A_53 = vector.shape_cast %slice3A_47 : vector<128x96xf32> to vector<1x128x96xf32>
    tpu.vector_store %arg6[%swap3A_48, %swap3A_49, %swap3A_50], %swap3A_53 {strides = array<i32>} : memref<8x128x96xf32, #tpu.memory_space<vmem>>, vector<1x128x96xf32>,
    %slice3A_54 = vector.extract_strided_slice %sub3A_33 {offsets = [0, 288], sizes = [128, 96], strides = [1, 1]} : vector<128x768xf32> to vector<128x96xf32>
    %swap3A_55 = arith.constant 3 : index
    %swap3A_56 = arith.constant 0 : index
    %swap3A_57 = arith.constant 0 : index
    %swap3A_58 = vector.load %arg6[%swap3A_55, %swap3A_56, %swap3A_57] : memref<8x128x96xf32, #tpu.memory_space<vmem>>, vector<1x128x96xf32>
    %swap3A_59 = vector.shape_cast %swap3A_58 : vector<1x128x96xf32> to vector<128x96xf32>
    %swap3A_60 = vector.shape_cast %slice3A_54 : vector<128x96xf32> to vector<1x128x96xf32>
    tpu.vector_store %arg6[%swap3A_55, %swap3A_56, %swap3A_57], %swap3A_60 {strides = array<i32>} : memref<8x128x96xf32, #tpu.memory_space<vmem>>, vector<1x128x96xf32>,
    %slice3A_61 = vector.extract_strided_slice %sub3A_33 {offsets = [0, 384], sizes = [128, 96], strides = [1, 1]} : vector<128x768xf32> to vector<128x96xf32>
    %swap3A_62 = arith.constant 4 : index
    %swap3A_63 = arith.constant 0 : index
    %swap3A_64 = arith.constant 0 : index
    %swap3A_65 = vector.load %arg6[%swap3A_62, %swap3A_63, %swap3A_64] : memref<8x128x96xf32, #tpu.memory_space<vmem>>, vector<1x128x96xf32>
    %swap3A_66 = vector.shape_cast %swap3A_65 : vector<1x128x96xf32> to vector<128x96xf32>
    %swap3A_67 = vector.shape_cast %slice3A_61 : vector<128x96xf32> to vector<1x128x96xf32>
    tpu.vector_store %arg6[%swap3A_62, %swap3A_63, %swap3A_64], %swap3A_67 {strides = array<i32>} : memref<8x128x96xf32, #tpu.memory_space<vmem>>, vector<1x128x96xf32>,
    %slice3A_68 = vector.extract_strided_slice %sub3A_33 {offsets = [0, 480], sizes = [128, 96], strides = [1, 1]} : vector<128x768xf32> to vector<128x96xf32>
    %swap3A_69 = arith.constant 5 : index
    %swap3A_70 = arith.constant 0 : index
    %swap3A_71 = arith.constant 0 : index
    %swap3A_72 = vector.load %arg6[%swap3A_69, %swap3A_70, %swap3A_71] : memref<8x128x96xf32, #tpu.memory_space<vmem>>, vector<1x128x96xf32>
    %swap3A_73 = vector.shape_cast %swap3A_72 : vector<1x128x96xf32> to vector<128x96xf32>
    %swap3A_74 = vector.shape_cast %slice3A_68 : vector<128x96xf32> to vector<1x128x96xf32>
    tpu.vector_store %arg6[%swap3A_69, %swap3A_70, %swap3A_71], %swap3A_74 {strides = array<i32>} : memref<8x128x96xf32, #tpu.memory_space<vmem>>, vector<1x128x96xf32>,
    %slice3A_75 = vector.extract_strided_slice %sub3A_33 {offsets = [0, 576], sizes = [128, 96], strides = [1, 1]} : vector<128x768xf32> to vector<128x96xf32>
    %swap3A_76 = arith.constant 6 : index
    %swap3A_77 = arith.constant 0 : index
    %swap3A_78 = arith.constant 0 : index
    %swap3A_79 = vector.load %arg6[%swap3A_76, %swap3A_77, %swap3A_78] : memref<8x128x96xf32, #tpu.memory_space<vmem>>, vector<1x128x96xf32>
    %swap3A_80 = vector.shape_cast %swap3A_79 : vector<1x128x96xf32> to vector<128x96xf32>
    %swap3A_81 = vector.shape_cast %slice3A_75 : vector<128x96xf32> to vector<1x128x96xf32>
    tpu.vector_store %arg6[%swap3A_76, %swap3A_77, %swap3A_78], %swap3A_81 {strides = array<i32>} : memref<8x128x96xf32, #tpu.memory_space<vmem>>, vector<1x128x96xf32>,
    %slice3A_82 = vector.extract_strided_slice %sub3A_33 {offsets = [0, 672], sizes = [128, 96], strides = [1, 1]} : vector<128x768xf32> to vector<128x96xf32>
    %swap3A_83 = arith.constant 7 : index
    %swap3A_84 = arith.constant 0 : index
    %swap3A_85 = arith.constant 0 : index
    %swap3A_86 = vector.load %arg6[%swap3A_83, %swap3A_84, %swap3A_85] : memref<8x128x96xf32, #tpu.memory_space<vmem>>, vector<1x128x96xf32>
    %swap3A_87 = vector.shape_cast %swap3A_86 : vector<1x128x96xf32> to vector<128x96xf32>
    %swap3A_88 = vector.shape_cast %slice3A_82 : vector<128x96xf32> to vector<1x128x96xf32>
    tpu.vector_store %arg6[%swap3A_83, %swap3A_84, %swap3A_85], %swap3A_88 {strides = array<i32>} : memref<8x128x96xf32, #tpu.memory_space<vmem>>, vector<1x128x96xf32>,
    return
  }
  func.func @transform_0(%arg0: i32) -> (i32, i32) {
    %c0_i32 = arith.constant 0 : i32
    %c0_i32_0 = arith.constant 0 : i32
    return %arg0, %c0_i32 : i32, i32
  }
  func.func @transform_1(%arg0: i32) -> (i32, i32) {
    %c0_i32 = arith.constant 0 : i32
    %c0_i32_0 = arith.constant 0 : i32
    %c0_i32_1 = arith.constant 0 : i32
    return %c0_i32, %c0_i32_0 : i32, i32
  }
  func.func @transform_2(%arg0: i32) -> (i32, i32) {
    %c0_i32 = arith.constant 0 : i32
    %c0_i32_0 = arith.constant 0 : i32
    %c0_i32_1 = arith.constant 0 : i32
    return %c0_i32, %c0_i32_0 : i32, i32
  }
  func.func @transform_3(%arg0: i32) -> (i32, i32) {
    %c0_i32 = arith.constant 0 : i32
    %c0_i32_0 = arith.constant 0 : i32
    return %arg0, %c0_i32 : i32, i32
  }
  func.func @transform_4(%arg0: i32) -> (i32, i32) {
    %c0_i32 = arith.constant 0 : i32
    %c0_i32_0 = arith.constant 0 : i32
    return %arg0, %c0_i32 : i32, i32
  }
  func.func @transform_5(%arg0: i32) -> (i32, i32, i32) {
    %c0_i32 = arith.constant 0 : i32
    %c0_i32_0 = arith.constant 0 : i32
    %c0_i32_1 = arith.constant 0 : i32
    return %c0_i32, %arg0, %c0_i32_0 : i32, i32, i32
  }
}

module attributes {stable_mosaic.version = 14 : i64} {
  func.func @_stage2(%arg0: i32, %arg1: i32, %arg2: memref<1x128x96xf32, #tpu.memory_space<vmem>>, %arg3: memref<1x4096x104xf32, #tpu.memory_space<vmem>>, %arg4: memref<128x4096xf32, #tpu.memory_space<vmem>>, %arg5: memref<1x128x96xf32, #tpu.memory_space<vmem>>) attributes {dimension_semantics = [#tpu.dimension_semantics<arbitrary>, #tpu.dimension_semantics<arbitrary>], iteration_bounds = array<i64: 8, 2>, scalar_prefetch = 0 : i64, scratch_operands = 0 : i64, tpu.core_type = #tpu.core_type<tc>, window_params = [{transform_indices = @transform_0, window_bounds = array<i64: 1, 128, 96>}, {transform_indices = @transform_1, window_bounds = array<i64: 1, 4096, 104>}, {transform_indices = @transform_2, window_bounds = array<i64: 128, 4096>}, {transform_indices = @transform_3, window_bounds = array<i64: 1, 128, 96>}]} {
    %get3A = arith.constant 0 : index
    %get3A_0 = arith.constant 0 : index
    %get3A_1 = arith.constant 0 : index
    %get3A_2 = vector.load %arg2[%get3A, %get3A_0, %get3A_1] : memref<1x128x96xf32, #tpu.memory_space<vmem>>, vector<1x128x96xf32>
    %get3A_3 = vector.shape_cast %get3A_2 : vector<1x128x96xf32> to vector<128x96xf32>
    %mul3A = arith.constant 2.000000e+02 : f32
    %mul3A_4 = vector.broadcast %mul3A : f32 to vector<128x96xf32>
    %mul3A_5 = arith.mulf %get3A_3, %mul3A_4 : vector<128x96xf32>
    %broadcast_in_dim3A = arith.constant -1.000000e+02 : f32
    %broadcast_in_dim3A_6 = vector.broadcast %broadcast_in_dim3A : f32 to vector<128x1xf32>
    %broadcast_in_dim3A_7 = arith.constant 0.000000e+00 : f32
    %broadcast_in_dim3A_8 = vector.broadcast %broadcast_in_dim3A_7 : f32 to vector<128x7xf32>
    %concatenate3A = tpu.concatenate %mul3A_5, %broadcast_in_dim3A_6, %broadcast_in_dim3A_8 in 1 : vector<128x96xf32>, vector<128x1xf32>, vector<128x7xf32> -> vector<128x104xf32>
    %get3A_9 = arith.constant 0 : index
    %get3A_10 = arith.constant 0 : index
    %get3A_11 = arith.constant 0 : index
    %get3A_12 = vector.load %arg3[%get3A_9, %get3A_10, %get3A_11] : memref<1x4096x104xf32, #tpu.memory_space<vmem>>, vector<1x4096x104xf32>
    %get3A_13 = vector.shape_cast %get3A_12 : vector<1x4096x104xf32> to vector<4096x104xf32>
    %dot_general3A = arith.constant dense<0.000000e+00> : vector<128x4096xf32>
    %dot_general3A_14 = tpu.matmul %concatenate3A, %get3A_13, %dot_general3A {dimension_numbers = #tpu.dot_dimension_numbers<[1], [1], [0], [0], [0, 0, 1, 0], [], []>, precision = #tpu.contract_precision<fp32>, transpose_lhs_hint = false} : vector<128x104xf32>, vector<4096x104xf32>, vector<128x4096xf32> -> vector<128x4096xf32>
    %iota3A = tpu.iota {dimensions = array<i32: 1>} : vector<128x256xi32>
    %slice3A = vector.extract_strided_slice %dot_general3A_14 {offsets = [0, 0], sizes = [128, 256], strides = [1, 1]} : vector<128x4096xf32> to vector<128x256xf32>
    %reduce_max3A = arith.constant dense<0xFF800000> : vector<128xf32>
    %reduce_max3A_15 = vector.multi_reduction <maximumf>, %slice3A, %reduce_max3A [1] : vector<128x256xf32> to vector<128xf32>
    %broadcast_in_dim3A_16 = vector.shape_cast %reduce_max3A_15 : vector<128xf32> to vector<128x1xf32>
    %sub3A = vector.broadcast %broadcast_in_dim3A_16 : vector<128x1xf32> to vector<128x256xf32>
    %sub3A_17 = arith.subf %slice3A, %sub3A : vector<128x256xf32>
    %exp3A = math.exp %sub3A_17 : vector<128x256xf32>
    %reduce_sum3A = arith.constant dense<0.000000e+00> : vector<128xf32>
    %reduce_sum3A_18 = vector.multi_reduction <add>, %exp3A, %reduce_sum3A [1] : vector<128x256xf32> to vector<128xf32>
    %broadcast_in_dim3A_19 = vector.shape_cast %reduce_sum3A_18 : vector<128xf32> to vector<128x1xf32>
    %div3A = vector.broadcast %broadcast_in_dim3A_19 : vector<128x1xf32> to vector<128x256xf32>
    %div3A_20 = arith.divf %exp3A, %div3A : vector<128x256xf32>
    %eq3A = vector.broadcast %broadcast_in_dim3A_16 : vector<128x1xf32> to vector<128x256xf32>
    %eq3A_21 = arith.cmpf oeq, %slice3A, %eq3A : vector<128x256xf32>
    %jit3A = arith.constant 256 : i32
    %broadcast_in_dim3A_22 = vector.broadcast %jit3A : i32 to vector<128x256xi32>
    %select_n3A = arith.select %eq3A_21, %iota3A, %broadcast_in_dim3A_22 : vector<128x256xi1>, vector<128x256xi32>
    %reduce_min3A = arith.constant dense<2147483647> : vector<128xi32>
    %reduce_min3A_23 = vector.multi_reduction <minsi>, %select_n3A, %reduce_min3A [1] : vector<128x256xi32> to vector<128xi32>
    %broadcast_in_dim3A_24 = vector.shape_cast %reduce_min3A_23 : vector<128xi32> to vector<128x1xi32>
    %eq3A_25 = vector.broadcast %broadcast_in_dim3A_24 : vector<128x1xi32> to vector<128x256xi32>
    %eq3A_26 = arith.cmpi eq, %iota3A, %eq3A_25 : vector<128x256xi32>
    %convert_element_type3A = arith.extui %eq3A_26 : vector<128x256xi1> to vector<128x256xi32>
    %convert_element_type3A_27 = arith.sitofp %convert_element_type3A : vector<128x256xi32> to vector<128x256xf32>
    %slice3A_28 = vector.extract_strided_slice %dot_general3A_14 {offsets = [0, 256], sizes = [128, 256], strides = [1, 1]} : vector<128x4096xf32> to vector<128x256xf32>
    %reduce_max3A_29 = arith.constant dense<0xFF800000> : vector<128xf32>
    %reduce_max3A_30 = vector.multi_reduction <maximumf>, %slice3A_28, %reduce_max3A_29 [1] : vector<128x256xf32> to vector<128xf32>
    %broadcast_in_dim3A_31 = vector.shape_cast %reduce_max3A_30 : vector<128xf32> to vector<128x1xf32>
    %sub3A_32 = vector.broadcast %broadcast_in_dim3A_31 : vector<128x1xf32> to vector<128x256xf32>
    %sub3A_33 = arith.subf %slice3A_28, %sub3A_32 : vector<128x256xf32>
    %exp3A_34 = math.exp %sub3A_33 : vector<128x256xf32>
    %reduce_sum3A_35 = arith.constant dense<0.000000e+00> : vector<128xf32>
    %reduce_sum3A_36 = vector.multi_reduction <add>, %exp3A_34, %reduce_sum3A_35 [1] : vector<128x256xf32> to vector<128xf32>
    %broadcast_in_dim3A_37 = vector.shape_cast %reduce_sum3A_36 : vector<128xf32> to vector<128x1xf32>
    %div3A_38 = vector.broadcast %broadcast_in_dim3A_37 : vector<128x1xf32> to vector<128x256xf32>
    %div3A_39 = arith.divf %exp3A_34, %div3A_38 : vector<128x256xf32>
    %eq3A_40 = vector.broadcast %broadcast_in_dim3A_31 : vector<128x1xf32> to vector<128x256xf32>
    %eq3A_41 = arith.cmpf oeq, %slice3A_28, %eq3A_40 : vector<128x256xf32>
    %jit3A_42 = arith.constant 256 : i32
    %broadcast_in_dim3A_43 = vector.broadcast %jit3A_42 : i32 to vector<128x256xi32>
    %select_n3A_44 = arith.select %eq3A_41, %iota3A, %broadcast_in_dim3A_43 : vector<128x256xi1>, vector<128x256xi32>
    %reduce_min3A_45 = arith.constant dense<2147483647> : vector<128xi32>
    %reduce_min3A_46 = vector.multi_reduction <minsi>, %select_n3A_44, %reduce_min3A_45 [1] : vector<128x256xi32> to vector<128xi32>
    %broadcast_in_dim3A_47 = vector.shape_cast %reduce_min3A_46 : vector<128xi32> to vector<128x1xi32>
    %eq3A_48 = vector.broadcast %broadcast_in_dim3A_47 : vector<128x1xi32> to vector<128x256xi32>
    %eq3A_49 = arith.cmpi eq, %iota3A, %eq3A_48 : vector<128x256xi32>
    %convert_element_type3A_50 = arith.extui %eq3A_49 : vector<128x256xi1> to vector<128x256xi32>
    %convert_element_type3A_51 = arith.sitofp %convert_element_type3A_50 : vector<128x256xi32> to vector<128x256xf32>
    %slice3A_52 = vector.extract_strided_slice %dot_general3A_14 {offsets = [0, 512], sizes = [128, 256], strides = [1, 1]} : vector<128x4096xf32> to vector<128x256xf32>
    %reduce_max3A_53 = arith.constant dense<0xFF800000> : vector<128xf32>
    %reduce_max3A_54 = vector.multi_reduction <maximumf>, %slice3A_52, %reduce_max3A_53 [1] : vector<128x256xf32> to vector<128xf32>
    %broadcast_in_dim3A_55 = vector.shape_cast %reduce_max3A_54 : vector<128xf32> to vector<128x1xf32>
    %sub3A_56 = vector.broadcast %broadcast_in_dim3A_55 : vector<128x1xf32> to vector<128x256xf32>
    %sub3A_57 = arith.subf %slice3A_52, %sub3A_56 : vector<128x256xf32>
    %exp3A_58 = math.exp %sub3A_57 : vector<128x256xf32>
    %reduce_sum3A_59 = arith.constant dense<0.000000e+00> : vector<128xf32>
    %reduce_sum3A_60 = vector.multi_reduction <add>, %exp3A_58, %reduce_sum3A_59 [1] : vector<128x256xf32> to vector<128xf32>
    %broadcast_in_dim3A_61 = vector.shape_cast %reduce_sum3A_60 : vector<128xf32> to vector<128x1xf32>
    %div3A_62 = vector.broadcast %broadcast_in_dim3A_61 : vector<128x1xf32> to vector<128x256xf32>
    %div3A_63 = arith.divf %exp3A_58, %div3A_62 : vector<128x256xf32>
    %eq3A_64 = vector.broadcast %broadcast_in_dim3A_55 : vector<128x1xf32> to vector<128x256xf32>
    %eq3A_65 = arith.cmpf oeq, %slice3A_52, %eq3A_64 : vector<128x256xf32>
    %jit3A_66 = arith.constant 256 : i32
    %broadcast_in_dim3A_67 = vector.broadcast %jit3A_66 : i32 to vector<128x256xi32>
    %select_n3A_68 = arith.select %eq3A_65, %iota3A, %broadcast_in_dim3A_67 : vector<128x256xi1>, vector<128x256xi32>
    %reduce_min3A_69 = arith.constant dense<2147483647> : vector<128xi32>
    %reduce_min3A_70 = vector.multi_reduction <minsi>, %select_n3A_68, %reduce_min3A_69 [1] : vector<128x256xi32> to vector<128xi32>
    %broadcast_in_dim3A_71 = vector.shape_cast %reduce_min3A_70 : vector<128xi32> to vector<128x1xi32>
    %eq3A_72 = vector.broadcast %broadcast_in_dim3A_71 : vector<128x1xi32> to vector<128x256xi32>
    %eq3A_73 = arith.cmpi eq, %iota3A, %eq3A_72 : vector<128x256xi32>
    %convert_element_type3A_74 = arith.extui %eq3A_73 : vector<128x256xi1> to vector<128x256xi32>
    %convert_element_type3A_75 = arith.sitofp %convert_element_type3A_74 : vector<128x256xi32> to vector<128x256xf32>
    %slice3A_76 = vector.extract_strided_slice %dot_general3A_14 {offsets = [0, 768], sizes = [128, 256], strides = [1, 1]} : vector<128x4096xf32> to vector<128x256xf32>
    %reduce_max3A_77 = arith.constant dense<0xFF800000> : vector<128xf32>
    %reduce_max3A_78 = vector.multi_reduction <maximumf>, %slice3A_76, %reduce_max3A_77 [1] : vector<128x256xf32> to vector<128xf32>
    %broadcast_in_dim3A_79 = vector.shape_cast %reduce_max3A_78 : vector<128xf32> to vector<128x1xf32>
    %sub3A_80 = vector.broadcast %broadcast_in_dim3A_79 : vector<128x1xf32> to vector<128x256xf32>
    %sub3A_81 = arith.subf %slice3A_76, %sub3A_80 : vector<128x256xf32>
    %exp3A_82 = math.exp %sub3A_81 : vector<128x256xf32>
    %reduce_sum3A_83 = arith.constant dense<0.000000e+00> : vector<128xf32>
    %reduce_sum3A_84 = vector.multi_reduction <add>, %exp3A_82, %reduce_sum3A_83 [1] : vector<128x256xf32> to vector<128xf32>
    %broadcast_in_dim3A_85 = vector.shape_cast %reduce_sum3A_84 : vector<128xf32> to vector<128x1xf32>
    %div3A_86 = vector.broadcast %broadcast_in_dim3A_85 : vector<128x1xf32> to vector<128x256xf32>
    %div3A_87 = arith.divf %exp3A_82, %div3A_86 : vector<128x256xf32>
    %eq3A_88 = vector.broadcast %broadcast_in_dim3A_79 : vector<128x1xf32> to vector<128x256xf32>
    %eq3A_89 = arith.cmpf oeq, %slice3A_76, %eq3A_88 : vector<128x256xf32>
    %jit3A_90 = arith.constant 256 : i32
    %broadcast_in_dim3A_91 = vector.broadcast %jit3A_90 : i32 to vector<128x256xi32>
    %select_n3A_92 = arith.select %eq3A_89, %iota3A, %broadcast_in_dim3A_91 : vector<128x256xi1>, vector<128x256xi32>
    %reduce_min3A_93 = arith.constant dense<2147483647> : vector<128xi32>
    %reduce_min3A_94 = vector.multi_reduction <minsi>, %select_n3A_92, %reduce_min3A_93 [1] : vector<128x256xi32> to vector<128xi32>
    %broadcast_in_dim3A_95 = vector.shape_cast %reduce_min3A_94 : vector<128xi32> to vector<128x1xi32>
    %eq3A_96 = vector.broadcast %broadcast_in_dim3A_95 : vector<128x1xi32> to vector<128x256xi32>
    %eq3A_97 = arith.cmpi eq, %iota3A, %eq3A_96 : vector<128x256xi32>
    %convert_element_type3A_98 = arith.extui %eq3A_97 : vector<128x256xi1> to vector<128x256xi32>
    %convert_element_type3A_99 = arith.sitofp %convert_element_type3A_98 : vector<128x256xi32> to vector<128x256xf32>
    %slice3A_100 = vector.extract_strided_slice %dot_general3A_14 {offsets = [0, 1024], sizes = [128, 256], strides = [1, 1]} : vector<128x4096xf32> to vector<128x256xf32>
    %reduce_max3A_101 = arith.constant dense<0xFF800000> : vector<128xf32>
    %reduce_max3A_102 = vector.multi_reduction <maximumf>, %slice3A_100, %reduce_max3A_101 [1] : vector<128x256xf32> to vector<128xf32>
    %broadcast_in_dim3A_103 = vector.shape_cast %reduce_max3A_102 : vector<128xf32> to vector<128x1xf32>
    %sub3A_104 = vector.broadcast %broadcast_in_dim3A_103 : vector<128x1xf32> to vector<128x256xf32>
    %sub3A_105 = arith.subf %slice3A_100, %sub3A_104 : vector<128x256xf32>
    %exp3A_106 = math.exp %sub3A_105 : vector<128x256xf32>
    %reduce_sum3A_107 = arith.constant dense<0.000000e+00> : vector<128xf32>
    %reduce_sum3A_108 = vector.multi_reduction <add>, %exp3A_106, %reduce_sum3A_107 [1] : vector<128x256xf32> to vector<128xf32>
    %broadcast_in_dim3A_109 = vector.shape_cast %reduce_sum3A_108 : vector<128xf32> to vector<128x1xf32>
    %div3A_110 = vector.broadcast %broadcast_in_dim3A_109 : vector<128x1xf32> to vector<128x256xf32>
    %div3A_111 = arith.divf %exp3A_106, %div3A_110 : vector<128x256xf32>
    %eq3A_112 = vector.broadcast %broadcast_in_dim3A_103 : vector<128x1xf32> to vector<128x256xf32>
    %eq3A_113 = arith.cmpf oeq, %slice3A_100, %eq3A_112 : vector<128x256xf32>
    %jit3A_114 = arith.constant 256 : i32
    %broadcast_in_dim3A_115 = vector.broadcast %jit3A_114 : i32 to vector<128x256xi32>
    %select_n3A_116 = arith.select %eq3A_113, %iota3A, %broadcast_in_dim3A_115 : vector<128x256xi1>, vector<128x256xi32>
    %reduce_min3A_117 = arith.constant dense<2147483647> : vector<128xi32>
    %reduce_min3A_118 = vector.multi_reduction <minsi>, %select_n3A_116, %reduce_min3A_117 [1] : vector<128x256xi32> to vector<128xi32>
    %broadcast_in_dim3A_119 = vector.shape_cast %reduce_min3A_118 : vector<128xi32> to vector<128x1xi32>
    %eq3A_120 = vector.broadcast %broadcast_in_dim3A_119 : vector<128x1xi32> to vector<128x256xi32>
    %eq3A_121 = arith.cmpi eq, %iota3A, %eq3A_120 : vector<128x256xi32>
    %convert_element_type3A_122 = arith.extui %eq3A_121 : vector<128x256xi1> to vector<128x256xi32>
    %convert_element_type3A_123 = arith.sitofp %convert_element_type3A_122 : vector<128x256xi32> to vector<128x256xf32>
    %slice3A_124 = vector.extract_strided_slice %dot_general3A_14 {offsets = [0, 1280], sizes = [128, 256], strides = [1, 1]} : vector<128x4096xf32> to vector<128x256xf32>
    %reduce_max3A_125 = arith.constant dense<0xFF800000> : vector<128xf32>
    %reduce_max3A_126 = vector.multi_reduction <maximumf>, %slice3A_124, %reduce_max3A_125 [1] : vector<128x256xf32> to vector<128xf32>
    %broadcast_in_dim3A_127 = vector.shape_cast %reduce_max3A_126 : vector<128xf32> to vector<128x1xf32>
    %sub3A_128 = vector.broadcast %broadcast_in_dim3A_127 : vector<128x1xf32> to vector<128x256xf32>
    %sub3A_129 = arith.subf %slice3A_124, %sub3A_128 : vector<128x256xf32>
    %exp3A_130 = math.exp %sub3A_129 : vector<128x256xf32>
    %reduce_sum3A_131 = arith.constant dense<0.000000e+00> : vector<128xf32>
    %reduce_sum3A_132 = vector.multi_reduction <add>, %exp3A_130, %reduce_sum3A_131 [1] : vector<128x256xf32> to vector<128xf32>
    %broadcast_in_dim3A_133 = vector.shape_cast %reduce_sum3A_132 : vector<128xf32> to vector<128x1xf32>
    %div3A_134 = vector.broadcast %broadcast_in_dim3A_133 : vector<128x1xf32> to vector<128x256xf32>
    %div3A_135 = arith.divf %exp3A_130, %div3A_134 : vector<128x256xf32>
    %eq3A_136 = vector.broadcast %broadcast_in_dim3A_127 : vector<128x1xf32> to vector<128x256xf32>
    %eq3A_137 = arith.cmpf oeq, %slice3A_124, %eq3A_136 : vector<128x256xf32>
    %jit3A_138 = arith.constant 256 : i32
    %broadcast_in_dim3A_139 = vector.broadcast %jit3A_138 : i32 to vector<128x256xi32>
    %select_n3A_140 = arith.select %eq3A_137, %iota3A, %broadcast_in_dim3A_139 : vector<128x256xi1>, vector<128x256xi32>
    %reduce_min3A_141 = arith.constant dense<2147483647> : vector<128xi32>
    %reduce_min3A_142 = vector.multi_reduction <minsi>, %select_n3A_140, %reduce_min3A_141 [1] : vector<128x256xi32> to vector<128xi32>
    %broadcast_in_dim3A_143 = vector.shape_cast %reduce_min3A_142 : vector<128xi32> to vector<128x1xi32>
    %eq3A_144 = vector.broadcast %broadcast_in_dim3A_143 : vector<128x1xi32> to vector<128x256xi32>
    %eq3A_145 = arith.cmpi eq, %iota3A, %eq3A_144 : vector<128x256xi32>
    %convert_element_type3A_146 = arith.extui %eq3A_145 : vector<128x256xi1> to vector<128x256xi32>
    %convert_element_type3A_147 = arith.sitofp %convert_element_type3A_146 : vector<128x256xi32> to vector<128x256xf32>
    %slice3A_148 = vector.extract_strided_slice %dot_general3A_14 {offsets = [0, 1536], sizes = [128, 256], strides = [1, 1]} : vector<128x4096xf32> to vector<128x256xf32>
    %reduce_max3A_149 = arith.constant dense<0xFF800000> : vector<128xf32>
    %reduce_max3A_150 = vector.multi_reduction <maximumf>, %slice3A_148, %reduce_max3A_149 [1] : vector<128x256xf32> to vector<128xf32>
    %broadcast_in_dim3A_151 = vector.shape_cast %reduce_max3A_150 : vector<128xf32> to vector<128x1xf32>
    %sub3A_152 = vector.broadcast %broadcast_in_dim3A_151 : vector<128x1xf32> to vector<128x256xf32>
    %sub3A_153 = arith.subf %slice3A_148, %sub3A_152 : vector<128x256xf32>
    %exp3A_154 = math.exp %sub3A_153 : vector<128x256xf32>
    %reduce_sum3A_155 = arith.constant dense<0.000000e+00> : vector<128xf32>
    %reduce_sum3A_156 = vector.multi_reduction <add>, %exp3A_154, %reduce_sum3A_155 [1] : vector<128x256xf32> to vector<128xf32>
    %broadcast_in_dim3A_157 = vector.shape_cast %reduce_sum3A_156 : vector<128xf32> to vector<128x1xf32>
    %div3A_158 = vector.broadcast %broadcast_in_dim3A_157 : vector<128x1xf32> to vector<128x256xf32>
    %div3A_159 = arith.divf %exp3A_154, %div3A_158 : vector<128x256xf32>
    %eq3A_160 = vector.broadcast %broadcast_in_dim3A_151 : vector<128x1xf32> to vector<128x256xf32>
    %eq3A_161 = arith.cmpf oeq, %slice3A_148, %eq3A_160 : vector<128x256xf32>
    %jit3A_162 = arith.constant 256 : i32
    %broadcast_in_dim3A_163 = vector.broadcast %jit3A_162 : i32 to vector<128x256xi32>
    %select_n3A_164 = arith.select %eq3A_161, %iota3A, %broadcast_in_dim3A_163 : vector<128x256xi1>, vector<128x256xi32>
    %reduce_min3A_165 = arith.constant dense<2147483647> : vector<128xi32>
    %reduce_min3A_166 = vector.multi_reduction <minsi>, %select_n3A_164, %reduce_min3A_165 [1] : vector<128x256xi32> to vector<128xi32>
    %broadcast_in_dim3A_167 = vector.shape_cast %reduce_min3A_166 : vector<128xi32> to vector<128x1xi32>
    %eq3A_168 = vector.broadcast %broadcast_in_dim3A_167 : vector<128x1xi32> to vector<128x256xi32>
    %eq3A_169 = arith.cmpi eq, %iota3A, %eq3A_168 : vector<128x256xi32>
    %convert_element_type3A_170 = arith.extui %eq3A_169 : vector<128x256xi1> to vector<128x256xi32>
    %convert_element_type3A_171 = arith.sitofp %convert_element_type3A_170 : vector<128x256xi32> to vector<128x256xf32>
    %slice3A_172 = vector.extract_strided_slice %dot_general3A_14 {offsets = [0, 1792], sizes = [128, 256], strides = [1, 1]} : vector<128x4096xf32> to vector<128x256xf32>
    %reduce_max3A_173 = arith.constant dense<0xFF800000> : vector<128xf32>
    %reduce_max3A_174 = vector.multi_reduction <maximumf>, %slice3A_172, %reduce_max3A_173 [1] : vector<128x256xf32> to vector<128xf32>
    %broadcast_in_dim3A_175 = vector.shape_cast %reduce_max3A_174 : vector<128xf32> to vector<128x1xf32>
    %sub3A_176 = vector.broadcast %broadcast_in_dim3A_175 : vector<128x1xf32> to vector<128x256xf32>
    %sub3A_177 = arith.subf %slice3A_172, %sub3A_176 : vector<128x256xf32>
    %exp3A_178 = math.exp %sub3A_177 : vector<128x256xf32>
    %reduce_sum3A_179 = arith.constant dense<0.000000e+00> : vector<128xf32>
    %reduce_sum3A_180 = vector.multi_reduction <add>, %exp3A_178, %reduce_sum3A_179 [1] : vector<128x256xf32> to vector<128xf32>
    %broadcast_in_dim3A_181 = vector.shape_cast %reduce_sum3A_180 : vector<128xf32> to vector<128x1xf32>
    %div3A_182 = vector.broadcast %broadcast_in_dim3A_181 : vector<128x1xf32> to vector<128x256xf32>
    %div3A_183 = arith.divf %exp3A_178, %div3A_182 : vector<128x256xf32>
    %eq3A_184 = vector.broadcast %broadcast_in_dim3A_175 : vector<128x1xf32> to vector<128x256xf32>
    %eq3A_185 = arith.cmpf oeq, %slice3A_172, %eq3A_184 : vector<128x256xf32>
    %jit3A_186 = arith.constant 256 : i32
    %broadcast_in_dim3A_187 = vector.broadcast %jit3A_186 : i32 to vector<128x256xi32>
    %select_n3A_188 = arith.select %eq3A_185, %iota3A, %broadcast_in_dim3A_187 : vector<128x256xi1>, vector<128x256xi32>
    %reduce_min3A_189 = arith.constant dense<2147483647> : vector<128xi32>
    %reduce_min3A_190 = vector.multi_reduction <minsi>, %select_n3A_188, %reduce_min3A_189 [1] : vector<128x256xi32> to vector<128xi32>
    %broadcast_in_dim3A_191 = vector.shape_cast %reduce_min3A_190 : vector<128xi32> to vector<128x1xi32>
    %eq3A_192 = vector.broadcast %broadcast_in_dim3A_191 : vector<128x1xi32> to vector<128x256xi32>
    %eq3A_193 = arith.cmpi eq, %iota3A, %eq3A_192 : vector<128x256xi32>
    %convert_element_type3A_194 = arith.extui %eq3A_193 : vector<128x256xi1> to vector<128x256xi32>
    %convert_element_type3A_195 = arith.sitofp %convert_element_type3A_194 : vector<128x256xi32> to vector<128x256xf32>
    %slice3A_196 = vector.extract_strided_slice %dot_general3A_14 {offsets = [0, 2048], sizes = [128, 256], strides = [1, 1]} : vector<128x4096xf32> to vector<128x256xf32>
    %reduce_max3A_197 = arith.constant dense<0xFF800000> : vector<128xf32>
    %reduce_max3A_198 = vector.multi_reduction <maximumf>, %slice3A_196, %reduce_max3A_197 [1] : vector<128x256xf32> to vector<128xf32>
    %broadcast_in_dim3A_199 = vector.shape_cast %reduce_max3A_198 : vector<128xf32> to vector<128x1xf32>
    %sub3A_200 = vector.broadcast %broadcast_in_dim3A_199 : vector<128x1xf32> to vector<128x256xf32>
    %sub3A_201 = arith.subf %slice3A_196, %sub3A_200 : vector<128x256xf32>
    %exp3A_202 = math.exp %sub3A_201 : vector<128x256xf32>
    %reduce_sum3A_203 = arith.constant dense<0.000000e+00> : vector<128xf32>
    %reduce_sum3A_204 = vector.multi_reduction <add>, %exp3A_202, %reduce_sum3A_203 [1] : vector<128x256xf32> to vector<128xf32>
    %broadcast_in_dim3A_205 = vector.shape_cast %reduce_sum3A_204 : vector<128xf32> to vector<128x1xf32>
    %div3A_206 = vector.broadcast %broadcast_in_dim3A_205 : vector<128x1xf32> to vector<128x256xf32>
    %div3A_207 = arith.divf %exp3A_202, %div3A_206 : vector<128x256xf32>
    %eq3A_208 = vector.broadcast %broadcast_in_dim3A_199 : vector<128x1xf32> to vector<128x256xf32>
    %eq3A_209 = arith.cmpf oeq, %slice3A_196, %eq3A_208 : vector<128x256xf32>
    %jit3A_210 = arith.constant 256 : i32
    %broadcast_in_dim3A_211 = vector.broadcast %jit3A_210 : i32 to vector<128x256xi32>
    %select_n3A_212 = arith.select %eq3A_209, %iota3A, %broadcast_in_dim3A_211 : vector<128x256xi1>, vector<128x256xi32>
    %reduce_min3A_213 = arith.constant dense<2147483647> : vector<128xi32>
    %reduce_min3A_214 = vector.multi_reduction <minsi>, %select_n3A_212, %reduce_min3A_213 [1] : vector<128x256xi32> to vector<128xi32>
    %broadcast_in_dim3A_215 = vector.shape_cast %reduce_min3A_214 : vector<128xi32> to vector<128x1xi32>
    %eq3A_216 = vector.broadcast %broadcast_in_dim3A_215 : vector<128x1xi32> to vector<128x256xi32>
    %eq3A_217 = arith.cmpi eq, %iota3A, %eq3A_216 : vector<128x256xi32>
    %convert_element_type3A_218 = arith.extui %eq3A_217 : vector<128x256xi1> to vector<128x256xi32>
    %convert_element_type3A_219 = arith.sitofp %convert_element_type3A_218 : vector<128x256xi32> to vector<128x256xf32>
    %slice3A_220 = vector.extract_strided_slice %dot_general3A_14 {offsets = [0, 2304], sizes = [128, 256], strides = [1, 1]} : vector<128x4096xf32> to vector<128x256xf32>
    %reduce_max3A_221 = arith.constant dense<0xFF800000> : vector<128xf32>
    %reduce_max3A_222 = vector.multi_reduction <maximumf>, %slice3A_220, %reduce_max3A_221 [1] : vector<128x256xf32> to vector<128xf32>
    %broadcast_in_dim3A_223 = vector.shape_cast %reduce_max3A_222 : vector<128xf32> to vector<128x1xf32>
    %sub3A_224 = vector.broadcast %broadcast_in_dim3A_223 : vector<128x1xf32> to vector<128x256xf32>
    %sub3A_225 = arith.subf %slice3A_220, %sub3A_224 : vector<128x256xf32>
    %exp3A_226 = math.exp %sub3A_225 : vector<128x256xf32>
    %reduce_sum3A_227 = arith.constant dense<0.000000e+00> : vector<128xf32>
    %reduce_sum3A_228 = vector.multi_reduction <add>, %exp3A_226, %reduce_sum3A_227 [1] : vector<128x256xf32> to vector<128xf32>
    %broadcast_in_dim3A_229 = vector.shape_cast %reduce_sum3A_228 : vector<128xf32> to vector<128x1xf32>
    %div3A_230 = vector.broadcast %broadcast_in_dim3A_229 : vector<128x1xf32> to vector<128x256xf32>
    %div3A_231 = arith.divf %exp3A_226, %div3A_230 : vector<128x256xf32>
    %eq3A_232 = vector.broadcast %broadcast_in_dim3A_223 : vector<128x1xf32> to vector<128x256xf32>
    %eq3A_233 = arith.cmpf oeq, %slice3A_220, %eq3A_232 : vector<128x256xf32>
    %jit3A_234 = arith.constant 256 : i32
    %broadcast_in_dim3A_235 = vector.broadcast %jit3A_234 : i32 to vector<128x256xi32>
    %select_n3A_236 = arith.select %eq3A_233, %iota3A, %broadcast_in_dim3A_235 : vector<128x256xi1>, vector<128x256xi32>
    %reduce_min3A_237 = arith.constant dense<2147483647> : vector<128xi32>
    %reduce_min3A_238 = vector.multi_reduction <minsi>, %select_n3A_236, %reduce_min3A_237 [1] : vector<128x256xi32> to vector<128xi32>
    %broadcast_in_dim3A_239 = vector.shape_cast %reduce_min3A_238 : vector<128xi32> to vector<128x1xi32>
    %eq3A_240 = vector.broadcast %broadcast_in_dim3A_239 : vector<128x1xi32> to vector<128x256xi32>
    %eq3A_241 = arith.cmpi eq, %iota3A, %eq3A_240 : vector<128x256xi32>
    %convert_element_type3A_242 = arith.extui %eq3A_241 : vector<128x256xi1> to vector<128x256xi32>
    %convert_element_type3A_243 = arith.sitofp %convert_element_type3A_242 : vector<128x256xi32> to vector<128x256xf32>
    %slice3A_244 = vector.extract_strided_slice %dot_general3A_14 {offsets = [0, 2560], sizes = [128, 256], strides = [1, 1]} : vector<128x4096xf32> to vector<128x256xf32>
    %reduce_max3A_245 = arith.constant dense<0xFF800000> : vector<128xf32>
    %reduce_max3A_246 = vector.multi_reduction <maximumf>, %slice3A_244, %reduce_max3A_245 [1] : vector<128x256xf32> to vector<128xf32>
    %broadcast_in_dim3A_247 = vector.shape_cast %reduce_max3A_246 : vector<128xf32> to vector<128x1xf32>
    %sub3A_248 = vector.broadcast %broadcast_in_dim3A_247 : vector<128x1xf32> to vector<128x256xf32>
    %sub3A_249 = arith.subf %slice3A_244, %sub3A_248 : vector<128x256xf32>
    %exp3A_250 = math.exp %sub3A_249 : vector<128x256xf32>
    %reduce_sum3A_251 = arith.constant dense<0.000000e+00> : vector<128xf32>
    %reduce_sum3A_252 = vector.multi_reduction <add>, %exp3A_250, %reduce_sum3A_251 [1] : vector<128x256xf32> to vector<128xf32>
    %broadcast_in_dim3A_253 = vector.shape_cast %reduce_sum3A_252 : vector<128xf32> to vector<128x1xf32>
    %div3A_254 = vector.broadcast %broadcast_in_dim3A_253 : vector<128x1xf32> to vector<128x256xf32>
    %div3A_255 = arith.divf %exp3A_250, %div3A_254 : vector<128x256xf32>
    %eq3A_256 = vector.broadcast %broadcast_in_dim3A_247 : vector<128x1xf32> to vector<128x256xf32>
    %eq3A_257 = arith.cmpf oeq, %slice3A_244, %eq3A_256 : vector<128x256xf32>
    %jit3A_258 = arith.constant 256 : i32
    %broadcast_in_dim3A_259 = vector.broadcast %jit3A_258 : i32 to vector<128x256xi32>
    %select_n3A_260 = arith.select %eq3A_257, %iota3A, %broadcast_in_dim3A_259 : vector<128x256xi1>, vector<128x256xi32>
    %reduce_min3A_261 = arith.constant dense<2147483647> : vector<128xi32>
    %reduce_min3A_262 = vector.multi_reduction <minsi>, %select_n3A_260, %reduce_min3A_261 [1] : vector<128x256xi32> to vector<128xi32>
    %broadcast_in_dim3A_263 = vector.shape_cast %reduce_min3A_262 : vector<128xi32> to vector<128x1xi32>
    %eq3A_264 = vector.broadcast %broadcast_in_dim3A_263 : vector<128x1xi32> to vector<128x256xi32>
    %eq3A_265 = arith.cmpi eq, %iota3A, %eq3A_264 : vector<128x256xi32>
    %convert_element_type3A_266 = arith.extui %eq3A_265 : vector<128x256xi1> to vector<128x256xi32>
    %convert_element_type3A_267 = arith.sitofp %convert_element_type3A_266 : vector<128x256xi32> to vector<128x256xf32>
    %slice3A_268 = vector.extract_strided_slice %dot_general3A_14 {offsets = [0, 2816], sizes = [128, 256], strides = [1, 1]} : vector<128x4096xf32> to vector<128x256xf32>
    %reduce_max3A_269 = arith.constant dense<0xFF800000> : vector<128xf32>
    %reduce_max3A_270 = vector.multi_reduction <maximumf>, %slice3A_268, %reduce_max3A_269 [1] : vector<128x256xf32> to vector<128xf32>
    %broadcast_in_dim3A_271 = vector.shape_cast %reduce_max3A_270 : vector<128xf32> to vector<128x1xf32>
    %sub3A_272 = vector.broadcast %broadcast_in_dim3A_271 : vector<128x1xf32> to vector<128x256xf32>
    %sub3A_273 = arith.subf %slice3A_268, %sub3A_272 : vector<128x256xf32>
    %exp3A_274 = math.exp %sub3A_273 : vector<128x256xf32>
    %reduce_sum3A_275 = arith.constant dense<0.000000e+00> : vector<128xf32>
    %reduce_sum3A_276 = vector.multi_reduction <add>, %exp3A_274, %reduce_sum3A_275 [1] : vector<128x256xf32> to vector<128xf32>
    %broadcast_in_dim3A_277 = vector.shape_cast %reduce_sum3A_276 : vector<128xf32> to vector<128x1xf32>
    %div3A_278 = vector.broadcast %broadcast_in_dim3A_277 : vector<128x1xf32> to vector<128x256xf32>
    %div3A_279 = arith.divf %exp3A_274, %div3A_278 : vector<128x256xf32>
    %eq3A_280 = vector.broadcast %broadcast_in_dim3A_271 : vector<128x1xf32> to vector<128x256xf32>
    %eq3A_281 = arith.cmpf oeq, %slice3A_268, %eq3A_280 : vector<128x256xf32>
    %jit3A_282 = arith.constant 256 : i32
    %broadcast_in_dim3A_283 = vector.broadcast %jit3A_282 : i32 to vector<128x256xi32>
    %select_n3A_284 = arith.select %eq3A_281, %iota3A, %broadcast_in_dim3A_283 : vector<128x256xi1>, vector<128x256xi32>
    %reduce_min3A_285 = arith.constant dense<2147483647> : vector<128xi32>
    %reduce_min3A_286 = vector.multi_reduction <minsi>, %select_n3A_284, %reduce_min3A_285 [1] : vector<128x256xi32> to vector<128xi32>
    %broadcast_in_dim3A_287 = vector.shape_cast %reduce_min3A_286 : vector<128xi32> to vector<128x1xi32>
    %eq3A_288 = vector.broadcast %broadcast_in_dim3A_287 : vector<128x1xi32> to vector<128x256xi32>
    %eq3A_289 = arith.cmpi eq, %iota3A, %eq3A_288 : vector<128x256xi32>
    %convert_element_type3A_290 = arith.extui %eq3A_289 : vector<128x256xi1> to vector<128x256xi32>
    %convert_element_type3A_291 = arith.sitofp %convert_element_type3A_290 : vector<128x256xi32> to vector<128x256xf32>
    %slice3A_292 = vector.extract_strided_slice %dot_general3A_14 {offsets = [0, 3072], sizes = [128, 256], strides = [1, 1]} : vector<128x4096xf32> to vector<128x256xf32>
    %reduce_max3A_293 = arith.constant dense<0xFF800000> : vector<128xf32>
    %reduce_max3A_294 = vector.multi_reduction <maximumf>, %slice3A_292, %reduce_max3A_293 [1] : vector<128x256xf32> to vector<128xf32>
    %broadcast_in_dim3A_295 = vector.shape_cast %reduce_max3A_294 : vector<128xf32> to vector<128x1xf32>
    %sub3A_296 = vector.broadcast %broadcast_in_dim3A_295 : vector<128x1xf32> to vector<128x256xf32>
    %sub3A_297 = arith.subf %slice3A_292, %sub3A_296 : vector<128x256xf32>
    %exp3A_298 = math.exp %sub3A_297 : vector<128x256xf32>
    %reduce_sum3A_299 = arith.constant dense<0.000000e+00> : vector<128xf32>
    %reduce_sum3A_300 = vector.multi_reduction <add>, %exp3A_298, %reduce_sum3A_299 [1] : vector<128x256xf32> to vector<128xf32>
    %broadcast_in_dim3A_301 = vector.shape_cast %reduce_sum3A_300 : vector<128xf32> to vector<128x1xf32>
    %div3A_302 = vector.broadcast %broadcast_in_dim3A_301 : vector<128x1xf32> to vector<128x256xf32>
    %div3A_303 = arith.divf %exp3A_298, %div3A_302 : vector<128x256xf32>
    %eq3A_304 = vector.broadcast %broadcast_in_dim3A_295 : vector<128x1xf32> to vector<128x256xf32>
    %eq3A_305 = arith.cmpf oeq, %slice3A_292, %eq3A_304 : vector<128x256xf32>
    %jit3A_306 = arith.constant 256 : i32
    %broadcast_in_dim3A_307 = vector.broadcast %jit3A_306 : i32 to vector<128x256xi32>
    %select_n3A_308 = arith.select %eq3A_305, %iota3A, %broadcast_in_dim3A_307 : vector<128x256xi1>, vector<128x256xi32>
    %reduce_min3A_309 = arith.constant dense<2147483647> : vector<128xi32>
    %reduce_min3A_310 = vector.multi_reduction <minsi>, %select_n3A_308, %reduce_min3A_309 [1] : vector<128x256xi32> to vector<128xi32>
    %broadcast_in_dim3A_311 = vector.shape_cast %reduce_min3A_310 : vector<128xi32> to vector<128x1xi32>
    %eq3A_312 = vector.broadcast %broadcast_in_dim3A_311 : vector<128x1xi32> to vector<128x256xi32>
    %eq3A_313 = arith.cmpi eq, %iota3A, %eq3A_312 : vector<128x256xi32>
    %convert_element_type3A_314 = arith.extui %eq3A_313 : vector<128x256xi1> to vector<128x256xi32>
    %convert_element_type3A_315 = arith.sitofp %convert_element_type3A_314 : vector<128x256xi32> to vector<128x256xf32>
    %slice3A_316 = vector.extract_strided_slice %dot_general3A_14 {offsets = [0, 3328], sizes = [128, 256], strides = [1, 1]} : vector<128x4096xf32> to vector<128x256xf32>
    %reduce_max3A_317 = arith.constant dense<0xFF800000> : vector<128xf32>
    %reduce_max3A_318 = vector.multi_reduction <maximumf>, %slice3A_316, %reduce_max3A_317 [1] : vector<128x256xf32> to vector<128xf32>
    %broadcast_in_dim3A_319 = vector.shape_cast %reduce_max3A_318 : vector<128xf32> to vector<128x1xf32>
    %sub3A_320 = vector.broadcast %broadcast_in_dim3A_319 : vector<128x1xf32> to vector<128x256xf32>
    %sub3A_321 = arith.subf %slice3A_316, %sub3A_320 : vector<128x256xf32>
    %exp3A_322 = math.exp %sub3A_321 : vector<128x256xf32>
    %reduce_sum3A_323 = arith.constant dense<0.000000e+00> : vector<128xf32>
    %reduce_sum3A_324 = vector.multi_reduction <add>, %exp3A_322, %reduce_sum3A_323 [1] : vector<128x256xf32> to vector<128xf32>
    %broadcast_in_dim3A_325 = vector.shape_cast %reduce_sum3A_324 : vector<128xf32> to vector<128x1xf32>
    %div3A_326 = vector.broadcast %broadcast_in_dim3A_325 : vector<128x1xf32> to vector<128x256xf32>
    %div3A_327 = arith.divf %exp3A_322, %div3A_326 : vector<128x256xf32>
    %eq3A_328 = vector.broadcast %broadcast_in_dim3A_319 : vector<128x1xf32> to vector<128x256xf32>
    %eq3A_329 = arith.cmpf oeq, %slice3A_316, %eq3A_328 : vector<128x256xf32>
    %jit3A_330 = arith.constant 256 : i32
    %broadcast_in_dim3A_331 = vector.broadcast %jit3A_330 : i32 to vector<128x256xi32>
    %select_n3A_332 = arith.select %eq3A_329, %iota3A, %broadcast_in_dim3A_331 : vector<128x256xi1>, vector<128x256xi32>
    %reduce_min3A_333 = arith.constant dense<2147483647> : vector<128xi32>
    %reduce_min3A_334 = vector.multi_reduction <minsi>, %select_n3A_332, %reduce_min3A_333 [1] : vector<128x256xi32> to vector<128xi32>
    %broadcast_in_dim3A_335 = vector.shape_cast %reduce_min3A_334 : vector<128xi32> to vector<128x1xi32>
    %eq3A_336 = vector.broadcast %broadcast_in_dim3A_335 : vector<128x1xi32> to vector<128x256xi32>
    %eq3A_337 = arith.cmpi eq, %iota3A, %eq3A_336 : vector<128x256xi32>
    %convert_element_type3A_338 = arith.extui %eq3A_337 : vector<128x256xi1> to vector<128x256xi32>
    %convert_element_type3A_339 = arith.sitofp %convert_element_type3A_338 : vector<128x256xi32> to vector<128x256xf32>
    %slice3A_340 = vector.extract_strided_slice %dot_general3A_14 {offsets = [0, 3584], sizes = [128, 256], strides = [1, 1]} : vector<128x4096xf32> to vector<128x256xf32>
    %reduce_max3A_341 = arith.constant dense<0xFF800000> : vector<128xf32>
    %reduce_max3A_342 = vector.multi_reduction <maximumf>, %slice3A_340, %reduce_max3A_341 [1] : vector<128x256xf32> to vector<128xf32>
    %broadcast_in_dim3A_343 = vector.shape_cast %reduce_max3A_342 : vector<128xf32> to vector<128x1xf32>
    %sub3A_344 = vector.broadcast %broadcast_in_dim3A_343 : vector<128x1xf32> to vector<128x256xf32>
    %sub3A_345 = arith.subf %slice3A_340, %sub3A_344 : vector<128x256xf32>
    %exp3A_346 = math.exp %sub3A_345 : vector<128x256xf32>
    %reduce_sum3A_347 = arith.constant dense<0.000000e+00> : vector<128xf32>
    %reduce_sum3A_348 = vector.multi_reduction <add>, %exp3A_346, %reduce_sum3A_347 [1] : vector<128x256xf32> to vector<128xf32>
    %broadcast_in_dim3A_349 = vector.shape_cast %reduce_sum3A_348 : vector<128xf32> to vector<128x1xf32>
    %div3A_350 = vector.broadcast %broadcast_in_dim3A_349 : vector<128x1xf32> to vector<128x256xf32>
    %div3A_351 = arith.divf %exp3A_346, %div3A_350 : vector<128x256xf32>
    %eq3A_352 = vector.broadcast %broadcast_in_dim3A_343 : vector<128x1xf32> to vector<128x256xf32>
    %eq3A_353 = arith.cmpf oeq, %slice3A_340, %eq3A_352 : vector<128x256xf32>
    %jit3A_354 = arith.constant 256 : i32
    %broadcast_in_dim3A_355 = vector.broadcast %jit3A_354 : i32 to vector<128x256xi32>
    %select_n3A_356 = arith.select %eq3A_353, %iota3A, %broadcast_in_dim3A_355 : vector<128x256xi1>, vector<128x256xi32>
    %reduce_min3A_357 = arith.constant dense<2147483647> : vector<128xi32>
    %reduce_min3A_358 = vector.multi_reduction <minsi>, %select_n3A_356, %reduce_min3A_357 [1] : vector<128x256xi32> to vector<128xi32>
    %broadcast_in_dim3A_359 = vector.shape_cast %reduce_min3A_358 : vector<128xi32> to vector<128x1xi32>
    %eq3A_360 = vector.broadcast %broadcast_in_dim3A_359 : vector<128x1xi32> to vector<128x256xi32>
    %eq3A_361 = arith.cmpi eq, %iota3A, %eq3A_360 : vector<128x256xi32>
    %convert_element_type3A_362 = arith.extui %eq3A_361 : vector<128x256xi1> to vector<128x256xi32>
    %convert_element_type3A_363 = arith.sitofp %convert_element_type3A_362 : vector<128x256xi32> to vector<128x256xf32>
    %slice3A_364 = vector.extract_strided_slice %dot_general3A_14 {offsets = [0, 3840], sizes = [128, 256], strides = [1, 1]} : vector<128x4096xf32> to vector<128x256xf32>
    %reduce_max3A_365 = arith.constant dense<0xFF800000> : vector<128xf32>
    %reduce_max3A_366 = vector.multi_reduction <maximumf>, %slice3A_364, %reduce_max3A_365 [1] : vector<128x256xf32> to vector<128xf32>
    %broadcast_in_dim3A_367 = vector.shape_cast %reduce_max3A_366 : vector<128xf32> to vector<128x1xf32>
    %sub3A_368 = vector.broadcast %broadcast_in_dim3A_367 : vector<128x1xf32> to vector<128x256xf32>
    %sub3A_369 = arith.subf %slice3A_364, %sub3A_368 : vector<128x256xf32>
    %exp3A_370 = math.exp %sub3A_369 : vector<128x256xf32>
    %reduce_sum3A_371 = arith.constant dense<0.000000e+00> : vector<128xf32>
    %reduce_sum3A_372 = vector.multi_reduction <add>, %exp3A_370, %reduce_sum3A_371 [1] : vector<128x256xf32> to vector<128xf32>
    %broadcast_in_dim3A_373 = vector.shape_cast %reduce_sum3A_372 : vector<128xf32> to vector<128x1xf32>
    %div3A_374 = vector.broadcast %broadcast_in_dim3A_373 : vector<128x1xf32> to vector<128x256xf32>
    %div3A_375 = arith.divf %exp3A_370, %div3A_374 : vector<128x256xf32>
    %eq3A_376 = vector.broadcast %broadcast_in_dim3A_367 : vector<128x1xf32> to vector<128x256xf32>
    %eq3A_377 = arith.cmpf oeq, %slice3A_364, %eq3A_376 : vector<128x256xf32>
    %jit3A_378 = arith.constant 256 : i32
    %broadcast_in_dim3A_379 = vector.broadcast %jit3A_378 : i32 to vector<128x256xi32>
    %select_n3A_380 = arith.select %eq3A_377, %iota3A, %broadcast_in_dim3A_379 : vector<128x256xi1>, vector<128x256xi32>
    %reduce_min3A_381 = arith.constant dense<2147483647> : vector<128xi32>
    %reduce_min3A_382 = vector.multi_reduction <minsi>, %select_n3A_380, %reduce_min3A_381 [1] : vector<128x256xi32> to vector<128xi32>
    %broadcast_in_dim3A_383 = vector.shape_cast %reduce_min3A_382 : vector<128xi32> to vector<128x1xi32>
    %eq3A_384 = vector.broadcast %broadcast_in_dim3A_383 : vector<128x1xi32> to vector<128x256xi32>
    %eq3A_385 = arith.cmpi eq, %iota3A, %eq3A_384 : vector<128x256xi32>
    %convert_element_type3A_386 = arith.extui %eq3A_385 : vector<128x256xi1> to vector<128x256xi32>
    %convert_element_type3A_387 = arith.sitofp %convert_element_type3A_386 : vector<128x256xi32> to vector<128x256xf32>
    %concatenate3A_388 = tpu.concatenate %div3A_20, %div3A_39, %div3A_63, %div3A_87, %div3A_111, %div3A_135, %div3A_159, %div3A_183, %div3A_207, %div3A_231, %div3A_255, %div3A_279, %div3A_303, %div3A_327, %div3A_351, %div3A_375 in 1 : vector<128x256xf32>, vector<128x256xf32>, vector<128x256xf32>, vector<128x256xf32>, vector<128x256xf32>, vector<128x256xf32>, vector<128x256xf32>, vector<128x256xf32>, vector<128x256xf32>, vector<128x256xf32>, vector<128x256xf32>, vector<128x256xf32>, vector<128x256xf32>, vector<128x256xf32>, vector<128x256xf32>, vector<128x256xf32> -> vector<128x4096xf32>
    %swap3A = arith.constant 0 : index
    %swap3A_389 = arith.constant 0 : index
    %swap3A_390 = vector.load %arg4[%swap3A, %swap3A_389] : memref<128x4096xf32, #tpu.memory_space<vmem>>, vector<128x4096xf32>
    tpu.vector_store %arg4[%swap3A, %swap3A_389], %concatenate3A_388 {strides = array<i32>} : memref<128x4096xf32, #tpu.memory_space<vmem>>, vector<128x4096xf32>,
    %concatenate3A_391 = tpu.concatenate %convert_element_type3A_27, %convert_element_type3A_51, %convert_element_type3A_75, %convert_element_type3A_99, %convert_element_type3A_123, %convert_element_type3A_147, %convert_element_type3A_171, %convert_element_type3A_195, %convert_element_type3A_219, %convert_element_type3A_243, %convert_element_type3A_267, %convert_element_type3A_291, %convert_element_type3A_315, %convert_element_type3A_339, %convert_element_type3A_363, %convert_element_type3A_387 in 1 : vector<128x256xf32>, vector<128x256xf32>, vector<128x256xf32>, vector<128x256xf32>, vector<128x256xf32>, vector<128x256xf32>, vector<128x256xf32>, vector<128x256xf32>, vector<128x256xf32>, vector<128x256xf32>, vector<128x256xf32>, vector<128x256xf32>, vector<128x256xf32>, vector<128x256xf32>, vector<128x256xf32>, vector<128x256xf32> -> vector<128x4096xf32>
    %slice3A_392 = vector.extract_strided_slice %get3A_13 {offsets = [0, 0], sizes = [4096, 96], strides = [1, 1]} : vector<4096x104xf32> to vector<4096x96xf32>
    %dot_general3A_393 = arith.constant dense<0.000000e+00> : vector<128x96xf32>
    %dot_general3A_394 = tpu.matmul %concatenate3A_391, %slice3A_392, %dot_general3A_393 {dimension_numbers = #tpu.dot_dimension_numbers<[1], [0], [0], [1], [0, 0, 1, 1], [], []>, transpose_lhs_hint = false} : vector<128x4096xf32>, vector<4096x96xf32>, vector<128x96xf32> -> vector<128x96xf32>
    %swap3A_395 = arith.constant 0 : index
    %swap3A_396 = arith.constant 0 : index
    %swap3A_397 = arith.constant 0 : index
    %swap3A_398 = vector.load %arg5[%swap3A_395, %swap3A_396, %swap3A_397] : memref<1x128x96xf32, #tpu.memory_space<vmem>>, vector<1x128x96xf32>
    %swap3A_399 = vector.shape_cast %swap3A_398 : vector<1x128x96xf32> to vector<128x96xf32>
    %swap3A_400 = vector.shape_cast %dot_general3A_394 : vector<128x96xf32> to vector<1x128x96xf32>
    tpu.vector_store %arg5[%swap3A_395, %swap3A_396, %swap3A_397], %swap3A_400 {strides = array<i32>} : memref<1x128x96xf32, #tpu.memory_space<vmem>>, vector<1x128x96xf32>,
    return
  }
  func.func @transform_0(%arg0: i32, %arg1: i32) -> (i32, i32, i32) {
    %add3A = arith.constant 6 : i32
    %add3A_0 = arith.addi %add3A, %arg1 : i32
    %c0_i32 = arith.constant 0 : i32
    %c0_i32_1 = arith.constant 0 : i32
    return %arg0, %add3A_0, %c0_i32 : i32, i32, i32
  }
  func.func @transform_1(%arg0: i32, %arg1: i32) -> (i32, i32, i32) {
    %c0_i32 = arith.constant 0 : i32
    %c0_i32_0 = arith.constant 0 : i32
    %c0_i32_1 = arith.constant 0 : i32
    return %arg0, %c0_i32, %c0_i32_0 : i32, i32, i32
  }
  func.func @transform_2(%arg0: i32, %arg1: i32) -> (i32, i32) {
    %c0_i32 = arith.constant 0 : i32
    return %arg1, %arg0 : i32, i32
  }
  func.func @transform_3(%arg0: i32, %arg1: i32) -> (i32, i32, i32) {
    %c0_i32 = arith.constant 0 : i32
    %c0_i32_0 = arith.constant 0 : i32
    return %arg0, %arg1, %c0_i32 : i32, i32, i32
  }
}

module attributes {stable_mosaic.version = 14 : i64} {
  func.func @_prep(%arg0: i32, %arg1: memref<128x256x6xf32, #tpu.memory_space<vmem>>, %arg2: memref<1024x768xf32, #tpu.memory_space<vmem>>, %arg3: memref<8x4096x104xf32, #tpu.memory_space<vmem>>, %arg4: memref<8x1024xf32, #tpu.memory_space<vmem>>) attributes {dimension_semantics = [#tpu.dimension_semantics<arbitrary>], iteration_bounds = array<i64: 1>, scalar_prefetch = 0 : i64, scratch_operands = 0 : i64, tpu.core_type = #tpu.core_type<tc>, window_params = [{pipeline_mode = #tpu.pipeline_mode<synchronous>, transform_indices = @transform_0, window_bounds = array<i64: 128, 256, 6>}, {pipeline_mode = #tpu.pipeline_mode<synchronous>, transform_indices = @transform_1, window_bounds = array<i64: 1024, 768>}, {pipeline_mode = #tpu.pipeline_mode<synchronous>, transform_indices = @transform_2, window_bounds = array<i64: 8, 4096, 104>}, {pipeline_mode = #tpu.pipeline_mode<synchronous>, transform_indices = @transform_3, window_bounds = array<i64: 8, 1024>}]} {
    %broadcast_in_dim3A = arith.constant 0.000000e+00 : f32
    %broadcast_in_dim3A_0 = vector.broadcast %broadcast_in_dim3A : f32 to vector<8x4096x104xf32>
    %swap3A = arith.constant 0 : index
    %swap3A_1 = arith.constant 0 : index
    %swap3A_2 = arith.constant 0 : index
    %swap3A_3 = vector.load %arg3[%swap3A, %swap3A_1, %swap3A_2] : memref<8x4096x104xf32, #tpu.memory_space<vmem>>, vector<8x4096x104xf32>
    tpu.vector_store %arg3[%swap3A, %swap3A_1, %swap3A_2], %broadcast_in_dim3A_0 {strides = array<i32>} : memref<8x4096x104xf32, #tpu.memory_space<vmem>>, vector<8x4096x104xf32>,
    %get3A = arith.constant 0 : index
    %get3A_4 = arith.constant 0 : index
    %get3A_5 = arith.constant 0 : index
    %get3A_6 = vector.load %arg1[%get3A, %get3A_4, %get3A_5] : memref<128x256x6xf32, #tpu.memory_space<vmem>>, vector<1x256x6xf32>
    %get3A_7 = vector.shape_cast %get3A_6 : vector<1x256x6xf32> to vector<256x6xf32>
    %swap3A_8 = arith.constant 0 : index
    %swap3A_9 = arith.constant 0 : index
    %swap3A_10 = arith.constant 0 : index
    %swap3A_11 = vector.load %arg3[%swap3A_8, %swap3A_9, %swap3A_10] : memref<8x4096x104xf32, #tpu.memory_space<vmem>>, vector<1x256x6xf32>
    %swap3A_12 = vector.shape_cast %swap3A_11 : vector<1x256x6xf32> to vector<256x6xf32>
    %swap3A_13 = vector.shape_cast %get3A_7 : vector<256x6xf32> to vector<1x256x6xf32>
    tpu.vector_store %arg3[%swap3A_8, %swap3A_9, %swap3A_10], %swap3A_13 {strides = array<i32>} : memref<8x4096x104xf32, #tpu.memory_space<vmem>>, vector<1x256x6xf32>,
    %mul3A = arith.mulf %get3A_7, %get3A_7 : vector<256x6xf32>
    %reduce_sum3A = arith.constant dense<0.000000e+00> : vector<256xf32>
    %reduce_sum3A_14 = vector.multi_reduction <add>, %mul3A, %reduce_sum3A [1] : vector<256x6xf32> to vector<256xf32>
    %broadcast_in_dim3A_15 = vector.shape_cast %reduce_sum3A_14 : vector<256xf32> to vector<256x1xf32>
    %swap3A_16 = arith.constant 0 : index
    %swap3A_17 = arith.constant 0 : index
    %swap3A_18 = arith.constant 96 : index
    %swap3A_19 = vector.load %arg3[%swap3A_16, %swap3A_17, %swap3A_18] : memref<8x4096x104xf32, #tpu.memory_space<vmem>>, vector<1x256x1xf32>
    %swap3A_20 = vector.shape_cast %swap3A_19 : vector<1x256x1xf32> to vector<256x1xf32>
    %swap3A_21 = vector.shape_cast %broadcast_in_dim3A_15 : vector<256x1xf32> to vector<1x256x1xf32>
    tpu.vector_store %arg3[%swap3A_16, %swap3A_17, %swap3A_18], %swap3A_21 {strides = array<i32>} : memref<8x4096x104xf32, #tpu.memory_space<vmem>>, vector<1x256x1xf32>,
    %get3A_22 = arith.constant 1 : index
    %get3A_23 = arith.constant 0 : index
    %get3A_24 = arith.constant 0 : index
    %get3A_25 = vector.load %arg1[%get3A_22, %get3A_23, %get3A_24] : memref<128x256x6xf32, #tpu.memory_space<vmem>>, vector<1x256x6xf32>
    %get3A_26 = vector.shape_cast %get3A_25 : vector<1x256x6xf32> to vector<256x6xf32>
    %swap3A_27 = arith.constant 0 : index
    %swap3A_28 = arith.constant 256 : index
    %swap3A_29 = arith.constant 6 : index
    %swap3A_30 = vector.load %arg3[%swap3A_27, %swap3A_28, %swap3A_29] : memref<8x4096x104xf32, #tpu.memory_space<vmem>>, vector<1x256x6xf32>
    %swap3A_31 = vector.shape_cast %swap3A_30 : vector<1x256x6xf32> to vector<256x6xf32>
    %swap3A_32 = vector.shape_cast %get3A_26 : vector<256x6xf32> to vector<1x256x6xf32>
    tpu.vector_store %arg3[%swap3A_27, %swap3A_28, %swap3A_29], %swap3A_32 {strides = array<i32>} : memref<8x4096x104xf32, #tpu.memory_space<vmem>>, vector<1x256x6xf32>,
    %mul3A_33 = arith.mulf %get3A_26, %get3A_26 : vector<256x6xf32>
    %reduce_sum3A_34 = arith.constant dense<0.000000e+00> : vector<256xf32>
    %reduce_sum3A_35 = vector.multi_reduction <add>, %mul3A_33, %reduce_sum3A_34 [1] : vector<256x6xf32> to vector<256xf32>
    %broadcast_in_dim3A_36 = vector.shape_cast %reduce_sum3A_35 : vector<256xf32> to vector<256x1xf32>
    %swap3A_37 = arith.constant 0 : index
    %swap3A_38 = arith.constant 256 : index
    %swap3A_39 = arith.constant 96 : index
    %swap3A_40 = vector.load %arg3[%swap3A_37, %swap3A_38, %swap3A_39] : memref<8x4096x104xf32, #tpu.memory_space<vmem>>, vector<1x256x1xf32>
    %swap3A_41 = vector.shape_cast %swap3A_40 : vector<1x256x1xf32> to vector<256x1xf32>
    %swap3A_42 = vector.shape_cast %broadcast_in_dim3A_36 : vector<256x1xf32> to vector<1x256x1xf32>
    tpu.vector_store %arg3[%swap3A_37, %swap3A_38, %swap3A_39], %swap3A_42 {strides = array<i32>} : memref<8x4096x104xf32, #tpu.memory_space<vmem>>, vector<1x256x1xf32>,
    %get3A_43 = arith.constant 2 : index
    %get3A_44 = arith.constant 0 : index
    %get3A_45 = arith.constant 0 : index
    %get3A_46 = vector.load %arg1[%get3A_43, %get3A_44, %get3A_45] : memref<128x256x6xf32, #tpu.memory_space<vmem>>, vector<1x256x6xf32>
    %get3A_47 = vector.shape_cast %get3A_46 : vector<1x256x6xf32> to vector<256x6xf32>
    %swap3A_48 = arith.constant 0 : index
    %swap3A_49 = arith.constant 512 : index
    %swap3A_50 = arith.constant 12 : index
    %swap3A_51 = vector.load %arg3[%swap3A_48, %swap3A_49, %swap3A_50] : memref<8x4096x104xf32, #tpu.memory_space<vmem>>, vector<1x256x6xf32>
    %swap3A_52 = vector.shape_cast %swap3A_51 : vector<1x256x6xf32> to vector<256x6xf32>
    %swap3A_53 = vector.shape_cast %get3A_47 : vector<256x6xf32> to vector<1x256x6xf32>
    tpu.vector_store %arg3[%swap3A_48, %swap3A_49, %swap3A_50], %swap3A_53 {strides = array<i32>} : memref<8x4096x104xf32, #tpu.memory_space<vmem>>, vector<1x256x6xf32>,
    %mul3A_54 = arith.mulf %get3A_47, %get3A_47 : vector<256x6xf32>
    %reduce_sum3A_55 = arith.constant dense<0.000000e+00> : vector<256xf32>
    %reduce_sum3A_56 = vector.multi_reduction <add>, %mul3A_54, %reduce_sum3A_55 [1] : vector<256x6xf32> to vector<256xf32>
    %broadcast_in_dim3A_57 = vector.shape_cast %reduce_sum3A_56 : vector<256xf32> to vector<256x1xf32>
    %swap3A_58 = arith.constant 0 : index
    %swap3A_59 = arith.constant 512 : index
    %swap3A_60 = arith.constant 96 : index
    %swap3A_61 = vector.load %arg3[%swap3A_58, %swap3A_59, %swap3A_60] : memref<8x4096x104xf32, #tpu.memory_space<vmem>>, vector<1x256x1xf32>
    %swap3A_62 = vector.shape_cast %swap3A_61 : vector<1x256x1xf32> to vector<256x1xf32>
    %swap3A_63 = vector.shape_cast %broadcast_in_dim3A_57 : vector<256x1xf32> to vector<1x256x1xf32>
    tpu.vector_store %arg3[%swap3A_58, %swap3A_59, %swap3A_60], %swap3A_63 {strides = array<i32>} : memref<8x4096x104xf32, #tpu.memory_space<vmem>>, vector<1x256x1xf32>,
    %get3A_64 = arith.constant 3 : index
    %get3A_65 = arith.constant 0 : index
    %get3A_66 = arith.constant 0 : index
    %get3A_67 = vector.load %arg1[%get3A_64, %get3A_65, %get3A_66] : memref<128x256x6xf32, #tpu.memory_space<vmem>>, vector<1x256x6xf32>
    %get3A_68 = vector.shape_cast %get3A_67 : vector<1x256x6xf32> to vector<256x6xf32>
    %swap3A_69 = arith.constant 0 : index
    %swap3A_70 = arith.constant 768 : index
    %swap3A_71 = arith.constant 18 : index
    %swap3A_72 = vector.load %arg3[%swap3A_69, %swap3A_70, %swap3A_71] : memref<8x4096x104xf32, #tpu.memory_space<vmem>>, vector<1x256x6xf32>
    %swap3A_73 = vector.shape_cast %swap3A_72 : vector<1x256x6xf32> to vector<256x6xf32>
    %swap3A_74 = vector.shape_cast %get3A_68 : vector<256x6xf32> to vector<1x256x6xf32>
    tpu.vector_store %arg3[%swap3A_69, %swap3A_70, %swap3A_71], %swap3A_74 {strides = array<i32>} : memref<8x4096x104xf32, #tpu.memory_space<vmem>>, vector<1x256x6xf32>,
    %mul3A_75 = arith.mulf %get3A_68, %get3A_68 : vector<256x6xf32>
    %reduce_sum3A_76 = arith.constant dense<0.000000e+00> : vector<256xf32>
    %reduce_sum3A_77 = vector.multi_reduction <add>, %mul3A_75, %reduce_sum3A_76 [1] : vector<256x6xf32> to vector<256xf32>
    %broadcast_in_dim3A_78 = vector.shape_cast %reduce_sum3A_77 : vector<256xf32> to vector<256x1xf32>
    %swap3A_79 = arith.constant 0 : index
    %swap3A_80 = arith.constant 768 : index
    %swap3A_81 = arith.constant 96 : index
    %swap3A_82 = vector.load %arg3[%swap3A_79, %swap3A_80, %swap3A_81] : memref<8x4096x104xf32, #tpu.memory_space<vmem>>, vector<1x256x1xf32>
    %swap3A_83 = vector.shape_cast %swap3A_82 : vector<1x256x1xf32> to vector<256x1xf32>
    %swap3A_84 = vector.shape_cast %broadcast_in_dim3A_78 : vector<256x1xf32> to vector<1x256x1xf32>
    tpu.vector_store %arg3[%swap3A_79, %swap3A_80, %swap3A_81], %swap3A_84 {strides = array<i32>} : memref<8x4096x104xf32, #tpu.memory_space<vmem>>, vector<1x256x1xf32>,
    %get3A_85 = arith.constant 4 : index
    %get3A_86 = arith.constant 0 : index
    %get3A_87 = arith.constant 0 : index
    %get3A_88 = vector.load %arg1[%get3A_85, %get3A_86, %get3A_87] : memref<128x256x6xf32, #tpu.memory_space<vmem>>, vector<1x256x6xf32>
    %get3A_89 = vector.shape_cast %get3A_88 : vector<1x256x6xf32> to vector<256x6xf32>
    %swap3A_90 = arith.constant 0 : index
    %swap3A_91 = arith.constant 1024 : index
    %swap3A_92 = arith.constant 24 : index
    %swap3A_93 = vector.load %arg3[%swap3A_90, %swap3A_91, %swap3A_92] : memref<8x4096x104xf32, #tpu.memory_space<vmem>>, vector<1x256x6xf32>
    %swap3A_94 = vector.shape_cast %swap3A_93 : vector<1x256x6xf32> to vector<256x6xf32>
    %swap3A_95 = vector.shape_cast %get3A_89 : vector<256x6xf32> to vector<1x256x6xf32>
    tpu.vector_store %arg3[%swap3A_90, %swap3A_91, %swap3A_92], %swap3A_95 {strides = array<i32>} : memref<8x4096x104xf32, #tpu.memory_space<vmem>>, vector<1x256x6xf32>,
    %mul3A_96 = arith.mulf %get3A_89, %get3A_89 : vector<256x6xf32>
    %reduce_sum3A_97 = arith.constant dense<0.000000e+00> : vector<256xf32>
    %reduce_sum3A_98 = vector.multi_reduction <add>, %mul3A_96, %reduce_sum3A_97 [1] : vector<256x6xf32> to vector<256xf32>
    %broadcast_in_dim3A_99 = vector.shape_cast %reduce_sum3A_98 : vector<256xf32> to vector<256x1xf32>
    %swap3A_100 = arith.constant 0 : index
    %swap3A_101 = arith.constant 1024 : index
    %swap3A_102 = arith.constant 96 : index
    %swap3A_103 = vector.load %arg3[%swap3A_100, %swap3A_101, %swap3A_102] : memref<8x4096x104xf32, #tpu.memory_space<vmem>>, vector<1x256x1xf32>
    %swap3A_104 = vector.shape_cast %swap3A_103 : vector<1x256x1xf32> to vector<256x1xf32>
    %swap3A_105 = vector.shape_cast %broadcast_in_dim3A_99 : vector<256x1xf32> to vector<1x256x1xf32>
    tpu.vector_store %arg3[%swap3A_100, %swap3A_101, %swap3A_102], %swap3A_105 {strides = array<i32>} : memref<8x4096x104xf32, #tpu.memory_space<vmem>>, vector<1x256x1xf32>,
    %get3A_106 = arith.constant 5 : index
    %get3A_107 = arith.constant 0 : index
    %get3A_108 = arith.constant 0 : index
    %get3A_109 = vector.load %arg1[%get3A_106, %get3A_107, %get3A_108] : memref<128x256x6xf32, #tpu.memory_space<vmem>>, vector<1x256x6xf32>
    %get3A_110 = vector.shape_cast %get3A_109 : vector<1x256x6xf32> to vector<256x6xf32>
    %swap3A_111 = arith.constant 0 : index
    %swap3A_112 = arith.constant 1280 : index
    %swap3A_113 = arith.constant 30 : index
    %swap3A_114 = vector.load %arg3[%swap3A_111, %swap3A_112, %swap3A_113] : memref<8x4096x104xf32, #tpu.memory_space<vmem>>, vector<1x256x6xf32>
    %swap3A_115 = vector.shape_cast %swap3A_114 : vector<1x256x6xf32> to vector<256x6xf32>
    %swap3A_116 = vector.shape_cast %get3A_110 : vector<256x6xf32> to vector<1x256x6xf32>
    tpu.vector_store %arg3[%swap3A_111, %swap3A_112, %swap3A_113], %swap3A_116 {strides = array<i32>} : memref<8x4096x104xf32, #tpu.memory_space<vmem>>, vector<1x256x6xf32>,
    %mul3A_117 = arith.mulf %get3A_110, %get3A_110 : vector<256x6xf32>
    %reduce_sum3A_118 = arith.constant dense<0.000000e+00> : vector<256xf32>
    %reduce_sum3A_119 = vector.multi_reduction <add>, %mul3A_117, %reduce_sum3A_118 [1] : vector<256x6xf32> to vector<256xf32>
    %broadcast_in_dim3A_120 = vector.shape_cast %reduce_sum3A_119 : vector<256xf32> to vector<256x1xf32>
    %swap3A_121 = arith.constant 0 : index
    %swap3A_122 = arith.constant 1280 : index
    %swap3A_123 = arith.constant 96 : index
    %swap3A_124 = vector.load %arg3[%swap3A_121, %swap3A_122, %swap3A_123] : memref<8x4096x104xf32, #tpu.memory_space<vmem>>, vector<1x256x1xf32>
    %swap3A_125 = vector.shape_cast %swap3A_124 : vector<1x256x1xf32> to vector<256x1xf32>
    %swap3A_126 = vector.shape_cast %broadcast_in_dim3A_120 : vector<256x1xf32> to vector<1x256x1xf32>
    tpu.vector_store %arg3[%swap3A_121, %swap3A_122, %swap3A_123], %swap3A_126 {strides = array<i32>} : memref<8x4096x104xf32, #tpu.memory_space<vmem>>, vector<1x256x1xf32>,
    %get3A_127 = arith.constant 6 : index
    %get3A_128 = arith.constant 0 : index
    %get3A_129 = arith.constant 0 : index
    %get3A_130 = vector.load %arg1[%get3A_127, %get3A_128, %get3A_129] : memref<128x256x6xf32, #tpu.memory_space<vmem>>, vector<1x256x6xf32>
    %get3A_131 = vector.shape_cast %get3A_130 : vector<1x256x6xf32> to vector<256x6xf32>
    %swap3A_132 = arith.constant 0 : index
    %swap3A_133 = arith.constant 1536 : index
    %swap3A_134 = arith.constant 36 : index
    %swap3A_135 = vector.load %arg3[%swap3A_132, %swap3A_133, %swap3A_134] : memref<8x4096x104xf32, #tpu.memory_space<vmem>>, vector<1x256x6xf32>
    %swap3A_136 = vector.shape_cast %swap3A_135 : vector<1x256x6xf32> to vector<256x6xf32>
    %swap3A_137 = vector.shape_cast %get3A_131 : vector<256x6xf32> to vector<1x256x6xf32>
    tpu.vector_store %arg3[%swap3A_132, %swap3A_133, %swap3A_134], %swap3A_137 {strides = array<i32>} : memref<8x4096x104xf32, #tpu.memory_space<vmem>>, vector<1x256x6xf32>,
    %mul3A_138 = arith.mulf %get3A_131, %get3A_131 : vector<256x6xf32>
    %reduce_sum3A_139 = arith.constant dense<0.000000e+00> : vector<256xf32>
    %reduce_sum3A_140 = vector.multi_reduction <add>, %mul3A_138, %reduce_sum3A_139 [1] : vector<256x6xf32> to vector<256xf32>
    %broadcast_in_dim3A_141 = vector.shape_cast %reduce_sum3A_140 : vector<256xf32> to vector<256x1xf32>
    %swap3A_142 = arith.constant 0 : index
    %swap3A_143 = arith.constant 1536 : index
    %swap3A_144 = arith.constant 96 : index
    %swap3A_145 = vector.load %arg3[%swap3A_142, %swap3A_143, %swap3A_144] : memref<8x4096x104xf32, #tpu.memory_space<vmem>>, vector<1x256x1xf32>
    %swap3A_146 = vector.shape_cast %swap3A_145 : vector<1x256x1xf32> to vector<256x1xf32>
    %swap3A_147 = vector.shape_cast %broadcast_in_dim3A_141 : vector<256x1xf32> to vector<1x256x1xf32>
    tpu.vector_store %arg3[%swap3A_142, %swap3A_143, %swap3A_144], %swap3A_147 {strides = array<i32>} : memref<8x4096x104xf32, #tpu.memory_space<vmem>>, vector<1x256x1xf32>,
    %get3A_148 = arith.constant 7 : index
    %get3A_149 = arith.constant 0 : index
    %get3A_150 = arith.constant 0 : index
    %get3A_151 = vector.load %arg1[%get3A_148, %get3A_149, %get3A_150] : memref<128x256x6xf32, #tpu.memory_space<vmem>>, vector<1x256x6xf32>
    %get3A_152 = vector.shape_cast %get3A_151 : vector<1x256x6xf32> to vector<256x6xf32>
    %swap3A_153 = arith.constant 0 : index
    %swap3A_154 = arith.constant 1792 : index
    %swap3A_155 = arith.constant 42 : index
    %swap3A_156 = vector.load %arg3[%swap3A_153, %swap3A_154, %swap3A_155] : memref<8x4096x104xf32, #tpu.memory_space<vmem>>, vector<1x256x6xf32>
    %swap3A_157 = vector.shape_cast %swap3A_156 : vector<1x256x6xf32> to vector<256x6xf32>
    %swap3A_158 = vector.shape_cast %get3A_152 : vector<256x6xf32> to vector<1x256x6xf32>
    tpu.vector_store %arg3[%swap3A_153, %swap3A_154, %swap3A_155], %swap3A_158 {strides = array<i32>} : memref<8x4096x104xf32, #tpu.memory_space<vmem>>, vector<1x256x6xf32>,
    %mul3A_159 = arith.mulf %get3A_152, %get3A_152 : vector<256x6xf32>
    %reduce_sum3A_160 = arith.constant dense<0.000000e+00> : vector<256xf32>
    %reduce_sum3A_161 = vector.multi_reduction <add>, %mul3A_159, %reduce_sum3A_160 [1] : vector<256x6xf32> to vector<256xf32>
    %broadcast_in_dim3A_162 = vector.shape_cast %reduce_sum3A_161 : vector<256xf32> to vector<256x1xf32>
    %swap3A_163 = arith.constant 0 : index
    %swap3A_164 = arith.constant 1792 : index
    %swap3A_165 = arith.constant 96 : index
    %swap3A_166 = vector.load %arg3[%swap3A_163, %swap3A_164, %swap3A_165] : memref<8x4096x104xf32, #tpu.memory_space<vmem>>, vector<1x256x1xf32>
    %swap3A_167 = vector.shape_cast %swap3A_166 : vector<1x256x1xf32> to vector<256x1xf32>
    %swap3A_168 = vector.shape_cast %broadcast_in_dim3A_162 : vector<256x1xf32> to vector<1x256x1xf32>
    tpu.vector_store %arg3[%swap3A_163, %swap3A_164, %swap3A_165], %swap3A_168 {strides = array<i32>} : memref<8x4096x104xf32, #tpu.memory_space<vmem>>, vector<1x256x1xf32>,
    %get3A_169 = arith.constant 8 : index
    %get3A_170 = arith.constant 0 : index
    %get3A_171 = arith.constant 0 : index
    %get3A_172 = vector.load %arg1[%get3A_169, %get3A_170, %get3A_171] : memref<128x256x6xf32, #tpu.memory_space<vmem>>, vector<1x256x6xf32>
    %get3A_173 = vector.shape_cast %get3A_172 : vector<1x256x6xf32> to vector<256x6xf32>
    %swap3A_174 = arith.constant 0 : index
    %swap3A_175 = arith.constant 2048 : index
    %swap3A_176 = arith.constant 48 : index
    %swap3A_177 = vector.load %arg3[%swap3A_174, %swap3A_175, %swap3A_176] : memref<8x4096x104xf32, #tpu.memory_space<vmem>>, vector<1x256x6xf32>
    %swap3A_178 = vector.shape_cast %swap3A_177 : vector<1x256x6xf32> to vector<256x6xf32>
    %swap3A_179 = vector.shape_cast %get3A_173 : vector<256x6xf32> to vector<1x256x6xf32>
    tpu.vector_store %arg3[%swap3A_174, %swap3A_175, %swap3A_176], %swap3A_179 {strides = array<i32>} : memref<8x4096x104xf32, #tpu.memory_space<vmem>>, vector<1x256x6xf32>,
    %mul3A_180 = arith.mulf %get3A_173, %get3A_173 : vector<256x6xf32>
    %reduce_sum3A_181 = arith.constant dense<0.000000e+00> : vector<256xf32>
    %reduce_sum3A_182 = vector.multi_reduction <add>, %mul3A_180, %reduce_sum3A_181 [1] : vector<256x6xf32> to vector<256xf32>
    %broadcast_in_dim3A_183 = vector.shape_cast %reduce_sum3A_182 : vector<256xf32> to vector<256x1xf32>
    %swap3A_184 = arith.constant 0 : index
    %swap3A_185 = arith.constant 2048 : index
    %swap3A_186 = arith.constant 96 : index
    %swap3A_187 = vector.load %arg3[%swap3A_184, %swap3A_185, %swap3A_186] : memref<8x4096x104xf32, #tpu.memory_space<vmem>>, vector<1x256x1xf32>
    %swap3A_188 = vector.shape_cast %swap3A_187 : vector<1x256x1xf32> to vector<256x1xf32>
    %swap3A_189 = vector.shape_cast %broadcast_in_dim3A_183 : vector<256x1xf32> to vector<1x256x1xf32>
    tpu.vector_store %arg3[%swap3A_184, %swap3A_185, %swap3A_186], %swap3A_189 {strides = array<i32>} : memref<8x4096x104xf32, #tpu.memory_space<vmem>>, vector<1x256x1xf32>,
    %get3A_190 = arith.constant 9 : index
    %get3A_191 = arith.constant 0 : index
    %get3A_192 = arith.constant 0 : index
    %get3A_193 = vector.load %arg1[%get3A_190, %get3A_191, %get3A_192] : memref<128x256x6xf32, #tpu.memory_space<vmem>>, vector<1x256x6xf32>
    %get3A_194 = vector.shape_cast %get3A_193 : vector<1x256x6xf32> to vector<256x6xf32>
    %swap3A_195 = arith.constant 0 : index
    %swap3A_196 = arith.constant 2304 : index
    %swap3A_197 = arith.constant 54 : index
    %swap3A_198 = vector.load %arg3[%swap3A_195, %swap3A_196, %swap3A_197] : memref<8x4096x104xf32, #tpu.memory_space<vmem>>, vector<1x256x6xf32>
    %swap3A_199 = vector.shape_cast %swap3A_198 : vector<1x256x6xf32> to vector<256x6xf32>
    %swap3A_200 = vector.shape_cast %get3A_194 : vector<256x6xf32> to vector<1x256x6xf32>
    tpu.vector_store %arg3[%swap3A_195, %swap3A_196, %swap3A_197], %swap3A_200 {strides = array<i32>} : memref<8x4096x104xf32, #tpu.memory_space<vmem>>, vector<1x256x6xf32>,
    %mul3A_201 = arith.mulf %get3A_194, %get3A_194 : vector<256x6xf32>
    %reduce_sum3A_202 = arith.constant dense<0.000000e+00> : vector<256xf32>
    %reduce_sum3A_203 = vector.multi_reduction <add>, %mul3A_201, %reduce_sum3A_202 [1] : vector<256x6xf32> to vector<256xf32>
    %broadcast_in_dim3A_204 = vector.shape_cast %reduce_sum3A_203 : vector<256xf32> to vector<256x1xf32>
    %swap3A_205 = arith.constant 0 : index
    %swap3A_206 = arith.constant 2304 : index
    %swap3A_207 = arith.constant 96 : index
    %swap3A_208 = vector.load %arg3[%swap3A_205, %swap3A_206, %swap3A_207] : memref<8x4096x104xf32, #tpu.memory_space<vmem>>, vector<1x256x1xf32>
    %swap3A_209 = vector.shape_cast %swap3A_208 : vector<1x256x1xf32> to vector<256x1xf32>
    %swap3A_210 = vector.shape_cast %broadcast_in_dim3A_204 : vector<256x1xf32> to vector<1x256x1xf32>
    tpu.vector_store %arg3[%swap3A_205, %swap3A_206, %swap3A_207], %swap3A_210 {strides = array<i32>} : memref<8x4096x104xf32, #tpu.memory_space<vmem>>, vector<1x256x1xf32>,
    %get3A_211 = arith.constant 10 : index
    %get3A_212 = arith.constant 0 : index
    %get3A_213 = arith.constant 0 : index
    %get3A_214 = vector.load %arg1[%get3A_211, %get3A_212, %get3A_213] : memref<128x256x6xf32, #tpu.memory_space<vmem>>, vector<1x256x6xf32>
    %get3A_215 = vector.shape_cast %get3A_214 : vector<1x256x6xf32> to vector<256x6xf32>
    %swap3A_216 = arith.constant 0 : index
    %swap3A_217 = arith.constant 2560 : index
    %swap3A_218 = arith.constant 60 : index
    %swap3A_219 = vector.load %arg3[%swap3A_216, %swap3A_217, %swap3A_218] : memref<8x4096x104xf32, #tpu.memory_space<vmem>>, vector<1x256x6xf32>
    %swap3A_220 = vector.shape_cast %swap3A_219 : vector<1x256x6xf32> to vector<256x6xf32>
    %swap3A_221 = vector.shape_cast %get3A_215 : vector<256x6xf32> to vector<1x256x6xf32>
    tpu.vector_store %arg3[%swap3A_216, %swap3A_217, %swap3A_218], %swap3A_221 {strides = array<i32>} : memref<8x4096x104xf32, #tpu.memory_space<vmem>>, vector<1x256x6xf32>,
    %mul3A_222 = arith.mulf %get3A_215, %get3A_215 : vector<256x6xf32>
    %reduce_sum3A_223 = arith.constant dense<0.000000e+00> : vector<256xf32>
    %reduce_sum3A_224 = vector.multi_reduction <add>, %mul3A_222, %reduce_sum3A_223 [1] : vector<256x6xf32> to vector<256xf32>
    %broadcast_in_dim3A_225 = vector.shape_cast %reduce_sum3A_224 : vector<256xf32> to vector<256x1xf32>
    %swap3A_226 = arith.constant 0 : index
    %swap3A_227 = arith.constant 2560 : index
    %swap3A_228 = arith.constant 96 : index
    %swap3A_229 = vector.load %arg3[%swap3A_226, %swap3A_227, %swap3A_228] : memref<8x4096x104xf32, #tpu.memory_space<vmem>>, vector<1x256x1xf32>
    %swap3A_230 = vector.shape_cast %swap3A_229 : vector<1x256x1xf32> to vector<256x1xf32>
    %swap3A_231 = vector.shape_cast %broadcast_in_dim3A_225 : vector<256x1xf32> to vector<1x256x1xf32>
    tpu.vector_store %arg3[%swap3A_226, %swap3A_227, %swap3A_228], %swap3A_231 {strides = array<i32>} : memref<8x4096x104xf32, #tpu.memory_space<vmem>>, vector<1x256x1xf32>,
    %get3A_232 = arith.constant 11 : index
    %get3A_233 = arith.constant 0 : index
    %get3A_234 = arith.constant 0 : index
    %get3A_235 = vector.load %arg1[%get3A_232, %get3A_233, %get3A_234] : memref<128x256x6xf32, #tpu.memory_space<vmem>>, vector<1x256x6xf32>
    %get3A_236 = vector.shape_cast %get3A_235 : vector<1x256x6xf32> to vector<256x6xf32>
    %swap3A_237 = arith.constant 0 : index
    %swap3A_238 = arith.constant 2816 : index
    %swap3A_239 = arith.constant 66 : index
    %swap3A_240 = vector.load %arg3[%swap3A_237, %swap3A_238, %swap3A_239] : memref<8x4096x104xf32, #tpu.memory_space<vmem>>, vector<1x256x6xf32>
    %swap3A_241 = vector.shape_cast %swap3A_240 : vector<1x256x6xf32> to vector<256x6xf32>
    %swap3A_242 = vector.shape_cast %get3A_236 : vector<256x6xf32> to vector<1x256x6xf32>
    tpu.vector_store %arg3[%swap3A_237, %swap3A_238, %swap3A_239], %swap3A_242 {strides = array<i32>} : memref<8x4096x104xf32, #tpu.memory_space<vmem>>, vector<1x256x6xf32>,
    %mul3A_243 = arith.mulf %get3A_236, %get3A_236 : vector<256x6xf32>
    %reduce_sum3A_244 = arith.constant dense<0.000000e+00> : vector<256xf32>
    %reduce_sum3A_245 = vector.multi_reduction <add>, %mul3A_243, %reduce_sum3A_244 [1] : vector<256x6xf32> to vector<256xf32>
    %broadcast_in_dim3A_246 = vector.shape_cast %reduce_sum3A_245 : vector<256xf32> to vector<256x1xf32>
    %swap3A_247 = arith.constant 0 : index
    %swap3A_248 = arith.constant 2816 : index
    %swap3A_249 = arith.constant 96 : index
    %swap3A_250 = vector.load %arg3[%swap3A_247, %swap3A_248, %swap3A_249] : memref<8x4096x104xf32, #tpu.memory_space<vmem>>, vector<1x256x1xf32>
    %swap3A_251 = vector.shape_cast %swap3A_250 : vector<1x256x1xf32> to vector<256x1xf32>
    %swap3A_252 = vector.shape_cast %broadcast_in_dim3A_246 : vector<256x1xf32> to vector<1x256x1xf32>
    tpu.vector_store %arg3[%swap3A_247, %swap3A_248, %swap3A_249], %swap3A_252 {strides = array<i32>} : memref<8x4096x104xf32, #tpu.memory_space<vmem>>, vector<1x256x1xf32>,
    %get3A_253 = arith.constant 12 : index
    %get3A_254 = arith.constant 0 : index
    %get3A_255 = arith.constant 0 : index
    %get3A_256 = vector.load %arg1[%get3A_253, %get3A_254, %get3A_255] : memref<128x256x6xf32, #tpu.memory_space<vmem>>, vector<1x256x6xf32>
    %get3A_257 = vector.shape_cast %get3A_256 : vector<1x256x6xf32> to vector<256x6xf32>
    %swap3A_258 = arith.constant 0 : index
    %swap3A_259 = arith.constant 3072 : index
    %swap3A_260 = arith.constant 72 : index
    %swap3A_261 = vector.load %arg3[%swap3A_258, %swap3A_259, %swap3A_260] : memref<8x4096x104xf32, #tpu.memory_space<vmem>>, vector<1x256x6xf32>
    %swap3A_262 = vector.shape_cast %swap3A_261 : vector<1x256x6xf32> to vector<256x6xf32>
    %swap3A_263 = vector.shape_cast %get3A_257 : vector<256x6xf32> to vector<1x256x6xf32>
    tpu.vector_store %arg3[%swap3A_258, %swap3A_259, %swap3A_260], %swap3A_263 {strides = array<i32>} : memref<8x4096x104xf32, #tpu.memory_space<vmem>>, vector<1x256x6xf32>,
    %mul3A_264 = arith.mulf %get3A_257, %get3A_257 : vector<256x6xf32>
    %reduce_sum3A_265 = arith.constant dense<0.000000e+00> : vector<256xf32>
    %reduce_sum3A_266 = vector.multi_reduction <add>, %mul3A_264, %reduce_sum3A_265 [1] : vector<256x6xf32> to vector<256xf32>
    %broadcast_in_dim3A_267 = vector.shape_cast %reduce_sum3A_266 : vector<256xf32> to vector<256x1xf32>
    %swap3A_268 = arith.constant 0 : index
    %swap3A_269 = arith.constant 3072 : index
    %swap3A_270 = arith.constant 96 : index
    %swap3A_271 = vector.load %arg3[%swap3A_268, %swap3A_269, %swap3A_270] : memref<8x4096x104xf32, #tpu.memory_space<vmem>>, vector<1x256x1xf32>
    %swap3A_272 = vector.shape_cast %swap3A_271 : vector<1x256x1xf32> to vector<256x1xf32>
    %swap3A_273 = vector.shape_cast %broadcast_in_dim3A_267 : vector<256x1xf32> to vector<1x256x1xf32>
    tpu.vector_store %arg3[%swap3A_268, %swap3A_269, %swap3A_270], %swap3A_273 {strides = array<i32>} : memref<8x4096x104xf32, #tpu.memory_space<vmem>>, vector<1x256x1xf32>,
    %get3A_274 = arith.constant 13 : index
    %get3A_275 = arith.constant 0 : index
    %get3A_276 = arith.constant 0 : index
    %get3A_277 = vector.load %arg1[%get3A_274, %get3A_275, %get3A_276] : memref<128x256x6xf32, #tpu.memory_space<vmem>>, vector<1x256x6xf32>
    %get3A_278 = vector.shape_cast %get3A_277 : vector<1x256x6xf32> to vector<256x6xf32>
    %swap3A_279 = arith.constant 0 : index
    %swap3A_280 = arith.constant 3328 : index
    %swap3A_281 = arith.constant 78 : index
    %swap3A_282 = vector.load %arg3[%swap3A_279, %swap3A_280, %swap3A_281] : memref<8x4096x104xf32, #tpu.memory_space<vmem>>, vector<1x256x6xf32>
    %swap3A_283 = vector.shape_cast %swap3A_282 : vector<1x256x6xf32> to vector<256x6xf32>
    %swap3A_284 = vector.shape_cast %get3A_278 : vector<256x6xf32> to vector<1x256x6xf32>
    tpu.vector_store %arg3[%swap3A_279, %swap3A_280, %swap3A_281], %swap3A_284 {strides = array<i32>} : memref<8x4096x104xf32, #tpu.memory_space<vmem>>, vector<1x256x6xf32>,
    %mul3A_285 = arith.mulf %get3A_278, %get3A_278 : vector<256x6xf32>
    %reduce_sum3A_286 = arith.constant dense<0.000000e+00> : vector<256xf32>
    %reduce_sum3A_287 = vector.multi_reduction <add>, %mul3A_285, %reduce_sum3A_286 [1] : vector<256x6xf32> to vector<256xf32>
    %broadcast_in_dim3A_288 = vector.shape_cast %reduce_sum3A_287 : vector<256xf32> to vector<256x1xf32>
    %swap3A_289 = arith.constant 0 : index
    %swap3A_290 = arith.constant 3328 : index
    %swap3A_291 = arith.constant 96 : index
    %swap3A_292 = vector.load %arg3[%swap3A_289, %swap3A_290, %swap3A_291] : memref<8x4096x104xf32, #tpu.memory_space<vmem>>, vector<1x256x1xf32>
    %swap3A_293 = vector.shape_cast %swap3A_292 : vector<1x256x1xf32> to vector<256x1xf32>
    %swap3A_294 = vector.shape_cast %broadcast_in_dim3A_288 : vector<256x1xf32> to vector<1x256x1xf32>
    tpu.vector_store %arg3[%swap3A_289, %swap3A_290, %swap3A_291], %swap3A_294 {strides = array<i32>} : memref<8x4096x104xf32, #tpu.memory_space<vmem>>, vector<1x256x1xf32>,
    %get3A_295 = arith.constant 14 : index
    %get3A_296 = arith.constant 0 : index
    %get3A_297 = arith.constant 0 : index
    %get3A_298 = vector.load %arg1[%get3A_295, %get3A_296, %get3A_297] : memref<128x256x6xf32, #tpu.memory_space<vmem>>, vector<1x256x6xf32>
    %get3A_299 = vector.shape_cast %get3A_298 : vector<1x256x6xf32> to vector<256x6xf32>
    %swap3A_300 = arith.constant 0 : index
    %swap3A_301 = arith.constant 3584 : index
    %swap3A_302 = arith.constant 84 : index
    %swap3A_303 = vector.load %arg3[%swap3A_300, %swap3A_301, %swap3A_302] : memref<8x4096x104xf32, #tpu.memory_space<vmem>>, vector<1x256x6xf32>
    %swap3A_304 = vector.shape_cast %swap3A_303 : vector<1x256x6xf32> to vector<256x6xf32>
    %swap3A_305 = vector.shape_cast %get3A_299 : vector<256x6xf32> to vector<1x256x6xf32>
    tpu.vector_store %arg3[%swap3A_300, %swap3A_301, %swap3A_302], %swap3A_305 {strides = array<i32>} : memref<8x4096x104xf32, #tpu.memory_space<vmem>>, vector<1x256x6xf32>,
    %mul3A_306 = arith.mulf %get3A_299, %get3A_299 : vector<256x6xf32>
    %reduce_sum3A_307 = arith.constant dense<0.000000e+00> : vector<256xf32>
    %reduce_sum3A_308 = vector.multi_reduction <add>, %mul3A_306, %reduce_sum3A_307 [1] : vector<256x6xf32> to vector<256xf32>
    %broadcast_in_dim3A_309 = vector.shape_cast %reduce_sum3A_308 : vector<256xf32> to vector<256x1xf32>
    %swap3A_310 = arith.constant 0 : index
    %swap3A_311 = arith.constant 3584 : index
    %swap3A_312 = arith.constant 96 : index
    %swap3A_313 = vector.load %arg3[%swap3A_310, %swap3A_311, %swap3A_312] : memref<8x4096x104xf32, #tpu.memory_space<vmem>>, vector<1x256x1xf32>
    %swap3A_314 = vector.shape_cast %swap3A_313 : vector<1x256x1xf32> to vector<256x1xf32>
    %swap3A_315 = vector.shape_cast %broadcast_in_dim3A_309 : vector<256x1xf32> to vector<1x256x1xf32>
    tpu.vector_store %arg3[%swap3A_310, %swap3A_311, %swap3A_312], %swap3A_315 {strides = array<i32>} : memref<8x4096x104xf32, #tpu.memory_space<vmem>>, vector<1x256x1xf32>,
    %get3A_316 = arith.constant 15 : index
    %get3A_317 = arith.constant 0 : index
    %get3A_318 = arith.constant 0 : index
    %get3A_319 = vector.load %arg1[%get3A_316, %get3A_317, %get3A_318] : memref<128x256x6xf32, #tpu.memory_space<vmem>>, vector<1x256x6xf32>
    %get3A_320 = vector.shape_cast %get3A_319 : vector<1x256x6xf32> to vector<256x6xf32>
    %swap3A_321 = arith.constant 0 : index
    %swap3A_322 = arith.constant 3840 : index
    %swap3A_323 = arith.constant 90 : index
    %swap3A_324 = vector.load %arg3[%swap3A_321, %swap3A_322, %swap3A_323] : memref<8x4096x104xf32, #tpu.memory_space<vmem>>, vector<1x256x6xf32>
    %swap3A_325 = vector.shape_cast %swap3A_324 : vector<1x256x6xf32> to vector<256x6xf32>
    %swap3A_326 = vector.shape_cast %get3A_320 : vector<256x6xf32> to vector<1x256x6xf32>
    tpu.vector_store %arg3[%swap3A_321, %swap3A_322, %swap3A_323], %swap3A_326 {strides = array<i32>} : memref<8x4096x104xf32, #tpu.memory_space<vmem>>, vector<1x256x6xf32>,
    %mul3A_327 = arith.mulf %get3A_320, %get3A_320 : vector<256x6xf32>
    %reduce_sum3A_328 = arith.constant dense<0.000000e+00> : vector<256xf32>
    %reduce_sum3A_329 = vector.multi_reduction <add>, %mul3A_327, %reduce_sum3A_328 [1] : vector<256x6xf32> to vector<256xf32>
    %broadcast_in_dim3A_330 = vector.shape_cast %reduce_sum3A_329 : vector<256xf32> to vector<256x1xf32>
    %swap3A_331 = arith.constant 0 : index
    %swap3A_332 = arith.constant 3840 : index
    %swap3A_333 = arith.constant 96 : index
    %swap3A_334 = vector.load %arg3[%swap3A_331, %swap3A_332, %swap3A_333] : memref<8x4096x104xf32, #tpu.memory_space<vmem>>, vector<1x256x1xf32>
    %swap3A_335 = vector.shape_cast %swap3A_334 : vector<1x256x1xf32> to vector<256x1xf32>
    %swap3A_336 = vector.shape_cast %broadcast_in_dim3A_330 : vector<256x1xf32> to vector<1x256x1xf32>
    tpu.vector_store %arg3[%swap3A_331, %swap3A_332, %swap3A_333], %swap3A_336 {strides = array<i32>} : memref<8x4096x104xf32, #tpu.memory_space<vmem>>, vector<1x256x1xf32>,
    %get3A_337 = arith.constant 16 : index
    %get3A_338 = arith.constant 0 : index
    %get3A_339 = arith.constant 0 : index
    %get3A_340 = vector.load %arg1[%get3A_337, %get3A_338, %get3A_339] : memref<128x256x6xf32, #tpu.memory_space<vmem>>, vector<1x256x6xf32>
    %get3A_341 = vector.shape_cast %get3A_340 : vector<1x256x6xf32> to vector<256x6xf32>
    %swap3A_342 = arith.constant 1 : index
    %swap3A_343 = arith.constant 0 : index
    %swap3A_344 = arith.constant 0 : index
    %swap3A_345 = vector.load %arg3[%swap3A_342, %swap3A_343, %swap3A_344] : memref<8x4096x104xf32, #tpu.memory_space<vmem>>, vector<1x256x6xf32>
    %swap3A_346 = vector.shape_cast %swap3A_345 : vector<1x256x6xf32> to vector<256x6xf32>
    %swap3A_347 = vector.shape_cast %get3A_341 : vector<256x6xf32> to vector<1x256x6xf32>
    tpu.vector_store %arg3[%swap3A_342, %swap3A_343, %swap3A_344], %swap3A_347 {strides = array<i32>} : memref<8x4096x104xf32, #tpu.memory_space<vmem>>, vector<1x256x6xf32>,
    %mul3A_348 = arith.mulf %get3A_341, %get3A_341 : vector<256x6xf32>
    %reduce_sum3A_349 = arith.constant dense<0.000000e+00> : vector<256xf32>
    %reduce_sum3A_350 = vector.multi_reduction <add>, %mul3A_348, %reduce_sum3A_349 [1] : vector<256x6xf32> to vector<256xf32>
    %broadcast_in_dim3A_351 = vector.shape_cast %reduce_sum3A_350 : vector<256xf32> to vector<256x1xf32>
    %swap3A_352 = arith.constant 1 : index
    %swap3A_353 = arith.constant 0 : index
    %swap3A_354 = arith.constant 96 : index
    %swap3A_355 = vector.load %arg3[%swap3A_352, %swap3A_353, %swap3A_354] : memref<8x4096x104xf32, #tpu.memory_space<vmem>>, vector<1x256x1xf32>
    %swap3A_356 = vector.shape_cast %swap3A_355 : vector<1x256x1xf32> to vector<256x1xf32>
    %swap3A_357 = vector.shape_cast %broadcast_in_dim3A_351 : vector<256x1xf32> to vector<1x256x1xf32>
    tpu.vector_store %arg3[%swap3A_352, %swap3A_353, %swap3A_354], %swap3A_357 {strides = array<i32>} : memref<8x4096x104xf32, #tpu.memory_space<vmem>>, vector<1x256x1xf32>,
    %get3A_358 = arith.constant 17 : index
    %get3A_359 = arith.constant 0 : index
    %get3A_360 = arith.constant 0 : index
    %get3A_361 = vector.load %arg1[%get3A_358, %get3A_359, %get3A_360] : memref<128x256x6xf32, #tpu.memory_space<vmem>>, vector<1x256x6xf32>
    %get3A_362 = vector.shape_cast %get3A_361 : vector<1x256x6xf32> to vector<256x6xf32>
    %swap3A_363 = arith.constant 1 : index
    %swap3A_364 = arith.constant 256 : index
    %swap3A_365 = arith.constant 6 : index
    %swap3A_366 = vector.load %arg3[%swap3A_363, %swap3A_364, %swap3A_365] : memref<8x4096x104xf32, #tpu.memory_space<vmem>>, vector<1x256x6xf32>
    %swap3A_367 = vector.shape_cast %swap3A_366 : vector<1x256x6xf32> to vector<256x6xf32>
    %swap3A_368 = vector.shape_cast %get3A_362 : vector<256x6xf32> to vector<1x256x6xf32>
    tpu.vector_store %arg3[%swap3A_363, %swap3A_364, %swap3A_365], %swap3A_368 {strides = array<i32>} : memref<8x4096x104xf32, #tpu.memory_space<vmem>>, vector<1x256x6xf32>,
    %mul3A_369 = arith.mulf %get3A_362, %get3A_362 : vector<256x6xf32>
    %reduce_sum3A_370 = arith.constant dense<0.000000e+00> : vector<256xf32>
    %reduce_sum3A_371 = vector.multi_reduction <add>, %mul3A_369, %reduce_sum3A_370 [1] : vector<256x6xf32> to vector<256xf32>
    %broadcast_in_dim3A_372 = vector.shape_cast %reduce_sum3A_371 : vector<256xf32> to vector<256x1xf32>
    %swap3A_373 = arith.constant 1 : index
    %swap3A_374 = arith.constant 256 : index
    %swap3A_375 = arith.constant 96 : index
    %swap3A_376 = vector.load %arg3[%swap3A_373, %swap3A_374, %swap3A_375] : memref<8x4096x104xf32, #tpu.memory_space<vmem>>, vector<1x256x1xf32>
    %swap3A_377 = vector.shape_cast %swap3A_376 : vector<1x256x1xf32> to vector<256x1xf32>
    %swap3A_378 = vector.shape_cast %broadcast_in_dim3A_372 : vector<256x1xf32> to vector<1x256x1xf32>
    tpu.vector_store %arg3[%swap3A_373, %swap3A_374, %swap3A_375], %swap3A_378 {strides = array<i32>} : memref<8x4096x104xf32, #tpu.memory_space<vmem>>, vector<1x256x1xf32>,
    %get3A_379 = arith.constant 18 : index
    %get3A_380 = arith.constant 0 : index
    %get3A_381 = arith.constant 0 : index
    %get3A_382 = vector.load %arg1[%get3A_379, %get3A_380, %get3A_381] : memref<128x256x6xf32, #tpu.memory_space<vmem>>, vector<1x256x6xf32>
    %get3A_383 = vector.shape_cast %get3A_382 : vector<1x256x6xf32> to vector<256x6xf32>
    %swap3A_384 = arith.constant 1 : index
    %swap3A_385 = arith.constant 512 : index
    %swap3A_386 = arith.constant 12 : index
    %swap3A_387 = vector.load %arg3[%swap3A_384, %swap3A_385, %swap3A_386] : memref<8x4096x104xf32, #tpu.memory_space<vmem>>, vector<1x256x6xf32>
    %swap3A_388 = vector.shape_cast %swap3A_387 : vector<1x256x6xf32> to vector<256x6xf32>
    %swap3A_389 = vector.shape_cast %get3A_383 : vector<256x6xf32> to vector<1x256x6xf32>
    tpu.vector_store %arg3[%swap3A_384, %swap3A_385, %swap3A_386], %swap3A_389 {strides = array<i32>} : memref<8x4096x104xf32, #tpu.memory_space<vmem>>, vector<1x256x6xf32>,
    %mul3A_390 = arith.mulf %get3A_383, %get3A_383 : vector<256x6xf32>
    %reduce_sum3A_391 = arith.constant dense<0.000000e+00> : vector<256xf32>
    %reduce_sum3A_392 = vector.multi_reduction <add>, %mul3A_390, %reduce_sum3A_391 [1] : vector<256x6xf32> to vector<256xf32>
    %broadcast_in_dim3A_393 = vector.shape_cast %reduce_sum3A_392 : vector<256xf32> to vector<256x1xf32>
    %swap3A_394 = arith.constant 1 : index
    %swap3A_395 = arith.constant 512 : index
    %swap3A_396 = arith.constant 96 : index
    %swap3A_397 = vector.load %arg3[%swap3A_394, %swap3A_395, %swap3A_396] : memref<8x4096x104xf32, #tpu.memory_space<vmem>>, vector<1x256x1xf32>
    %swap3A_398 = vector.shape_cast %swap3A_397 : vector<1x256x1xf32> to vector<256x1xf32>
    %swap3A_399 = vector.shape_cast %broadcast_in_dim3A_393 : vector<256x1xf32> to vector<1x256x1xf32>
    tpu.vector_store %arg3[%swap3A_394, %swap3A_395, %swap3A_396], %swap3A_399 {strides = array<i32>} : memref<8x4096x104xf32, #tpu.memory_space<vmem>>, vector<1x256x1xf32>,
    %get3A_400 = arith.constant 19 : index
    %get3A_401 = arith.constant 0 : index
    %get3A_402 = arith.constant 0 : index
    %get3A_403 = vector.load %arg1[%get3A_400, %get3A_401, %get3A_402] : memref<128x256x6xf32, #tpu.memory_space<vmem>>, vector<1x256x6xf32>
    %get3A_404 = vector.shape_cast %get3A_403 : vector<1x256x6xf32> to vector<256x6xf32>
    %swap3A_405 = arith.constant 1 : index
    %swap3A_406 = arith.constant 768 : index
    %swap3A_407 = arith.constant 18 : index
    %swap3A_408 = vector.load %arg3[%swap3A_405, %swap3A_406, %swap3A_407] : memref<8x4096x104xf32, #tpu.memory_space<vmem>>, vector<1x256x6xf32>
    %swap3A_409 = vector.shape_cast %swap3A_408 : vector<1x256x6xf32> to vector<256x6xf32>
    %swap3A_410 = vector.shape_cast %get3A_404 : vector<256x6xf32> to vector<1x256x6xf32>
    tpu.vector_store %arg3[%swap3A_405, %swap3A_406, %swap3A_407], %swap3A_410 {strides = array<i32>} : memref<8x4096x104xf32, #tpu.memory_space<vmem>>, vector<1x256x6xf32>,
    %mul3A_411 = arith.mulf %get3A_404, %get3A_404 : vector<256x6xf32>
    %reduce_sum3A_412 = arith.constant dense<0.000000e+00> : vector<256xf32>
    %reduce_sum3A_413 = vector.multi_reduction <add>, %mul3A_411, %reduce_sum3A_412 [1] : vector<256x6xf32> to vector<256xf32>
    %broadcast_in_dim3A_414 = vector.shape_cast %reduce_sum3A_413 : vector<256xf32> to vector<256x1xf32>
    %swap3A_415 = arith.constant 1 : index
    %swap3A_416 = arith.constant 768 : index
    %swap3A_417 = arith.constant 96 : index
    %swap3A_418 = vector.load %arg3[%swap3A_415, %swap3A_416, %swap3A_417] : memref<8x4096x104xf32, #tpu.memory_space<vmem>>, vector<1x256x1xf32>
    %swap3A_419 = vector.shape_cast %swap3A_418 : vector<1x256x1xf32> to vector<256x1xf32>
    %swap3A_420 = vector.shape_cast %broadcast_in_dim3A_414 : vector<256x1xf32> to vector<1x256x1xf32>
    tpu.vector_store %arg3[%swap3A_415, %swap3A_416, %swap3A_417], %swap3A_420 {strides = array<i32>} : memref<8x4096x104xf32, #tpu.memory_space<vmem>>, vector<1x256x1xf32>,
    %get3A_421 = arith.constant 20 : index
    %get3A_422 = arith.constant 0 : index
    %get3A_423 = arith.constant 0 : index
    %get3A_424 = vector.load %arg1[%get3A_421, %get3A_422, %get3A_423] : memref<128x256x6xf32, #tpu.memory_space<vmem>>, vector<1x256x6xf32>
    %get3A_425 = vector.shape_cast %get3A_424 : vector<1x256x6xf32> to vector<256x6xf32>
    %swap3A_426 = arith.constant 1 : index
    %swap3A_427 = arith.constant 1024 : index
    %swap3A_428 = arith.constant 24 : index
    %swap3A_429 = vector.load %arg3[%swap3A_426, %swap3A_427, %swap3A_428] : memref<8x4096x104xf32, #tpu.memory_space<vmem>>, vector<1x256x6xf32>
    %swap3A_430 = vector.shape_cast %swap3A_429 : vector<1x256x6xf32> to vector<256x6xf32>
    %swap3A_431 = vector.shape_cast %get3A_425 : vector<256x6xf32> to vector<1x256x6xf32>
    tpu.vector_store %arg3[%swap3A_426, %swap3A_427, %swap3A_428], %swap3A_431 {strides = array<i32>} : memref<8x4096x104xf32, #tpu.memory_space<vmem>>, vector<1x256x6xf32>,
    %mul3A_432 = arith.mulf %get3A_425, %get3A_425 : vector<256x6xf32>
    %reduce_sum3A_433 = arith.constant dense<0.000000e+00> : vector<256xf32>
    %reduce_sum3A_434 = vector.multi_reduction <add>, %mul3A_432, %reduce_sum3A_433 [1] : vector<256x6xf32> to vector<256xf32>
    %broadcast_in_dim3A_435 = vector.shape_cast %reduce_sum3A_434 : vector<256xf32> to vector<256x1xf32>
    %swap3A_436 = arith.constant 1 : index
    %swap3A_437 = arith.constant 1024 : index
    %swap3A_438 = arith.constant 96 : index
    %swap3A_439 = vector.load %arg3[%swap3A_436, %swap3A_437, %swap3A_438] : memref<8x4096x104xf32, #tpu.memory_space<vmem>>, vector<1x256x1xf32>
    %swap3A_440 = vector.shape_cast %swap3A_439 : vector<1x256x1xf32> to vector<256x1xf32>
    %swap3A_441 = vector.shape_cast %broadcast_in_dim3A_435 : vector<256x1xf32> to vector<1x256x1xf32>
    tpu.vector_store %arg3[%swap3A_436, %swap3A_437, %swap3A_438], %swap3A_441 {strides = array<i32>} : memref<8x4096x104xf32, #tpu.memory_space<vmem>>, vector<1x256x1xf32>,
    %get3A_442 = arith.constant 21 : index
    %get3A_443 = arith.constant 0 : index
    %get3A_444 = arith.constant 0 : index
    %get3A_445 = vector.load %arg1[%get3A_442, %get3A_443, %get3A_444] : memref<128x256x6xf32, #tpu.memory_space<vmem>>, vector<1x256x6xf32>
    %get3A_446 = vector.shape_cast %get3A_445 : vector<1x256x6xf32> to vector<256x6xf32>
    %swap3A_447 = arith.constant 1 : index
    %swap3A_448 = arith.constant 1280 : index
    %swap3A_449 = arith.constant 30 : index
    %swap3A_450 = vector.load %arg3[%swap3A_447, %swap3A_448, %swap3A_449] : memref<8x4096x104xf32, #tpu.memory_space<vmem>>, vector<1x256x6xf32>
    %swap3A_451 = vector.shape_cast %swap3A_450 : vector<1x256x6xf32> to vector<256x6xf32>
    %swap3A_452 = vector.shape_cast %get3A_446 : vector<256x6xf32> to vector<1x256x6xf32>
    tpu.vector_store %arg3[%swap3A_447, %swap3A_448, %swap3A_449], %swap3A_452 {strides = array<i32>} : memref<8x4096x104xf32, #tpu.memory_space<vmem>>, vector<1x256x6xf32>,
    %mul3A_453 = arith.mulf %get3A_446, %get3A_446 : vector<256x6xf32>
    %reduce_sum3A_454 = arith.constant dense<0.000000e+00> : vector<256xf32>
    %reduce_sum3A_455 = vector.multi_reduction <add>, %mul3A_453, %reduce_sum3A_454 [1] : vector<256x6xf32> to vector<256xf32>
    %broadcast_in_dim3A_456 = vector.shape_cast %reduce_sum3A_455 : vector<256xf32> to vector<256x1xf32>
    %swap3A_457 = arith.constant 1 : index
    %swap3A_458 = arith.constant 1280 : index
    %swap3A_459 = arith.constant 96 : index
    %swap3A_460 = vector.load %arg3[%swap3A_457, %swap3A_458, %swap3A_459] : memref<8x4096x104xf32, #tpu.memory_space<vmem>>, vector<1x256x1xf32>
    %swap3A_461 = vector.shape_cast %swap3A_460 : vector<1x256x1xf32> to vector<256x1xf32>
    %swap3A_462 = vector.shape_cast %broadcast_in_dim3A_456 : vector<256x1xf32> to vector<1x256x1xf32>
    tpu.vector_store %arg3[%swap3A_457, %swap3A_458, %swap3A_459], %swap3A_462 {strides = array<i32>} : memref<8x4096x104xf32, #tpu.memory_space<vmem>>, vector<1x256x1xf32>,
    %get3A_463 = arith.constant 22 : index
    %get3A_464 = arith.constant 0 : index
    %get3A_465 = arith.constant 0 : index
    %get3A_466 = vector.load %arg1[%get3A_463, %get3A_464, %get3A_465] : memref<128x256x6xf32, #tpu.memory_space<vmem>>, vector<1x256x6xf32>
    %get3A_467 = vector.shape_cast %get3A_466 : vector<1x256x6xf32> to vector<256x6xf32>
    %swap3A_468 = arith.constant 1 : index
    %swap3A_469 = arith.constant 1536 : index
    %swap3A_470 = arith.constant 36 : index
    %swap3A_471 = vector.load %arg3[%swap3A_468, %swap3A_469, %swap3A_470] : memref<8x4096x104xf32, #tpu.memory_space<vmem>>, vector<1x256x6xf32>
    %swap3A_472 = vector.shape_cast %swap3A_471 : vector<1x256x6xf32> to vector<256x6xf32>
    %swap3A_473 = vector.shape_cast %get3A_467 : vector<256x6xf32> to vector<1x256x6xf32>
    tpu.vector_store %arg3[%swap3A_468, %swap3A_469, %swap3A_470], %swap3A_473 {strides = array<i32>} : memref<8x4096x104xf32, #tpu.memory_space<vmem>>, vector<1x256x6xf32>,
    %mul3A_474 = arith.mulf %get3A_467, %get3A_467 : vector<256x6xf32>
    %reduce_sum3A_475 = arith.constant dense<0.000000e+00> : vector<256xf32>
    %reduce_sum3A_476 = vector.multi_reduction <add>, %mul3A_474, %reduce_sum3A_475 [1] : vector<256x6xf32> to vector<256xf32>
    %broadcast_in_dim3A_477 = vector.shape_cast %reduce_sum3A_476 : vector<256xf32> to vector<256x1xf32>
    %swap3A_478 = arith.constant 1 : index
    %swap3A_479 = arith.constant 1536 : index
    %swap3A_480 = arith.constant 96 : index
    %swap3A_481 = vector.load %arg3[%swap3A_478, %swap3A_479, %swap3A_480] : memref<8x4096x104xf32, #tpu.memory_space<vmem>>, vector<1x256x1xf32>
    %swap3A_482 = vector.shape_cast %swap3A_481 : vector<1x256x1xf32> to vector<256x1xf32>
    %swap3A_483 = vector.shape_cast %broadcast_in_dim3A_477 : vector<256x1xf32> to vector<1x256x1xf32>
    tpu.vector_store %arg3[%swap3A_478, %swap3A_479, %swap3A_480], %swap3A_483 {strides = array<i32>} : memref<8x4096x104xf32, #tpu.memory_space<vmem>>, vector<1x256x1xf32>,
    %get3A_484 = arith.constant 23 : index
    %get3A_485 = arith.constant 0 : index
    %get3A_486 = arith.constant 0 : index
    %get3A_487 = vector.load %arg1[%get3A_484, %get3A_485, %get3A_486] : memref<128x256x6xf32, #tpu.memory_space<vmem>>, vector<1x256x6xf32>
    %get3A_488 = vector.shape_cast %get3A_487 : vector<1x256x6xf32> to vector<256x6xf32>
    %swap3A_489 = arith.constant 1 : index
    %swap3A_490 = arith.constant 1792 : index
    %swap3A_491 = arith.constant 42 : index
    %swap3A_492 = vector.load %arg3[%swap3A_489, %swap3A_490, %swap3A_491] : memref<8x4096x104xf32, #tpu.memory_space<vmem>>, vector<1x256x6xf32>
    %swap3A_493 = vector.shape_cast %swap3A_492 : vector<1x256x6xf32> to vector<256x6xf32>
    %swap3A_494 = vector.shape_cast %get3A_488 : vector<256x6xf32> to vector<1x256x6xf32>
    tpu.vector_store %arg3[%swap3A_489, %swap3A_490, %swap3A_491], %swap3A_494 {strides = array<i32>} : memref<8x4096x104xf32, #tpu.memory_space<vmem>>, vector<1x256x6xf32>,
    %mul3A_495 = arith.mulf %get3A_488, %get3A_488 : vector<256x6xf32>
    %reduce_sum3A_496 = arith.constant dense<0.000000e+00> : vector<256xf32>
    %reduce_sum3A_497 = vector.multi_reduction <add>, %mul3A_495, %reduce_sum3A_496 [1] : vector<256x6xf32> to vector<256xf32>
    %broadcast_in_dim3A_498 = vector.shape_cast %reduce_sum3A_497 : vector<256xf32> to vector<256x1xf32>
    %swap3A_499 = arith.constant 1 : index
    %swap3A_500 = arith.constant 1792 : index
    %swap3A_501 = arith.constant 96 : index
    %swap3A_502 = vector.load %arg3[%swap3A_499, %swap3A_500, %swap3A_501] : memref<8x4096x104xf32, #tpu.memory_space<vmem>>, vector<1x256x1xf32>
    %swap3A_503 = vector.shape_cast %swap3A_502 : vector<1x256x1xf32> to vector<256x1xf32>
    %swap3A_504 = vector.shape_cast %broadcast_in_dim3A_498 : vector<256x1xf32> to vector<1x256x1xf32>
    tpu.vector_store %arg3[%swap3A_499, %swap3A_500, %swap3A_501], %swap3A_504 {strides = array<i32>} : memref<8x4096x104xf32, #tpu.memory_space<vmem>>, vector<1x256x1xf32>,
    %get3A_505 = arith.constant 24 : index
    %get3A_506 = arith.constant 0 : index
    %get3A_507 = arith.constant 0 : index
    %get3A_508 = vector.load %arg1[%get3A_505, %get3A_506, %get3A_507] : memref<128x256x6xf32, #tpu.memory_space<vmem>>, vector<1x256x6xf32>
    %get3A_509 = vector.shape_cast %get3A_508 : vector<1x256x6xf32> to vector<256x6xf32>
    %swap3A_510 = arith.constant 1 : index
    %swap3A_511 = arith.constant 2048 : index
    %swap3A_512 = arith.constant 48 : index
    %swap3A_513 = vector.load %arg3[%swap3A_510, %swap3A_511, %swap3A_512] : memref<8x4096x104xf32, #tpu.memory_space<vmem>>, vector<1x256x6xf32>
    %swap3A_514 = vector.shape_cast %swap3A_513 : vector<1x256x6xf32> to vector<256x6xf32>
    %swap3A_515 = vector.shape_cast %get3A_509 : vector<256x6xf32> to vector<1x256x6xf32>
    tpu.vector_store %arg3[%swap3A_510, %swap3A_511, %swap3A_512], %swap3A_515 {strides = array<i32>} : memref<8x4096x104xf32, #tpu.memory_space<vmem>>, vector<1x256x6xf32>,
    %mul3A_516 = arith.mulf %get3A_509, %get3A_509 : vector<256x6xf32>
    %reduce_sum3A_517 = arith.constant dense<0.000000e+00> : vector<256xf32>
    %reduce_sum3A_518 = vector.multi_reduction <add>, %mul3A_516, %reduce_sum3A_517 [1] : vector<256x6xf32> to vector<256xf32>
    %broadcast_in_dim3A_519 = vector.shape_cast %reduce_sum3A_518 : vector<256xf32> to vector<256x1xf32>
    %swap3A_520 = arith.constant 1 : index
    %swap3A_521 = arith.constant 2048 : index
    %swap3A_522 = arith.constant 96 : index
    %swap3A_523 = vector.load %arg3[%swap3A_520, %swap3A_521, %swap3A_522] : memref<8x4096x104xf32, #tpu.memory_space<vmem>>, vector<1x256x1xf32>
    %swap3A_524 = vector.shape_cast %swap3A_523 : vector<1x256x1xf32> to vector<256x1xf32>
    %swap3A_525 = vector.shape_cast %broadcast_in_dim3A_519 : vector<256x1xf32> to vector<1x256x1xf32>
    tpu.vector_store %arg3[%swap3A_520, %swap3A_521, %swap3A_522], %swap3A_525 {strides = array<i32>} : memref<8x4096x104xf32, #tpu.memory_space<vmem>>, vector<1x256x1xf32>,
    %get3A_526 = arith.constant 25 : index
    %get3A_527 = arith.constant 0 : index
    %get3A_528 = arith.constant 0 : index
    %get3A_529 = vector.load %arg1[%get3A_526, %get3A_527, %get3A_528] : memref<128x256x6xf32, #tpu.memory_space<vmem>>, vector<1x256x6xf32>
    %get3A_530 = vector.shape_cast %get3A_529 : vector<1x256x6xf32> to vector<256x6xf32>
    %swap3A_531 = arith.constant 1 : index
    %swap3A_532 = arith.constant 2304 : index
    %swap3A_533 = arith.constant 54 : index
    %swap3A_534 = vector.load %arg3[%swap3A_531, %swap3A_532, %swap3A_533] : memref<8x4096x104xf32, #tpu.memory_space<vmem>>, vector<1x256x6xf32>
    %swap3A_535 = vector.shape_cast %swap3A_534 : vector<1x256x6xf32> to vector<256x6xf32>
    %swap3A_536 = vector.shape_cast %get3A_530 : vector<256x6xf32> to vector<1x256x6xf32>
    tpu.vector_store %arg3[%swap3A_531, %swap3A_532, %swap3A_533], %swap3A_536 {strides = array<i32>} : memref<8x4096x104xf32, #tpu.memory_space<vmem>>, vector<1x256x6xf32>,
    %mul3A_537 = arith.mulf %get3A_530, %get3A_530 : vector<256x6xf32>
    %reduce_sum3A_538 = arith.constant dense<0.000000e+00> : vector<256xf32>
    %reduce_sum3A_539 = vector.multi_reduction <add>, %mul3A_537, %reduce_sum3A_538 [1] : vector<256x6xf32> to vector<256xf32>
    %broadcast_in_dim3A_540 = vector.shape_cast %reduce_sum3A_539 : vector<256xf32> to vector<256x1xf32>
    %swap3A_541 = arith.constant 1 : index
    %swap3A_542 = arith.constant 2304 : index
    %swap3A_543 = arith.constant 96 : index
    %swap3A_544 = vector.load %arg3[%swap3A_541, %swap3A_542, %swap3A_543] : memref<8x4096x104xf32, #tpu.memory_space<vmem>>, vector<1x256x1xf32>
    %swap3A_545 = vector.shape_cast %swap3A_544 : vector<1x256x1xf32> to vector<256x1xf32>
    %swap3A_546 = vector.shape_cast %broadcast_in_dim3A_540 : vector<256x1xf32> to vector<1x256x1xf32>
    tpu.vector_store %arg3[%swap3A_541, %swap3A_542, %swap3A_543], %swap3A_546 {strides = array<i32>} : memref<8x4096x104xf32, #tpu.memory_space<vmem>>, vector<1x256x1xf32>,
    %get3A_547 = arith.constant 26 : index
    %get3A_548 = arith.constant 0 : index
    %get3A_549 = arith.constant 0 : index
    %get3A_550 = vector.load %arg1[%get3A_547, %get3A_548, %get3A_549] : memref<128x256x6xf32, #tpu.memory_space<vmem>>, vector<1x256x6xf32>
    %get3A_551 = vector.shape_cast %get3A_550 : vector<1x256x6xf32> to vector<256x6xf32>
    %swap3A_552 = arith.constant 1 : index
    %swap3A_553 = arith.constant 2560 : index
    %swap3A_554 = arith.constant 60 : index
    %swap3A_555 = vector.load %arg3[%swap3A_552, %swap3A_553, %swap3A_554] : memref<8x4096x104xf32, #tpu.memory_space<vmem>>, vector<1x256x6xf32>
    %swap3A_556 = vector.shape_cast %swap3A_555 : vector<1x256x6xf32> to vector<256x6xf32>
    %swap3A_557 = vector.shape_cast %get3A_551 : vector<256x6xf32> to vector<1x256x6xf32>
    tpu.vector_store %arg3[%swap3A_552, %swap3A_553, %swap3A_554], %swap3A_557 {strides = array<i32>} : memref<8x4096x104xf32, #tpu.memory_space<vmem>>, vector<1x256x6xf32>,
    %mul3A_558 = arith.mulf %get3A_551, %get3A_551 : vector<256x6xf32>
    %reduce_sum3A_559 = arith.constant dense<0.000000e+00> : vector<256xf32>
    %reduce_sum3A_560 = vector.multi_reduction <add>, %mul3A_558, %reduce_sum3A_559 [1] : vector<256x6xf32> to vector<256xf32>
    %broadcast_in_dim3A_561 = vector.shape_cast %reduce_sum3A_560 : vector<256xf32> to vector<256x1xf32>
    %swap3A_562 = arith.constant 1 : index
    %swap3A_563 = arith.constant 2560 : index
    %swap3A_564 = arith.constant 96 : index
    %swap3A_565 = vector.load %arg3[%swap3A_562, %swap3A_563, %swap3A_564] : memref<8x4096x104xf32, #tpu.memory_space<vmem>>, vector<1x256x1xf32>
    %swap3A_566 = vector.shape_cast %swap3A_565 : vector<1x256x1xf32> to vector<256x1xf32>
    %swap3A_567 = vector.shape_cast %broadcast_in_dim3A_561 : vector<256x1xf32> to vector<1x256x1xf32>
    tpu.vector_store %arg3[%swap3A_562, %swap3A_563, %swap3A_564], %swap3A_567 {strides = array<i32>} : memref<8x4096x104xf32, #tpu.memory_space<vmem>>, vector<1x256x1xf32>,
    %get3A_568 = arith.constant 27 : index
    %get3A_569 = arith.constant 0 : index
    %get3A_570 = arith.constant 0 : index
    %get3A_571 = vector.load %arg1[%get3A_568, %get3A_569, %get3A_570] : memref<128x256x6xf32, #tpu.memory_space<vmem>>, vector<1x256x6xf32>
    %get3A_572 = vector.shape_cast %get3A_571 : vector<1x256x6xf32> to vector<256x6xf32>
    %swap3A_573 = arith.constant 1 : index
    %swap3A_574 = arith.constant 2816 : index
    %swap3A_575 = arith.constant 66 : index
    %swap3A_576 = vector.load %arg3[%swap3A_573, %swap3A_574, %swap3A_575] : memref<8x4096x104xf32, #tpu.memory_space<vmem>>, vector<1x256x6xf32>
    %swap3A_577 = vector.shape_cast %swap3A_576 : vector<1x256x6xf32> to vector<256x6xf32>
    %swap3A_578 = vector.shape_cast %get3A_572 : vector<256x6xf32> to vector<1x256x6xf32>
    tpu.vector_store %arg3[%swap3A_573, %swap3A_574, %swap3A_575], %swap3A_578 {strides = array<i32>} : memref<8x4096x104xf32, #tpu.memory_space<vmem>>, vector<1x256x6xf32>,
    %mul3A_579 = arith.mulf %get3A_572, %get3A_572 : vector<256x6xf32>
    %reduce_sum3A_580 = arith.constant dense<0.000000e+00> : vector<256xf32>
    %reduce_sum3A_581 = vector.multi_reduction <add>, %mul3A_579, %reduce_sum3A_580 [1] : vector<256x6xf32> to vector<256xf32>
    %broadcast_in_dim3A_582 = vector.shape_cast %reduce_sum3A_581 : vector<256xf32> to vector<256x1xf32>
    %swap3A_583 = arith.constant 1 : index
    %swap3A_584 = arith.constant 2816 : index
    %swap3A_585 = arith.constant 96 : index
    %swap3A_586 = vector.load %arg3[%swap3A_583, %swap3A_584, %swap3A_585] : memref<8x4096x104xf32, #tpu.memory_space<vmem>>, vector<1x256x1xf32>
    %swap3A_587 = vector.shape_cast %swap3A_586 : vector<1x256x1xf32> to vector<256x1xf32>
    %swap3A_588 = vector.shape_cast %broadcast_in_dim3A_582 : vector<256x1xf32> to vector<1x256x1xf32>
    tpu.vector_store %arg3[%swap3A_583, %swap3A_584, %swap3A_585], %swap3A_588 {strides = array<i32>} : memref<8x4096x104xf32, #tpu.memory_space<vmem>>, vector<1x256x1xf32>,
    %get3A_589 = arith.constant 28 : index
    %get3A_590 = arith.constant 0 : index
    %get3A_591 = arith.constant 0 : index
    %get3A_592 = vector.load %arg1[%get3A_589, %get3A_590, %get3A_591] : memref<128x256x6xf32, #tpu.memory_space<vmem>>, vector<1x256x6xf32>
    %get3A_593 = vector.shape_cast %get3A_592 : vector<1x256x6xf32> to vector<256x6xf32>
    %swap3A_594 = arith.constant 1 : index
    %swap3A_595 = arith.constant 3072 : index
    %swap3A_596 = arith.constant 72 : index
    %swap3A_597 = vector.load %arg3[%swap3A_594, %swap3A_595, %swap3A_596] : memref<8x4096x104xf32, #tpu.memory_space<vmem>>, vector<1x256x6xf32>
    %swap3A_598 = vector.shape_cast %swap3A_597 : vector<1x256x6xf32> to vector<256x6xf32>
    %swap3A_599 = vector.shape_cast %get3A_593 : vector<256x6xf32> to vector<1x256x6xf32>
    tpu.vector_store %arg3[%swap3A_594, %swap3A_595, %swap3A_596], %swap3A_599 {strides = array<i32>} : memref<8x4096x104xf32, #tpu.memory_space<vmem>>, vector<1x256x6xf32>,
    %mul3A_600 = arith.mulf %get3A_593, %get3A_593 : vector<256x6xf32>
    %reduce_sum3A_601 = arith.constant dense<0.000000e+00> : vector<256xf32>
    %reduce_sum3A_602 = vector.multi_reduction <add>, %mul3A_600, %reduce_sum3A_601 [1] : vector<256x6xf32> to vector<256xf32>
    %broadcast_in_dim3A_603 = vector.shape_cast %reduce_sum3A_602 : vector<256xf32> to vector<256x1xf32>
    %swap3A_604 = arith.constant 1 : index
    %swap3A_605 = arith.constant 3072 : index
    %swap3A_606 = arith.constant 96 : index
    %swap3A_607 = vector.load %arg3[%swap3A_604, %swap3A_605, %swap3A_606] : memref<8x4096x104xf32, #tpu.memory_space<vmem>>, vector<1x256x1xf32>
    %swap3A_608 = vector.shape_cast %swap3A_607 : vector<1x256x1xf32> to vector<256x1xf32>
    %swap3A_609 = vector.shape_cast %broadcast_in_dim3A_603 : vector<256x1xf32> to vector<1x256x1xf32>
    tpu.vector_store %arg3[%swap3A_604, %swap3A_605, %swap3A_606], %swap3A_609 {strides = array<i32>} : memref<8x4096x104xf32, #tpu.memory_space<vmem>>, vector<1x256x1xf32>,
    %get3A_610 = arith.constant 29 : index
    %get3A_611 = arith.constant 0 : index
    %get3A_612 = arith.constant 0 : index
    %get3A_613 = vector.load %arg1[%get3A_610, %get3A_611, %get3A_612] : memref<128x256x6xf32, #tpu.memory_space<vmem>>, vector<1x256x6xf32>
    %get3A_614 = vector.shape_cast %get3A_613 : vector<1x256x6xf32> to vector<256x6xf32>
    %swap3A_615 = arith.constant 1 : index
    %swap3A_616 = arith.constant 3328 : index
    %swap3A_617 = arith.constant 78 : index
    %swap3A_618 = vector.load %arg3[%swap3A_615, %swap3A_616, %swap3A_617] : memref<8x4096x104xf32, #tpu.memory_space<vmem>>, vector<1x256x6xf32>
    %swap3A_619 = vector.shape_cast %swap3A_618 : vector<1x256x6xf32> to vector<256x6xf32>
    %swap3A_620 = vector.shape_cast %get3A_614 : vector<256x6xf32> to vector<1x256x6xf32>
    tpu.vector_store %arg3[%swap3A_615, %swap3A_616, %swap3A_617], %swap3A_620 {strides = array<i32>} : memref<8x4096x104xf32, #tpu.memory_space<vmem>>, vector<1x256x6xf32>,
    %mul3A_621 = arith.mulf %get3A_614, %get3A_614 : vector<256x6xf32>
    %reduce_sum3A_622 = arith.constant dense<0.000000e+00> : vector<256xf32>
    %reduce_sum3A_623 = vector.multi_reduction <add>, %mul3A_621, %reduce_sum3A_622 [1] : vector<256x6xf32> to vector<256xf32>
    %broadcast_in_dim3A_624 = vector.shape_cast %reduce_sum3A_623 : vector<256xf32> to vector<256x1xf32>
    %swap3A_625 = arith.constant 1 : index
    %swap3A_626 = arith.constant 3328 : index
    %swap3A_627 = arith.constant 96 : index
    %swap3A_628 = vector.load %arg3[%swap3A_625, %swap3A_626, %swap3A_627] : memref<8x4096x104xf32, #tpu.memory_space<vmem>>, vector<1x256x1xf32>
    %swap3A_629 = vector.shape_cast %swap3A_628 : vector<1x256x1xf32> to vector<256x1xf32>
    %swap3A_630 = vector.shape_cast %broadcast_in_dim3A_624 : vector<256x1xf32> to vector<1x256x1xf32>
    tpu.vector_store %arg3[%swap3A_625, %swap3A_626, %swap3A_627], %swap3A_630 {strides = array<i32>} : memref<8x4096x104xf32, #tpu.memory_space<vmem>>, vector<1x256x1xf32>,
    %get3A_631 = arith.constant 30 : index
    %get3A_632 = arith.constant 0 : index
    %get3A_633 = arith.constant 0 : index
    %get3A_634 = vector.load %arg1[%get3A_631, %get3A_632, %get3A_633] : memref<128x256x6xf32, #tpu.memory_space<vmem>>, vector<1x256x6xf32>
    %get3A_635 = vector.shape_cast %get3A_634 : vector<1x256x6xf32> to vector<256x6xf32>
    %swap3A_636 = arith.constant 1 : index
    %swap3A_637 = arith.constant 3584 : index
    %swap3A_638 = arith.constant 84 : index
    %swap3A_639 = vector.load %arg3[%swap3A_636, %swap3A_637, %swap3A_638] : memref<8x4096x104xf32, #tpu.memory_space<vmem>>, vector<1x256x6xf32>
    %swap3A_640 = vector.shape_cast %swap3A_639 : vector<1x256x6xf32> to vector<256x6xf32>
    %swap3A_641 = vector.shape_cast %get3A_635 : vector<256x6xf32> to vector<1x256x6xf32>
    tpu.vector_store %arg3[%swap3A_636, %swap3A_637, %swap3A_638], %swap3A_641 {strides = array<i32>} : memref<8x4096x104xf32, #tpu.memory_space<vmem>>, vector<1x256x6xf32>,
    %mul3A_642 = arith.mulf %get3A_635, %get3A_635 : vector<256x6xf32>
    %reduce_sum3A_643 = arith.constant dense<0.000000e+00> : vector<256xf32>
    %reduce_sum3A_644 = vector.multi_reduction <add>, %mul3A_642, %reduce_sum3A_643 [1] : vector<256x6xf32> to vector<256xf32>
    %broadcast_in_dim3A_645 = vector.shape_cast %reduce_sum3A_644 : vector<256xf32> to vector<256x1xf32>
    %swap3A_646 = arith.constant 1 : index
    %swap3A_647 = arith.constant 3584 : index
    %swap3A_648 = arith.constant 96 : index
    %swap3A_649 = vector.load %arg3[%swap3A_646, %swap3A_647, %swap3A_648] : memref<8x4096x104xf32, #tpu.memory_space<vmem>>, vector<1x256x1xf32>
    %swap3A_650 = vector.shape_cast %swap3A_649 : vector<1x256x1xf32> to vector<256x1xf32>
    %swap3A_651 = vector.shape_cast %broadcast_in_dim3A_645 : vector<256x1xf32> to vector<1x256x1xf32>
    tpu.vector_store %arg3[%swap3A_646, %swap3A_647, %swap3A_648], %swap3A_651 {strides = array<i32>} : memref<8x4096x104xf32, #tpu.memory_space<vmem>>, vector<1x256x1xf32>,
    %get3A_652 = arith.constant 31 : index
    %get3A_653 = arith.constant 0 : index
    %get3A_654 = arith.constant 0 : index
    %get3A_655 = vector.load %arg1[%get3A_652, %get3A_653, %get3A_654] : memref<128x256x6xf32, #tpu.memory_space<vmem>>, vector<1x256x6xf32>
    %get3A_656 = vector.shape_cast %get3A_655 : vector<1x256x6xf32> to vector<256x6xf32>
    %swap3A_657 = arith.constant 1 : index
    %swap3A_658 = arith.constant 3840 : index
    %swap3A_659 = arith.constant 90 : index
    %swap3A_660 = vector.load %arg3[%swap3A_657, %swap3A_658, %swap3A_659] : memref<8x4096x104xf32, #tpu.memory_space<vmem>>, vector<1x256x6xf32>
    %swap3A_661 = vector.shape_cast %swap3A_660 : vector<1x256x6xf32> to vector<256x6xf32>
    %swap3A_662 = vector.shape_cast %get3A_656 : vector<256x6xf32> to vector<1x256x6xf32>
    tpu.vector_store %arg3[%swap3A_657, %swap3A_658, %swap3A_659], %swap3A_662 {strides = array<i32>} : memref<8x4096x104xf32, #tpu.memory_space<vmem>>, vector<1x256x6xf32>,
    %mul3A_663 = arith.mulf %get3A_656, %get3A_656 : vector<256x6xf32>
    %reduce_sum3A_664 = arith.constant dense<0.000000e+00> : vector<256xf32>
    %reduce_sum3A_665 = vector.multi_reduction <add>, %mul3A_663, %reduce_sum3A_664 [1] : vector<256x6xf32> to vector<256xf32>
    %broadcast_in_dim3A_666 = vector.shape_cast %reduce_sum3A_665 : vector<256xf32> to vector<256x1xf32>
    %swap3A_667 = arith.constant 1 : index
    %swap3A_668 = arith.constant 3840 : index
    %swap3A_669 = arith.constant 96 : index
    %swap3A_670 = vector.load %arg3[%swap3A_667, %swap3A_668, %swap3A_669] : memref<8x4096x104xf32, #tpu.memory_space<vmem>>, vector<1x256x1xf32>
    %swap3A_671 = vector.shape_cast %swap3A_670 : vector<1x256x1xf32> to vector<256x1xf32>
    %swap3A_672 = vector.shape_cast %broadcast_in_dim3A_666 : vector<256x1xf32> to vector<1x256x1xf32>
    tpu.vector_store %arg3[%swap3A_667, %swap3A_668, %swap3A_669], %swap3A_672 {strides = array<i32>} : memref<8x4096x104xf32, #tpu.memory_space<vmem>>, vector<1x256x1xf32>,
    %get3A_673 = arith.constant 32 : index
    %get3A_674 = arith.constant 0 : index
    %get3A_675 = arith.constant 0 : index
    %get3A_676 = vector.load %arg1[%get3A_673, %get3A_674, %get3A_675] : memref<128x256x6xf32, #tpu.memory_space<vmem>>, vector<1x256x6xf32>
    %get3A_677 = vector.shape_cast %get3A_676 : vector<1x256x6xf32> to vector<256x6xf32>
    %swap3A_678 = arith.constant 2 : index
    %swap3A_679 = arith.constant 0 : index
    %swap3A_680 = arith.constant 0 : index
    %swap3A_681 = vector.load %arg3[%swap3A_678, %swap3A_679, %swap3A_680] : memref<8x4096x104xf32, #tpu.memory_space<vmem>>, vector<1x256x6xf32>
    %swap3A_682 = vector.shape_cast %swap3A_681 : vector<1x256x6xf32> to vector<256x6xf32>
    %swap3A_683 = vector.shape_cast %get3A_677 : vector<256x6xf32> to vector<1x256x6xf32>
    tpu.vector_store %arg3[%swap3A_678, %swap3A_679, %swap3A_680], %swap3A_683 {strides = array<i32>} : memref<8x4096x104xf32, #tpu.memory_space<vmem>>, vector<1x256x6xf32>,
    %mul3A_684 = arith.mulf %get3A_677, %get3A_677 : vector<256x6xf32>
    %reduce_sum3A_685 = arith.constant dense<0.000000e+00> : vector<256xf32>
    %reduce_sum3A_686 = vector.multi_reduction <add>, %mul3A_684, %reduce_sum3A_685 [1] : vector<256x6xf32> to vector<256xf32>
    %broadcast_in_dim3A_687 = vector.shape_cast %reduce_sum3A_686 : vector<256xf32> to vector<256x1xf32>
    %swap3A_688 = arith.constant 2 : index
    %swap3A_689 = arith.constant 0 : index
    %swap3A_690 = arith.constant 96 : index
    %swap3A_691 = vector.load %arg3[%swap3A_688, %swap3A_689, %swap3A_690] : memref<8x4096x104xf32, #tpu.memory_space<vmem>>, vector<1x256x1xf32>
    %swap3A_692 = vector.shape_cast %swap3A_691 : vector<1x256x1xf32> to vector<256x1xf32>
    %swap3A_693 = vector.shape_cast %broadcast_in_dim3A_687 : vector<256x1xf32> to vector<1x256x1xf32>
    tpu.vector_store %arg3[%swap3A_688, %swap3A_689, %swap3A_690], %swap3A_693 {strides = array<i32>} : memref<8x4096x104xf32, #tpu.memory_space<vmem>>, vector<1x256x1xf32>,
    %get3A_694 = arith.constant 33 : index
    %get3A_695 = arith.constant 0 : index
    %get3A_696 = arith.constant 0 : index
    %get3A_697 = vector.load %arg1[%get3A_694, %get3A_695, %get3A_696] : memref<128x256x6xf32, #tpu.memory_space<vmem>>, vector<1x256x6xf32>
    %get3A_698 = vector.shape_cast %get3A_697 : vector<1x256x6xf32> to vector<256x6xf32>
    %swap3A_699 = arith.constant 2 : index
    %swap3A_700 = arith.constant 256 : index
    %swap3A_701 = arith.constant 6 : index
    %swap3A_702 = vector.load %arg3[%swap3A_699, %swap3A_700, %swap3A_701] : memref<8x4096x104xf32, #tpu.memory_space<vmem>>, vector<1x256x6xf32>
    %swap3A_703 = vector.shape_cast %swap3A_702 : vector<1x256x6xf32> to vector<256x6xf32>
    %swap3A_704 = vector.shape_cast %get3A_698 : vector<256x6xf32> to vector<1x256x6xf32>
    tpu.vector_store %arg3[%swap3A_699, %swap3A_700, %swap3A_701], %swap3A_704 {strides = array<i32>} : memref<8x4096x104xf32, #tpu.memory_space<vmem>>, vector<1x256x6xf32>,
    %mul3A_705 = arith.mulf %get3A_698, %get3A_698 : vector<256x6xf32>
    %reduce_sum3A_706 = arith.constant dense<0.000000e+00> : vector<256xf32>
    %reduce_sum3A_707 = vector.multi_reduction <add>, %mul3A_705, %reduce_sum3A_706 [1] : vector<256x6xf32> to vector<256xf32>
    %broadcast_in_dim3A_708 = vector.shape_cast %reduce_sum3A_707 : vector<256xf32> to vector<256x1xf32>
    %swap3A_709 = arith.constant 2 : index
    %swap3A_710 = arith.constant 256 : index
    %swap3A_711 = arith.constant 96 : index
    %swap3A_712 = vector.load %arg3[%swap3A_709, %swap3A_710, %swap3A_711] : memref<8x4096x104xf32, #tpu.memory_space<vmem>>, vector<1x256x1xf32>
    %swap3A_713 = vector.shape_cast %swap3A_712 : vector<1x256x1xf32> to vector<256x1xf32>
    %swap3A_714 = vector.shape_cast %broadcast_in_dim3A_708 : vector<256x1xf32> to vector<1x256x1xf32>
    tpu.vector_store %arg3[%swap3A_709, %swap3A_710, %swap3A_711], %swap3A_714 {strides = array<i32>} : memref<8x4096x104xf32, #tpu.memory_space<vmem>>, vector<1x256x1xf32>,
    %get3A_715 = arith.constant 34 : index
    %get3A_716 = arith.constant 0 : index
    %get3A_717 = arith.constant 0 : index
    %get3A_718 = vector.load %arg1[%get3A_715, %get3A_716, %get3A_717] : memref<128x256x6xf32, #tpu.memory_space<vmem>>, vector<1x256x6xf32>
    %get3A_719 = vector.shape_cast %get3A_718 : vector<1x256x6xf32> to vector<256x6xf32>
    %swap3A_720 = arith.constant 2 : index
    %swap3A_721 = arith.constant 512 : index
    %swap3A_722 = arith.constant 12 : index
    %swap3A_723 = vector.load %arg3[%swap3A_720, %swap3A_721, %swap3A_722] : memref<8x4096x104xf32, #tpu.memory_space<vmem>>, vector<1x256x6xf32>
    %swap3A_724 = vector.shape_cast %swap3A_723 : vector<1x256x6xf32> to vector<256x6xf32>
    %swap3A_725 = vector.shape_cast %get3A_719 : vector<256x6xf32> to vector<1x256x6xf32>
    tpu.vector_store %arg3[%swap3A_720, %swap3A_721, %swap3A_722], %swap3A_725 {strides = array<i32>} : memref<8x4096x104xf32, #tpu.memory_space<vmem>>, vector<1x256x6xf32>,
    %mul3A_726 = arith.mulf %get3A_719, %get3A_719 : vector<256x6xf32>
    %reduce_sum3A_727 = arith.constant dense<0.000000e+00> : vector<256xf32>
    %reduce_sum3A_728 = vector.multi_reduction <add>, %mul3A_726, %reduce_sum3A_727 [1] : vector<256x6xf32> to vector<256xf32>
    %broadcast_in_dim3A_729 = vector.shape_cast %reduce_sum3A_728 : vector<256xf32> to vector<256x1xf32>
    %swap3A_730 = arith.constant 2 : index
    %swap3A_731 = arith.constant 512 : index
    %swap3A_732 = arith.constant 96 : index
    %swap3A_733 = vector.load %arg3[%swap3A_730, %swap3A_731, %swap3A_732] : memref<8x4096x104xf32, #tpu.memory_space<vmem>>, vector<1x256x1xf32>
    %swap3A_734 = vector.shape_cast %swap3A_733 : vector<1x256x1xf32> to vector<256x1xf32>
    %swap3A_735 = vector.shape_cast %broadcast_in_dim3A_729 : vector<256x1xf32> to vector<1x256x1xf32>
    tpu.vector_store %arg3[%swap3A_730, %swap3A_731, %swap3A_732], %swap3A_735 {strides = array<i32>} : memref<8x4096x104xf32, #tpu.memory_space<vmem>>, vector<1x256x1xf32>,
    %get3A_736 = arith.constant 35 : index
    %get3A_737 = arith.constant 0 : index
    %get3A_738 = arith.constant 0 : index
    %get3A_739 = vector.load %arg1[%get3A_736, %get3A_737, %get3A_738] : memref<128x256x6xf32, #tpu.memory_space<vmem>>, vector<1x256x6xf32>
    %get3A_740 = vector.shape_cast %get3A_739 : vector<1x256x6xf32> to vector<256x6xf32>
    %swap3A_741 = arith.constant 2 : index
    %swap3A_742 = arith.constant 768 : index
    %swap3A_743 = arith.constant 18 : index
    %swap3A_744 = vector.load %arg3[%swap3A_741, %swap3A_742, %swap3A_743] : memref<8x4096x104xf32, #tpu.memory_space<vmem>>, vector<1x256x6xf32>
    %swap3A_745 = vector.shape_cast %swap3A_744 : vector<1x256x6xf32> to vector<256x6xf32>
    %swap3A_746 = vector.shape_cast %get3A_740 : vector<256x6xf32> to vector<1x256x6xf32>
    tpu.vector_store %arg3[%swap3A_741, %swap3A_742, %swap3A_743], %swap3A_746 {strides = array<i32>} : memref<8x4096x104xf32, #tpu.memory_space<vmem>>, vector<1x256x6xf32>,
    %mul3A_747 = arith.mulf %get3A_740, %get3A_740 : vector<256x6xf32>
    %reduce_sum3A_748 = arith.constant dense<0.000000e+00> : vector<256xf32>
    %reduce_sum3A_749 = vector.multi_reduction <add>, %mul3A_747, %reduce_sum3A_748 [1] : vector<256x6xf32> to vector<256xf32>
    %broadcast_in_dim3A_750 = vector.shape_cast %reduce_sum3A_749 : vector<256xf32> to vector<256x1xf32>
    %swap3A_751 = arith.constant 2 : index
    %swap3A_752 = arith.constant 768 : index
    %swap3A_753 = arith.constant 96 : index
    %swap3A_754 = vector.load %arg3[%swap3A_751, %swap3A_752, %swap3A_753] : memref<8x4096x104xf32, #tpu.memory_space<vmem>>, vector<1x256x1xf32>
    %swap3A_755 = vector.shape_cast %swap3A_754 : vector<1x256x1xf32> to vector<256x1xf32>
    %swap3A_756 = vector.shape_cast %broadcast_in_dim3A_750 : vector<256x1xf32> to vector<1x256x1xf32>
    tpu.vector_store %arg3[%swap3A_751, %swap3A_752, %swap3A_753], %swap3A_756 {strides = array<i32>} : memref<8x4096x104xf32, #tpu.memory_space<vmem>>, vector<1x256x1xf32>,
    %get3A_757 = arith.constant 36 : index
    %get3A_758 = arith.constant 0 : index
    %get3A_759 = arith.constant 0 : index
    %get3A_760 = vector.load %arg1[%get3A_757, %get3A_758, %get3A_759] : memref<128x256x6xf32, #tpu.memory_space<vmem>>, vector<1x256x6xf32>
    %get3A_761 = vector.shape_cast %get3A_760 : vector<1x256x6xf32> to vector<256x6xf32>
    %swap3A_762 = arith.constant 2 : index
    %swap3A_763 = arith.constant 1024 : index
    %swap3A_764 = arith.constant 24 : index
    %swap3A_765 = vector.load %arg3[%swap3A_762, %swap3A_763, %swap3A_764] : memref<8x4096x104xf32, #tpu.memory_space<vmem>>, vector<1x256x6xf32>
    %swap3A_766 = vector.shape_cast %swap3A_765 : vector<1x256x6xf32> to vector<256x6xf32>
    %swap3A_767 = vector.shape_cast %get3A_761 : vector<256x6xf32> to vector<1x256x6xf32>
    tpu.vector_store %arg3[%swap3A_762, %swap3A_763, %swap3A_764], %swap3A_767 {strides = array<i32>} : memref<8x4096x104xf32, #tpu.memory_space<vmem>>, vector<1x256x6xf32>,
    %mul3A_768 = arith.mulf %get3A_761, %get3A_761 : vector<256x6xf32>
    %reduce_sum3A_769 = arith.constant dense<0.000000e+00> : vector<256xf32>
    %reduce_sum3A_770 = vector.multi_reduction <add>, %mul3A_768, %reduce_sum3A_769 [1] : vector<256x6xf32> to vector<256xf32>
    %broadcast_in_dim3A_771 = vector.shape_cast %reduce_sum3A_770 : vector<256xf32> to vector<256x1xf32>
    %swap3A_772 = arith.constant 2 : index
    %swap3A_773 = arith.constant 1024 : index
    %swap3A_774 = arith.constant 96 : index
    %swap3A_775 = vector.load %arg3[%swap3A_772, %swap3A_773, %swap3A_774] : memref<8x4096x104xf32, #tpu.memory_space<vmem>>, vector<1x256x1xf32>
    %swap3A_776 = vector.shape_cast %swap3A_775 : vector<1x256x1xf32> to vector<256x1xf32>
    %swap3A_777 = vector.shape_cast %broadcast_in_dim3A_771 : vector<256x1xf32> to vector<1x256x1xf32>
    tpu.vector_store %arg3[%swap3A_772, %swap3A_773, %swap3A_774], %swap3A_777 {strides = array<i32>} : memref<8x4096x104xf32, #tpu.memory_space<vmem>>, vector<1x256x1xf32>,
    %get3A_778 = arith.constant 37 : index
    %get3A_779 = arith.constant 0 : index
    %get3A_780 = arith.constant 0 : index
    %get3A_781 = vector.load %arg1[%get3A_778, %get3A_779, %get3A_780] : memref<128x256x6xf32, #tpu.memory_space<vmem>>, vector<1x256x6xf32>
    %get3A_782 = vector.shape_cast %get3A_781 : vector<1x256x6xf32> to vector<256x6xf32>
    %swap3A_783 = arith.constant 2 : index
    %swap3A_784 = arith.constant 1280 : index
    %swap3A_785 = arith.constant 30 : index
    %swap3A_786 = vector.load %arg3[%swap3A_783, %swap3A_784, %swap3A_785] : memref<8x4096x104xf32, #tpu.memory_space<vmem>>, vector<1x256x6xf32>
    %swap3A_787 = vector.shape_cast %swap3A_786 : vector<1x256x6xf32> to vector<256x6xf32>
    %swap3A_788 = vector.shape_cast %get3A_782 : vector<256x6xf32> to vector<1x256x6xf32>
    tpu.vector_store %arg3[%swap3A_783, %swap3A_784, %swap3A_785], %swap3A_788 {strides = array<i32>} : memref<8x4096x104xf32, #tpu.memory_space<vmem>>, vector<1x256x6xf32>,
    %mul3A_789 = arith.mulf %get3A_782, %get3A_782 : vector<256x6xf32>
    %reduce_sum3A_790 = arith.constant dense<0.000000e+00> : vector<256xf32>
    %reduce_sum3A_791 = vector.multi_reduction <add>, %mul3A_789, %reduce_sum3A_790 [1] : vector<256x6xf32> to vector<256xf32>
    %broadcast_in_dim3A_792 = vector.shape_cast %reduce_sum3A_791 : vector<256xf32> to vector<256x1xf32>
    %swap3A_793 = arith.constant 2 : index
    %swap3A_794 = arith.constant 1280 : index
    %swap3A_795 = arith.constant 96 : index
    %swap3A_796 = vector.load %arg3[%swap3A_793, %swap3A_794, %swap3A_795] : memref<8x4096x104xf32, #tpu.memory_space<vmem>>, vector<1x256x1xf32>
    %swap3A_797 = vector.shape_cast %swap3A_796 : vector<1x256x1xf32> to vector<256x1xf32>
    %swap3A_798 = vector.shape_cast %broadcast_in_dim3A_792 : vector<256x1xf32> to vector<1x256x1xf32>
    tpu.vector_store %arg3[%swap3A_793, %swap3A_794, %swap3A_795], %swap3A_798 {strides = array<i32>} : memref<8x4096x104xf32, #tpu.memory_space<vmem>>, vector<1x256x1xf32>,
    %get3A_799 = arith.constant 38 : index
    %get3A_800 = arith.constant 0 : index
    %get3A_801 = arith.constant 0 : index
    %get3A_802 = vector.load %arg1[%get3A_799, %get3A_800, %get3A_801] : memref<128x256x6xf32, #tpu.memory_space<vmem>>, vector<1x256x6xf32>
    %get3A_803 = vector.shape_cast %get3A_802 : vector<1x256x6xf32> to vector<256x6xf32>
    %swap3A_804 = arith.constant 2 : index
    %swap3A_805 = arith.constant 1536 : index
    %swap3A_806 = arith.constant 36 : index
    %swap3A_807 = vector.load %arg3[%swap3A_804, %swap3A_805, %swap3A_806] : memref<8x4096x104xf32, #tpu.memory_space<vmem>>, vector<1x256x6xf32>
    %swap3A_808 = vector.shape_cast %swap3A_807 : vector<1x256x6xf32> to vector<256x6xf32>
    %swap3A_809 = vector.shape_cast %get3A_803 : vector<256x6xf32> to vector<1x256x6xf32>
    tpu.vector_store %arg3[%swap3A_804, %swap3A_805, %swap3A_806], %swap3A_809 {strides = array<i32>} : memref<8x4096x104xf32, #tpu.memory_space<vmem>>, vector<1x256x6xf32>,
    %mul3A_810 = arith.mulf %get3A_803, %get3A_803 : vector<256x6xf32>
    %reduce_sum3A_811 = arith.constant dense<0.000000e+00> : vector<256xf32>
    %reduce_sum3A_812 = vector.multi_reduction <add>, %mul3A_810, %reduce_sum3A_811 [1] : vector<256x6xf32> to vector<256xf32>
    %broadcast_in_dim3A_813 = vector.shape_cast %reduce_sum3A_812 : vector<256xf32> to vector<256x1xf32>
    %swap3A_814 = arith.constant 2 : index
    %swap3A_815 = arith.constant 1536 : index
    %swap3A_816 = arith.constant 96 : index
    %swap3A_817 = vector.load %arg3[%swap3A_814, %swap3A_815, %swap3A_816] : memref<8x4096x104xf32, #tpu.memory_space<vmem>>, vector<1x256x1xf32>
    %swap3A_818 = vector.shape_cast %swap3A_817 : vector<1x256x1xf32> to vector<256x1xf32>
    %swap3A_819 = vector.shape_cast %broadcast_in_dim3A_813 : vector<256x1xf32> to vector<1x256x1xf32>
    tpu.vector_store %arg3[%swap3A_814, %swap3A_815, %swap3A_816], %swap3A_819 {strides = array<i32>} : memref<8x4096x104xf32, #tpu.memory_space<vmem>>, vector<1x256x1xf32>,
    %get3A_820 = arith.constant 39 : index
    %get3A_821 = arith.constant 0 : index
    %get3A_822 = arith.constant 0 : index
    %get3A_823 = vector.load %arg1[%get3A_820, %get3A_821, %get3A_822] : memref<128x256x6xf32, #tpu.memory_space<vmem>>, vector<1x256x6xf32>
    %get3A_824 = vector.shape_cast %get3A_823 : vector<1x256x6xf32> to vector<256x6xf32>
    %swap3A_825 = arith.constant 2 : index
    %swap3A_826 = arith.constant 1792 : index
    %swap3A_827 = arith.constant 42 : index
    %swap3A_828 = vector.load %arg3[%swap3A_825, %swap3A_826, %swap3A_827] : memref<8x4096x104xf32, #tpu.memory_space<vmem>>, vector<1x256x6xf32>
    %swap3A_829 = vector.shape_cast %swap3A_828 : vector<1x256x6xf32> to vector<256x6xf32>
    %swap3A_830 = vector.shape_cast %get3A_824 : vector<256x6xf32> to vector<1x256x6xf32>
    tpu.vector_store %arg3[%swap3A_825, %swap3A_826, %swap3A_827], %swap3A_830 {strides = array<i32>} : memref<8x4096x104xf32, #tpu.memory_space<vmem>>, vector<1x256x6xf32>,
    %mul3A_831 = arith.mulf %get3A_824, %get3A_824 : vector<256x6xf32>
    %reduce_sum3A_832 = arith.constant dense<0.000000e+00> : vector<256xf32>
    %reduce_sum3A_833 = vector.multi_reduction <add>, %mul3A_831, %reduce_sum3A_832 [1] : vector<256x6xf32> to vector<256xf32>
    %broadcast_in_dim3A_834 = vector.shape_cast %reduce_sum3A_833 : vector<256xf32> to vector<256x1xf32>
    %swap3A_835 = arith.constant 2 : index
    %swap3A_836 = arith.constant 1792 : index
    %swap3A_837 = arith.constant 96 : index
    %swap3A_838 = vector.load %arg3[%swap3A_835, %swap3A_836, %swap3A_837] : memref<8x4096x104xf32, #tpu.memory_space<vmem>>, vector<1x256x1xf32>
    %swap3A_839 = vector.shape_cast %swap3A_838 : vector<1x256x1xf32> to vector<256x1xf32>
    %swap3A_840 = vector.shape_cast %broadcast_in_dim3A_834 : vector<256x1xf32> to vector<1x256x1xf32>
    tpu.vector_store %arg3[%swap3A_835, %swap3A_836, %swap3A_837], %swap3A_840 {strides = array<i32>} : memref<8x4096x104xf32, #tpu.memory_space<vmem>>, vector<1x256x1xf32>,
    %get3A_841 = arith.constant 40 : index
    %get3A_842 = arith.constant 0 : index
    %get3A_843 = arith.constant 0 : index
    %get3A_844 = vector.load %arg1[%get3A_841, %get3A_842, %get3A_843] : memref<128x256x6xf32, #tpu.memory_space<vmem>>, vector<1x256x6xf32>
    %get3A_845 = vector.shape_cast %get3A_844 : vector<1x256x6xf32> to vector<256x6xf32>
    %swap3A_846 = arith.constant 2 : index
    %swap3A_847 = arith.constant 2048 : index
    %swap3A_848 = arith.constant 48 : index
    %swap3A_849 = vector.load %arg3[%swap3A_846, %swap3A_847, %swap3A_848] : memref<8x4096x104xf32, #tpu.memory_space<vmem>>, vector<1x256x6xf32>
    %swap3A_850 = vector.shape_cast %swap3A_849 : vector<1x256x6xf32> to vector<256x6xf32>
    %swap3A_851 = vector.shape_cast %get3A_845 : vector<256x6xf32> to vector<1x256x6xf32>
    tpu.vector_store %arg3[%swap3A_846, %swap3A_847, %swap3A_848], %swap3A_851 {strides = array<i32>} : memref<8x4096x104xf32, #tpu.memory_space<vmem>>, vector<1x256x6xf32>,
    %mul3A_852 = arith.mulf %get3A_845, %get3A_845 : vector<256x6xf32>
    %reduce_sum3A_853 = arith.constant dense<0.000000e+00> : vector<256xf32>
    %reduce_sum3A_854 = vector.multi_reduction <add>, %mul3A_852, %reduce_sum3A_853 [1] : vector<256x6xf32> to vector<256xf32>
    %broadcast_in_dim3A_855 = vector.shape_cast %reduce_sum3A_854 : vector<256xf32> to vector<256x1xf32>
    %swap3A_856 = arith.constant 2 : index
    %swap3A_857 = arith.constant 2048 : index
    %swap3A_858 = arith.constant 96 : index
    %swap3A_859 = vector.load %arg3[%swap3A_856, %swap3A_857, %swap3A_858] : memref<8x4096x104xf32, #tpu.memory_space<vmem>>, vector<1x256x1xf32>
    %swap3A_860 = vector.shape_cast %swap3A_859 : vector<1x256x1xf32> to vector<256x1xf32>
    %swap3A_861 = vector.shape_cast %broadcast_in_dim3A_855 : vector<256x1xf32> to vector<1x256x1xf32>
    tpu.vector_store %arg3[%swap3A_856, %swap3A_857, %swap3A_858], %swap3A_861 {strides = array<i32>} : memref<8x4096x104xf32, #tpu.memory_space<vmem>>, vector<1x256x1xf32>,
    %get3A_862 = arith.constant 41 : index
    %get3A_863 = arith.constant 0 : index
    %get3A_864 = arith.constant 0 : index
    %get3A_865 = vector.load %arg1[%get3A_862, %get3A_863, %get3A_864] : memref<128x256x6xf32, #tpu.memory_space<vmem>>, vector<1x256x6xf32>
    %get3A_866 = vector.shape_cast %get3A_865 : vector<1x256x6xf32> to vector<256x6xf32>
    %swap3A_867 = arith.constant 2 : index
    %swap3A_868 = arith.constant 2304 : index
    %swap3A_869 = arith.constant 54 : index
    %swap3A_870 = vector.load %arg3[%swap3A_867, %swap3A_868, %swap3A_869] : memref<8x4096x104xf32, #tpu.memory_space<vmem>>, vector<1x256x6xf32>
    %swap3A_871 = vector.shape_cast %swap3A_870 : vector<1x256x6xf32> to vector<256x6xf32>
    %swap3A_872 = vector.shape_cast %get3A_866 : vector<256x6xf32> to vector<1x256x6xf32>
    tpu.vector_store %arg3[%swap3A_867, %swap3A_868, %swap3A_869], %swap3A_872 {strides = array<i32>} : memref<8x4096x104xf32, #tpu.memory_space<vmem>>, vector<1x256x6xf32>,
    %mul3A_873 = arith.mulf %get3A_866, %get3A_866 : vector<256x6xf32>
    %reduce_sum3A_874 = arith.constant dense<0.000000e+00> : vector<256xf32>
    %reduce_sum3A_875 = vector.multi_reduction <add>, %mul3A_873, %reduce_sum3A_874 [1] : vector<256x6xf32> to vector<256xf32>
    %broadcast_in_dim3A_876 = vector.shape_cast %reduce_sum3A_875 : vector<256xf32> to vector<256x1xf32>
    %swap3A_877 = arith.constant 2 : index
    %swap3A_878 = arith.constant 2304 : index
    %swap3A_879 = arith.constant 96 : index
    %swap3A_880 = vector.load %arg3[%swap3A_877, %swap3A_878, %swap3A_879] : memref<8x4096x104xf32, #tpu.memory_space<vmem>>, vector<1x256x1xf32>
    %swap3A_881 = vector.shape_cast %swap3A_880 : vector<1x256x1xf32> to vector<256x1xf32>
    %swap3A_882 = vector.shape_cast %broadcast_in_dim3A_876 : vector<256x1xf32> to vector<1x256x1xf32>
    tpu.vector_store %arg3[%swap3A_877, %swap3A_878, %swap3A_879], %swap3A_882 {strides = array<i32>} : memref<8x4096x104xf32, #tpu.memory_space<vmem>>, vector<1x256x1xf32>,
    %get3A_883 = arith.constant 42 : index
    %get3A_884 = arith.constant 0 : index
    %get3A_885 = arith.constant 0 : index
    %get3A_886 = vector.load %arg1[%get3A_883, %get3A_884, %get3A_885] : memref<128x256x6xf32, #tpu.memory_space<vmem>>, vector<1x256x6xf32>
    %get3A_887 = vector.shape_cast %get3A_886 : vector<1x256x6xf32> to vector<256x6xf32>
    %swap3A_888 = arith.constant 2 : index
    %swap3A_889 = arith.constant 2560 : index
    %swap3A_890 = arith.constant 60 : index
    %swap3A_891 = vector.load %arg3[%swap3A_888, %swap3A_889, %swap3A_890] : memref<8x4096x104xf32, #tpu.memory_space<vmem>>, vector<1x256x6xf32>
    %swap3A_892 = vector.shape_cast %swap3A_891 : vector<1x256x6xf32> to vector<256x6xf32>
    %swap3A_893 = vector.shape_cast %get3A_887 : vector<256x6xf32> to vector<1x256x6xf32>
    tpu.vector_store %arg3[%swap3A_888, %swap3A_889, %swap3A_890], %swap3A_893 {strides = array<i32>} : memref<8x4096x104xf32, #tpu.memory_space<vmem>>, vector<1x256x6xf32>,
    %mul3A_894 = arith.mulf %get3A_887, %get3A_887 : vector<256x6xf32>
    %reduce_sum3A_895 = arith.constant dense<0.000000e+00> : vector<256xf32>
    %reduce_sum3A_896 = vector.multi_reduction <add>, %mul3A_894, %reduce_sum3A_895 [1] : vector<256x6xf32> to vector<256xf32>
    %broadcast_in_dim3A_897 = vector.shape_cast %reduce_sum3A_896 : vector<256xf32> to vector<256x1xf32>
    %swap3A_898 = arith.constant 2 : index
    %swap3A_899 = arith.constant 2560 : index
    %swap3A_900 = arith.constant 96 : index
    %swap3A_901 = vector.load %arg3[%swap3A_898, %swap3A_899, %swap3A_900] : memref<8x4096x104xf32, #tpu.memory_space<vmem>>, vector<1x256x1xf32>
    %swap3A_902 = vector.shape_cast %swap3A_901 : vector<1x256x1xf32> to vector<256x1xf32>
    %swap3A_903 = vector.shape_cast %broadcast_in_dim3A_897 : vector<256x1xf32> to vector<1x256x1xf32>
    tpu.vector_store %arg3[%swap3A_898, %swap3A_899, %swap3A_900], %swap3A_903 {strides = array<i32>} : memref<8x4096x104xf32, #tpu.memory_space<vmem>>, vector<1x256x1xf32>,
    %get3A_904 = arith.constant 43 : index
    %get3A_905 = arith.constant 0 : index
    %get3A_906 = arith.constant 0 : index
    %get3A_907 = vector.load %arg1[%get3A_904, %get3A_905, %get3A_906] : memref<128x256x6xf32, #tpu.memory_space<vmem>>, vector<1x256x6xf32>
    %get3A_908 = vector.shape_cast %get3A_907 : vector<1x256x6xf32> to vector<256x6xf32>
    %swap3A_909 = arith.constant 2 : index
    %swap3A_910 = arith.constant 2816 : index
    %swap3A_911 = arith.constant 66 : index
    %swap3A_912 = vector.load %arg3[%swap3A_909, %swap3A_910, %swap3A_911] : memref<8x4096x104xf32, #tpu.memory_space<vmem>>, vector<1x256x6xf32>
    %swap3A_913 = vector.shape_cast %swap3A_912 : vector<1x256x6xf32> to vector<256x6xf32>
    %swap3A_914 = vector.shape_cast %get3A_908 : vector<256x6xf32> to vector<1x256x6xf32>
    tpu.vector_store %arg3[%swap3A_909, %swap3A_910, %swap3A_911], %swap3A_914 {strides = array<i32>} : memref<8x4096x104xf32, #tpu.memory_space<vmem>>, vector<1x256x6xf32>,
    %mul3A_915 = arith.mulf %get3A_908, %get3A_908 : vector<256x6xf32>
    %reduce_sum3A_916 = arith.constant dense<0.000000e+00> : vector<256xf32>
    %reduce_sum3A_917 = vector.multi_reduction <add>, %mul3A_915, %reduce_sum3A_916 [1] : vector<256x6xf32> to vector<256xf32>
    %broadcast_in_dim3A_918 = vector.shape_cast %reduce_sum3A_917 : vector<256xf32> to vector<256x1xf32>
    %swap3A_919 = arith.constant 2 : index
    %swap3A_920 = arith.constant 2816 : index
    %swap3A_921 = arith.constant 96 : index
    %swap3A_922 = vector.load %arg3[%swap3A_919, %swap3A_920, %swap3A_921] : memref<8x4096x104xf32, #tpu.memory_space<vmem>>, vector<1x256x1xf32>
    %swap3A_923 = vector.shape_cast %swap3A_922 : vector<1x256x1xf32> to vector<256x1xf32>
    %swap3A_924 = vector.shape_cast %broadcast_in_dim3A_918 : vector<256x1xf32> to vector<1x256x1xf32>
    tpu.vector_store %arg3[%swap3A_919, %swap3A_920, %swap3A_921], %swap3A_924 {strides = array<i32>} : memref<8x4096x104xf32, #tpu.memory_space<vmem>>, vector<1x256x1xf32>,
    %get3A_925 = arith.constant 44 : index
    %get3A_926 = arith.constant 0 : index
    %get3A_927 = arith.constant 0 : index
    %get3A_928 = vector.load %arg1[%get3A_925, %get3A_926, %get3A_927] : memref<128x256x6xf32, #tpu.memory_space<vmem>>, vector<1x256x6xf32>
    %get3A_929 = vector.shape_cast %get3A_928 : vector<1x256x6xf32> to vector<256x6xf32>
    %swap3A_930 = arith.constant 2 : index
    %swap3A_931 = arith.constant 3072 : index
    %swap3A_932 = arith.constant 72 : index
    %swap3A_933 = vector.load %arg3[%swap3A_930, %swap3A_931, %swap3A_932] : memref<8x4096x104xf32, #tpu.memory_space<vmem>>, vector<1x256x6xf32>
    %swap3A_934 = vector.shape_cast %swap3A_933 : vector<1x256x6xf32> to vector<256x6xf32>
    %swap3A_935 = vector.shape_cast %get3A_929 : vector<256x6xf32> to vector<1x256x6xf32>
    tpu.vector_store %arg3[%swap3A_930, %swap3A_931, %swap3A_932], %swap3A_935 {strides = array<i32>} : memref<8x4096x104xf32, #tpu.memory_space<vmem>>, vector<1x256x6xf32>,
    %mul3A_936 = arith.mulf %get3A_929, %get3A_929 : vector<256x6xf32>
    %reduce_sum3A_937 = arith.constant dense<0.000000e+00> : vector<256xf32>
    %reduce_sum3A_938 = vector.multi_reduction <add>, %mul3A_936, %reduce_sum3A_937 [1] : vector<256x6xf32> to vector<256xf32>
    %broadcast_in_dim3A_939 = vector.shape_cast %reduce_sum3A_938 : vector<256xf32> to vector<256x1xf32>
    %swap3A_940 = arith.constant 2 : index
    %swap3A_941 = arith.constant 3072 : index
    %swap3A_942 = arith.constant 96 : index
    %swap3A_943 = vector.load %arg3[%swap3A_940, %swap3A_941, %swap3A_942] : memref<8x4096x104xf32, #tpu.memory_space<vmem>>, vector<1x256x1xf32>
    %swap3A_944 = vector.shape_cast %swap3A_943 : vector<1x256x1xf32> to vector<256x1xf32>
    %swap3A_945 = vector.shape_cast %broadcast_in_dim3A_939 : vector<256x1xf32> to vector<1x256x1xf32>
    tpu.vector_store %arg3[%swap3A_940, %swap3A_941, %swap3A_942], %swap3A_945 {strides = array<i32>} : memref<8x4096x104xf32, #tpu.memory_space<vmem>>, vector<1x256x1xf32>,
    %get3A_946 = arith.constant 45 : index
    %get3A_947 = arith.constant 0 : index
    %get3A_948 = arith.constant 0 : index
    %get3A_949 = vector.load %arg1[%get3A_946, %get3A_947, %get3A_948] : memref<128x256x6xf32, #tpu.memory_space<vmem>>, vector<1x256x6xf32>
    %get3A_950 = vector.shape_cast %get3A_949 : vector<1x256x6xf32> to vector<256x6xf32>
    %swap3A_951 = arith.constant 2 : index
    %swap3A_952 = arith.constant 3328 : index
    %swap3A_953 = arith.constant 78 : index
    %swap3A_954 = vector.load %arg3[%swap3A_951, %swap3A_952, %swap3A_953] : memref<8x4096x104xf32, #tpu.memory_space<vmem>>, vector<1x256x6xf32>
    %swap3A_955 = vector.shape_cast %swap3A_954 : vector<1x256x6xf32> to vector<256x6xf32>
    %swap3A_956 = vector.shape_cast %get3A_950 : vector<256x6xf32> to vector<1x256x6xf32>
    tpu.vector_store %arg3[%swap3A_951, %swap3A_952, %swap3A_953], %swap3A_956 {strides = array<i32>} : memref<8x4096x104xf32, #tpu.memory_space<vmem>>, vector<1x256x6xf32>,
    %mul3A_957 = arith.mulf %get3A_950, %get3A_950 : vector<256x6xf32>
    %reduce_sum3A_958 = arith.constant dense<0.000000e+00> : vector<256xf32>
    %reduce_sum3A_959 = vector.multi_reduction <add>, %mul3A_957, %reduce_sum3A_958 [1] : vector<256x6xf32> to vector<256xf32>
    %broadcast_in_dim3A_960 = vector.shape_cast %reduce_sum3A_959 : vector<256xf32> to vector<256x1xf32>
    %swap3A_961 = arith.constant 2 : index
    %swap3A_962 = arith.constant 3328 : index
    %swap3A_963 = arith.constant 96 : index
    %swap3A_964 = vector.load %arg3[%swap3A_961, %swap3A_962, %swap3A_963] : memref<8x4096x104xf32, #tpu.memory_space<vmem>>, vector<1x256x1xf32>
    %swap3A_965 = vector.shape_cast %swap3A_964 : vector<1x256x1xf32> to vector<256x1xf32>
    %swap3A_966 = vector.shape_cast %broadcast_in_dim3A_960 : vector<256x1xf32> to vector<1x256x1xf32>
    tpu.vector_store %arg3[%swap3A_961, %swap3A_962, %swap3A_963], %swap3A_966 {strides = array<i32>} : memref<8x4096x104xf32, #tpu.memory_space<vmem>>, vector<1x256x1xf32>,
    %get3A_967 = arith.constant 46 : index
    %get3A_968 = arith.constant 0 : index
    %get3A_969 = arith.constant 0 : index
    %get3A_970 = vector.load %arg1[%get3A_967, %get3A_968, %get3A_969] : memref<128x256x6xf32, #tpu.memory_space<vmem>>, vector<1x256x6xf32>
    %get3A_971 = vector.shape_cast %get3A_970 : vector<1x256x6xf32> to vector<256x6xf32>
    %swap3A_972 = arith.constant 2 : index
    %swap3A_973 = arith.constant 3584 : index
    %swap3A_974 = arith.constant 84 : index
    %swap3A_975 = vector.load %arg3[%swap3A_972, %swap3A_973, %swap3A_974] : memref<8x4096x104xf32, #tpu.memory_space<vmem>>, vector<1x256x6xf32>
    %swap3A_976 = vector.shape_cast %swap3A_975 : vector<1x256x6xf32> to vector<256x6xf32>
    %swap3A_977 = vector.shape_cast %get3A_971 : vector<256x6xf32> to vector<1x256x6xf32>
    tpu.vector_store %arg3[%swap3A_972, %swap3A_973, %swap3A_974], %swap3A_977 {strides = array<i32>} : memref<8x4096x104xf32, #tpu.memory_space<vmem>>, vector<1x256x6xf32>,
    %mul3A_978 = arith.mulf %get3A_971, %get3A_971 : vector<256x6xf32>
    %reduce_sum3A_979 = arith.constant dense<0.000000e+00> : vector<256xf32>
    %reduce_sum3A_980 = vector.multi_reduction <add>, %mul3A_978, %reduce_sum3A_979 [1] : vector<256x6xf32> to vector<256xf32>
    %broadcast_in_dim3A_981 = vector.shape_cast %reduce_sum3A_980 : vector<256xf32> to vector<256x1xf32>
    %swap3A_982 = arith.constant 2 : index
    %swap3A_983 = arith.constant 3584 : index
    %swap3A_984 = arith.constant 96 : index
    %swap3A_985 = vector.load %arg3[%swap3A_982, %swap3A_983, %swap3A_984] : memref<8x4096x104xf32, #tpu.memory_space<vmem>>, vector<1x256x1xf32>
    %swap3A_986 = vector.shape_cast %swap3A_985 : vector<1x256x1xf32> to vector<256x1xf32>
    %swap3A_987 = vector.shape_cast %broadcast_in_dim3A_981 : vector<256x1xf32> to vector<1x256x1xf32>
    tpu.vector_store %arg3[%swap3A_982, %swap3A_983, %swap3A_984], %swap3A_987 {strides = array<i32>} : memref<8x4096x104xf32, #tpu.memory_space<vmem>>, vector<1x256x1xf32>,
    %get3A_988 = arith.constant 47 : index
    %get3A_989 = arith.constant 0 : index
    %get3A_990 = arith.constant 0 : index
    %get3A_991 = vector.load %arg1[%get3A_988, %get3A_989, %get3A_990] : memref<128x256x6xf32, #tpu.memory_space<vmem>>, vector<1x256x6xf32>
    %get3A_992 = vector.shape_cast %get3A_991 : vector<1x256x6xf32> to vector<256x6xf32>
    %swap3A_993 = arith.constant 2 : index
    %swap3A_994 = arith.constant 3840 : index
    %swap3A_995 = arith.constant 90 : index
    %swap3A_996 = vector.load %arg3[%swap3A_993, %swap3A_994, %swap3A_995] : memref<8x4096x104xf32, #tpu.memory_space<vmem>>, vector<1x256x6xf32>
    %swap3A_997 = vector.shape_cast %swap3A_996 : vector<1x256x6xf32> to vector<256x6xf32>
    %swap3A_998 = vector.shape_cast %get3A_992 : vector<256x6xf32> to vector<1x256x6xf32>
    tpu.vector_store %arg3[%swap3A_993, %swap3A_994, %swap3A_995], %swap3A_998 {strides = array<i32>} : memref<8x4096x104xf32, #tpu.memory_space<vmem>>, vector<1x256x6xf32>,
    %mul3A_999 = arith.mulf %get3A_992, %get3A_992 : vector<256x6xf32>
    %reduce_sum3A_1000 = arith.constant dense<0.000000e+00> : vector<256xf32>
    %reduce_sum3A_1001 = vector.multi_reduction <add>, %mul3A_999, %reduce_sum3A_1000 [1] : vector<256x6xf32> to vector<256xf32>
    %broadcast_in_dim3A_1002 = vector.shape_cast %reduce_sum3A_1001 : vector<256xf32> to vector<256x1xf32>
    %swap3A_1003 = arith.constant 2 : index
    %swap3A_1004 = arith.constant 3840 : index
    %swap3A_1005 = arith.constant 96 : index
    %swap3A_1006 = vector.load %arg3[%swap3A_1003, %swap3A_1004, %swap3A_1005] : memref<8x4096x104xf32, #tpu.memory_space<vmem>>, vector<1x256x1xf32>
    %swap3A_1007 = vector.shape_cast %swap3A_1006 : vector<1x256x1xf32> to vector<256x1xf32>
    %swap3A_1008 = vector.shape_cast %broadcast_in_dim3A_1002 : vector<256x1xf32> to vector<1x256x1xf32>
    tpu.vector_store %arg3[%swap3A_1003, %swap3A_1004, %swap3A_1005], %swap3A_1008 {strides = array<i32>} : memref<8x4096x104xf32, #tpu.memory_space<vmem>>, vector<1x256x1xf32>,
    %get3A_1009 = arith.constant 48 : index
    %get3A_1010 = arith.constant 0 : index
    %get3A_1011 = arith.constant 0 : index
    %get3A_1012 = vector.load %arg1[%get3A_1009, %get3A_1010, %get3A_1011] : memref<128x256x6xf32, #tpu.memory_space<vmem>>, vector<1x256x6xf32>
    %get3A_1013 = vector.shape_cast %get3A_1012 : vector<1x256x6xf32> to vector<256x6xf32>
    %swap3A_1014 = arith.constant 3 : index
    %swap3A_1015 = arith.constant 0 : index
    %swap3A_1016 = arith.constant 0 : index
    %swap3A_1017 = vector.load %arg3[%swap3A_1014, %swap3A_1015, %swap3A_1016] : memref<8x4096x104xf32, #tpu.memory_space<vmem>>, vector<1x256x6xf32>
    %swap3A_1018 = vector.shape_cast %swap3A_1017 : vector<1x256x6xf32> to vector<256x6xf32>
    %swap3A_1019 = vector.shape_cast %get3A_1013 : vector<256x6xf32> to vector<1x256x6xf32>
    tpu.vector_store %arg3[%swap3A_1014, %swap3A_1015, %swap3A_1016], %swap3A_1019 {strides = array<i32>} : memref<8x4096x104xf32, #tpu.memory_space<vmem>>, vector<1x256x6xf32>,
    %mul3A_1020 = arith.mulf %get3A_1013, %get3A_1013 : vector<256x6xf32>
    %reduce_sum3A_1021 = arith.constant dense<0.000000e+00> : vector<256xf32>
    %reduce_sum3A_1022 = vector.multi_reduction <add>, %mul3A_1020, %reduce_sum3A_1021 [1] : vector<256x6xf32> to vector<256xf32>
    %broadcast_in_dim3A_1023 = vector.shape_cast %reduce_sum3A_1022 : vector<256xf32> to vector<256x1xf32>
    %swap3A_1024 = arith.constant 3 : index
    %swap3A_1025 = arith.constant 0 : index
    %swap3A_1026 = arith.constant 96 : index
    %swap3A_1027 = vector.load %arg3[%swap3A_1024, %swap3A_1025, %swap3A_1026] : memref<8x4096x104xf32, #tpu.memory_space<vmem>>, vector<1x256x1xf32>
    %swap3A_1028 = vector.shape_cast %swap3A_1027 : vector<1x256x1xf32> to vector<256x1xf32>
    %swap3A_1029 = vector.shape_cast %broadcast_in_dim3A_1023 : vector<256x1xf32> to vector<1x256x1xf32>
    tpu.vector_store %arg3[%swap3A_1024, %swap3A_1025, %swap3A_1026], %swap3A_1029 {strides = array<i32>} : memref<8x4096x104xf32, #tpu.memory_space<vmem>>, vector<1x256x1xf32>,
    %get3A_1030 = arith.constant 49 : index
    %get3A_1031 = arith.constant 0 : index
    %get3A_1032 = arith.constant 0 : index
    %get3A_1033 = vector.load %arg1[%get3A_1030, %get3A_1031, %get3A_1032] : memref<128x256x6xf32, #tpu.memory_space<vmem>>, vector<1x256x6xf32>
    %get3A_1034 = vector.shape_cast %get3A_1033 : vector<1x256x6xf32> to vector<256x6xf32>
    %swap3A_1035 = arith.constant 3 : index
    %swap3A_1036 = arith.constant 256 : index
    %swap3A_1037 = arith.constant 6 : index
    %swap3A_1038 = vector.load %arg3[%swap3A_1035, %swap3A_1036, %swap3A_1037] : memref<8x4096x104xf32, #tpu.memory_space<vmem>>, vector<1x256x6xf32>
    %swap3A_1039 = vector.shape_cast %swap3A_1038 : vector<1x256x6xf32> to vector<256x6xf32>
    %swap3A_1040 = vector.shape_cast %get3A_1034 : vector<256x6xf32> to vector<1x256x6xf32>
    tpu.vector_store %arg3[%swap3A_1035, %swap3A_1036, %swap3A_1037], %swap3A_1040 {strides = array<i32>} : memref<8x4096x104xf32, #tpu.memory_space<vmem>>, vector<1x256x6xf32>,
    %mul3A_1041 = arith.mulf %get3A_1034, %get3A_1034 : vector<256x6xf32>
    %reduce_sum3A_1042 = arith.constant dense<0.000000e+00> : vector<256xf32>
    %reduce_sum3A_1043 = vector.multi_reduction <add>, %mul3A_1041, %reduce_sum3A_1042 [1] : vector<256x6xf32> to vector<256xf32>
    %broadcast_in_dim3A_1044 = vector.shape_cast %reduce_sum3A_1043 : vector<256xf32> to vector<256x1xf32>
    %swap3A_1045 = arith.constant 3 : index
    %swap3A_1046 = arith.constant 256 : index
    %swap3A_1047 = arith.constant 96 : index
    %swap3A_1048 = vector.load %arg3[%swap3A_1045, %swap3A_1046, %swap3A_1047] : memref<8x4096x104xf32, #tpu.memory_space<vmem>>, vector<1x256x1xf32>
    %swap3A_1049 = vector.shape_cast %swap3A_1048 : vector<1x256x1xf32> to vector<256x1xf32>
    %swap3A_1050 = vector.shape_cast %broadcast_in_dim3A_1044 : vector<256x1xf32> to vector<1x256x1xf32>
    tpu.vector_store %arg3[%swap3A_1045, %swap3A_1046, %swap3A_1047], %swap3A_1050 {strides = array<i32>} : memref<8x4096x104xf32, #tpu.memory_space<vmem>>, vector<1x256x1xf32>,
    %get3A_1051 = arith.constant 50 : index
    %get3A_1052 = arith.constant 0 : index
    %get3A_1053 = arith.constant 0 : index
    %get3A_1054 = vector.load %arg1[%get3A_1051, %get3A_1052, %get3A_1053] : memref<128x256x6xf32, #tpu.memory_space<vmem>>, vector<1x256x6xf32>
    %get3A_1055 = vector.shape_cast %get3A_1054 : vector<1x256x6xf32> to vector<256x6xf32>
    %swap3A_1056 = arith.constant 3 : index
    %swap3A_1057 = arith.constant 512 : index
    %swap3A_1058 = arith.constant 12 : index
    %swap3A_1059 = vector.load %arg3[%swap3A_1056, %swap3A_1057, %swap3A_1058] : memref<8x4096x104xf32, #tpu.memory_space<vmem>>, vector<1x256x6xf32>
    %swap3A_1060 = vector.shape_cast %swap3A_1059 : vector<1x256x6xf32> to vector<256x6xf32>
    %swap3A_1061 = vector.shape_cast %get3A_1055 : vector<256x6xf32> to vector<1x256x6xf32>
    tpu.vector_store %arg3[%swap3A_1056, %swap3A_1057, %swap3A_1058], %swap3A_1061 {strides = array<i32>} : memref<8x4096x104xf32, #tpu.memory_space<vmem>>, vector<1x256x6xf32>,
    %mul3A_1062 = arith.mulf %get3A_1055, %get3A_1055 : vector<256x6xf32>
    %reduce_sum3A_1063 = arith.constant dense<0.000000e+00> : vector<256xf32>
    %reduce_sum3A_1064 = vector.multi_reduction <add>, %mul3A_1062, %reduce_sum3A_1063 [1] : vector<256x6xf32> to vector<256xf32>
    %broadcast_in_dim3A_1065 = vector.shape_cast %reduce_sum3A_1064 : vector<256xf32> to vector<256x1xf32>
    %swap3A_1066 = arith.constant 3 : index
    %swap3A_1067 = arith.constant 512 : index
    %swap3A_1068 = arith.constant 96 : index
    %swap3A_1069 = vector.load %arg3[%swap3A_1066, %swap3A_1067, %swap3A_1068] : memref<8x4096x104xf32, #tpu.memory_space<vmem>>, vector<1x256x1xf32>
    %swap3A_1070 = vector.shape_cast %swap3A_1069 : vector<1x256x1xf32> to vector<256x1xf32>
    %swap3A_1071 = vector.shape_cast %broadcast_in_dim3A_1065 : vector<256x1xf32> to vector<1x256x1xf32>
    tpu.vector_store %arg3[%swap3A_1066, %swap3A_1067, %swap3A_1068], %swap3A_1071 {strides = array<i32>} : memref<8x4096x104xf32, #tpu.memory_space<vmem>>, vector<1x256x1xf32>,
    %get3A_1072 = arith.constant 51 : index
    %get3A_1073 = arith.constant 0 : index
    %get3A_1074 = arith.constant 0 : index
    %get3A_1075 = vector.load %arg1[%get3A_1072, %get3A_1073, %get3A_1074] : memref<128x256x6xf32, #tpu.memory_space<vmem>>, vector<1x256x6xf32>
    %get3A_1076 = vector.shape_cast %get3A_1075 : vector<1x256x6xf32> to vector<256x6xf32>
    %swap3A_1077 = arith.constant 3 : index
    %swap3A_1078 = arith.constant 768 : index
    %swap3A_1079 = arith.constant 18 : index
    %swap3A_1080 = vector.load %arg3[%swap3A_1077, %swap3A_1078, %swap3A_1079] : memref<8x4096x104xf32, #tpu.memory_space<vmem>>, vector<1x256x6xf32>
    %swap3A_1081 = vector.shape_cast %swap3A_1080 : vector<1x256x6xf32> to vector<256x6xf32>
    %swap3A_1082 = vector.shape_cast %get3A_1076 : vector<256x6xf32> to vector<1x256x6xf32>
    tpu.vector_store %arg3[%swap3A_1077, %swap3A_1078, %swap3A_1079], %swap3A_1082 {strides = array<i32>} : memref<8x4096x104xf32, #tpu.memory_space<vmem>>, vector<1x256x6xf32>,
    %mul3A_1083 = arith.mulf %get3A_1076, %get3A_1076 : vector<256x6xf32>
    %reduce_sum3A_1084 = arith.constant dense<0.000000e+00> : vector<256xf32>
    %reduce_sum3A_1085 = vector.multi_reduction <add>, %mul3A_1083, %reduce_sum3A_1084 [1] : vector<256x6xf32> to vector<256xf32>
    %broadcast_in_dim3A_1086 = vector.shape_cast %reduce_sum3A_1085 : vector<256xf32> to vector<256x1xf32>
    %swap3A_1087 = arith.constant 3 : index
    %swap3A_1088 = arith.constant 768 : index
    %swap3A_1089 = arith.constant 96 : index
    %swap3A_1090 = vector.load %arg3[%swap3A_1087, %swap3A_1088, %swap3A_1089] : memref<8x4096x104xf32, #tpu.memory_space<vmem>>, vector<1x256x1xf32>
    %swap3A_1091 = vector.shape_cast %swap3A_1090 : vector<1x256x1xf32> to vector<256x1xf32>
    %swap3A_1092 = vector.shape_cast %broadcast_in_dim3A_1086 : vector<256x1xf32> to vector<1x256x1xf32>
    tpu.vector_store %arg3[%swap3A_1087, %swap3A_1088, %swap3A_1089], %swap3A_1092 {strides = array<i32>} : memref<8x4096x104xf32, #tpu.memory_space<vmem>>, vector<1x256x1xf32>,
    %get3A_1093 = arith.constant 52 : index
    %get3A_1094 = arith.constant 0 : index
    %get3A_1095 = arith.constant 0 : index
    %get3A_1096 = vector.load %arg1[%get3A_1093, %get3A_1094, %get3A_1095] : memref<128x256x6xf32, #tpu.memory_space<vmem>>, vector<1x256x6xf32>
    %get3A_1097 = vector.shape_cast %get3A_1096 : vector<1x256x6xf32> to vector<256x6xf32>
    %swap3A_1098 = arith.constant 3 : index
    %swap3A_1099 = arith.constant 1024 : index
    %swap3A_1100 = arith.constant 24 : index
    %swap3A_1101 = vector.load %arg3[%swap3A_1098, %swap3A_1099, %swap3A_1100] : memref<8x4096x104xf32, #tpu.memory_space<vmem>>, vector<1x256x6xf32>
    %swap3A_1102 = vector.shape_cast %swap3A_1101 : vector<1x256x6xf32> to vector<256x6xf32>
    %swap3A_1103 = vector.shape_cast %get3A_1097 : vector<256x6xf32> to vector<1x256x6xf32>
    tpu.vector_store %arg3[%swap3A_1098, %swap3A_1099, %swap3A_1100], %swap3A_1103 {strides = array<i32>} : memref<8x4096x104xf32, #tpu.memory_space<vmem>>, vector<1x256x6xf32>,
    %mul3A_1104 = arith.mulf %get3A_1097, %get3A_1097 : vector<256x6xf32>
    %reduce_sum3A_1105 = arith.constant dense<0.000000e+00> : vector<256xf32>
    %reduce_sum3A_1106 = vector.multi_reduction <add>, %mul3A_1104, %reduce_sum3A_1105 [1] : vector<256x6xf32> to vector<256xf32>
    %broadcast_in_dim3A_1107 = vector.shape_cast %reduce_sum3A_1106 : vector<256xf32> to vector<256x1xf32>
    %swap3A_1108 = arith.constant 3 : index
    %swap3A_1109 = arith.constant 1024 : index
    %swap3A_1110 = arith.constant 96 : index
    %swap3A_1111 = vector.load %arg3[%swap3A_1108, %swap3A_1109, %swap3A_1110] : memref<8x4096x104xf32, #tpu.memory_space<vmem>>, vector<1x256x1xf32>
    %swap3A_1112 = vector.shape_cast %swap3A_1111 : vector<1x256x1xf32> to vector<256x1xf32>
    %swap3A_1113 = vector.shape_cast %broadcast_in_dim3A_1107 : vector<256x1xf32> to vector<1x256x1xf32>
    tpu.vector_store %arg3[%swap3A_1108, %swap3A_1109, %swap3A_1110], %swap3A_1113 {strides = array<i32>} : memref<8x4096x104xf32, #tpu.memory_space<vmem>>, vector<1x256x1xf32>,
    %get3A_1114 = arith.constant 53 : index
    %get3A_1115 = arith.constant 0 : index
    %get3A_1116 = arith.constant 0 : index
    %get3A_1117 = vector.load %arg1[%get3A_1114, %get3A_1115, %get3A_1116] : memref<128x256x6xf32, #tpu.memory_space<vmem>>, vector<1x256x6xf32>
    %get3A_1118 = vector.shape_cast %get3A_1117 : vector<1x256x6xf32> to vector<256x6xf32>
    %swap3A_1119 = arith.constant 3 : index
    %swap3A_1120 = arith.constant 1280 : index
    %swap3A_1121 = arith.constant 30 : index
    %swap3A_1122 = vector.load %arg3[%swap3A_1119, %swap3A_1120, %swap3A_1121] : memref<8x4096x104xf32, #tpu.memory_space<vmem>>, vector<1x256x6xf32>
    %swap3A_1123 = vector.shape_cast %swap3A_1122 : vector<1x256x6xf32> to vector<256x6xf32>
    %swap3A_1124 = vector.shape_cast %get3A_1118 : vector<256x6xf32> to vector<1x256x6xf32>
    tpu.vector_store %arg3[%swap3A_1119, %swap3A_1120, %swap3A_1121], %swap3A_1124 {strides = array<i32>} : memref<8x4096x104xf32, #tpu.memory_space<vmem>>, vector<1x256x6xf32>,
    %mul3A_1125 = arith.mulf %get3A_1118, %get3A_1118 : vector<256x6xf32>
    %reduce_sum3A_1126 = arith.constant dense<0.000000e+00> : vector<256xf32>
    %reduce_sum3A_1127 = vector.multi_reduction <add>, %mul3A_1125, %reduce_sum3A_1126 [1] : vector<256x6xf32> to vector<256xf32>
    %broadcast_in_dim3A_1128 = vector.shape_cast %reduce_sum3A_1127 : vector<256xf32> to vector<256x1xf32>
    %swap3A_1129 = arith.constant 3 : index
    %swap3A_1130 = arith.constant 1280 : index
    %swap3A_1131 = arith.constant 96 : index
    %swap3A_1132 = vector.load %arg3[%swap3A_1129, %swap3A_1130, %swap3A_1131] : memref<8x4096x104xf32, #tpu.memory_space<vmem>>, vector<1x256x1xf32>
    %swap3A_1133 = vector.shape_cast %swap3A_1132 : vector<1x256x1xf32> to vector<256x1xf32>
    %swap3A_1134 = vector.shape_cast %broadcast_in_dim3A_1128 : vector<256x1xf32> to vector<1x256x1xf32>
    tpu.vector_store %arg3[%swap3A_1129, %swap3A_1130, %swap3A_1131], %swap3A_1134 {strides = array<i32>} : memref<8x4096x104xf32, #tpu.memory_space<vmem>>, vector<1x256x1xf32>,
    %get3A_1135 = arith.constant 54 : index
    %get3A_1136 = arith.constant 0 : index
    %get3A_1137 = arith.constant 0 : index
    %get3A_1138 = vector.load %arg1[%get3A_1135, %get3A_1136, %get3A_1137] : memref<128x256x6xf32, #tpu.memory_space<vmem>>, vector<1x256x6xf32>
    %get3A_1139 = vector.shape_cast %get3A_1138 : vector<1x256x6xf32> to vector<256x6xf32>
    %swap3A_1140 = arith.constant 3 : index
    %swap3A_1141 = arith.constant 1536 : index
    %swap3A_1142 = arith.constant 36 : index
    %swap3A_1143 = vector.load %arg3[%swap3A_1140, %swap3A_1141, %swap3A_1142] : memref<8x4096x104xf32, #tpu.memory_space<vmem>>, vector<1x256x6xf32>
    %swap3A_1144 = vector.shape_cast %swap3A_1143 : vector<1x256x6xf32> to vector<256x6xf32>
    %swap3A_1145 = vector.shape_cast %get3A_1139 : vector<256x6xf32> to vector<1x256x6xf32>
    tpu.vector_store %arg3[%swap3A_1140, %swap3A_1141, %swap3A_1142], %swap3A_1145 {strides = array<i32>} : memref<8x4096x104xf32, #tpu.memory_space<vmem>>, vector<1x256x6xf32>,
    %mul3A_1146 = arith.mulf %get3A_1139, %get3A_1139 : vector<256x6xf32>
    %reduce_sum3A_1147 = arith.constant dense<0.000000e+00> : vector<256xf32>
    %reduce_sum3A_1148 = vector.multi_reduction <add>, %mul3A_1146, %reduce_sum3A_1147 [1] : vector<256x6xf32> to vector<256xf32>
    %broadcast_in_dim3A_1149 = vector.shape_cast %reduce_sum3A_1148 : vector<256xf32> to vector<256x1xf32>
    %swap3A_1150 = arith.constant 3 : index
    %swap3A_1151 = arith.constant 1536 : index
    %swap3A_1152 = arith.constant 96 : index
    %swap3A_1153 = vector.load %arg3[%swap3A_1150, %swap3A_1151, %swap3A_1152] : memref<8x4096x104xf32, #tpu.memory_space<vmem>>, vector<1x256x1xf32>
    %swap3A_1154 = vector.shape_cast %swap3A_1153 : vector<1x256x1xf32> to vector<256x1xf32>
    %swap3A_1155 = vector.shape_cast %broadcast_in_dim3A_1149 : vector<256x1xf32> to vector<1x256x1xf32>
    tpu.vector_store %arg3[%swap3A_1150, %swap3A_1151, %swap3A_1152], %swap3A_1155 {strides = array<i32>} : memref<8x4096x104xf32, #tpu.memory_space<vmem>>, vector<1x256x1xf32>,
    %get3A_1156 = arith.constant 55 : index
    %get3A_1157 = arith.constant 0 : index
    %get3A_1158 = arith.constant 0 : index
    %get3A_1159 = vector.load %arg1[%get3A_1156, %get3A_1157, %get3A_1158] : memref<128x256x6xf32, #tpu.memory_space<vmem>>, vector<1x256x6xf32>
    %get3A_1160 = vector.shape_cast %get3A_1159 : vector<1x256x6xf32> to vector<256x6xf32>
    %swap3A_1161 = arith.constant 3 : index
    %swap3A_1162 = arith.constant 1792 : index
    %swap3A_1163 = arith.constant 42 : index
    %swap3A_1164 = vector.load %arg3[%swap3A_1161, %swap3A_1162, %swap3A_1163] : memref<8x4096x104xf32, #tpu.memory_space<vmem>>, vector<1x256x6xf32>
    %swap3A_1165 = vector.shape_cast %swap3A_1164 : vector<1x256x6xf32> to vector<256x6xf32>
    %swap3A_1166 = vector.shape_cast %get3A_1160 : vector<256x6xf32> to vector<1x256x6xf32>
    tpu.vector_store %arg3[%swap3A_1161, %swap3A_1162, %swap3A_1163], %swap3A_1166 {strides = array<i32>} : memref<8x4096x104xf32, #tpu.memory_space<vmem>>, vector<1x256x6xf32>,
    %mul3A_1167 = arith.mulf %get3A_1160, %get3A_1160 : vector<256x6xf32>
    %reduce_sum3A_1168 = arith.constant dense<0.000000e+00> : vector<256xf32>
    %reduce_sum3A_1169 = vector.multi_reduction <add>, %mul3A_1167, %reduce_sum3A_1168 [1] : vector<256x6xf32> to vector<256xf32>
    %broadcast_in_dim3A_1170 = vector.shape_cast %reduce_sum3A_1169 : vector<256xf32> to vector<256x1xf32>
    %swap3A_1171 = arith.constant 3 : index
    %swap3A_1172 = arith.constant 1792 : index
    %swap3A_1173 = arith.constant 96 : index
    %swap3A_1174 = vector.load %arg3[%swap3A_1171, %swap3A_1172, %swap3A_1173] : memref<8x4096x104xf32, #tpu.memory_space<vmem>>, vector<1x256x1xf32>
    %swap3A_1175 = vector.shape_cast %swap3A_1174 : vector<1x256x1xf32> to vector<256x1xf32>
    %swap3A_1176 = vector.shape_cast %broadcast_in_dim3A_1170 : vector<256x1xf32> to vector<1x256x1xf32>
    tpu.vector_store %arg3[%swap3A_1171, %swap3A_1172, %swap3A_1173], %swap3A_1176 {strides = array<i32>} : memref<8x4096x104xf32, #tpu.memory_space<vmem>>, vector<1x256x1xf32>,
    %get3A_1177 = arith.constant 56 : index
    %get3A_1178 = arith.constant 0 : index
    %get3A_1179 = arith.constant 0 : index
    %get3A_1180 = vector.load %arg1[%get3A_1177, %get3A_1178, %get3A_1179] : memref<128x256x6xf32, #tpu.memory_space<vmem>>, vector<1x256x6xf32>
    %get3A_1181 = vector.shape_cast %get3A_1180 : vector<1x256x6xf32> to vector<256x6xf32>
    %swap3A_1182 = arith.constant 3 : index
    %swap3A_1183 = arith.constant 2048 : index
    %swap3A_1184 = arith.constant 48 : index
    %swap3A_1185 = vector.load %arg3[%swap3A_1182, %swap3A_1183, %swap3A_1184] : memref<8x4096x104xf32, #tpu.memory_space<vmem>>, vector<1x256x6xf32>
    %swap3A_1186 = vector.shape_cast %swap3A_1185 : vector<1x256x6xf32> to vector<256x6xf32>
    %swap3A_1187 = vector.shape_cast %get3A_1181 : vector<256x6xf32> to vector<1x256x6xf32>
    tpu.vector_store %arg3[%swap3A_1182, %swap3A_1183, %swap3A_1184], %swap3A_1187 {strides = array<i32>} : memref<8x4096x104xf32, #tpu.memory_space<vmem>>, vector<1x256x6xf32>,
    %mul3A_1188 = arith.mulf %get3A_1181, %get3A_1181 : vector<256x6xf32>
    %reduce_sum3A_1189 = arith.constant dense<0.000000e+00> : vector<256xf32>
    %reduce_sum3A_1190 = vector.multi_reduction <add>, %mul3A_1188, %reduce_sum3A_1189 [1] : vector<256x6xf32> to vector<256xf32>
    %broadcast_in_dim3A_1191 = vector.shape_cast %reduce_sum3A_1190 : vector<256xf32> to vector<256x1xf32>
    %swap3A_1192 = arith.constant 3 : index
    %swap3A_1193 = arith.constant 2048 : index
    %swap3A_1194 = arith.constant 96 : index
    %swap3A_1195 = vector.load %arg3[%swap3A_1192, %swap3A_1193, %swap3A_1194] : memref<8x4096x104xf32, #tpu.memory_space<vmem>>, vector<1x256x1xf32>
    %swap3A_1196 = vector.shape_cast %swap3A_1195 : vector<1x256x1xf32> to vector<256x1xf32>
    %swap3A_1197 = vector.shape_cast %broadcast_in_dim3A_1191 : vector<256x1xf32> to vector<1x256x1xf32>
    tpu.vector_store %arg3[%swap3A_1192, %swap3A_1193, %swap3A_1194], %swap3A_1197 {strides = array<i32>} : memref<8x4096x104xf32, #tpu.memory_space<vmem>>, vector<1x256x1xf32>,
    %get3A_1198 = arith.constant 57 : index
    %get3A_1199 = arith.constant 0 : index
    %get3A_1200 = arith.constant 0 : index
    %get3A_1201 = vector.load %arg1[%get3A_1198, %get3A_1199, %get3A_1200] : memref<128x256x6xf32, #tpu.memory_space<vmem>>, vector<1x256x6xf32>
    %get3A_1202 = vector.shape_cast %get3A_1201 : vector<1x256x6xf32> to vector<256x6xf32>
    %swap3A_1203 = arith.constant 3 : index
    %swap3A_1204 = arith.constant 2304 : index
    %swap3A_1205 = arith.constant 54 : index
    %swap3A_1206 = vector.load %arg3[%swap3A_1203, %swap3A_1204, %swap3A_1205] : memref<8x4096x104xf32, #tpu.memory_space<vmem>>, vector<1x256x6xf32>
    %swap3A_1207 = vector.shape_cast %swap3A_1206 : vector<1x256x6xf32> to vector<256x6xf32>
    %swap3A_1208 = vector.shape_cast %get3A_1202 : vector<256x6xf32> to vector<1x256x6xf32>
    tpu.vector_store %arg3[%swap3A_1203, %swap3A_1204, %swap3A_1205], %swap3A_1208 {strides = array<i32>} : memref<8x4096x104xf32, #tpu.memory_space<vmem>>, vector<1x256x6xf32>,
    %mul3A_1209 = arith.mulf %get3A_1202, %get3A_1202 : vector<256x6xf32>
    %reduce_sum3A_1210 = arith.constant dense<0.000000e+00> : vector<256xf32>
    %reduce_sum3A_1211 = vector.multi_reduction <add>, %mul3A_1209, %reduce_sum3A_1210 [1] : vector<256x6xf32> to vector<256xf32>
    %broadcast_in_dim3A_1212 = vector.shape_cast %reduce_sum3A_1211 : vector<256xf32> to vector<256x1xf32>
    %swap3A_1213 = arith.constant 3 : index
    %swap3A_1214 = arith.constant 2304 : index
    %swap3A_1215 = arith.constant 96 : index
    %swap3A_1216 = vector.load %arg3[%swap3A_1213, %swap3A_1214, %swap3A_1215] : memref<8x4096x104xf32, #tpu.memory_space<vmem>>, vector<1x256x1xf32>
    %swap3A_1217 = vector.shape_cast %swap3A_1216 : vector<1x256x1xf32> to vector<256x1xf32>
    %swap3A_1218 = vector.shape_cast %broadcast_in_dim3A_1212 : vector<256x1xf32> to vector<1x256x1xf32>
    tpu.vector_store %arg3[%swap3A_1213, %swap3A_1214, %swap3A_1215], %swap3A_1218 {strides = array<i32>} : memref<8x4096x104xf32, #tpu.memory_space<vmem>>, vector<1x256x1xf32>,
    %get3A_1219 = arith.constant 58 : index
    %get3A_1220 = arith.constant 0 : index
    %get3A_1221 = arith.constant 0 : index
    %get3A_1222 = vector.load %arg1[%get3A_1219, %get3A_1220, %get3A_1221] : memref<128x256x6xf32, #tpu.memory_space<vmem>>, vector<1x256x6xf32>
    %get3A_1223 = vector.shape_cast %get3A_1222 : vector<1x256x6xf32> to vector<256x6xf32>
    %swap3A_1224 = arith.constant 3 : index
    %swap3A_1225 = arith.constant 2560 : index
    %swap3A_1226 = arith.constant 60 : index
    %swap3A_1227 = vector.load %arg3[%swap3A_1224, %swap3A_1225, %swap3A_1226] : memref<8x4096x104xf32, #tpu.memory_space<vmem>>, vector<1x256x6xf32>
    %swap3A_1228 = vector.shape_cast %swap3A_1227 : vector<1x256x6xf32> to vector<256x6xf32>
    %swap3A_1229 = vector.shape_cast %get3A_1223 : vector<256x6xf32> to vector<1x256x6xf32>
    tpu.vector_store %arg3[%swap3A_1224, %swap3A_1225, %swap3A_1226], %swap3A_1229 {strides = array<i32>} : memref<8x4096x104xf32, #tpu.memory_space<vmem>>, vector<1x256x6xf32>,
    %mul3A_1230 = arith.mulf %get3A_1223, %get3A_1223 : vector<256x6xf32>
    %reduce_sum3A_1231 = arith.constant dense<0.000000e+00> : vector<256xf32>
    %reduce_sum3A_1232 = vector.multi_reduction <add>, %mul3A_1230, %reduce_sum3A_1231 [1] : vector<256x6xf32> to vector<256xf32>
    %broadcast_in_dim3A_1233 = vector.shape_cast %reduce_sum3A_1232 : vector<256xf32> to vector<256x1xf32>
    %swap3A_1234 = arith.constant 3 : index
    %swap3A_1235 = arith.constant 2560 : index
    %swap3A_1236 = arith.constant 96 : index
    %swap3A_1237 = vector.load %arg3[%swap3A_1234, %swap3A_1235, %swap3A_1236] : memref<8x4096x104xf32, #tpu.memory_space<vmem>>, vector<1x256x1xf32>
    %swap3A_1238 = vector.shape_cast %swap3A_1237 : vector<1x256x1xf32> to vector<256x1xf32>
    %swap3A_1239 = vector.shape_cast %broadcast_in_dim3A_1233 : vector<256x1xf32> to vector<1x256x1xf32>
    tpu.vector_store %arg3[%swap3A_1234, %swap3A_1235, %swap3A_1236], %swap3A_1239 {strides = array<i32>} : memref<8x4096x104xf32, #tpu.memory_space<vmem>>, vector<1x256x1xf32>,
    %get3A_1240 = arith.constant 59 : index
    %get3A_1241 = arith.constant 0 : index
    %get3A_1242 = arith.constant 0 : index
    %get3A_1243 = vector.load %arg1[%get3A_1240, %get3A_1241, %get3A_1242] : memref<128x256x6xf32, #tpu.memory_space<vmem>>, vector<1x256x6xf32>
    %get3A_1244 = vector.shape_cast %get3A_1243 : vector<1x256x6xf32> to vector<256x6xf32>
    %swap3A_1245 = arith.constant 3 : index
    %swap3A_1246 = arith.constant 2816 : index
    %swap3A_1247 = arith.constant 66 : index
    %swap3A_1248 = vector.load %arg3[%swap3A_1245, %swap3A_1246, %swap3A_1247] : memref<8x4096x104xf32, #tpu.memory_space<vmem>>, vector<1x256x6xf32>
    %swap3A_1249 = vector.shape_cast %swap3A_1248 : vector<1x256x6xf32> to vector<256x6xf32>
    %swap3A_1250 = vector.shape_cast %get3A_1244 : vector<256x6xf32> to vector<1x256x6xf32>
    tpu.vector_store %arg3[%swap3A_1245, %swap3A_1246, %swap3A_1247], %swap3A_1250 {strides = array<i32>} : memref<8x4096x104xf32, #tpu.memory_space<vmem>>, vector<1x256x6xf32>,
    %mul3A_1251 = arith.mulf %get3A_1244, %get3A_1244 : vector<256x6xf32>
    %reduce_sum3A_1252 = arith.constant dense<0.000000e+00> : vector<256xf32>
    %reduce_sum3A_1253 = vector.multi_reduction <add>, %mul3A_1251, %reduce_sum3A_1252 [1] : vector<256x6xf32> to vector<256xf32>
    %broadcast_in_dim3A_1254 = vector.shape_cast %reduce_sum3A_1253 : vector<256xf32> to vector<256x1xf32>
    %swap3A_1255 = arith.constant 3 : index
    %swap3A_1256 = arith.constant 2816 : index
    %swap3A_1257 = arith.constant 96 : index
    %swap3A_1258 = vector.load %arg3[%swap3A_1255, %swap3A_1256, %swap3A_1257] : memref<8x4096x104xf32, #tpu.memory_space<vmem>>, vector<1x256x1xf32>
    %swap3A_1259 = vector.shape_cast %swap3A_1258 : vector<1x256x1xf32> to vector<256x1xf32>
    %swap3A_1260 = vector.shape_cast %broadcast_in_dim3A_1254 : vector<256x1xf32> to vector<1x256x1xf32>
    tpu.vector_store %arg3[%swap3A_1255, %swap3A_1256, %swap3A_1257], %swap3A_1260 {strides = array<i32>} : memref<8x4096x104xf32, #tpu.memory_space<vmem>>, vector<1x256x1xf32>,
    %get3A_1261 = arith.constant 60 : index
    %get3A_1262 = arith.constant 0 : index
    %get3A_1263 = arith.constant 0 : index
    %get3A_1264 = vector.load %arg1[%get3A_1261, %get3A_1262, %get3A_1263] : memref<128x256x6xf32, #tpu.memory_space<vmem>>, vector<1x256x6xf32>
    %get3A_1265 = vector.shape_cast %get3A_1264 : vector<1x256x6xf32> to vector<256x6xf32>
    %swap3A_1266 = arith.constant 3 : index
    %swap3A_1267 = arith.constant 3072 : index
    %swap3A_1268 = arith.constant 72 : index
    %swap3A_1269 = vector.load %arg3[%swap3A_1266, %swap3A_1267, %swap3A_1268] : memref<8x4096x104xf32, #tpu.memory_space<vmem>>, vector<1x256x6xf32>
    %swap3A_1270 = vector.shape_cast %swap3A_1269 : vector<1x256x6xf32> to vector<256x6xf32>
    %swap3A_1271 = vector.shape_cast %get3A_1265 : vector<256x6xf32> to vector<1x256x6xf32>
    tpu.vector_store %arg3[%swap3A_1266, %swap3A_1267, %swap3A_1268], %swap3A_1271 {strides = array<i32>} : memref<8x4096x104xf32, #tpu.memory_space<vmem>>, vector<1x256x6xf32>,
    %mul3A_1272 = arith.mulf %get3A_1265, %get3A_1265 : vector<256x6xf32>
    %reduce_sum3A_1273 = arith.constant dense<0.000000e+00> : vector<256xf32>
    %reduce_sum3A_1274 = vector.multi_reduction <add>, %mul3A_1272, %reduce_sum3A_1273 [1] : vector<256x6xf32> to vector<256xf32>
    %broadcast_in_dim3A_1275 = vector.shape_cast %reduce_sum3A_1274 : vector<256xf32> to vector<256x1xf32>
    %swap3A_1276 = arith.constant 3 : index
    %swap3A_1277 = arith.constant 3072 : index
    %swap3A_1278 = arith.constant 96 : index
    %swap3A_1279 = vector.load %arg3[%swap3A_1276, %swap3A_1277, %swap3A_1278] : memref<8x4096x104xf32, #tpu.memory_space<vmem>>, vector<1x256x1xf32>
    %swap3A_1280 = vector.shape_cast %swap3A_1279 : vector<1x256x1xf32> to vector<256x1xf32>
    %swap3A_1281 = vector.shape_cast %broadcast_in_dim3A_1275 : vector<256x1xf32> to vector<1x256x1xf32>
    tpu.vector_store %arg3[%swap3A_1276, %swap3A_1277, %swap3A_1278], %swap3A_1281 {strides = array<i32>} : memref<8x4096x104xf32, #tpu.memory_space<vmem>>, vector<1x256x1xf32>,
    %get3A_1282 = arith.constant 61 : index
    %get3A_1283 = arith.constant 0 : index
    %get3A_1284 = arith.constant 0 : index
    %get3A_1285 = vector.load %arg1[%get3A_1282, %get3A_1283, %get3A_1284] : memref<128x256x6xf32, #tpu.memory_space<vmem>>, vector<1x256x6xf32>
    %get3A_1286 = vector.shape_cast %get3A_1285 : vector<1x256x6xf32> to vector<256x6xf32>
    %swap3A_1287 = arith.constant 3 : index
    %swap3A_1288 = arith.constant 3328 : index
    %swap3A_1289 = arith.constant 78 : index
    %swap3A_1290 = vector.load %arg3[%swap3A_1287, %swap3A_1288, %swap3A_1289] : memref<8x4096x104xf32, #tpu.memory_space<vmem>>, vector<1x256x6xf32>
    %swap3A_1291 = vector.shape_cast %swap3A_1290 : vector<1x256x6xf32> to vector<256x6xf32>
    %swap3A_1292 = vector.shape_cast %get3A_1286 : vector<256x6xf32> to vector<1x256x6xf32>
    tpu.vector_store %arg3[%swap3A_1287, %swap3A_1288, %swap3A_1289], %swap3A_1292 {strides = array<i32>} : memref<8x4096x104xf32, #tpu.memory_space<vmem>>, vector<1x256x6xf32>,
    %mul3A_1293 = arith.mulf %get3A_1286, %get3A_1286 : vector<256x6xf32>
    %reduce_sum3A_1294 = arith.constant dense<0.000000e+00> : vector<256xf32>
    %reduce_sum3A_1295 = vector.multi_reduction <add>, %mul3A_1293, %reduce_sum3A_1294 [1] : vector<256x6xf32> to vector<256xf32>
    %broadcast_in_dim3A_1296 = vector.shape_cast %reduce_sum3A_1295 : vector<256xf32> to vector<256x1xf32>
    %swap3A_1297 = arith.constant 3 : index
    %swap3A_1298 = arith.constant 3328 : index
    %swap3A_1299 = arith.constant 96 : index
    %swap3A_1300 = vector.load %arg3[%swap3A_1297, %swap3A_1298, %swap3A_1299] : memref<8x4096x104xf32, #tpu.memory_space<vmem>>, vector<1x256x1xf32>
    %swap3A_1301 = vector.shape_cast %swap3A_1300 : vector<1x256x1xf32> to vector<256x1xf32>
    %swap3A_1302 = vector.shape_cast %broadcast_in_dim3A_1296 : vector<256x1xf32> to vector<1x256x1xf32>
    tpu.vector_store %arg3[%swap3A_1297, %swap3A_1298, %swap3A_1299], %swap3A_1302 {strides = array<i32>} : memref<8x4096x104xf32, #tpu.memory_space<vmem>>, vector<1x256x1xf32>,
    %get3A_1303 = arith.constant 62 : index
    %get3A_1304 = arith.constant 0 : index
    %get3A_1305 = arith.constant 0 : index
    %get3A_1306 = vector.load %arg1[%get3A_1303, %get3A_1304, %get3A_1305] : memref<128x256x6xf32, #tpu.memory_space<vmem>>, vector<1x256x6xf32>
    %get3A_1307 = vector.shape_cast %get3A_1306 : vector<1x256x6xf32> to vector<256x6xf32>
    %swap3A_1308 = arith.constant 3 : index
    %swap3A_1309 = arith.constant 3584 : index
    %swap3A_1310 = arith.constant 84 : index
    %swap3A_1311 = vector.load %arg3[%swap3A_1308, %swap3A_1309, %swap3A_1310] : memref<8x4096x104xf32, #tpu.memory_space<vmem>>, vector<1x256x6xf32>
    %swap3A_1312 = vector.shape_cast %swap3A_1311 : vector<1x256x6xf32> to vector<256x6xf32>
    %swap3A_1313 = vector.shape_cast %get3A_1307 : vector<256x6xf32> to vector<1x256x6xf32>
    tpu.vector_store %arg3[%swap3A_1308, %swap3A_1309, %swap3A_1310], %swap3A_1313 {strides = array<i32>} : memref<8x4096x104xf32, #tpu.memory_space<vmem>>, vector<1x256x6xf32>,
    %mul3A_1314 = arith.mulf %get3A_1307, %get3A_1307 : vector<256x6xf32>
    %reduce_sum3A_1315 = arith.constant dense<0.000000e+00> : vector<256xf32>
    %reduce_sum3A_1316 = vector.multi_reduction <add>, %mul3A_1314, %reduce_sum3A_1315 [1] : vector<256x6xf32> to vector<256xf32>
    %broadcast_in_dim3A_1317 = vector.shape_cast %reduce_sum3A_1316 : vector<256xf32> to vector<256x1xf32>
    %swap3A_1318 = arith.constant 3 : index
    %swap3A_1319 = arith.constant 3584 : index
    %swap3A_1320 = arith.constant 96 : index
    %swap3A_1321 = vector.load %arg3[%swap3A_1318, %swap3A_1319, %swap3A_1320] : memref<8x4096x104xf32, #tpu.memory_space<vmem>>, vector<1x256x1xf32>
    %swap3A_1322 = vector.shape_cast %swap3A_1321 : vector<1x256x1xf32> to vector<256x1xf32>
    %swap3A_1323 = vector.shape_cast %broadcast_in_dim3A_1317 : vector<256x1xf32> to vector<1x256x1xf32>
    tpu.vector_store %arg3[%swap3A_1318, %swap3A_1319, %swap3A_1320], %swap3A_1323 {strides = array<i32>} : memref<8x4096x104xf32, #tpu.memory_space<vmem>>, vector<1x256x1xf32>,
    %get3A_1324 = arith.constant 63 : index
    %get3A_1325 = arith.constant 0 : index
    %get3A_1326 = arith.constant 0 : index
    %get3A_1327 = vector.load %arg1[%get3A_1324, %get3A_1325, %get3A_1326] : memref<128x256x6xf32, #tpu.memory_space<vmem>>, vector<1x256x6xf32>
    %get3A_1328 = vector.shape_cast %get3A_1327 : vector<1x256x6xf32> to vector<256x6xf32>
    %swap3A_1329 = arith.constant 3 : index
    %swap3A_1330 = arith.constant 3840 : index
    %swap3A_1331 = arith.constant 90 : index
    %swap3A_1332 = vector.load %arg3[%swap3A_1329, %swap3A_1330, %swap3A_1331] : memref<8x4096x104xf32, #tpu.memory_space<vmem>>, vector<1x256x6xf32>
    %swap3A_1333 = vector.shape_cast %swap3A_1332 : vector<1x256x6xf32> to vector<256x6xf32>
    %swap3A_1334 = vector.shape_cast %get3A_1328 : vector<256x6xf32> to vector<1x256x6xf32>
    tpu.vector_store %arg3[%swap3A_1329, %swap3A_1330, %swap3A_1331], %swap3A_1334 {strides = array<i32>} : memref<8x4096x104xf32, #tpu.memory_space<vmem>>, vector<1x256x6xf32>,
    %mul3A_1335 = arith.mulf %get3A_1328, %get3A_1328 : vector<256x6xf32>
    %reduce_sum3A_1336 = arith.constant dense<0.000000e+00> : vector<256xf32>
    %reduce_sum3A_1337 = vector.multi_reduction <add>, %mul3A_1335, %reduce_sum3A_1336 [1] : vector<256x6xf32> to vector<256xf32>
    %broadcast_in_dim3A_1338 = vector.shape_cast %reduce_sum3A_1337 : vector<256xf32> to vector<256x1xf32>
    %swap3A_1339 = arith.constant 3 : index
    %swap3A_1340 = arith.constant 3840 : index
    %swap3A_1341 = arith.constant 96 : index
    %swap3A_1342 = vector.load %arg3[%swap3A_1339, %swap3A_1340, %swap3A_1341] : memref<8x4096x104xf32, #tpu.memory_space<vmem>>, vector<1x256x1xf32>
    %swap3A_1343 = vector.shape_cast %swap3A_1342 : vector<1x256x1xf32> to vector<256x1xf32>
    %swap3A_1344 = vector.shape_cast %broadcast_in_dim3A_1338 : vector<256x1xf32> to vector<1x256x1xf32>
    tpu.vector_store %arg3[%swap3A_1339, %swap3A_1340, %swap3A_1341], %swap3A_1344 {strides = array<i32>} : memref<8x4096x104xf32, #tpu.memory_space<vmem>>, vector<1x256x1xf32>,
    %get3A_1345 = arith.constant 64 : index
    %get3A_1346 = arith.constant 0 : index
    %get3A_1347 = arith.constant 0 : index
    %get3A_1348 = vector.load %arg1[%get3A_1345, %get3A_1346, %get3A_1347] : memref<128x256x6xf32, #tpu.memory_space<vmem>>, vector<1x256x6xf32>
    %get3A_1349 = vector.shape_cast %get3A_1348 : vector<1x256x6xf32> to vector<256x6xf32>
    %swap3A_1350 = arith.constant 4 : index
    %swap3A_1351 = arith.constant 0 : index
    %swap3A_1352 = arith.constant 0 : index
    %swap3A_1353 = vector.load %arg3[%swap3A_1350, %swap3A_1351, %swap3A_1352] : memref<8x4096x104xf32, #tpu.memory_space<vmem>>, vector<1x256x6xf32>
    %swap3A_1354 = vector.shape_cast %swap3A_1353 : vector<1x256x6xf32> to vector<256x6xf32>
    %swap3A_1355 = vector.shape_cast %get3A_1349 : vector<256x6xf32> to vector<1x256x6xf32>
    tpu.vector_store %arg3[%swap3A_1350, %swap3A_1351, %swap3A_1352], %swap3A_1355 {strides = array<i32>} : memref<8x4096x104xf32, #tpu.memory_space<vmem>>, vector<1x256x6xf32>,
    %mul3A_1356 = arith.mulf %get3A_1349, %get3A_1349 : vector<256x6xf32>
    %reduce_sum3A_1357 = arith.constant dense<0.000000e+00> : vector<256xf32>
    %reduce_sum3A_1358 = vector.multi_reduction <add>, %mul3A_1356, %reduce_sum3A_1357 [1] : vector<256x6xf32> to vector<256xf32>
    %broadcast_in_dim3A_1359 = vector.shape_cast %reduce_sum3A_1358 : vector<256xf32> to vector<256x1xf32>
    %swap3A_1360 = arith.constant 4 : index
    %swap3A_1361 = arith.constant 0 : index
    %swap3A_1362 = arith.constant 96 : index
    %swap3A_1363 = vector.load %arg3[%swap3A_1360, %swap3A_1361, %swap3A_1362] : memref<8x4096x104xf32, #tpu.memory_space<vmem>>, vector<1x256x1xf32>
    %swap3A_1364 = vector.shape_cast %swap3A_1363 : vector<1x256x1xf32> to vector<256x1xf32>
    %swap3A_1365 = vector.shape_cast %broadcast_in_dim3A_1359 : vector<256x1xf32> to vector<1x256x1xf32>
    tpu.vector_store %arg3[%swap3A_1360, %swap3A_1361, %swap3A_1362], %swap3A_1365 {strides = array<i32>} : memref<8x4096x104xf32, #tpu.memory_space<vmem>>, vector<1x256x1xf32>,
    %get3A_1366 = arith.constant 65 : index
    %get3A_1367 = arith.constant 0 : index
    %get3A_1368 = arith.constant 0 : index
    %get3A_1369 = vector.load %arg1[%get3A_1366, %get3A_1367, %get3A_1368] : memref<128x256x6xf32, #tpu.memory_space<vmem>>, vector<1x256x6xf32>
    %get3A_1370 = vector.shape_cast %get3A_1369 : vector<1x256x6xf32> to vector<256x6xf32>
    %swap3A_1371 = arith.constant 4 : index
    %swap3A_1372 = arith.constant 256 : index
    %swap3A_1373 = arith.constant 6 : index
    %swap3A_1374 = vector.load %arg3[%swap3A_1371, %swap3A_1372, %swap3A_1373] : memref<8x4096x104xf32, #tpu.memory_space<vmem>>, vector<1x256x6xf32>
    %swap3A_1375 = vector.shape_cast %swap3A_1374 : vector<1x256x6xf32> to vector<256x6xf32>
    %swap3A_1376 = vector.shape_cast %get3A_1370 : vector<256x6xf32> to vector<1x256x6xf32>
    tpu.vector_store %arg3[%swap3A_1371, %swap3A_1372, %swap3A_1373], %swap3A_1376 {strides = array<i32>} : memref<8x4096x104xf32, #tpu.memory_space<vmem>>, vector<1x256x6xf32>,
    %mul3A_1377 = arith.mulf %get3A_1370, %get3A_1370 : vector<256x6xf32>
    %reduce_sum3A_1378 = arith.constant dense<0.000000e+00> : vector<256xf32>
    %reduce_sum3A_1379 = vector.multi_reduction <add>, %mul3A_1377, %reduce_sum3A_1378 [1] : vector<256x6xf32> to vector<256xf32>
    %broadcast_in_dim3A_1380 = vector.shape_cast %reduce_sum3A_1379 : vector<256xf32> to vector<256x1xf32>
    %swap3A_1381 = arith.constant 4 : index
    %swap3A_1382 = arith.constant 256 : index
    %swap3A_1383 = arith.constant 96 : index
    %swap3A_1384 = vector.load %arg3[%swap3A_1381, %swap3A_1382, %swap3A_1383] : memref<8x4096x104xf32, #tpu.memory_space<vmem>>, vector<1x256x1xf32>
    %swap3A_1385 = vector.shape_cast %swap3A_1384 : vector<1x256x1xf32> to vector<256x1xf32>
    %swap3A_1386 = vector.shape_cast %broadcast_in_dim3A_1380 : vector<256x1xf32> to vector<1x256x1xf32>
    tpu.vector_store %arg3[%swap3A_1381, %swap3A_1382, %swap3A_1383], %swap3A_1386 {strides = array<i32>} : memref<8x4096x104xf32, #tpu.memory_space<vmem>>, vector<1x256x1xf32>,
    %get3A_1387 = arith.constant 66 : index
    %get3A_1388 = arith.constant 0 : index
    %get3A_1389 = arith.constant 0 : index
    %get3A_1390 = vector.load %arg1[%get3A_1387, %get3A_1388, %get3A_1389] : memref<128x256x6xf32, #tpu.memory_space<vmem>>, vector<1x256x6xf32>
    %get3A_1391 = vector.shape_cast %get3A_1390 : vector<1x256x6xf32> to vector<256x6xf32>
    %swap3A_1392 = arith.constant 4 : index
    %swap3A_1393 = arith.constant 512 : index
    %swap3A_1394 = arith.constant 12 : index
    %swap3A_1395 = vector.load %arg3[%swap3A_1392, %swap3A_1393, %swap3A_1394] : memref<8x4096x104xf32, #tpu.memory_space<vmem>>, vector<1x256x6xf32>
    %swap3A_1396 = vector.shape_cast %swap3A_1395 : vector<1x256x6xf32> to vector<256x6xf32>
    %swap3A_1397 = vector.shape_cast %get3A_1391 : vector<256x6xf32> to vector<1x256x6xf32>
    tpu.vector_store %arg3[%swap3A_1392, %swap3A_1393, %swap3A_1394], %swap3A_1397 {strides = array<i32>} : memref<8x4096x104xf32, #tpu.memory_space<vmem>>, vector<1x256x6xf32>,
    %mul3A_1398 = arith.mulf %get3A_1391, %get3A_1391 : vector<256x6xf32>
    %reduce_sum3A_1399 = arith.constant dense<0.000000e+00> : vector<256xf32>
    %reduce_sum3A_1400 = vector.multi_reduction <add>, %mul3A_1398, %reduce_sum3A_1399 [1] : vector<256x6xf32> to vector<256xf32>
    %broadcast_in_dim3A_1401 = vector.shape_cast %reduce_sum3A_1400 : vector<256xf32> to vector<256x1xf32>
    %swap3A_1402 = arith.constant 4 : index
    %swap3A_1403 = arith.constant 512 : index
    %swap3A_1404 = arith.constant 96 : index
    %swap3A_1405 = vector.load %arg3[%swap3A_1402, %swap3A_1403, %swap3A_1404] : memref<8x4096x104xf32, #tpu.memory_space<vmem>>, vector<1x256x1xf32>
    %swap3A_1406 = vector.shape_cast %swap3A_1405 : vector<1x256x1xf32> to vector<256x1xf32>
    %swap3A_1407 = vector.shape_cast %broadcast_in_dim3A_1401 : vector<256x1xf32> to vector<1x256x1xf32>
    tpu.vector_store %arg3[%swap3A_1402, %swap3A_1403, %swap3A_1404], %swap3A_1407 {strides = array<i32>} : memref<8x4096x104xf32, #tpu.memory_space<vmem>>, vector<1x256x1xf32>,
    %get3A_1408 = arith.constant 67 : index
    %get3A_1409 = arith.constant 0 : index
    %get3A_1410 = arith.constant 0 : index
    %get3A_1411 = vector.load %arg1[%get3A_1408, %get3A_1409, %get3A_1410] : memref<128x256x6xf32, #tpu.memory_space<vmem>>, vector<1x256x6xf32>
    %get3A_1412 = vector.shape_cast %get3A_1411 : vector<1x256x6xf32> to vector<256x6xf32>
    %swap3A_1413 = arith.constant 4 : index
    %swap3A_1414 = arith.constant 768 : index
    %swap3A_1415 = arith.constant 18 : index
    %swap3A_1416 = vector.load %arg3[%swap3A_1413, %swap3A_1414, %swap3A_1415] : memref<8x4096x104xf32, #tpu.memory_space<vmem>>, vector<1x256x6xf32>
    %swap3A_1417 = vector.shape_cast %swap3A_1416 : vector<1x256x6xf32> to vector<256x6xf32>
    %swap3A_1418 = vector.shape_cast %get3A_1412 : vector<256x6xf32> to vector<1x256x6xf32>
    tpu.vector_store %arg3[%swap3A_1413, %swap3A_1414, %swap3A_1415], %swap3A_1418 {strides = array<i32>} : memref<8x4096x104xf32, #tpu.memory_space<vmem>>, vector<1x256x6xf32>,
    %mul3A_1419 = arith.mulf %get3A_1412, %get3A_1412 : vector<256x6xf32>
    %reduce_sum3A_1420 = arith.constant dense<0.000000e+00> : vector<256xf32>
    %reduce_sum3A_1421 = vector.multi_reduction <add>, %mul3A_1419, %reduce_sum3A_1420 [1] : vector<256x6xf32> to vector<256xf32>
    %broadcast_in_dim3A_1422 = vector.shape_cast %reduce_sum3A_1421 : vector<256xf32> to vector<256x1xf32>
    %swap3A_1423 = arith.constant 4 : index
    %swap3A_1424 = arith.constant 768 : index
    %swap3A_1425 = arith.constant 96 : index
    %swap3A_1426 = vector.load %arg3[%swap3A_1423, %swap3A_1424, %swap3A_1425] : memref<8x4096x104xf32, #tpu.memory_space<vmem>>, vector<1x256x1xf32>
    %swap3A_1427 = vector.shape_cast %swap3A_1426 : vector<1x256x1xf32> to vector<256x1xf32>
    %swap3A_1428 = vector.shape_cast %broadcast_in_dim3A_1422 : vector<256x1xf32> to vector<1x256x1xf32>
    tpu.vector_store %arg3[%swap3A_1423, %swap3A_1424, %swap3A_1425], %swap3A_1428 {strides = array<i32>} : memref<8x4096x104xf32, #tpu.memory_space<vmem>>, vector<1x256x1xf32>,
    %get3A_1429 = arith.constant 68 : index
    %get3A_1430 = arith.constant 0 : index
    %get3A_1431 = arith.constant 0 : index
    %get3A_1432 = vector.load %arg1[%get3A_1429, %get3A_1430, %get3A_1431] : memref<128x256x6xf32, #tpu.memory_space<vmem>>, vector<1x256x6xf32>
    %get3A_1433 = vector.shape_cast %get3A_1432 : vector<1x256x6xf32> to vector<256x6xf32>
    %swap3A_1434 = arith.constant 4 : index
    %swap3A_1435 = arith.constant 1024 : index
    %swap3A_1436 = arith.constant 24 : index
    %swap3A_1437 = vector.load %arg3[%swap3A_1434, %swap3A_1435, %swap3A_1436] : memref<8x4096x104xf32, #tpu.memory_space<vmem>>, vector<1x256x6xf32>
    %swap3A_1438 = vector.shape_cast %swap3A_1437 : vector<1x256x6xf32> to vector<256x6xf32>
    %swap3A_1439 = vector.shape_cast %get3A_1433 : vector<256x6xf32> to vector<1x256x6xf32>
    tpu.vector_store %arg3[%swap3A_1434, %swap3A_1435, %swap3A_1436], %swap3A_1439 {strides = array<i32>} : memref<8x4096x104xf32, #tpu.memory_space<vmem>>, vector<1x256x6xf32>,
    %mul3A_1440 = arith.mulf %get3A_1433, %get3A_1433 : vector<256x6xf32>
    %reduce_sum3A_1441 = arith.constant dense<0.000000e+00> : vector<256xf32>
    %reduce_sum3A_1442 = vector.multi_reduction <add>, %mul3A_1440, %reduce_sum3A_1441 [1] : vector<256x6xf32> to vector<256xf32>
    %broadcast_in_dim3A_1443 = vector.shape_cast %reduce_sum3A_1442 : vector<256xf32> to vector<256x1xf32>
    %swap3A_1444 = arith.constant 4 : index
    %swap3A_1445 = arith.constant 1024 : index
    %swap3A_1446 = arith.constant 96 : index
    %swap3A_1447 = vector.load %arg3[%swap3A_1444, %swap3A_1445, %swap3A_1446] : memref<8x4096x104xf32, #tpu.memory_space<vmem>>, vector<1x256x1xf32>
    %swap3A_1448 = vector.shape_cast %swap3A_1447 : vector<1x256x1xf32> to vector<256x1xf32>
    %swap3A_1449 = vector.shape_cast %broadcast_in_dim3A_1443 : vector<256x1xf32> to vector<1x256x1xf32>
    tpu.vector_store %arg3[%swap3A_1444, %swap3A_1445, %swap3A_1446], %swap3A_1449 {strides = array<i32>} : memref<8x4096x104xf32, #tpu.memory_space<vmem>>, vector<1x256x1xf32>,
    %get3A_1450 = arith.constant 69 : index
    %get3A_1451 = arith.constant 0 : index
    %get3A_1452 = arith.constant 0 : index
    %get3A_1453 = vector.load %arg1[%get3A_1450, %get3A_1451, %get3A_1452] : memref<128x256x6xf32, #tpu.memory_space<vmem>>, vector<1x256x6xf32>
    %get3A_1454 = vector.shape_cast %get3A_1453 : vector<1x256x6xf32> to vector<256x6xf32>
    %swap3A_1455 = arith.constant 4 : index
    %swap3A_1456 = arith.constant 1280 : index
    %swap3A_1457 = arith.constant 30 : index
    %swap3A_1458 = vector.load %arg3[%swap3A_1455, %swap3A_1456, %swap3A_1457] : memref<8x4096x104xf32, #tpu.memory_space<vmem>>, vector<1x256x6xf32>
    %swap3A_1459 = vector.shape_cast %swap3A_1458 : vector<1x256x6xf32> to vector<256x6xf32>
    %swap3A_1460 = vector.shape_cast %get3A_1454 : vector<256x6xf32> to vector<1x256x6xf32>
    tpu.vector_store %arg3[%swap3A_1455, %swap3A_1456, %swap3A_1457], %swap3A_1460 {strides = array<i32>} : memref<8x4096x104xf32, #tpu.memory_space<vmem>>, vector<1x256x6xf32>,
    %mul3A_1461 = arith.mulf %get3A_1454, %get3A_1454 : vector<256x6xf32>
    %reduce_sum3A_1462 = arith.constant dense<0.000000e+00> : vector<256xf32>
    %reduce_sum3A_1463 = vector.multi_reduction <add>, %mul3A_1461, %reduce_sum3A_1462 [1] : vector<256x6xf32> to vector<256xf32>
    %broadcast_in_dim3A_1464 = vector.shape_cast %reduce_sum3A_1463 : vector<256xf32> to vector<256x1xf32>
    %swap3A_1465 = arith.constant 4 : index
    %swap3A_1466 = arith.constant 1280 : index
    %swap3A_1467 = arith.constant 96 : index
    %swap3A_1468 = vector.load %arg3[%swap3A_1465, %swap3A_1466, %swap3A_1467] : memref<8x4096x104xf32, #tpu.memory_space<vmem>>, vector<1x256x1xf32>
    %swap3A_1469 = vector.shape_cast %swap3A_1468 : vector<1x256x1xf32> to vector<256x1xf32>
    %swap3A_1470 = vector.shape_cast %broadcast_in_dim3A_1464 : vector<256x1xf32> to vector<1x256x1xf32>
    tpu.vector_store %arg3[%swap3A_1465, %swap3A_1466, %swap3A_1467], %swap3A_1470 {strides = array<i32>} : memref<8x4096x104xf32, #tpu.memory_space<vmem>>, vector<1x256x1xf32>,
    %get3A_1471 = arith.constant 70 : index
    %get3A_1472 = arith.constant 0 : index
    %get3A_1473 = arith.constant 0 : index
    %get3A_1474 = vector.load %arg1[%get3A_1471, %get3A_1472, %get3A_1473] : memref<128x256x6xf32, #tpu.memory_space<vmem>>, vector<1x256x6xf32>
    %get3A_1475 = vector.shape_cast %get3A_1474 : vector<1x256x6xf32> to vector<256x6xf32>
    %swap3A_1476 = arith.constant 4 : index
    %swap3A_1477 = arith.constant 1536 : index
    %swap3A_1478 = arith.constant 36 : index
    %swap3A_1479 = vector.load %arg3[%swap3A_1476, %swap3A_1477, %swap3A_1478] : memref<8x4096x104xf32, #tpu.memory_space<vmem>>, vector<1x256x6xf32>
    %swap3A_1480 = vector.shape_cast %swap3A_1479 : vector<1x256x6xf32> to vector<256x6xf32>
    %swap3A_1481 = vector.shape_cast %get3A_1475 : vector<256x6xf32> to vector<1x256x6xf32>
    tpu.vector_store %arg3[%swap3A_1476, %swap3A_1477, %swap3A_1478], %swap3A_1481 {strides = array<i32>} : memref<8x4096x104xf32, #tpu.memory_space<vmem>>, vector<1x256x6xf32>,
    %mul3A_1482 = arith.mulf %get3A_1475, %get3A_1475 : vector<256x6xf32>
    %reduce_sum3A_1483 = arith.constant dense<0.000000e+00> : vector<256xf32>
    %reduce_sum3A_1484 = vector.multi_reduction <add>, %mul3A_1482, %reduce_sum3A_1483 [1] : vector<256x6xf32> to vector<256xf32>
    %broadcast_in_dim3A_1485 = vector.shape_cast %reduce_sum3A_1484 : vector<256xf32> to vector<256x1xf32>
    %swap3A_1486 = arith.constant 4 : index
    %swap3A_1487 = arith.constant 1536 : index
    %swap3A_1488 = arith.constant 96 : index
    %swap3A_1489 = vector.load %arg3[%swap3A_1486, %swap3A_1487, %swap3A_1488] : memref<8x4096x104xf32, #tpu.memory_space<vmem>>, vector<1x256x1xf32>
    %swap3A_1490 = vector.shape_cast %swap3A_1489 : vector<1x256x1xf32> to vector<256x1xf32>
    %swap3A_1491 = vector.shape_cast %broadcast_in_dim3A_1485 : vector<256x1xf32> to vector<1x256x1xf32>
    tpu.vector_store %arg3[%swap3A_1486, %swap3A_1487, %swap3A_1488], %swap3A_1491 {strides = array<i32>} : memref<8x4096x104xf32, #tpu.memory_space<vmem>>, vector<1x256x1xf32>,
    %get3A_1492 = arith.constant 71 : index
    %get3A_1493 = arith.constant 0 : index
    %get3A_1494 = arith.constant 0 : index
    %get3A_1495 = vector.load %arg1[%get3A_1492, %get3A_1493, %get3A_1494] : memref<128x256x6xf32, #tpu.memory_space<vmem>>, vector<1x256x6xf32>
    %get3A_1496 = vector.shape_cast %get3A_1495 : vector<1x256x6xf32> to vector<256x6xf32>
    %swap3A_1497 = arith.constant 4 : index
    %swap3A_1498 = arith.constant 1792 : index
    %swap3A_1499 = arith.constant 42 : index
    %swap3A_1500 = vector.load %arg3[%swap3A_1497, %swap3A_1498, %swap3A_1499] : memref<8x4096x104xf32, #tpu.memory_space<vmem>>, vector<1x256x6xf32>
    %swap3A_1501 = vector.shape_cast %swap3A_1500 : vector<1x256x6xf32> to vector<256x6xf32>
    %swap3A_1502 = vector.shape_cast %get3A_1496 : vector<256x6xf32> to vector<1x256x6xf32>
    tpu.vector_store %arg3[%swap3A_1497, %swap3A_1498, %swap3A_1499], %swap3A_1502 {strides = array<i32>} : memref<8x4096x104xf32, #tpu.memory_space<vmem>>, vector<1x256x6xf32>,
    %mul3A_1503 = arith.mulf %get3A_1496, %get3A_1496 : vector<256x6xf32>
    %reduce_sum3A_1504 = arith.constant dense<0.000000e+00> : vector<256xf32>
    %reduce_sum3A_1505 = vector.multi_reduction <add>, %mul3A_1503, %reduce_sum3A_1504 [1] : vector<256x6xf32> to vector<256xf32>
    %broadcast_in_dim3A_1506 = vector.shape_cast %reduce_sum3A_1505 : vector<256xf32> to vector<256x1xf32>
    %swap3A_1507 = arith.constant 4 : index
    %swap3A_1508 = arith.constant 1792 : index
    %swap3A_1509 = arith.constant 96 : index
    %swap3A_1510 = vector.load %arg3[%swap3A_1507, %swap3A_1508, %swap3A_1509] : memref<8x4096x104xf32, #tpu.memory_space<vmem>>, vector<1x256x1xf32>
    %swap3A_1511 = vector.shape_cast %swap3A_1510 : vector<1x256x1xf32> to vector<256x1xf32>
    %swap3A_1512 = vector.shape_cast %broadcast_in_dim3A_1506 : vector<256x1xf32> to vector<1x256x1xf32>
    tpu.vector_store %arg3[%swap3A_1507, %swap3A_1508, %swap3A_1509], %swap3A_1512 {strides = array<i32>} : memref<8x4096x104xf32, #tpu.memory_space<vmem>>, vector<1x256x1xf32>,
    %get3A_1513 = arith.constant 72 : index
    %get3A_1514 = arith.constant 0 : index
    %get3A_1515 = arith.constant 0 : index
    %get3A_1516 = vector.load %arg1[%get3A_1513, %get3A_1514, %get3A_1515] : memref<128x256x6xf32, #tpu.memory_space<vmem>>, vector<1x256x6xf32>
    %get3A_1517 = vector.shape_cast %get3A_1516 : vector<1x256x6xf32> to vector<256x6xf32>
    %swap3A_1518 = arith.constant 4 : index
    %swap3A_1519 = arith.constant 2048 : index
    %swap3A_1520 = arith.constant 48 : index
    %swap3A_1521 = vector.load %arg3[%swap3A_1518, %swap3A_1519, %swap3A_1520] : memref<8x4096x104xf32, #tpu.memory_space<vmem>>, vector<1x256x6xf32>
    %swap3A_1522 = vector.shape_cast %swap3A_1521 : vector<1x256x6xf32> to vector<256x6xf32>
    %swap3A_1523 = vector.shape_cast %get3A_1517 : vector<256x6xf32> to vector<1x256x6xf32>
    tpu.vector_store %arg3[%swap3A_1518, %swap3A_1519, %swap3A_1520], %swap3A_1523 {strides = array<i32>} : memref<8x4096x104xf32, #tpu.memory_space<vmem>>, vector<1x256x6xf32>,
    %mul3A_1524 = arith.mulf %get3A_1517, %get3A_1517 : vector<256x6xf32>
    %reduce_sum3A_1525 = arith.constant dense<0.000000e+00> : vector<256xf32>
    %reduce_sum3A_1526 = vector.multi_reduction <add>, %mul3A_1524, %reduce_sum3A_1525 [1] : vector<256x6xf32> to vector<256xf32>
    %broadcast_in_dim3A_1527 = vector.shape_cast %reduce_sum3A_1526 : vector<256xf32> to vector<256x1xf32>
    %swap3A_1528 = arith.constant 4 : index
    %swap3A_1529 = arith.constant 2048 : index
    %swap3A_1530 = arith.constant 96 : index
    %swap3A_1531 = vector.load %arg3[%swap3A_1528, %swap3A_1529, %swap3A_1530] : memref<8x4096x104xf32, #tpu.memory_space<vmem>>, vector<1x256x1xf32>
    %swap3A_1532 = vector.shape_cast %swap3A_1531 : vector<1x256x1xf32> to vector<256x1xf32>
    %swap3A_1533 = vector.shape_cast %broadcast_in_dim3A_1527 : vector<256x1xf32> to vector<1x256x1xf32>
    tpu.vector_store %arg3[%swap3A_1528, %swap3A_1529, %swap3A_1530], %swap3A_1533 {strides = array<i32>} : memref<8x4096x104xf32, #tpu.memory_space<vmem>>, vector<1x256x1xf32>,
    %get3A_1534 = arith.constant 73 : index
    %get3A_1535 = arith.constant 0 : index
    %get3A_1536 = arith.constant 0 : index
    %get3A_1537 = vector.load %arg1[%get3A_1534, %get3A_1535, %get3A_1536] : memref<128x256x6xf32, #tpu.memory_space<vmem>>, vector<1x256x6xf32>
    %get3A_1538 = vector.shape_cast %get3A_1537 : vector<1x256x6xf32> to vector<256x6xf32>
    %swap3A_1539 = arith.constant 4 : index
    %swap3A_1540 = arith.constant 2304 : index
    %swap3A_1541 = arith.constant 54 : index
    %swap3A_1542 = vector.load %arg3[%swap3A_1539, %swap3A_1540, %swap3A_1541] : memref<8x4096x104xf32, #tpu.memory_space<vmem>>, vector<1x256x6xf32>
    %swap3A_1543 = vector.shape_cast %swap3A_1542 : vector<1x256x6xf32> to vector<256x6xf32>
    %swap3A_1544 = vector.shape_cast %get3A_1538 : vector<256x6xf32> to vector<1x256x6xf32>
    tpu.vector_store %arg3[%swap3A_1539, %swap3A_1540, %swap3A_1541], %swap3A_1544 {strides = array<i32>} : memref<8x4096x104xf32, #tpu.memory_space<vmem>>, vector<1x256x6xf32>,
    %mul3A_1545 = arith.mulf %get3A_1538, %get3A_1538 : vector<256x6xf32>
    %reduce_sum3A_1546 = arith.constant dense<0.000000e+00> : vector<256xf32>
    %reduce_sum3A_1547 = vector.multi_reduction <add>, %mul3A_1545, %reduce_sum3A_1546 [1] : vector<256x6xf32> to vector<256xf32>
    %broadcast_in_dim3A_1548 = vector.shape_cast %reduce_sum3A_1547 : vector<256xf32> to vector<256x1xf32>
    %swap3A_1549 = arith.constant 4 : index
    %swap3A_1550 = arith.constant 2304 : index
    %swap3A_1551 = arith.constant 96 : index
    %swap3A_1552 = vector.load %arg3[%swap3A_1549, %swap3A_1550, %swap3A_1551] : memref<8x4096x104xf32, #tpu.memory_space<vmem>>, vector<1x256x1xf32>
    %swap3A_1553 = vector.shape_cast %swap3A_1552 : vector<1x256x1xf32> to vector<256x1xf32>
    %swap3A_1554 = vector.shape_cast %broadcast_in_dim3A_1548 : vector<256x1xf32> to vector<1x256x1xf32>
    tpu.vector_store %arg3[%swap3A_1549, %swap3A_1550, %swap3A_1551], %swap3A_1554 {strides = array<i32>} : memref<8x4096x104xf32, #tpu.memory_space<vmem>>, vector<1x256x1xf32>,
    %get3A_1555 = arith.constant 74 : index
    %get3A_1556 = arith.constant 0 : index
    %get3A_1557 = arith.constant 0 : index
    %get3A_1558 = vector.load %arg1[%get3A_1555, %get3A_1556, %get3A_1557] : memref<128x256x6xf32, #tpu.memory_space<vmem>>, vector<1x256x6xf32>
    %get3A_1559 = vector.shape_cast %get3A_1558 : vector<1x256x6xf32> to vector<256x6xf32>
    %swap3A_1560 = arith.constant 4 : index
    %swap3A_1561 = arith.constant 2560 : index
    %swap3A_1562 = arith.constant 60 : index
    %swap3A_1563 = vector.load %arg3[%swap3A_1560, %swap3A_1561, %swap3A_1562] : memref<8x4096x104xf32, #tpu.memory_space<vmem>>, vector<1x256x6xf32>
    %swap3A_1564 = vector.shape_cast %swap3A_1563 : vector<1x256x6xf32> to vector<256x6xf32>
    %swap3A_1565 = vector.shape_cast %get3A_1559 : vector<256x6xf32> to vector<1x256x6xf32>
    tpu.vector_store %arg3[%swap3A_1560, %swap3A_1561, %swap3A_1562], %swap3A_1565 {strides = array<i32>} : memref<8x4096x104xf32, #tpu.memory_space<vmem>>, vector<1x256x6xf32>,
    %mul3A_1566 = arith.mulf %get3A_1559, %get3A_1559 : vector<256x6xf32>
    %reduce_sum3A_1567 = arith.constant dense<0.000000e+00> : vector<256xf32>
    %reduce_sum3A_1568 = vector.multi_reduction <add>, %mul3A_1566, %reduce_sum3A_1567 [1] : vector<256x6xf32> to vector<256xf32>
    %broadcast_in_dim3A_1569 = vector.shape_cast %reduce_sum3A_1568 : vector<256xf32> to vector<256x1xf32>
    %swap3A_1570 = arith.constant 4 : index
    %swap3A_1571 = arith.constant 2560 : index
    %swap3A_1572 = arith.constant 96 : index
    %swap3A_1573 = vector.load %arg3[%swap3A_1570, %swap3A_1571, %swap3A_1572] : memref<8x4096x104xf32, #tpu.memory_space<vmem>>, vector<1x256x1xf32>
    %swap3A_1574 = vector.shape_cast %swap3A_1573 : vector<1x256x1xf32> to vector<256x1xf32>
    %swap3A_1575 = vector.shape_cast %broadcast_in_dim3A_1569 : vector<256x1xf32> to vector<1x256x1xf32>
    tpu.vector_store %arg3[%swap3A_1570, %swap3A_1571, %swap3A_1572], %swap3A_1575 {strides = array<i32>} : memref<8x4096x104xf32, #tpu.memory_space<vmem>>, vector<1x256x1xf32>,
    %get3A_1576 = arith.constant 75 : index
    %get3A_1577 = arith.constant 0 : index
    %get3A_1578 = arith.constant 0 : index
    %get3A_1579 = vector.load %arg1[%get3A_1576, %get3A_1577, %get3A_1578] : memref<128x256x6xf32, #tpu.memory_space<vmem>>, vector<1x256x6xf32>
    %get3A_1580 = vector.shape_cast %get3A_1579 : vector<1x256x6xf32> to vector<256x6xf32>
    %swap3A_1581 = arith.constant 4 : index
    %swap3A_1582 = arith.constant 2816 : index
    %swap3A_1583 = arith.constant 66 : index
    %swap3A_1584 = vector.load %arg3[%swap3A_1581, %swap3A_1582, %swap3A_1583] : memref<8x4096x104xf32, #tpu.memory_space<vmem>>, vector<1x256x6xf32>
    %swap3A_1585 = vector.shape_cast %swap3A_1584 : vector<1x256x6xf32> to vector<256x6xf32>
    %swap3A_1586 = vector.shape_cast %get3A_1580 : vector<256x6xf32> to vector<1x256x6xf32>
    tpu.vector_store %arg3[%swap3A_1581, %swap3A_1582, %swap3A_1583], %swap3A_1586 {strides = array<i32>} : memref<8x4096x104xf32, #tpu.memory_space<vmem>>, vector<1x256x6xf32>,
    %mul3A_1587 = arith.mulf %get3A_1580, %get3A_1580 : vector<256x6xf32>
    %reduce_sum3A_1588 = arith.constant dense<0.000000e+00> : vector<256xf32>
    %reduce_sum3A_1589 = vector.multi_reduction <add>, %mul3A_1587, %reduce_sum3A_1588 [1] : vector<256x6xf32> to vector<256xf32>
    %broadcast_in_dim3A_1590 = vector.shape_cast %reduce_sum3A_1589 : vector<256xf32> to vector<256x1xf32>
    %swap3A_1591 = arith.constant 4 : index
    %swap3A_1592 = arith.constant 2816 : index
    %swap3A_1593 = arith.constant 96 : index
    %swap3A_1594 = vector.load %arg3[%swap3A_1591, %swap3A_1592, %swap3A_1593] : memref<8x4096x104xf32, #tpu.memory_space<vmem>>, vector<1x256x1xf32>
    %swap3A_1595 = vector.shape_cast %swap3A_1594 : vector<1x256x1xf32> to vector<256x1xf32>
    %swap3A_1596 = vector.shape_cast %broadcast_in_dim3A_1590 : vector<256x1xf32> to vector<1x256x1xf32>
    tpu.vector_store %arg3[%swap3A_1591, %swap3A_1592, %swap3A_1593], %swap3A_1596 {strides = array<i32>} : memref<8x4096x104xf32, #tpu.memory_space<vmem>>, vector<1x256x1xf32>,
    %get3A_1597 = arith.constant 76 : index
    %get3A_1598 = arith.constant 0 : index
    %get3A_1599 = arith.constant 0 : index
    %get3A_1600 = vector.load %arg1[%get3A_1597, %get3A_1598, %get3A_1599] : memref<128x256x6xf32, #tpu.memory_space<vmem>>, vector<1x256x6xf32>
    %get3A_1601 = vector.shape_cast %get3A_1600 : vector<1x256x6xf32> to vector<256x6xf32>
    %swap3A_1602 = arith.constant 4 : index
    %swap3A_1603 = arith.constant 3072 : index
    %swap3A_1604 = arith.constant 72 : index
    %swap3A_1605 = vector.load %arg3[%swap3A_1602, %swap3A_1603, %swap3A_1604] : memref<8x4096x104xf32, #tpu.memory_space<vmem>>, vector<1x256x6xf32>
    %swap3A_1606 = vector.shape_cast %swap3A_1605 : vector<1x256x6xf32> to vector<256x6xf32>
    %swap3A_1607 = vector.shape_cast %get3A_1601 : vector<256x6xf32> to vector<1x256x6xf32>
    tpu.vector_store %arg3[%swap3A_1602, %swap3A_1603, %swap3A_1604], %swap3A_1607 {strides = array<i32>} : memref<8x4096x104xf32, #tpu.memory_space<vmem>>, vector<1x256x6xf32>,
    %mul3A_1608 = arith.mulf %get3A_1601, %get3A_1601 : vector<256x6xf32>
    %reduce_sum3A_1609 = arith.constant dense<0.000000e+00> : vector<256xf32>
    %reduce_sum3A_1610 = vector.multi_reduction <add>, %mul3A_1608, %reduce_sum3A_1609 [1] : vector<256x6xf32> to vector<256xf32>
    %broadcast_in_dim3A_1611 = vector.shape_cast %reduce_sum3A_1610 : vector<256xf32> to vector<256x1xf32>
    %swap3A_1612 = arith.constant 4 : index
    %swap3A_1613 = arith.constant 3072 : index
    %swap3A_1614 = arith.constant 96 : index
    %swap3A_1615 = vector.load %arg3[%swap3A_1612, %swap3A_1613, %swap3A_1614] : memref<8x4096x104xf32, #tpu.memory_space<vmem>>, vector<1x256x1xf32>
    %swap3A_1616 = vector.shape_cast %swap3A_1615 : vector<1x256x1xf32> to vector<256x1xf32>
    %swap3A_1617 = vector.shape_cast %broadcast_in_dim3A_1611 : vector<256x1xf32> to vector<1x256x1xf32>
    tpu.vector_store %arg3[%swap3A_1612, %swap3A_1613, %swap3A_1614], %swap3A_1617 {strides = array<i32>} : memref<8x4096x104xf32, #tpu.memory_space<vmem>>, vector<1x256x1xf32>,
    %get3A_1618 = arith.constant 77 : index
    %get3A_1619 = arith.constant 0 : index
    %get3A_1620 = arith.constant 0 : index
    %get3A_1621 = vector.load %arg1[%get3A_1618, %get3A_1619, %get3A_1620] : memref<128x256x6xf32, #tpu.memory_space<vmem>>, vector<1x256x6xf32>
    %get3A_1622 = vector.shape_cast %get3A_1621 : vector<1x256x6xf32> to vector<256x6xf32>
    %swap3A_1623 = arith.constant 4 : index
    %swap3A_1624 = arith.constant 3328 : index
    %swap3A_1625 = arith.constant 78 : index
    %swap3A_1626 = vector.load %arg3[%swap3A_1623, %swap3A_1624, %swap3A_1625] : memref<8x4096x104xf32, #tpu.memory_space<vmem>>, vector<1x256x6xf32>
    %swap3A_1627 = vector.shape_cast %swap3A_1626 : vector<1x256x6xf32> to vector<256x6xf32>
    %swap3A_1628 = vector.shape_cast %get3A_1622 : vector<256x6xf32> to vector<1x256x6xf32>
    tpu.vector_store %arg3[%swap3A_1623, %swap3A_1624, %swap3A_1625], %swap3A_1628 {strides = array<i32>} : memref<8x4096x104xf32, #tpu.memory_space<vmem>>, vector<1x256x6xf32>,
    %mul3A_1629 = arith.mulf %get3A_1622, %get3A_1622 : vector<256x6xf32>
    %reduce_sum3A_1630 = arith.constant dense<0.000000e+00> : vector<256xf32>
    %reduce_sum3A_1631 = vector.multi_reduction <add>, %mul3A_1629, %reduce_sum3A_1630 [1] : vector<256x6xf32> to vector<256xf32>
    %broadcast_in_dim3A_1632 = vector.shape_cast %reduce_sum3A_1631 : vector<256xf32> to vector<256x1xf32>
    %swap3A_1633 = arith.constant 4 : index
    %swap3A_1634 = arith.constant 3328 : index
    %swap3A_1635 = arith.constant 96 : index
    %swap3A_1636 = vector.load %arg3[%swap3A_1633, %swap3A_1634, %swap3A_1635] : memref<8x4096x104xf32, #tpu.memory_space<vmem>>, vector<1x256x1xf32>
    %swap3A_1637 = vector.shape_cast %swap3A_1636 : vector<1x256x1xf32> to vector<256x1xf32>
    %swap3A_1638 = vector.shape_cast %broadcast_in_dim3A_1632 : vector<256x1xf32> to vector<1x256x1xf32>
    tpu.vector_store %arg3[%swap3A_1633, %swap3A_1634, %swap3A_1635], %swap3A_1638 {strides = array<i32>} : memref<8x4096x104xf32, #tpu.memory_space<vmem>>, vector<1x256x1xf32>,
    %get3A_1639 = arith.constant 78 : index
    %get3A_1640 = arith.constant 0 : index
    %get3A_1641 = arith.constant 0 : index
    %get3A_1642 = vector.load %arg1[%get3A_1639, %get3A_1640, %get3A_1641] : memref<128x256x6xf32, #tpu.memory_space<vmem>>, vector<1x256x6xf32>
    %get3A_1643 = vector.shape_cast %get3A_1642 : vector<1x256x6xf32> to vector<256x6xf32>
    %swap3A_1644 = arith.constant 4 : index
    %swap3A_1645 = arith.constant 3584 : index
    %swap3A_1646 = arith.constant 84 : index
    %swap3A_1647 = vector.load %arg3[%swap3A_1644, %swap3A_1645, %swap3A_1646] : memref<8x4096x104xf32, #tpu.memory_space<vmem>>, vector<1x256x6xf32>
    %swap3A_1648 = vector.shape_cast %swap3A_1647 : vector<1x256x6xf32> to vector<256x6xf32>
    %swap3A_1649 = vector.shape_cast %get3A_1643 : vector<256x6xf32> to vector<1x256x6xf32>
    tpu.vector_store %arg3[%swap3A_1644, %swap3A_1645, %swap3A_1646], %swap3A_1649 {strides = array<i32>} : memref<8x4096x104xf32, #tpu.memory_space<vmem>>, vector<1x256x6xf32>,
    %mul3A_1650 = arith.mulf %get3A_1643, %get3A_1643 : vector<256x6xf32>
    %reduce_sum3A_1651 = arith.constant dense<0.000000e+00> : vector<256xf32>
    %reduce_sum3A_1652 = vector.multi_reduction <add>, %mul3A_1650, %reduce_sum3A_1651 [1] : vector<256x6xf32> to vector<256xf32>
    %broadcast_in_dim3A_1653 = vector.shape_cast %reduce_sum3A_1652 : vector<256xf32> to vector<256x1xf32>
    %swap3A_1654 = arith.constant 4 : index
    %swap3A_1655 = arith.constant 3584 : index
    %swap3A_1656 = arith.constant 96 : index
    %swap3A_1657 = vector.load %arg3[%swap3A_1654, %swap3A_1655, %swap3A_1656] : memref<8x4096x104xf32, #tpu.memory_space<vmem>>, vector<1x256x1xf32>
    %swap3A_1658 = vector.shape_cast %swap3A_1657 : vector<1x256x1xf32> to vector<256x1xf32>
    %swap3A_1659 = vector.shape_cast %broadcast_in_dim3A_1653 : vector<256x1xf32> to vector<1x256x1xf32>
    tpu.vector_store %arg3[%swap3A_1654, %swap3A_1655, %swap3A_1656], %swap3A_1659 {strides = array<i32>} : memref<8x4096x104xf32, #tpu.memory_space<vmem>>, vector<1x256x1xf32>,
    %get3A_1660 = arith.constant 79 : index
    %get3A_1661 = arith.constant 0 : index
    %get3A_1662 = arith.constant 0 : index
    %get3A_1663 = vector.load %arg1[%get3A_1660, %get3A_1661, %get3A_1662] : memref<128x256x6xf32, #tpu.memory_space<vmem>>, vector<1x256x6xf32>
    %get3A_1664 = vector.shape_cast %get3A_1663 : vector<1x256x6xf32> to vector<256x6xf32>
    %swap3A_1665 = arith.constant 4 : index
    %swap3A_1666 = arith.constant 3840 : index
    %swap3A_1667 = arith.constant 90 : index
    %swap3A_1668 = vector.load %arg3[%swap3A_1665, %swap3A_1666, %swap3A_1667] : memref<8x4096x104xf32, #tpu.memory_space<vmem>>, vector<1x256x6xf32>
    %swap3A_1669 = vector.shape_cast %swap3A_1668 : vector<1x256x6xf32> to vector<256x6xf32>
    %swap3A_1670 = vector.shape_cast %get3A_1664 : vector<256x6xf32> to vector<1x256x6xf32>
    tpu.vector_store %arg3[%swap3A_1665, %swap3A_1666, %swap3A_1667], %swap3A_1670 {strides = array<i32>} : memref<8x4096x104xf32, #tpu.memory_space<vmem>>, vector<1x256x6xf32>,
    %mul3A_1671 = arith.mulf %get3A_1664, %get3A_1664 : vector<256x6xf32>
    %reduce_sum3A_1672 = arith.constant dense<0.000000e+00> : vector<256xf32>
    %reduce_sum3A_1673 = vector.multi_reduction <add>, %mul3A_1671, %reduce_sum3A_1672 [1] : vector<256x6xf32> to vector<256xf32>
    %broadcast_in_dim3A_1674 = vector.shape_cast %reduce_sum3A_1673 : vector<256xf32> to vector<256x1xf32>
    %swap3A_1675 = arith.constant 4 : index
    %swap3A_1676 = arith.constant 3840 : index
    %swap3A_1677 = arith.constant 96 : index
    %swap3A_1678 = vector.load %arg3[%swap3A_1675, %swap3A_1676, %swap3A_1677] : memref<8x4096x104xf32, #tpu.memory_space<vmem>>, vector<1x256x1xf32>
    %swap3A_1679 = vector.shape_cast %swap3A_1678 : vector<1x256x1xf32> to vector<256x1xf32>
    %swap3A_1680 = vector.shape_cast %broadcast_in_dim3A_1674 : vector<256x1xf32> to vector<1x256x1xf32>
    tpu.vector_store %arg3[%swap3A_1675, %swap3A_1676, %swap3A_1677], %swap3A_1680 {strides = array<i32>} : memref<8x4096x104xf32, #tpu.memory_space<vmem>>, vector<1x256x1xf32>,
    %get3A_1681 = arith.constant 80 : index
    %get3A_1682 = arith.constant 0 : index
    %get3A_1683 = arith.constant 0 : index
    %get3A_1684 = vector.load %arg1[%get3A_1681, %get3A_1682, %get3A_1683] : memref<128x256x6xf32, #tpu.memory_space<vmem>>, vector<1x256x6xf32>
    %get3A_1685 = vector.shape_cast %get3A_1684 : vector<1x256x6xf32> to vector<256x6xf32>
    %swap3A_1686 = arith.constant 5 : index
    %swap3A_1687 = arith.constant 0 : index
    %swap3A_1688 = arith.constant 0 : index
    %swap3A_1689 = vector.load %arg3[%swap3A_1686, %swap3A_1687, %swap3A_1688] : memref<8x4096x104xf32, #tpu.memory_space<vmem>>, vector<1x256x6xf32>
    %swap3A_1690 = vector.shape_cast %swap3A_1689 : vector<1x256x6xf32> to vector<256x6xf32>
    %swap3A_1691 = vector.shape_cast %get3A_1685 : vector<256x6xf32> to vector<1x256x6xf32>
    tpu.vector_store %arg3[%swap3A_1686, %swap3A_1687, %swap3A_1688], %swap3A_1691 {strides = array<i32>} : memref<8x4096x104xf32, #tpu.memory_space<vmem>>, vector<1x256x6xf32>,
    %mul3A_1692 = arith.mulf %get3A_1685, %get3A_1685 : vector<256x6xf32>
    %reduce_sum3A_1693 = arith.constant dense<0.000000e+00> : vector<256xf32>
    %reduce_sum3A_1694 = vector.multi_reduction <add>, %mul3A_1692, %reduce_sum3A_1693 [1] : vector<256x6xf32> to vector<256xf32>
    %broadcast_in_dim3A_1695 = vector.shape_cast %reduce_sum3A_1694 : vector<256xf32> to vector<256x1xf32>
    %swap3A_1696 = arith.constant 5 : index
    %swap3A_1697 = arith.constant 0 : index
    %swap3A_1698 = arith.constant 96 : index
    %swap3A_1699 = vector.load %arg3[%swap3A_1696, %swap3A_1697, %swap3A_1698] : memref<8x4096x104xf32, #tpu.memory_space<vmem>>, vector<1x256x1xf32>
    %swap3A_1700 = vector.shape_cast %swap3A_1699 : vector<1x256x1xf32> to vector<256x1xf32>
    %swap3A_1701 = vector.shape_cast %broadcast_in_dim3A_1695 : vector<256x1xf32> to vector<1x256x1xf32>
    tpu.vector_store %arg3[%swap3A_1696, %swap3A_1697, %swap3A_1698], %swap3A_1701 {strides = array<i32>} : memref<8x4096x104xf32, #tpu.memory_space<vmem>>, vector<1x256x1xf32>,
    %get3A_1702 = arith.constant 81 : index
    %get3A_1703 = arith.constant 0 : index
    %get3A_1704 = arith.constant 0 : index
    %get3A_1705 = vector.load %arg1[%get3A_1702, %get3A_1703, %get3A_1704] : memref<128x256x6xf32, #tpu.memory_space<vmem>>, vector<1x256x6xf32>
    %get3A_1706 = vector.shape_cast %get3A_1705 : vector<1x256x6xf32> to vector<256x6xf32>
    %swap3A_1707 = arith.constant 5 : index
    %swap3A_1708 = arith.constant 256 : index
    %swap3A_1709 = arith.constant 6 : index
    %swap3A_1710 = vector.load %arg3[%swap3A_1707, %swap3A_1708, %swap3A_1709] : memref<8x4096x104xf32, #tpu.memory_space<vmem>>, vector<1x256x6xf32>
    %swap3A_1711 = vector.shape_cast %swap3A_1710 : vector<1x256x6xf32> to vector<256x6xf32>
    %swap3A_1712 = vector.shape_cast %get3A_1706 : vector<256x6xf32> to vector<1x256x6xf32>
    tpu.vector_store %arg3[%swap3A_1707, %swap3A_1708, %swap3A_1709], %swap3A_1712 {strides = array<i32>} : memref<8x4096x104xf32, #tpu.memory_space<vmem>>, vector<1x256x6xf32>,
    %mul3A_1713 = arith.mulf %get3A_1706, %get3A_1706 : vector<256x6xf32>
    %reduce_sum3A_1714 = arith.constant dense<0.000000e+00> : vector<256xf32>
    %reduce_sum3A_1715 = vector.multi_reduction <add>, %mul3A_1713, %reduce_sum3A_1714 [1] : vector<256x6xf32> to vector<256xf32>
    %broadcast_in_dim3A_1716 = vector.shape_cast %reduce_sum3A_1715 : vector<256xf32> to vector<256x1xf32>
    %swap3A_1717 = arith.constant 5 : index
    %swap3A_1718 = arith.constant 256 : index
    %swap3A_1719 = arith.constant 96 : index
    %swap3A_1720 = vector.load %arg3[%swap3A_1717, %swap3A_1718, %swap3A_1719] : memref<8x4096x104xf32, #tpu.memory_space<vmem>>, vector<1x256x1xf32>
    %swap3A_1721 = vector.shape_cast %swap3A_1720 : vector<1x256x1xf32> to vector<256x1xf32>
    %swap3A_1722 = vector.shape_cast %broadcast_in_dim3A_1716 : vector<256x1xf32> to vector<1x256x1xf32>
    tpu.vector_store %arg3[%swap3A_1717, %swap3A_1718, %swap3A_1719], %swap3A_1722 {strides = array<i32>} : memref<8x4096x104xf32, #tpu.memory_space<vmem>>, vector<1x256x1xf32>,
    %get3A_1723 = arith.constant 82 : index
    %get3A_1724 = arith.constant 0 : index
    %get3A_1725 = arith.constant 0 : index
    %get3A_1726 = vector.load %arg1[%get3A_1723, %get3A_1724, %get3A_1725] : memref<128x256x6xf32, #tpu.memory_space<vmem>>, vector<1x256x6xf32>
    %get3A_1727 = vector.shape_cast %get3A_1726 : vector<1x256x6xf32> to vector<256x6xf32>
    %swap3A_1728 = arith.constant 5 : index
    %swap3A_1729 = arith.constant 512 : index
    %swap3A_1730 = arith.constant 12 : index
    %swap3A_1731 = vector.load %arg3[%swap3A_1728, %swap3A_1729, %swap3A_1730] : memref<8x4096x104xf32, #tpu.memory_space<vmem>>, vector<1x256x6xf32>
    %swap3A_1732 = vector.shape_cast %swap3A_1731 : vector<1x256x6xf32> to vector<256x6xf32>
    %swap3A_1733 = vector.shape_cast %get3A_1727 : vector<256x6xf32> to vector<1x256x6xf32>
    tpu.vector_store %arg3[%swap3A_1728, %swap3A_1729, %swap3A_1730], %swap3A_1733 {strides = array<i32>} : memref<8x4096x104xf32, #tpu.memory_space<vmem>>, vector<1x256x6xf32>,
    %mul3A_1734 = arith.mulf %get3A_1727, %get3A_1727 : vector<256x6xf32>
    %reduce_sum3A_1735 = arith.constant dense<0.000000e+00> : vector<256xf32>
    %reduce_sum3A_1736 = vector.multi_reduction <add>, %mul3A_1734, %reduce_sum3A_1735 [1] : vector<256x6xf32> to vector<256xf32>
    %broadcast_in_dim3A_1737 = vector.shape_cast %reduce_sum3A_1736 : vector<256xf32> to vector<256x1xf32>
    %swap3A_1738 = arith.constant 5 : index
    %swap3A_1739 = arith.constant 512 : index
    %swap3A_1740 = arith.constant 96 : index
    %swap3A_1741 = vector.load %arg3[%swap3A_1738, %swap3A_1739, %swap3A_1740] : memref<8x4096x104xf32, #tpu.memory_space<vmem>>, vector<1x256x1xf32>
    %swap3A_1742 = vector.shape_cast %swap3A_1741 : vector<1x256x1xf32> to vector<256x1xf32>
    %swap3A_1743 = vector.shape_cast %broadcast_in_dim3A_1737 : vector<256x1xf32> to vector<1x256x1xf32>
    tpu.vector_store %arg3[%swap3A_1738, %swap3A_1739, %swap3A_1740], %swap3A_1743 {strides = array<i32>} : memref<8x4096x104xf32, #tpu.memory_space<vmem>>, vector<1x256x1xf32>,
    %get3A_1744 = arith.constant 83 : index
    %get3A_1745 = arith.constant 0 : index
    %get3A_1746 = arith.constant 0 : index
    %get3A_1747 = vector.load %arg1[%get3A_1744, %get3A_1745, %get3A_1746] : memref<128x256x6xf32, #tpu.memory_space<vmem>>, vector<1x256x6xf32>
    %get3A_1748 = vector.shape_cast %get3A_1747 : vector<1x256x6xf32> to vector<256x6xf32>
    %swap3A_1749 = arith.constant 5 : index
    %swap3A_1750 = arith.constant 768 : index
    %swap3A_1751 = arith.constant 18 : index
    %swap3A_1752 = vector.load %arg3[%swap3A_1749, %swap3A_1750, %swap3A_1751] : memref<8x4096x104xf32, #tpu.memory_space<vmem>>, vector<1x256x6xf32>
    %swap3A_1753 = vector.shape_cast %swap3A_1752 : vector<1x256x6xf32> to vector<256x6xf32>
    %swap3A_1754 = vector.shape_cast %get3A_1748 : vector<256x6xf32> to vector<1x256x6xf32>
    tpu.vector_store %arg3[%swap3A_1749, %swap3A_1750, %swap3A_1751], %swap3A_1754 {strides = array<i32>} : memref<8x4096x104xf32, #tpu.memory_space<vmem>>, vector<1x256x6xf32>,
    %mul3A_1755 = arith.mulf %get3A_1748, %get3A_1748 : vector<256x6xf32>
    %reduce_sum3A_1756 = arith.constant dense<0.000000e+00> : vector<256xf32>
    %reduce_sum3A_1757 = vector.multi_reduction <add>, %mul3A_1755, %reduce_sum3A_1756 [1] : vector<256x6xf32> to vector<256xf32>
    %broadcast_in_dim3A_1758 = vector.shape_cast %reduce_sum3A_1757 : vector<256xf32> to vector<256x1xf32>
    %swap3A_1759 = arith.constant 5 : index
    %swap3A_1760 = arith.constant 768 : index
    %swap3A_1761 = arith.constant 96 : index
    %swap3A_1762 = vector.load %arg3[%swap3A_1759, %swap3A_1760, %swap3A_1761] : memref<8x4096x104xf32, #tpu.memory_space<vmem>>, vector<1x256x1xf32>
    %swap3A_1763 = vector.shape_cast %swap3A_1762 : vector<1x256x1xf32> to vector<256x1xf32>
    %swap3A_1764 = vector.shape_cast %broadcast_in_dim3A_1758 : vector<256x1xf32> to vector<1x256x1xf32>
    tpu.vector_store %arg3[%swap3A_1759, %swap3A_1760, %swap3A_1761], %swap3A_1764 {strides = array<i32>} : memref<8x4096x104xf32, #tpu.memory_space<vmem>>, vector<1x256x1xf32>,
    %get3A_1765 = arith.constant 84 : index
    %get3A_1766 = arith.constant 0 : index
    %get3A_1767 = arith.constant 0 : index
    %get3A_1768 = vector.load %arg1[%get3A_1765, %get3A_1766, %get3A_1767] : memref<128x256x6xf32, #tpu.memory_space<vmem>>, vector<1x256x6xf32>
    %get3A_1769 = vector.shape_cast %get3A_1768 : vector<1x256x6xf32> to vector<256x6xf32>
    %swap3A_1770 = arith.constant 5 : index
    %swap3A_1771 = arith.constant 1024 : index
    %swap3A_1772 = arith.constant 24 : index
    %swap3A_1773 = vector.load %arg3[%swap3A_1770, %swap3A_1771, %swap3A_1772] : memref<8x4096x104xf32, #tpu.memory_space<vmem>>, vector<1x256x6xf32>
    %swap3A_1774 = vector.shape_cast %swap3A_1773 : vector<1x256x6xf32> to vector<256x6xf32>
    %swap3A_1775 = vector.shape_cast %get3A_1769 : vector<256x6xf32> to vector<1x256x6xf32>
    tpu.vector_store %arg3[%swap3A_1770, %swap3A_1771, %swap3A_1772], %swap3A_1775 {strides = array<i32>} : memref<8x4096x104xf32, #tpu.memory_space<vmem>>, vector<1x256x6xf32>,
    %mul3A_1776 = arith.mulf %get3A_1769, %get3A_1769 : vector<256x6xf32>
    %reduce_sum3A_1777 = arith.constant dense<0.000000e+00> : vector<256xf32>
    %reduce_sum3A_1778 = vector.multi_reduction <add>, %mul3A_1776, %reduce_sum3A_1777 [1] : vector<256x6xf32> to vector<256xf32>
    %broadcast_in_dim3A_1779 = vector.shape_cast %reduce_sum3A_1778 : vector<256xf32> to vector<256x1xf32>
    %swap3A_1780 = arith.constant 5 : index
    %swap3A_1781 = arith.constant 1024 : index
    %swap3A_1782 = arith.constant 96 : index
    %swap3A_1783 = vector.load %arg3[%swap3A_1780, %swap3A_1781, %swap3A_1782] : memref<8x4096x104xf32, #tpu.memory_space<vmem>>, vector<1x256x1xf32>
    %swap3A_1784 = vector.shape_cast %swap3A_1783 : vector<1x256x1xf32> to vector<256x1xf32>
    %swap3A_1785 = vector.shape_cast %broadcast_in_dim3A_1779 : vector<256x1xf32> to vector<1x256x1xf32>
    tpu.vector_store %arg3[%swap3A_1780, %swap3A_1781, %swap3A_1782], %swap3A_1785 {strides = array<i32>} : memref<8x4096x104xf32, #tpu.memory_space<vmem>>, vector<1x256x1xf32>,
    %get3A_1786 = arith.constant 85 : index
    %get3A_1787 = arith.constant 0 : index
    %get3A_1788 = arith.constant 0 : index
    %get3A_1789 = vector.load %arg1[%get3A_1786, %get3A_1787, %get3A_1788] : memref<128x256x6xf32, #tpu.memory_space<vmem>>, vector<1x256x6xf32>
    %get3A_1790 = vector.shape_cast %get3A_1789 : vector<1x256x6xf32> to vector<256x6xf32>
    %swap3A_1791 = arith.constant 5 : index
    %swap3A_1792 = arith.constant 1280 : index
    %swap3A_1793 = arith.constant 30 : index
    %swap3A_1794 = vector.load %arg3[%swap3A_1791, %swap3A_1792, %swap3A_1793] : memref<8x4096x104xf32, #tpu.memory_space<vmem>>, vector<1x256x6xf32>
    %swap3A_1795 = vector.shape_cast %swap3A_1794 : vector<1x256x6xf32> to vector<256x6xf32>
    %swap3A_1796 = vector.shape_cast %get3A_1790 : vector<256x6xf32> to vector<1x256x6xf32>
    tpu.vector_store %arg3[%swap3A_1791, %swap3A_1792, %swap3A_1793], %swap3A_1796 {strides = array<i32>} : memref<8x4096x104xf32, #tpu.memory_space<vmem>>, vector<1x256x6xf32>,
    %mul3A_1797 = arith.mulf %get3A_1790, %get3A_1790 : vector<256x6xf32>
    %reduce_sum3A_1798 = arith.constant dense<0.000000e+00> : vector<256xf32>
    %reduce_sum3A_1799 = vector.multi_reduction <add>, %mul3A_1797, %reduce_sum3A_1798 [1] : vector<256x6xf32> to vector<256xf32>
    %broadcast_in_dim3A_1800 = vector.shape_cast %reduce_sum3A_1799 : vector<256xf32> to vector<256x1xf32>
    %swap3A_1801 = arith.constant 5 : index
    %swap3A_1802 = arith.constant 1280 : index
    %swap3A_1803 = arith.constant 96 : index
    %swap3A_1804 = vector.load %arg3[%swap3A_1801, %swap3A_1802, %swap3A_1803] : memref<8x4096x104xf32, #tpu.memory_space<vmem>>, vector<1x256x1xf32>
    %swap3A_1805 = vector.shape_cast %swap3A_1804 : vector<1x256x1xf32> to vector<256x1xf32>
    %swap3A_1806 = vector.shape_cast %broadcast_in_dim3A_1800 : vector<256x1xf32> to vector<1x256x1xf32>
    tpu.vector_store %arg3[%swap3A_1801, %swap3A_1802, %swap3A_1803], %swap3A_1806 {strides = array<i32>} : memref<8x4096x104xf32, #tpu.memory_space<vmem>>, vector<1x256x1xf32>,
    %get3A_1807 = arith.constant 86 : index
    %get3A_1808 = arith.constant 0 : index
    %get3A_1809 = arith.constant 0 : index
    %get3A_1810 = vector.load %arg1[%get3A_1807, %get3A_1808, %get3A_1809] : memref<128x256x6xf32, #tpu.memory_space<vmem>>, vector<1x256x6xf32>
    %get3A_1811 = vector.shape_cast %get3A_1810 : vector<1x256x6xf32> to vector<256x6xf32>
    %swap3A_1812 = arith.constant 5 : index
    %swap3A_1813 = arith.constant 1536 : index
    %swap3A_1814 = arith.constant 36 : index
    %swap3A_1815 = vector.load %arg3[%swap3A_1812, %swap3A_1813, %swap3A_1814] : memref<8x4096x104xf32, #tpu.memory_space<vmem>>, vector<1x256x6xf32>
    %swap3A_1816 = vector.shape_cast %swap3A_1815 : vector<1x256x6xf32> to vector<256x6xf32>
    %swap3A_1817 = vector.shape_cast %get3A_1811 : vector<256x6xf32> to vector<1x256x6xf32>
    tpu.vector_store %arg3[%swap3A_1812, %swap3A_1813, %swap3A_1814], %swap3A_1817 {strides = array<i32>} : memref<8x4096x104xf32, #tpu.memory_space<vmem>>, vector<1x256x6xf32>,
    %mul3A_1818 = arith.mulf %get3A_1811, %get3A_1811 : vector<256x6xf32>
    %reduce_sum3A_1819 = arith.constant dense<0.000000e+00> : vector<256xf32>
    %reduce_sum3A_1820 = vector.multi_reduction <add>, %mul3A_1818, %reduce_sum3A_1819 [1] : vector<256x6xf32> to vector<256xf32>
    %broadcast_in_dim3A_1821 = vector.shape_cast %reduce_sum3A_1820 : vector<256xf32> to vector<256x1xf32>
    %swap3A_1822 = arith.constant 5 : index
    %swap3A_1823 = arith.constant 1536 : index
    %swap3A_1824 = arith.constant 96 : index
    %swap3A_1825 = vector.load %arg3[%swap3A_1822, %swap3A_1823, %swap3A_1824] : memref<8x4096x104xf32, #tpu.memory_space<vmem>>, vector<1x256x1xf32>
    %swap3A_1826 = vector.shape_cast %swap3A_1825 : vector<1x256x1xf32> to vector<256x1xf32>
    %swap3A_1827 = vector.shape_cast %broadcast_in_dim3A_1821 : vector<256x1xf32> to vector<1x256x1xf32>
    tpu.vector_store %arg3[%swap3A_1822, %swap3A_1823, %swap3A_1824], %swap3A_1827 {strides = array<i32>} : memref<8x4096x104xf32, #tpu.memory_space<vmem>>, vector<1x256x1xf32>,
    %get3A_1828 = arith.constant 87 : index
    %get3A_1829 = arith.constant 0 : index
    %get3A_1830 = arith.constant 0 : index
    %get3A_1831 = vector.load %arg1[%get3A_1828, %get3A_1829, %get3A_1830] : memref<128x256x6xf32, #tpu.memory_space<vmem>>, vector<1x256x6xf32>
    %get3A_1832 = vector.shape_cast %get3A_1831 : vector<1x256x6xf32> to vector<256x6xf32>
    %swap3A_1833 = arith.constant 5 : index
    %swap3A_1834 = arith.constant 1792 : index
    %swap3A_1835 = arith.constant 42 : index
    %swap3A_1836 = vector.load %arg3[%swap3A_1833, %swap3A_1834, %swap3A_1835] : memref<8x4096x104xf32, #tpu.memory_space<vmem>>, vector<1x256x6xf32>
    %swap3A_1837 = vector.shape_cast %swap3A_1836 : vector<1x256x6xf32> to vector<256x6xf32>
    %swap3A_1838 = vector.shape_cast %get3A_1832 : vector<256x6xf32> to vector<1x256x6xf32>
    tpu.vector_store %arg3[%swap3A_1833, %swap3A_1834, %swap3A_1835], %swap3A_1838 {strides = array<i32>} : memref<8x4096x104xf32, #tpu.memory_space<vmem>>, vector<1x256x6xf32>,
    %mul3A_1839 = arith.mulf %get3A_1832, %get3A_1832 : vector<256x6xf32>
    %reduce_sum3A_1840 = arith.constant dense<0.000000e+00> : vector<256xf32>
    %reduce_sum3A_1841 = vector.multi_reduction <add>, %mul3A_1839, %reduce_sum3A_1840 [1] : vector<256x6xf32> to vector<256xf32>
    %broadcast_in_dim3A_1842 = vector.shape_cast %reduce_sum3A_1841 : vector<256xf32> to vector<256x1xf32>
    %swap3A_1843 = arith.constant 5 : index
    %swap3A_1844 = arith.constant 1792 : index
    %swap3A_1845 = arith.constant 96 : index
    %swap3A_1846 = vector.load %arg3[%swap3A_1843, %swap3A_1844, %swap3A_1845] : memref<8x4096x104xf32, #tpu.memory_space<vmem>>, vector<1x256x1xf32>
    %swap3A_1847 = vector.shape_cast %swap3A_1846 : vector<1x256x1xf32> to vector<256x1xf32>
    %swap3A_1848 = vector.shape_cast %broadcast_in_dim3A_1842 : vector<256x1xf32> to vector<1x256x1xf32>
    tpu.vector_store %arg3[%swap3A_1843, %swap3A_1844, %swap3A_1845], %swap3A_1848 {strides = array<i32>} : memref<8x4096x104xf32, #tpu.memory_space<vmem>>, vector<1x256x1xf32>,
    %get3A_1849 = arith.constant 88 : index
    %get3A_1850 = arith.constant 0 : index
    %get3A_1851 = arith.constant 0 : index
    %get3A_1852 = vector.load %arg1[%get3A_1849, %get3A_1850, %get3A_1851] : memref<128x256x6xf32, #tpu.memory_space<vmem>>, vector<1x256x6xf32>
    %get3A_1853 = vector.shape_cast %get3A_1852 : vector<1x256x6xf32> to vector<256x6xf32>
    %swap3A_1854 = arith.constant 5 : index
    %swap3A_1855 = arith.constant 2048 : index
    %swap3A_1856 = arith.constant 48 : index
    %swap3A_1857 = vector.load %arg3[%swap3A_1854, %swap3A_1855, %swap3A_1856] : memref<8x4096x104xf32, #tpu.memory_space<vmem>>, vector<1x256x6xf32>
    %swap3A_1858 = vector.shape_cast %swap3A_1857 : vector<1x256x6xf32> to vector<256x6xf32>
    %swap3A_1859 = vector.shape_cast %get3A_1853 : vector<256x6xf32> to vector<1x256x6xf32>
    tpu.vector_store %arg3[%swap3A_1854, %swap3A_1855, %swap3A_1856], %swap3A_1859 {strides = array<i32>} : memref<8x4096x104xf32, #tpu.memory_space<vmem>>, vector<1x256x6xf32>,
    %mul3A_1860 = arith.mulf %get3A_1853, %get3A_1853 : vector<256x6xf32>
    %reduce_sum3A_1861 = arith.constant dense<0.000000e+00> : vector<256xf32>
    %reduce_sum3A_1862 = vector.multi_reduction <add>, %mul3A_1860, %reduce_sum3A_1861 [1] : vector<256x6xf32> to vector<256xf32>
    %broadcast_in_dim3A_1863 = vector.shape_cast %reduce_sum3A_1862 : vector<256xf32> to vector<256x1xf32>
    %swap3A_1864 = arith.constant 5 : index
    %swap3A_1865 = arith.constant 2048 : index
    %swap3A_1866 = arith.constant 96 : index
    %swap3A_1867 = vector.load %arg3[%swap3A_1864, %swap3A_1865, %swap3A_1866] : memref<8x4096x104xf32, #tpu.memory_space<vmem>>, vector<1x256x1xf32>
    %swap3A_1868 = vector.shape_cast %swap3A_1867 : vector<1x256x1xf32> to vector<256x1xf32>
    %swap3A_1869 = vector.shape_cast %broadcast_in_dim3A_1863 : vector<256x1xf32> to vector<1x256x1xf32>
    tpu.vector_store %arg3[%swap3A_1864, %swap3A_1865, %swap3A_1866], %swap3A_1869 {strides = array<i32>} : memref<8x4096x104xf32, #tpu.memory_space<vmem>>, vector<1x256x1xf32>,
    %get3A_1870 = arith.constant 89 : index
    %get3A_1871 = arith.constant 0 : index
    %get3A_1872 = arith.constant 0 : index
    %get3A_1873 = vector.load %arg1[%get3A_1870, %get3A_1871, %get3A_1872] : memref<128x256x6xf32, #tpu.memory_space<vmem>>, vector<1x256x6xf32>
    %get3A_1874 = vector.shape_cast %get3A_1873 : vector<1x256x6xf32> to vector<256x6xf32>
    %swap3A_1875 = arith.constant 5 : index
    %swap3A_1876 = arith.constant 2304 : index
    %swap3A_1877 = arith.constant 54 : index
    %swap3A_1878 = vector.load %arg3[%swap3A_1875, %swap3A_1876, %swap3A_1877] : memref<8x4096x104xf32, #tpu.memory_space<vmem>>, vector<1x256x6xf32>
    %swap3A_1879 = vector.shape_cast %swap3A_1878 : vector<1x256x6xf32> to vector<256x6xf32>
    %swap3A_1880 = vector.shape_cast %get3A_1874 : vector<256x6xf32> to vector<1x256x6xf32>
    tpu.vector_store %arg3[%swap3A_1875, %swap3A_1876, %swap3A_1877], %swap3A_1880 {strides = array<i32>} : memref<8x4096x104xf32, #tpu.memory_space<vmem>>, vector<1x256x6xf32>,
    %mul3A_1881 = arith.mulf %get3A_1874, %get3A_1874 : vector<256x6xf32>
    %reduce_sum3A_1882 = arith.constant dense<0.000000e+00> : vector<256xf32>
    %reduce_sum3A_1883 = vector.multi_reduction <add>, %mul3A_1881, %reduce_sum3A_1882 [1] : vector<256x6xf32> to vector<256xf32>
    %broadcast_in_dim3A_1884 = vector.shape_cast %reduce_sum3A_1883 : vector<256xf32> to vector<256x1xf32>
    %swap3A_1885 = arith.constant 5 : index
    %swap3A_1886 = arith.constant 2304 : index
    %swap3A_1887 = arith.constant 96 : index
    %swap3A_1888 = vector.load %arg3[%swap3A_1885, %swap3A_1886, %swap3A_1887] : memref<8x4096x104xf32, #tpu.memory_space<vmem>>, vector<1x256x1xf32>
    %swap3A_1889 = vector.shape_cast %swap3A_1888 : vector<1x256x1xf32> to vector<256x1xf32>
    %swap3A_1890 = vector.shape_cast %broadcast_in_dim3A_1884 : vector<256x1xf32> to vector<1x256x1xf32>
    tpu.vector_store %arg3[%swap3A_1885, %swap3A_1886, %swap3A_1887], %swap3A_1890 {strides = array<i32>} : memref<8x4096x104xf32, #tpu.memory_space<vmem>>, vector<1x256x1xf32>,
    %get3A_1891 = arith.constant 90 : index
    %get3A_1892 = arith.constant 0 : index
    %get3A_1893 = arith.constant 0 : index
    %get3A_1894 = vector.load %arg1[%get3A_1891, %get3A_1892, %get3A_1893] : memref<128x256x6xf32, #tpu.memory_space<vmem>>, vector<1x256x6xf32>
    %get3A_1895 = vector.shape_cast %get3A_1894 : vector<1x256x6xf32> to vector<256x6xf32>
    %swap3A_1896 = arith.constant 5 : index
    %swap3A_1897 = arith.constant 2560 : index
    %swap3A_1898 = arith.constant 60 : index
    %swap3A_1899 = vector.load %arg3[%swap3A_1896, %swap3A_1897, %swap3A_1898] : memref<8x4096x104xf32, #tpu.memory_space<vmem>>, vector<1x256x6xf32>
    %swap3A_1900 = vector.shape_cast %swap3A_1899 : vector<1x256x6xf32> to vector<256x6xf32>
    %swap3A_1901 = vector.shape_cast %get3A_1895 : vector<256x6xf32> to vector<1x256x6xf32>
    tpu.vector_store %arg3[%swap3A_1896, %swap3A_1897, %swap3A_1898], %swap3A_1901 {strides = array<i32>} : memref<8x4096x104xf32, #tpu.memory_space<vmem>>, vector<1x256x6xf32>,
    %mul3A_1902 = arith.mulf %get3A_1895, %get3A_1895 : vector<256x6xf32>
    %reduce_sum3A_1903 = arith.constant dense<0.000000e+00> : vector<256xf32>
    %reduce_sum3A_1904 = vector.multi_reduction <add>, %mul3A_1902, %reduce_sum3A_1903 [1] : vector<256x6xf32> to vector<256xf32>
    %broadcast_in_dim3A_1905 = vector.shape_cast %reduce_sum3A_1904 : vector<256xf32> to vector<256x1xf32>
    %swap3A_1906 = arith.constant 5 : index
    %swap3A_1907 = arith.constant 2560 : index
    %swap3A_1908 = arith.constant 96 : index
    %swap3A_1909 = vector.load %arg3[%swap3A_1906, %swap3A_1907, %swap3A_1908] : memref<8x4096x104xf32, #tpu.memory_space<vmem>>, vector<1x256x1xf32>
    %swap3A_1910 = vector.shape_cast %swap3A_1909 : vector<1x256x1xf32> to vector<256x1xf32>
    %swap3A_1911 = vector.shape_cast %broadcast_in_dim3A_1905 : vector<256x1xf32> to vector<1x256x1xf32>
    tpu.vector_store %arg3[%swap3A_1906, %swap3A_1907, %swap3A_1908], %swap3A_1911 {strides = array<i32>} : memref<8x4096x104xf32, #tpu.memory_space<vmem>>, vector<1x256x1xf32>,
    %get3A_1912 = arith.constant 91 : index
    %get3A_1913 = arith.constant 0 : index
    %get3A_1914 = arith.constant 0 : index
    %get3A_1915 = vector.load %arg1[%get3A_1912, %get3A_1913, %get3A_1914] : memref<128x256x6xf32, #tpu.memory_space<vmem>>, vector<1x256x6xf32>
    %get3A_1916 = vector.shape_cast %get3A_1915 : vector<1x256x6xf32> to vector<256x6xf32>
    %swap3A_1917 = arith.constant 5 : index
    %swap3A_1918 = arith.constant 2816 : index
    %swap3A_1919 = arith.constant 66 : index
    %swap3A_1920 = vector.load %arg3[%swap3A_1917, %swap3A_1918, %swap3A_1919] : memref<8x4096x104xf32, #tpu.memory_space<vmem>>, vector<1x256x6xf32>
    %swap3A_1921 = vector.shape_cast %swap3A_1920 : vector<1x256x6xf32> to vector<256x6xf32>
    %swap3A_1922 = vector.shape_cast %get3A_1916 : vector<256x6xf32> to vector<1x256x6xf32>
    tpu.vector_store %arg3[%swap3A_1917, %swap3A_1918, %swap3A_1919], %swap3A_1922 {strides = array<i32>} : memref<8x4096x104xf32, #tpu.memory_space<vmem>>, vector<1x256x6xf32>,
    %mul3A_1923 = arith.mulf %get3A_1916, %get3A_1916 : vector<256x6xf32>
    %reduce_sum3A_1924 = arith.constant dense<0.000000e+00> : vector<256xf32>
    %reduce_sum3A_1925 = vector.multi_reduction <add>, %mul3A_1923, %reduce_sum3A_1924 [1] : vector<256x6xf32> to vector<256xf32>
    %broadcast_in_dim3A_1926 = vector.shape_cast %reduce_sum3A_1925 : vector<256xf32> to vector<256x1xf32>
    %swap3A_1927 = arith.constant 5 : index
    %swap3A_1928 = arith.constant 2816 : index
    %swap3A_1929 = arith.constant 96 : index
    %swap3A_1930 = vector.load %arg3[%swap3A_1927, %swap3A_1928, %swap3A_1929] : memref<8x4096x104xf32, #tpu.memory_space<vmem>>, vector<1x256x1xf32>
    %swap3A_1931 = vector.shape_cast %swap3A_1930 : vector<1x256x1xf32> to vector<256x1xf32>
    %swap3A_1932 = vector.shape_cast %broadcast_in_dim3A_1926 : vector<256x1xf32> to vector<1x256x1xf32>
    tpu.vector_store %arg3[%swap3A_1927, %swap3A_1928, %swap3A_1929], %swap3A_1932 {strides = array<i32>} : memref<8x4096x104xf32, #tpu.memory_space<vmem>>, vector<1x256x1xf32>,
    %get3A_1933 = arith.constant 92 : index
    %get3A_1934 = arith.constant 0 : index
    %get3A_1935 = arith.constant 0 : index
    %get3A_1936 = vector.load %arg1[%get3A_1933, %get3A_1934, %get3A_1935] : memref<128x256x6xf32, #tpu.memory_space<vmem>>, vector<1x256x6xf32>
    %get3A_1937 = vector.shape_cast %get3A_1936 : vector<1x256x6xf32> to vector<256x6xf32>
    %swap3A_1938 = arith.constant 5 : index
    %swap3A_1939 = arith.constant 3072 : index
    %swap3A_1940 = arith.constant 72 : index
    %swap3A_1941 = vector.load %arg3[%swap3A_1938, %swap3A_1939, %swap3A_1940] : memref<8x4096x104xf32, #tpu.memory_space<vmem>>, vector<1x256x6xf32>
    %swap3A_1942 = vector.shape_cast %swap3A_1941 : vector<1x256x6xf32> to vector<256x6xf32>
    %swap3A_1943 = vector.shape_cast %get3A_1937 : vector<256x6xf32> to vector<1x256x6xf32>
    tpu.vector_store %arg3[%swap3A_1938, %swap3A_1939, %swap3A_1940], %swap3A_1943 {strides = array<i32>} : memref<8x4096x104xf32, #tpu.memory_space<vmem>>, vector<1x256x6xf32>,
    %mul3A_1944 = arith.mulf %get3A_1937, %get3A_1937 : vector<256x6xf32>
    %reduce_sum3A_1945 = arith.constant dense<0.000000e+00> : vector<256xf32>
    %reduce_sum3A_1946 = vector.multi_reduction <add>, %mul3A_1944, %reduce_sum3A_1945 [1] : vector<256x6xf32> to vector<256xf32>
    %broadcast_in_dim3A_1947 = vector.shape_cast %reduce_sum3A_1946 : vector<256xf32> to vector<256x1xf32>
    %swap3A_1948 = arith.constant 5 : index
    %swap3A_1949 = arith.constant 3072 : index
    %swap3A_1950 = arith.constant 96 : index
    %swap3A_1951 = vector.load %arg3[%swap3A_1948, %swap3A_1949, %swap3A_1950] : memref<8x4096x104xf32, #tpu.memory_space<vmem>>, vector<1x256x1xf32>
    %swap3A_1952 = vector.shape_cast %swap3A_1951 : vector<1x256x1xf32> to vector<256x1xf32>
    %swap3A_1953 = vector.shape_cast %broadcast_in_dim3A_1947 : vector<256x1xf32> to vector<1x256x1xf32>
    tpu.vector_store %arg3[%swap3A_1948, %swap3A_1949, %swap3A_1950], %swap3A_1953 {strides = array<i32>} : memref<8x4096x104xf32, #tpu.memory_space<vmem>>, vector<1x256x1xf32>,
    %get3A_1954 = arith.constant 93 : index
    %get3A_1955 = arith.constant 0 : index
    %get3A_1956 = arith.constant 0 : index
    %get3A_1957 = vector.load %arg1[%get3A_1954, %get3A_1955, %get3A_1956] : memref<128x256x6xf32, #tpu.memory_space<vmem>>, vector<1x256x6xf32>
    %get3A_1958 = vector.shape_cast %get3A_1957 : vector<1x256x6xf32> to vector<256x6xf32>
    %swap3A_1959 = arith.constant 5 : index
    %swap3A_1960 = arith.constant 3328 : index
    %swap3A_1961 = arith.constant 78 : index
    %swap3A_1962 = vector.load %arg3[%swap3A_1959, %swap3A_1960, %swap3A_1961] : memref<8x4096x104xf32, #tpu.memory_space<vmem>>, vector<1x256x6xf32>
    %swap3A_1963 = vector.shape_cast %swap3A_1962 : vector<1x256x6xf32> to vector<256x6xf32>
    %swap3A_1964 = vector.shape_cast %get3A_1958 : vector<256x6xf32> to vector<1x256x6xf32>
    tpu.vector_store %arg3[%swap3A_1959, %swap3A_1960, %swap3A_1961], %swap3A_1964 {strides = array<i32>} : memref<8x4096x104xf32, #tpu.memory_space<vmem>>, vector<1x256x6xf32>,
    %mul3A_1965 = arith.mulf %get3A_1958, %get3A_1958 : vector<256x6xf32>
    %reduce_sum3A_1966 = arith.constant dense<0.000000e+00> : vector<256xf32>
    %reduce_sum3A_1967 = vector.multi_reduction <add>, %mul3A_1965, %reduce_sum3A_1966 [1] : vector<256x6xf32> to vector<256xf32>
    %broadcast_in_dim3A_1968 = vector.shape_cast %reduce_sum3A_1967 : vector<256xf32> to vector<256x1xf32>
    %swap3A_1969 = arith.constant 5 : index
    %swap3A_1970 = arith.constant 3328 : index
    %swap3A_1971 = arith.constant 96 : index
    %swap3A_1972 = vector.load %arg3[%swap3A_1969, %swap3A_1970, %swap3A_1971] : memref<8x4096x104xf32, #tpu.memory_space<vmem>>, vector<1x256x1xf32>
    %swap3A_1973 = vector.shape_cast %swap3A_1972 : vector<1x256x1xf32> to vector<256x1xf32>
    %swap3A_1974 = vector.shape_cast %broadcast_in_dim3A_1968 : vector<256x1xf32> to vector<1x256x1xf32>
    tpu.vector_store %arg3[%swap3A_1969, %swap3A_1970, %swap3A_1971], %swap3A_1974 {strides = array<i32>} : memref<8x4096x104xf32, #tpu.memory_space<vmem>>, vector<1x256x1xf32>,
    %get3A_1975 = arith.constant 94 : index
    %get3A_1976 = arith.constant 0 : index
    %get3A_1977 = arith.constant 0 : index
    %get3A_1978 = vector.load %arg1[%get3A_1975, %get3A_1976, %get3A_1977] : memref<128x256x6xf32, #tpu.memory_space<vmem>>, vector<1x256x6xf32>
    %get3A_1979 = vector.shape_cast %get3A_1978 : vector<1x256x6xf32> to vector<256x6xf32>
    %swap3A_1980 = arith.constant 5 : index
    %swap3A_1981 = arith.constant 3584 : index
    %swap3A_1982 = arith.constant 84 : index
    %swap3A_1983 = vector.load %arg3[%swap3A_1980, %swap3A_1981, %swap3A_1982] : memref<8x4096x104xf32, #tpu.memory_space<vmem>>, vector<1x256x6xf32>
    %swap3A_1984 = vector.shape_cast %swap3A_1983 : vector<1x256x6xf32> to vector<256x6xf32>
    %swap3A_1985 = vector.shape_cast %get3A_1979 : vector<256x6xf32> to vector<1x256x6xf32>
    tpu.vector_store %arg3[%swap3A_1980, %swap3A_1981, %swap3A_1982], %swap3A_1985 {strides = array<i32>} : memref<8x4096x104xf32, #tpu.memory_space<vmem>>, vector<1x256x6xf32>,
    %mul3A_1986 = arith.mulf %get3A_1979, %get3A_1979 : vector<256x6xf32>
    %reduce_sum3A_1987 = arith.constant dense<0.000000e+00> : vector<256xf32>
    %reduce_sum3A_1988 = vector.multi_reduction <add>, %mul3A_1986, %reduce_sum3A_1987 [1] : vector<256x6xf32> to vector<256xf32>
    %broadcast_in_dim3A_1989 = vector.shape_cast %reduce_sum3A_1988 : vector<256xf32> to vector<256x1xf32>
    %swap3A_1990 = arith.constant 5 : index
    %swap3A_1991 = arith.constant 3584 : index
    %swap3A_1992 = arith.constant 96 : index
    %swap3A_1993 = vector.load %arg3[%swap3A_1990, %swap3A_1991, %swap3A_1992] : memref<8x4096x104xf32, #tpu.memory_space<vmem>>, vector<1x256x1xf32>
    %swap3A_1994 = vector.shape_cast %swap3A_1993 : vector<1x256x1xf32> to vector<256x1xf32>
    %swap3A_1995 = vector.shape_cast %broadcast_in_dim3A_1989 : vector<256x1xf32> to vector<1x256x1xf32>
    tpu.vector_store %arg3[%swap3A_1990, %swap3A_1991, %swap3A_1992], %swap3A_1995 {strides = array<i32>} : memref<8x4096x104xf32, #tpu.memory_space<vmem>>, vector<1x256x1xf32>,
    %get3A_1996 = arith.constant 95 : index
    %get3A_1997 = arith.constant 0 : index
    %get3A_1998 = arith.constant 0 : index
    %get3A_1999 = vector.load %arg1[%get3A_1996, %get3A_1997, %get3A_1998] : memref<128x256x6xf32, #tpu.memory_space<vmem>>, vector<1x256x6xf32>
    %get3A_2000 = vector.shape_cast %get3A_1999 : vector<1x256x6xf32> to vector<256x6xf32>
    %swap3A_2001 = arith.constant 5 : index
    %swap3A_2002 = arith.constant 3840 : index
    %swap3A_2003 = arith.constant 90 : index
    %swap3A_2004 = vector.load %arg3[%swap3A_2001, %swap3A_2002, %swap3A_2003] : memref<8x4096x104xf32, #tpu.memory_space<vmem>>, vector<1x256x6xf32>
    %swap3A_2005 = vector.shape_cast %swap3A_2004 : vector<1x256x6xf32> to vector<256x6xf32>
    %swap3A_2006 = vector.shape_cast %get3A_2000 : vector<256x6xf32> to vector<1x256x6xf32>
    tpu.vector_store %arg3[%swap3A_2001, %swap3A_2002, %swap3A_2003], %swap3A_2006 {strides = array<i32>} : memref<8x4096x104xf32, #tpu.memory_space<vmem>>, vector<1x256x6xf32>,
    %mul3A_2007 = arith.mulf %get3A_2000, %get3A_2000 : vector<256x6xf32>
    %reduce_sum3A_2008 = arith.constant dense<0.000000e+00> : vector<256xf32>
    %reduce_sum3A_2009 = vector.multi_reduction <add>, %mul3A_2007, %reduce_sum3A_2008 [1] : vector<256x6xf32> to vector<256xf32>
    %broadcast_in_dim3A_2010 = vector.shape_cast %reduce_sum3A_2009 : vector<256xf32> to vector<256x1xf32>
    %swap3A_2011 = arith.constant 5 : index
    %swap3A_2012 = arith.constant 3840 : index
    %swap3A_2013 = arith.constant 96 : index
    %swap3A_2014 = vector.load %arg3[%swap3A_2011, %swap3A_2012, %swap3A_2013] : memref<8x4096x104xf32, #tpu.memory_space<vmem>>, vector<1x256x1xf32>
    %swap3A_2015 = vector.shape_cast %swap3A_2014 : vector<1x256x1xf32> to vector<256x1xf32>
    %swap3A_2016 = vector.shape_cast %broadcast_in_dim3A_2010 : vector<256x1xf32> to vector<1x256x1xf32>
    tpu.vector_store %arg3[%swap3A_2011, %swap3A_2012, %swap3A_2013], %swap3A_2016 {strides = array<i32>} : memref<8x4096x104xf32, #tpu.memory_space<vmem>>, vector<1x256x1xf32>,
    %get3A_2017 = arith.constant 96 : index
    %get3A_2018 = arith.constant 0 : index
    %get3A_2019 = arith.constant 0 : index
    %get3A_2020 = vector.load %arg1[%get3A_2017, %get3A_2018, %get3A_2019] : memref<128x256x6xf32, #tpu.memory_space<vmem>>, vector<1x256x6xf32>
    %get3A_2021 = vector.shape_cast %get3A_2020 : vector<1x256x6xf32> to vector<256x6xf32>
    %swap3A_2022 = arith.constant 6 : index
    %swap3A_2023 = arith.constant 0 : index
    %swap3A_2024 = arith.constant 0 : index
    %swap3A_2025 = vector.load %arg3[%swap3A_2022, %swap3A_2023, %swap3A_2024] : memref<8x4096x104xf32, #tpu.memory_space<vmem>>, vector<1x256x6xf32>
    %swap3A_2026 = vector.shape_cast %swap3A_2025 : vector<1x256x6xf32> to vector<256x6xf32>
    %swap3A_2027 = vector.shape_cast %get3A_2021 : vector<256x6xf32> to vector<1x256x6xf32>
    tpu.vector_store %arg3[%swap3A_2022, %swap3A_2023, %swap3A_2024], %swap3A_2027 {strides = array<i32>} : memref<8x4096x104xf32, #tpu.memory_space<vmem>>, vector<1x256x6xf32>,
    %mul3A_2028 = arith.mulf %get3A_2021, %get3A_2021 : vector<256x6xf32>
    %reduce_sum3A_2029 = arith.constant dense<0.000000e+00> : vector<256xf32>
    %reduce_sum3A_2030 = vector.multi_reduction <add>, %mul3A_2028, %reduce_sum3A_2029 [1] : vector<256x6xf32> to vector<256xf32>
    %broadcast_in_dim3A_2031 = vector.shape_cast %reduce_sum3A_2030 : vector<256xf32> to vector<256x1xf32>
    %swap3A_2032 = arith.constant 6 : index
    %swap3A_2033 = arith.constant 0 : index
    %swap3A_2034 = arith.constant 96 : index
    %swap3A_2035 = vector.load %arg3[%swap3A_2032, %swap3A_2033, %swap3A_2034] : memref<8x4096x104xf32, #tpu.memory_space<vmem>>, vector<1x256x1xf32>
    %swap3A_2036 = vector.shape_cast %swap3A_2035 : vector<1x256x1xf32> to vector<256x1xf32>
    %swap3A_2037 = vector.shape_cast %broadcast_in_dim3A_2031 : vector<256x1xf32> to vector<1x256x1xf32>
    tpu.vector_store %arg3[%swap3A_2032, %swap3A_2033, %swap3A_2034], %swap3A_2037 {strides = array<i32>} : memref<8x4096x104xf32, #tpu.memory_space<vmem>>, vector<1x256x1xf32>,
    %get3A_2038 = arith.constant 97 : index
    %get3A_2039 = arith.constant 0 : index
    %get3A_2040 = arith.constant 0 : index
    %get3A_2041 = vector.load %arg1[%get3A_2038, %get3A_2039, %get3A_2040] : memref<128x256x6xf32, #tpu.memory_space<vmem>>, vector<1x256x6xf32>
    %get3A_2042 = vector.shape_cast %get3A_2041 : vector<1x256x6xf32> to vector<256x6xf32>
    %swap3A_2043 = arith.constant 6 : index
    %swap3A_2044 = arith.constant 256 : index
    %swap3A_2045 = arith.constant 6 : index
    %swap3A_2046 = vector.load %arg3[%swap3A_2043, %swap3A_2044, %swap3A_2045] : memref<8x4096x104xf32, #tpu.memory_space<vmem>>, vector<1x256x6xf32>
    %swap3A_2047 = vector.shape_cast %swap3A_2046 : vector<1x256x6xf32> to vector<256x6xf32>
    %swap3A_2048 = vector.shape_cast %get3A_2042 : vector<256x6xf32> to vector<1x256x6xf32>
    tpu.vector_store %arg3[%swap3A_2043, %swap3A_2044, %swap3A_2045], %swap3A_2048 {strides = array<i32>} : memref<8x4096x104xf32, #tpu.memory_space<vmem>>, vector<1x256x6xf32>,
    %mul3A_2049 = arith.mulf %get3A_2042, %get3A_2042 : vector<256x6xf32>
    %reduce_sum3A_2050 = arith.constant dense<0.000000e+00> : vector<256xf32>
    %reduce_sum3A_2051 = vector.multi_reduction <add>, %mul3A_2049, %reduce_sum3A_2050 [1] : vector<256x6xf32> to vector<256xf32>
    %broadcast_in_dim3A_2052 = vector.shape_cast %reduce_sum3A_2051 : vector<256xf32> to vector<256x1xf32>
    %swap3A_2053 = arith.constant 6 : index
    %swap3A_2054 = arith.constant 256 : index
    %swap3A_2055 = arith.constant 96 : index
    %swap3A_2056 = vector.load %arg3[%swap3A_2053, %swap3A_2054, %swap3A_2055] : memref<8x4096x104xf32, #tpu.memory_space<vmem>>, vector<1x256x1xf32>
    %swap3A_2057 = vector.shape_cast %swap3A_2056 : vector<1x256x1xf32> to vector<256x1xf32>
    %swap3A_2058 = vector.shape_cast %broadcast_in_dim3A_2052 : vector<256x1xf32> to vector<1x256x1xf32>
    tpu.vector_store %arg3[%swap3A_2053, %swap3A_2054, %swap3A_2055], %swap3A_2058 {strides = array<i32>} : memref<8x4096x104xf32, #tpu.memory_space<vmem>>, vector<1x256x1xf32>,
    %get3A_2059 = arith.constant 98 : index
    %get3A_2060 = arith.constant 0 : index
    %get3A_2061 = arith.constant 0 : index
    %get3A_2062 = vector.load %arg1[%get3A_2059, %get3A_2060, %get3A_2061] : memref<128x256x6xf32, #tpu.memory_space<vmem>>, vector<1x256x6xf32>
    %get3A_2063 = vector.shape_cast %get3A_2062 : vector<1x256x6xf32> to vector<256x6xf32>
    %swap3A_2064 = arith.constant 6 : index
    %swap3A_2065 = arith.constant 512 : index
    %swap3A_2066 = arith.constant 12 : index
    %swap3A_2067 = vector.load %arg3[%swap3A_2064, %swap3A_2065, %swap3A_2066] : memref<8x4096x104xf32, #tpu.memory_space<vmem>>, vector<1x256x6xf32>
    %swap3A_2068 = vector.shape_cast %swap3A_2067 : vector<1x256x6xf32> to vector<256x6xf32>
    %swap3A_2069 = vector.shape_cast %get3A_2063 : vector<256x6xf32> to vector<1x256x6xf32>
    tpu.vector_store %arg3[%swap3A_2064, %swap3A_2065, %swap3A_2066], %swap3A_2069 {strides = array<i32>} : memref<8x4096x104xf32, #tpu.memory_space<vmem>>, vector<1x256x6xf32>,
    %mul3A_2070 = arith.mulf %get3A_2063, %get3A_2063 : vector<256x6xf32>
    %reduce_sum3A_2071 = arith.constant dense<0.000000e+00> : vector<256xf32>
    %reduce_sum3A_2072 = vector.multi_reduction <add>, %mul3A_2070, %reduce_sum3A_2071 [1] : vector<256x6xf32> to vector<256xf32>
    %broadcast_in_dim3A_2073 = vector.shape_cast %reduce_sum3A_2072 : vector<256xf32> to vector<256x1xf32>
    %swap3A_2074 = arith.constant 6 : index
    %swap3A_2075 = arith.constant 512 : index
    %swap3A_2076 = arith.constant 96 : index
    %swap3A_2077 = vector.load %arg3[%swap3A_2074, %swap3A_2075, %swap3A_2076] : memref<8x4096x104xf32, #tpu.memory_space<vmem>>, vector<1x256x1xf32>
    %swap3A_2078 = vector.shape_cast %swap3A_2077 : vector<1x256x1xf32> to vector<256x1xf32>
    %swap3A_2079 = vector.shape_cast %broadcast_in_dim3A_2073 : vector<256x1xf32> to vector<1x256x1xf32>
    tpu.vector_store %arg3[%swap3A_2074, %swap3A_2075, %swap3A_2076], %swap3A_2079 {strides = array<i32>} : memref<8x4096x104xf32, #tpu.memory_space<vmem>>, vector<1x256x1xf32>,
    %get3A_2080 = arith.constant 99 : index
    %get3A_2081 = arith.constant 0 : index
    %get3A_2082 = arith.constant 0 : index
    %get3A_2083 = vector.load %arg1[%get3A_2080, %get3A_2081, %get3A_2082] : memref<128x256x6xf32, #tpu.memory_space<vmem>>, vector<1x256x6xf32>
    %get3A_2084 = vector.shape_cast %get3A_2083 : vector<1x256x6xf32> to vector<256x6xf32>
    %swap3A_2085 = arith.constant 6 : index
    %swap3A_2086 = arith.constant 768 : index
    %swap3A_2087 = arith.constant 18 : index
    %swap3A_2088 = vector.load %arg3[%swap3A_2085, %swap3A_2086, %swap3A_2087] : memref<8x4096x104xf32, #tpu.memory_space<vmem>>, vector<1x256x6xf32>
    %swap3A_2089 = vector.shape_cast %swap3A_2088 : vector<1x256x6xf32> to vector<256x6xf32>
    %swap3A_2090 = vector.shape_cast %get3A_2084 : vector<256x6xf32> to vector<1x256x6xf32>
    tpu.vector_store %arg3[%swap3A_2085, %swap3A_2086, %swap3A_2087], %swap3A_2090 {strides = array<i32>} : memref<8x4096x104xf32, #tpu.memory_space<vmem>>, vector<1x256x6xf32>,
    %mul3A_2091 = arith.mulf %get3A_2084, %get3A_2084 : vector<256x6xf32>
    %reduce_sum3A_2092 = arith.constant dense<0.000000e+00> : vector<256xf32>
    %reduce_sum3A_2093 = vector.multi_reduction <add>, %mul3A_2091, %reduce_sum3A_2092 [1] : vector<256x6xf32> to vector<256xf32>
    %broadcast_in_dim3A_2094 = vector.shape_cast %reduce_sum3A_2093 : vector<256xf32> to vector<256x1xf32>
    %swap3A_2095 = arith.constant 6 : index
    %swap3A_2096 = arith.constant 768 : index
    %swap3A_2097 = arith.constant 96 : index
    %swap3A_2098 = vector.load %arg3[%swap3A_2095, %swap3A_2096, %swap3A_2097] : memref<8x4096x104xf32, #tpu.memory_space<vmem>>, vector<1x256x1xf32>
    %swap3A_2099 = vector.shape_cast %swap3A_2098 : vector<1x256x1xf32> to vector<256x1xf32>
    %swap3A_2100 = vector.shape_cast %broadcast_in_dim3A_2094 : vector<256x1xf32> to vector<1x256x1xf32>
    tpu.vector_store %arg3[%swap3A_2095, %swap3A_2096, %swap3A_2097], %swap3A_2100 {strides = array<i32>} : memref<8x4096x104xf32, #tpu.memory_space<vmem>>, vector<1x256x1xf32>,
    %get3A_2101 = arith.constant 100 : index
    %get3A_2102 = arith.constant 0 : index
    %get3A_2103 = arith.constant 0 : index
    %get3A_2104 = vector.load %arg1[%get3A_2101, %get3A_2102, %get3A_2103] : memref<128x256x6xf32, #tpu.memory_space<vmem>>, vector<1x256x6xf32>
    %get3A_2105 = vector.shape_cast %get3A_2104 : vector<1x256x6xf32> to vector<256x6xf32>
    %swap3A_2106 = arith.constant 6 : index
    %swap3A_2107 = arith.constant 1024 : index
    %swap3A_2108 = arith.constant 24 : index
    %swap3A_2109 = vector.load %arg3[%swap3A_2106, %swap3A_2107, %swap3A_2108] : memref<8x4096x104xf32, #tpu.memory_space<vmem>>, vector<1x256x6xf32>
    %swap3A_2110 = vector.shape_cast %swap3A_2109 : vector<1x256x6xf32> to vector<256x6xf32>
    %swap3A_2111 = vector.shape_cast %get3A_2105 : vector<256x6xf32> to vector<1x256x6xf32>
    tpu.vector_store %arg3[%swap3A_2106, %swap3A_2107, %swap3A_2108], %swap3A_2111 {strides = array<i32>} : memref<8x4096x104xf32, #tpu.memory_space<vmem>>, vector<1x256x6xf32>,
    %mul3A_2112 = arith.mulf %get3A_2105, %get3A_2105 : vector<256x6xf32>
    %reduce_sum3A_2113 = arith.constant dense<0.000000e+00> : vector<256xf32>
    %reduce_sum3A_2114 = vector.multi_reduction <add>, %mul3A_2112, %reduce_sum3A_2113 [1] : vector<256x6xf32> to vector<256xf32>
    %broadcast_in_dim3A_2115 = vector.shape_cast %reduce_sum3A_2114 : vector<256xf32> to vector<256x1xf32>
    %swap3A_2116 = arith.constant 6 : index
    %swap3A_2117 = arith.constant 1024 : index
    %swap3A_2118 = arith.constant 96 : index
    %swap3A_2119 = vector.load %arg3[%swap3A_2116, %swap3A_2117, %swap3A_2118] : memref<8x4096x104xf32, #tpu.memory_space<vmem>>, vector<1x256x1xf32>
    %swap3A_2120 = vector.shape_cast %swap3A_2119 : vector<1x256x1xf32> to vector<256x1xf32>
    %swap3A_2121 = vector.shape_cast %broadcast_in_dim3A_2115 : vector<256x1xf32> to vector<1x256x1xf32>
    tpu.vector_store %arg3[%swap3A_2116, %swap3A_2117, %swap3A_2118], %swap3A_2121 {strides = array<i32>} : memref<8x4096x104xf32, #tpu.memory_space<vmem>>, vector<1x256x1xf32>,
    %get3A_2122 = arith.constant 101 : index
    %get3A_2123 = arith.constant 0 : index
    %get3A_2124 = arith.constant 0 : index
    %get3A_2125 = vector.load %arg1[%get3A_2122, %get3A_2123, %get3A_2124] : memref<128x256x6xf32, #tpu.memory_space<vmem>>, vector<1x256x6xf32>
    %get3A_2126 = vector.shape_cast %get3A_2125 : vector<1x256x6xf32> to vector<256x6xf32>
    %swap3A_2127 = arith.constant 6 : index
    %swap3A_2128 = arith.constant 1280 : index
    %swap3A_2129 = arith.constant 30 : index
    %swap3A_2130 = vector.load %arg3[%swap3A_2127, %swap3A_2128, %swap3A_2129] : memref<8x4096x104xf32, #tpu.memory_space<vmem>>, vector<1x256x6xf32>
    %swap3A_2131 = vector.shape_cast %swap3A_2130 : vector<1x256x6xf32> to vector<256x6xf32>
    %swap3A_2132 = vector.shape_cast %get3A_2126 : vector<256x6xf32> to vector<1x256x6xf32>
    tpu.vector_store %arg3[%swap3A_2127, %swap3A_2128, %swap3A_2129], %swap3A_2132 {strides = array<i32>} : memref<8x4096x104xf32, #tpu.memory_space<vmem>>, vector<1x256x6xf32>,
    %mul3A_2133 = arith.mulf %get3A_2126, %get3A_2126 : vector<256x6xf32>
    %reduce_sum3A_2134 = arith.constant dense<0.000000e+00> : vector<256xf32>
    %reduce_sum3A_2135 = vector.multi_reduction <add>, %mul3A_2133, %reduce_sum3A_2134 [1] : vector<256x6xf32> to vector<256xf32>
    %broadcast_in_dim3A_2136 = vector.shape_cast %reduce_sum3A_2135 : vector<256xf32> to vector<256x1xf32>
    %swap3A_2137 = arith.constant 6 : index
    %swap3A_2138 = arith.constant 1280 : index
    %swap3A_2139 = arith.constant 96 : index
    %swap3A_2140 = vector.load %arg3[%swap3A_2137, %swap3A_2138, %swap3A_2139] : memref<8x4096x104xf32, #tpu.memory_space<vmem>>, vector<1x256x1xf32>
    %swap3A_2141 = vector.shape_cast %swap3A_2140 : vector<1x256x1xf32> to vector<256x1xf32>
    %swap3A_2142 = vector.shape_cast %broadcast_in_dim3A_2136 : vector<256x1xf32> to vector<1x256x1xf32>
    tpu.vector_store %arg3[%swap3A_2137, %swap3A_2138, %swap3A_2139], %swap3A_2142 {strides = array<i32>} : memref<8x4096x104xf32, #tpu.memory_space<vmem>>, vector<1x256x1xf32>,
    %get3A_2143 = arith.constant 102 : index
    %get3A_2144 = arith.constant 0 : index
    %get3A_2145 = arith.constant 0 : index
    %get3A_2146 = vector.load %arg1[%get3A_2143, %get3A_2144, %get3A_2145] : memref<128x256x6xf32, #tpu.memory_space<vmem>>, vector<1x256x6xf32>
    %get3A_2147 = vector.shape_cast %get3A_2146 : vector<1x256x6xf32> to vector<256x6xf32>
    %swap3A_2148 = arith.constant 6 : index
    %swap3A_2149 = arith.constant 1536 : index
    %swap3A_2150 = arith.constant 36 : index
    %swap3A_2151 = vector.load %arg3[%swap3A_2148, %swap3A_2149, %swap3A_2150] : memref<8x4096x104xf32, #tpu.memory_space<vmem>>, vector<1x256x6xf32>
    %swap3A_2152 = vector.shape_cast %swap3A_2151 : vector<1x256x6xf32> to vector<256x6xf32>
    %swap3A_2153 = vector.shape_cast %get3A_2147 : vector<256x6xf32> to vector<1x256x6xf32>
    tpu.vector_store %arg3[%swap3A_2148, %swap3A_2149, %swap3A_2150], %swap3A_2153 {strides = array<i32>} : memref<8x4096x104xf32, #tpu.memory_space<vmem>>, vector<1x256x6xf32>,
    %mul3A_2154 = arith.mulf %get3A_2147, %get3A_2147 : vector<256x6xf32>
    %reduce_sum3A_2155 = arith.constant dense<0.000000e+00> : vector<256xf32>
    %reduce_sum3A_2156 = vector.multi_reduction <add>, %mul3A_2154, %reduce_sum3A_2155 [1] : vector<256x6xf32> to vector<256xf32>
    %broadcast_in_dim3A_2157 = vector.shape_cast %reduce_sum3A_2156 : vector<256xf32> to vector<256x1xf32>
    %swap3A_2158 = arith.constant 6 : index
    %swap3A_2159 = arith.constant 1536 : index
    %swap3A_2160 = arith.constant 96 : index
    %swap3A_2161 = vector.load %arg3[%swap3A_2158, %swap3A_2159, %swap3A_2160] : memref<8x4096x104xf32, #tpu.memory_space<vmem>>, vector<1x256x1xf32>
    %swap3A_2162 = vector.shape_cast %swap3A_2161 : vector<1x256x1xf32> to vector<256x1xf32>
    %swap3A_2163 = vector.shape_cast %broadcast_in_dim3A_2157 : vector<256x1xf32> to vector<1x256x1xf32>
    tpu.vector_store %arg3[%swap3A_2158, %swap3A_2159, %swap3A_2160], %swap3A_2163 {strides = array<i32>} : memref<8x4096x104xf32, #tpu.memory_space<vmem>>, vector<1x256x1xf32>,
    %get3A_2164 = arith.constant 103 : index
    %get3A_2165 = arith.constant 0 : index
    %get3A_2166 = arith.constant 0 : index
    %get3A_2167 = vector.load %arg1[%get3A_2164, %get3A_2165, %get3A_2166] : memref<128x256x6xf32, #tpu.memory_space<vmem>>, vector<1x256x6xf32>
    %get3A_2168 = vector.shape_cast %get3A_2167 : vector<1x256x6xf32> to vector<256x6xf32>
    %swap3A_2169 = arith.constant 6 : index
    %swap3A_2170 = arith.constant 1792 : index
    %swap3A_2171 = arith.constant 42 : index
    %swap3A_2172 = vector.load %arg3[%swap3A_2169, %swap3A_2170, %swap3A_2171] : memref<8x4096x104xf32, #tpu.memory_space<vmem>>, vector<1x256x6xf32>
    %swap3A_2173 = vector.shape_cast %swap3A_2172 : vector<1x256x6xf32> to vector<256x6xf32>
    %swap3A_2174 = vector.shape_cast %get3A_2168 : vector<256x6xf32> to vector<1x256x6xf32>
    tpu.vector_store %arg3[%swap3A_2169, %swap3A_2170, %swap3A_2171], %swap3A_2174 {strides = array<i32>} : memref<8x4096x104xf32, #tpu.memory_space<vmem>>, vector<1x256x6xf32>,
    %mul3A_2175 = arith.mulf %get3A_2168, %get3A_2168 : vector<256x6xf32>
    %reduce_sum3A_2176 = arith.constant dense<0.000000e+00> : vector<256xf32>
    %reduce_sum3A_2177 = vector.multi_reduction <add>, %mul3A_2175, %reduce_sum3A_2176 [1] : vector<256x6xf32> to vector<256xf32>
    %broadcast_in_dim3A_2178 = vector.shape_cast %reduce_sum3A_2177 : vector<256xf32> to vector<256x1xf32>
    %swap3A_2179 = arith.constant 6 : index
    %swap3A_2180 = arith.constant 1792 : index
    %swap3A_2181 = arith.constant 96 : index
    %swap3A_2182 = vector.load %arg3[%swap3A_2179, %swap3A_2180, %swap3A_2181] : memref<8x4096x104xf32, #tpu.memory_space<vmem>>, vector<1x256x1xf32>
    %swap3A_2183 = vector.shape_cast %swap3A_2182 : vector<1x256x1xf32> to vector<256x1xf32>
    %swap3A_2184 = vector.shape_cast %broadcast_in_dim3A_2178 : vector<256x1xf32> to vector<1x256x1xf32>
    tpu.vector_store %arg3[%swap3A_2179, %swap3A_2180, %swap3A_2181], %swap3A_2184 {strides = array<i32>} : memref<8x4096x104xf32, #tpu.memory_space<vmem>>, vector<1x256x1xf32>,
    %get3A_2185 = arith.constant 104 : index
    %get3A_2186 = arith.constant 0 : index
    %get3A_2187 = arith.constant 0 : index
    %get3A_2188 = vector.load %arg1[%get3A_2185, %get3A_2186, %get3A_2187] : memref<128x256x6xf32, #tpu.memory_space<vmem>>, vector<1x256x6xf32>
    %get3A_2189 = vector.shape_cast %get3A_2188 : vector<1x256x6xf32> to vector<256x6xf32>
    %swap3A_2190 = arith.constant 6 : index
    %swap3A_2191 = arith.constant 2048 : index
    %swap3A_2192 = arith.constant 48 : index
    %swap3A_2193 = vector.load %arg3[%swap3A_2190, %swap3A_2191, %swap3A_2192] : memref<8x4096x104xf32, #tpu.memory_space<vmem>>, vector<1x256x6xf32>
    %swap3A_2194 = vector.shape_cast %swap3A_2193 : vector<1x256x6xf32> to vector<256x6xf32>
    %swap3A_2195 = vector.shape_cast %get3A_2189 : vector<256x6xf32> to vector<1x256x6xf32>
    tpu.vector_store %arg3[%swap3A_2190, %swap3A_2191, %swap3A_2192], %swap3A_2195 {strides = array<i32>} : memref<8x4096x104xf32, #tpu.memory_space<vmem>>, vector<1x256x6xf32>,
    %mul3A_2196 = arith.mulf %get3A_2189, %get3A_2189 : vector<256x6xf32>
    %reduce_sum3A_2197 = arith.constant dense<0.000000e+00> : vector<256xf32>
    %reduce_sum3A_2198 = vector.multi_reduction <add>, %mul3A_2196, %reduce_sum3A_2197 [1] : vector<256x6xf32> to vector<256xf32>
    %broadcast_in_dim3A_2199 = vector.shape_cast %reduce_sum3A_2198 : vector<256xf32> to vector<256x1xf32>
    %swap3A_2200 = arith.constant 6 : index
    %swap3A_2201 = arith.constant 2048 : index
    %swap3A_2202 = arith.constant 96 : index
    %swap3A_2203 = vector.load %arg3[%swap3A_2200, %swap3A_2201, %swap3A_2202] : memref<8x4096x104xf32, #tpu.memory_space<vmem>>, vector<1x256x1xf32>
    %swap3A_2204 = vector.shape_cast %swap3A_2203 : vector<1x256x1xf32> to vector<256x1xf32>
    %swap3A_2205 = vector.shape_cast %broadcast_in_dim3A_2199 : vector<256x1xf32> to vector<1x256x1xf32>
    tpu.vector_store %arg3[%swap3A_2200, %swap3A_2201, %swap3A_2202], %swap3A_2205 {strides = array<i32>} : memref<8x4096x104xf32, #tpu.memory_space<vmem>>, vector<1x256x1xf32>,
    %get3A_2206 = arith.constant 105 : index
    %get3A_2207 = arith.constant 0 : index
    %get3A_2208 = arith.constant 0 : index
    %get3A_2209 = vector.load %arg1[%get3A_2206, %get3A_2207, %get3A_2208] : memref<128x256x6xf32, #tpu.memory_space<vmem>>, vector<1x256x6xf32>
    %get3A_2210 = vector.shape_cast %get3A_2209 : vector<1x256x6xf32> to vector<256x6xf32>
    %swap3A_2211 = arith.constant 6 : index
    %swap3A_2212 = arith.constant 2304 : index
    %swap3A_2213 = arith.constant 54 : index
    %swap3A_2214 = vector.load %arg3[%swap3A_2211, %swap3A_2212, %swap3A_2213] : memref<8x4096x104xf32, #tpu.memory_space<vmem>>, vector<1x256x6xf32>
    %swap3A_2215 = vector.shape_cast %swap3A_2214 : vector<1x256x6xf32> to vector<256x6xf32>
    %swap3A_2216 = vector.shape_cast %get3A_2210 : vector<256x6xf32> to vector<1x256x6xf32>
    tpu.vector_store %arg3[%swap3A_2211, %swap3A_2212, %swap3A_2213], %swap3A_2216 {strides = array<i32>} : memref<8x4096x104xf32, #tpu.memory_space<vmem>>, vector<1x256x6xf32>,
    %mul3A_2217 = arith.mulf %get3A_2210, %get3A_2210 : vector<256x6xf32>
    %reduce_sum3A_2218 = arith.constant dense<0.000000e+00> : vector<256xf32>
    %reduce_sum3A_2219 = vector.multi_reduction <add>, %mul3A_2217, %reduce_sum3A_2218 [1] : vector<256x6xf32> to vector<256xf32>
    %broadcast_in_dim3A_2220 = vector.shape_cast %reduce_sum3A_2219 : vector<256xf32> to vector<256x1xf32>
    %swap3A_2221 = arith.constant 6 : index
    %swap3A_2222 = arith.constant 2304 : index
    %swap3A_2223 = arith.constant 96 : index
    %swap3A_2224 = vector.load %arg3[%swap3A_2221, %swap3A_2222, %swap3A_2223] : memref<8x4096x104xf32, #tpu.memory_space<vmem>>, vector<1x256x1xf32>
    %swap3A_2225 = vector.shape_cast %swap3A_2224 : vector<1x256x1xf32> to vector<256x1xf32>
    %swap3A_2226 = vector.shape_cast %broadcast_in_dim3A_2220 : vector<256x1xf32> to vector<1x256x1xf32>
    tpu.vector_store %arg3[%swap3A_2221, %swap3A_2222, %swap3A_2223], %swap3A_2226 {strides = array<i32>} : memref<8x4096x104xf32, #tpu.memory_space<vmem>>, vector<1x256x1xf32>,
    %get3A_2227 = arith.constant 106 : index
    %get3A_2228 = arith.constant 0 : index
    %get3A_2229 = arith.constant 0 : index
    %get3A_2230 = vector.load %arg1[%get3A_2227, %get3A_2228, %get3A_2229] : memref<128x256x6xf32, #tpu.memory_space<vmem>>, vector<1x256x6xf32>
    %get3A_2231 = vector.shape_cast %get3A_2230 : vector<1x256x6xf32> to vector<256x6xf32>
    %swap3A_2232 = arith.constant 6 : index
    %swap3A_2233 = arith.constant 2560 : index
    %swap3A_2234 = arith.constant 60 : index
    %swap3A_2235 = vector.load %arg3[%swap3A_2232, %swap3A_2233, %swap3A_2234] : memref<8x4096x104xf32, #tpu.memory_space<vmem>>, vector<1x256x6xf32>
    %swap3A_2236 = vector.shape_cast %swap3A_2235 : vector<1x256x6xf32> to vector<256x6xf32>
    %swap3A_2237 = vector.shape_cast %get3A_2231 : vector<256x6xf32> to vector<1x256x6xf32>
    tpu.vector_store %arg3[%swap3A_2232, %swap3A_2233, %swap3A_2234], %swap3A_2237 {strides = array<i32>} : memref<8x4096x104xf32, #tpu.memory_space<vmem>>, vector<1x256x6xf32>,
    %mul3A_2238 = arith.mulf %get3A_2231, %get3A_2231 : vector<256x6xf32>
    %reduce_sum3A_2239 = arith.constant dense<0.000000e+00> : vector<256xf32>
    %reduce_sum3A_2240 = vector.multi_reduction <add>, %mul3A_2238, %reduce_sum3A_2239 [1] : vector<256x6xf32> to vector<256xf32>
    %broadcast_in_dim3A_2241 = vector.shape_cast %reduce_sum3A_2240 : vector<256xf32> to vector<256x1xf32>
    %swap3A_2242 = arith.constant 6 : index
    %swap3A_2243 = arith.constant 2560 : index
    %swap3A_2244 = arith.constant 96 : index
    %swap3A_2245 = vector.load %arg3[%swap3A_2242, %swap3A_2243, %swap3A_2244] : memref<8x4096x104xf32, #tpu.memory_space<vmem>>, vector<1x256x1xf32>
    %swap3A_2246 = vector.shape_cast %swap3A_2245 : vector<1x256x1xf32> to vector<256x1xf32>
    %swap3A_2247 = vector.shape_cast %broadcast_in_dim3A_2241 : vector<256x1xf32> to vector<1x256x1xf32>
    tpu.vector_store %arg3[%swap3A_2242, %swap3A_2243, %swap3A_2244], %swap3A_2247 {strides = array<i32>} : memref<8x4096x104xf32, #tpu.memory_space<vmem>>, vector<1x256x1xf32>,
    %get3A_2248 = arith.constant 107 : index
    %get3A_2249 = arith.constant 0 : index
    %get3A_2250 = arith.constant 0 : index
    %get3A_2251 = vector.load %arg1[%get3A_2248, %get3A_2249, %get3A_2250] : memref<128x256x6xf32, #tpu.memory_space<vmem>>, vector<1x256x6xf32>
    %get3A_2252 = vector.shape_cast %get3A_2251 : vector<1x256x6xf32> to vector<256x6xf32>
    %swap3A_2253 = arith.constant 6 : index
    %swap3A_2254 = arith.constant 2816 : index
    %swap3A_2255 = arith.constant 66 : index
    %swap3A_2256 = vector.load %arg3[%swap3A_2253, %swap3A_2254, %swap3A_2255] : memref<8x4096x104xf32, #tpu.memory_space<vmem>>, vector<1x256x6xf32>
    %swap3A_2257 = vector.shape_cast %swap3A_2256 : vector<1x256x6xf32> to vector<256x6xf32>
    %swap3A_2258 = vector.shape_cast %get3A_2252 : vector<256x6xf32> to vector<1x256x6xf32>
    tpu.vector_store %arg3[%swap3A_2253, %swap3A_2254, %swap3A_2255], %swap3A_2258 {strides = array<i32>} : memref<8x4096x104xf32, #tpu.memory_space<vmem>>, vector<1x256x6xf32>,
    %mul3A_2259 = arith.mulf %get3A_2252, %get3A_2252 : vector<256x6xf32>
    %reduce_sum3A_2260 = arith.constant dense<0.000000e+00> : vector<256xf32>
    %reduce_sum3A_2261 = vector.multi_reduction <add>, %mul3A_2259, %reduce_sum3A_2260 [1] : vector<256x6xf32> to vector<256xf32>
    %broadcast_in_dim3A_2262 = vector.shape_cast %reduce_sum3A_2261 : vector<256xf32> to vector<256x1xf32>
    %swap3A_2263 = arith.constant 6 : index
    %swap3A_2264 = arith.constant 2816 : index
    %swap3A_2265 = arith.constant 96 : index
    %swap3A_2266 = vector.load %arg3[%swap3A_2263, %swap3A_2264, %swap3A_2265] : memref<8x4096x104xf32, #tpu.memory_space<vmem>>, vector<1x256x1xf32>
    %swap3A_2267 = vector.shape_cast %swap3A_2266 : vector<1x256x1xf32> to vector<256x1xf32>
    %swap3A_2268 = vector.shape_cast %broadcast_in_dim3A_2262 : vector<256x1xf32> to vector<1x256x1xf32>
    tpu.vector_store %arg3[%swap3A_2263, %swap3A_2264, %swap3A_2265], %swap3A_2268 {strides = array<i32>} : memref<8x4096x104xf32, #tpu.memory_space<vmem>>, vector<1x256x1xf32>,
    %get3A_2269 = arith.constant 108 : index
    %get3A_2270 = arith.constant 0 : index
    %get3A_2271 = arith.constant 0 : index
    %get3A_2272 = vector.load %arg1[%get3A_2269, %get3A_2270, %get3A_2271] : memref<128x256x6xf32, #tpu.memory_space<vmem>>, vector<1x256x6xf32>
    %get3A_2273 = vector.shape_cast %get3A_2272 : vector<1x256x6xf32> to vector<256x6xf32>
    %swap3A_2274 = arith.constant 6 : index
    %swap3A_2275 = arith.constant 3072 : index
    %swap3A_2276 = arith.constant 72 : index
    %swap3A_2277 = vector.load %arg3[%swap3A_2274, %swap3A_2275, %swap3A_2276] : memref<8x4096x104xf32, #tpu.memory_space<vmem>>, vector<1x256x6xf32>
    %swap3A_2278 = vector.shape_cast %swap3A_2277 : vector<1x256x6xf32> to vector<256x6xf32>
    %swap3A_2279 = vector.shape_cast %get3A_2273 : vector<256x6xf32> to vector<1x256x6xf32>
    tpu.vector_store %arg3[%swap3A_2274, %swap3A_2275, %swap3A_2276], %swap3A_2279 {strides = array<i32>} : memref<8x4096x104xf32, #tpu.memory_space<vmem>>, vector<1x256x6xf32>,
    %mul3A_2280 = arith.mulf %get3A_2273, %get3A_2273 : vector<256x6xf32>
    %reduce_sum3A_2281 = arith.constant dense<0.000000e+00> : vector<256xf32>
    %reduce_sum3A_2282 = vector.multi_reduction <add>, %mul3A_2280, %reduce_sum3A_2281 [1] : vector<256x6xf32> to vector<256xf32>
    %broadcast_in_dim3A_2283 = vector.shape_cast %reduce_sum3A_2282 : vector<256xf32> to vector<256x1xf32>
    %swap3A_2284 = arith.constant 6 : index
    %swap3A_2285 = arith.constant 3072 : index
    %swap3A_2286 = arith.constant 96 : index
    %swap3A_2287 = vector.load %arg3[%swap3A_2284, %swap3A_2285, %swap3A_2286] : memref<8x4096x104xf32, #tpu.memory_space<vmem>>, vector<1x256x1xf32>
    %swap3A_2288 = vector.shape_cast %swap3A_2287 : vector<1x256x1xf32> to vector<256x1xf32>
    %swap3A_2289 = vector.shape_cast %broadcast_in_dim3A_2283 : vector<256x1xf32> to vector<1x256x1xf32>
    tpu.vector_store %arg3[%swap3A_2284, %swap3A_2285, %swap3A_2286], %swap3A_2289 {strides = array<i32>} : memref<8x4096x104xf32, #tpu.memory_space<vmem>>, vector<1x256x1xf32>,
    %get3A_2290 = arith.constant 109 : index
    %get3A_2291 = arith.constant 0 : index
    %get3A_2292 = arith.constant 0 : index
    %get3A_2293 = vector.load %arg1[%get3A_2290, %get3A_2291, %get3A_2292] : memref<128x256x6xf32, #tpu.memory_space<vmem>>, vector<1x256x6xf32>
    %get3A_2294 = vector.shape_cast %get3A_2293 : vector<1x256x6xf32> to vector<256x6xf32>
    %swap3A_2295 = arith.constant 6 : index
    %swap3A_2296 = arith.constant 3328 : index
    %swap3A_2297 = arith.constant 78 : index
    %swap3A_2298 = vector.load %arg3[%swap3A_2295, %swap3A_2296, %swap3A_2297] : memref<8x4096x104xf32, #tpu.memory_space<vmem>>, vector<1x256x6xf32>
    %swap3A_2299 = vector.shape_cast %swap3A_2298 : vector<1x256x6xf32> to vector<256x6xf32>
    %swap3A_2300 = vector.shape_cast %get3A_2294 : vector<256x6xf32> to vector<1x256x6xf32>
    tpu.vector_store %arg3[%swap3A_2295, %swap3A_2296, %swap3A_2297], %swap3A_2300 {strides = array<i32>} : memref<8x4096x104xf32, #tpu.memory_space<vmem>>, vector<1x256x6xf32>,
    %mul3A_2301 = arith.mulf %get3A_2294, %get3A_2294 : vector<256x6xf32>
    %reduce_sum3A_2302 = arith.constant dense<0.000000e+00> : vector<256xf32>
    %reduce_sum3A_2303 = vector.multi_reduction <add>, %mul3A_2301, %reduce_sum3A_2302 [1] : vector<256x6xf32> to vector<256xf32>
    %broadcast_in_dim3A_2304 = vector.shape_cast %reduce_sum3A_2303 : vector<256xf32> to vector<256x1xf32>
    %swap3A_2305 = arith.constant 6 : index
    %swap3A_2306 = arith.constant 3328 : index
    %swap3A_2307 = arith.constant 96 : index
    %swap3A_2308 = vector.load %arg3[%swap3A_2305, %swap3A_2306, %swap3A_2307] : memref<8x4096x104xf32, #tpu.memory_space<vmem>>, vector<1x256x1xf32>
    %swap3A_2309 = vector.shape_cast %swap3A_2308 : vector<1x256x1xf32> to vector<256x1xf32>
    %swap3A_2310 = vector.shape_cast %broadcast_in_dim3A_2304 : vector<256x1xf32> to vector<1x256x1xf32>
    tpu.vector_store %arg3[%swap3A_2305, %swap3A_2306, %swap3A_2307], %swap3A_2310 {strides = array<i32>} : memref<8x4096x104xf32, #tpu.memory_space<vmem>>, vector<1x256x1xf32>,
    %get3A_2311 = arith.constant 110 : index
    %get3A_2312 = arith.constant 0 : index
    %get3A_2313 = arith.constant 0 : index
    %get3A_2314 = vector.load %arg1[%get3A_2311, %get3A_2312, %get3A_2313] : memref<128x256x6xf32, #tpu.memory_space<vmem>>, vector<1x256x6xf32>
    %get3A_2315 = vector.shape_cast %get3A_2314 : vector<1x256x6xf32> to vector<256x6xf32>
    %swap3A_2316 = arith.constant 6 : index
    %swap3A_2317 = arith.constant 3584 : index
    %swap3A_2318 = arith.constant 84 : index
    %swap3A_2319 = vector.load %arg3[%swap3A_2316, %swap3A_2317, %swap3A_2318] : memref<8x4096x104xf32, #tpu.memory_space<vmem>>, vector<1x256x6xf32>
    %swap3A_2320 = vector.shape_cast %swap3A_2319 : vector<1x256x6xf32> to vector<256x6xf32>
    %swap3A_2321 = vector.shape_cast %get3A_2315 : vector<256x6xf32> to vector<1x256x6xf32>
    tpu.vector_store %arg3[%swap3A_2316, %swap3A_2317, %swap3A_2318], %swap3A_2321 {strides = array<i32>} : memref<8x4096x104xf32, #tpu.memory_space<vmem>>, vector<1x256x6xf32>,
    %mul3A_2322 = arith.mulf %get3A_2315, %get3A_2315 : vector<256x6xf32>
    %reduce_sum3A_2323 = arith.constant dense<0.000000e+00> : vector<256xf32>
    %reduce_sum3A_2324 = vector.multi_reduction <add>, %mul3A_2322, %reduce_sum3A_2323 [1] : vector<256x6xf32> to vector<256xf32>
    %broadcast_in_dim3A_2325 = vector.shape_cast %reduce_sum3A_2324 : vector<256xf32> to vector<256x1xf32>
    %swap3A_2326 = arith.constant 6 : index
    %swap3A_2327 = arith.constant 3584 : index
    %swap3A_2328 = arith.constant 96 : index
    %swap3A_2329 = vector.load %arg3[%swap3A_2326, %swap3A_2327, %swap3A_2328] : memref<8x4096x104xf32, #tpu.memory_space<vmem>>, vector<1x256x1xf32>
    %swap3A_2330 = vector.shape_cast %swap3A_2329 : vector<1x256x1xf32> to vector<256x1xf32>
    %swap3A_2331 = vector.shape_cast %broadcast_in_dim3A_2325 : vector<256x1xf32> to vector<1x256x1xf32>
    tpu.vector_store %arg3[%swap3A_2326, %swap3A_2327, %swap3A_2328], %swap3A_2331 {strides = array<i32>} : memref<8x4096x104xf32, #tpu.memory_space<vmem>>, vector<1x256x1xf32>,
    %get3A_2332 = arith.constant 111 : index
    %get3A_2333 = arith.constant 0 : index
    %get3A_2334 = arith.constant 0 : index
    %get3A_2335 = vector.load %arg1[%get3A_2332, %get3A_2333, %get3A_2334] : memref<128x256x6xf32, #tpu.memory_space<vmem>>, vector<1x256x6xf32>
    %get3A_2336 = vector.shape_cast %get3A_2335 : vector<1x256x6xf32> to vector<256x6xf32>
    %swap3A_2337 = arith.constant 6 : index
    %swap3A_2338 = arith.constant 3840 : index
    %swap3A_2339 = arith.constant 90 : index
    %swap3A_2340 = vector.load %arg3[%swap3A_2337, %swap3A_2338, %swap3A_2339] : memref<8x4096x104xf32, #tpu.memory_space<vmem>>, vector<1x256x6xf32>
    %swap3A_2341 = vector.shape_cast %swap3A_2340 : vector<1x256x6xf32> to vector<256x6xf32>
    %swap3A_2342 = vector.shape_cast %get3A_2336 : vector<256x6xf32> to vector<1x256x6xf32>
    tpu.vector_store %arg3[%swap3A_2337, %swap3A_2338, %swap3A_2339], %swap3A_2342 {strides = array<i32>} : memref<8x4096x104xf32, #tpu.memory_space<vmem>>, vector<1x256x6xf32>,
    %mul3A_2343 = arith.mulf %get3A_2336, %get3A_2336 : vector<256x6xf32>
    %reduce_sum3A_2344 = arith.constant dense<0.000000e+00> : vector<256xf32>
    %reduce_sum3A_2345 = vector.multi_reduction <add>, %mul3A_2343, %reduce_sum3A_2344 [1] : vector<256x6xf32> to vector<256xf32>
    %broadcast_in_dim3A_2346 = vector.shape_cast %reduce_sum3A_2345 : vector<256xf32> to vector<256x1xf32>
    %swap3A_2347 = arith.constant 6 : index
    %swap3A_2348 = arith.constant 3840 : index
    %swap3A_2349 = arith.constant 96 : index
    %swap3A_2350 = vector.load %arg3[%swap3A_2347, %swap3A_2348, %swap3A_2349] : memref<8x4096x104xf32, #tpu.memory_space<vmem>>, vector<1x256x1xf32>
    %swap3A_2351 = vector.shape_cast %swap3A_2350 : vector<1x256x1xf32> to vector<256x1xf32>
    %swap3A_2352 = vector.shape_cast %broadcast_in_dim3A_2346 : vector<256x1xf32> to vector<1x256x1xf32>
    tpu.vector_store %arg3[%swap3A_2347, %swap3A_2348, %swap3A_2349], %swap3A_2352 {strides = array<i32>} : memref<8x4096x104xf32, #tpu.memory_space<vmem>>, vector<1x256x1xf32>,
    %get3A_2353 = arith.constant 112 : index
    %get3A_2354 = arith.constant 0 : index
    %get3A_2355 = arith.constant 0 : index
    %get3A_2356 = vector.load %arg1[%get3A_2353, %get3A_2354, %get3A_2355] : memref<128x256x6xf32, #tpu.memory_space<vmem>>, vector<1x256x6xf32>
    %get3A_2357 = vector.shape_cast %get3A_2356 : vector<1x256x6xf32> to vector<256x6xf32>
    %swap3A_2358 = arith.constant 7 : index
    %swap3A_2359 = arith.constant 0 : index
    %swap3A_2360 = arith.constant 0 : index
    %swap3A_2361 = vector.load %arg3[%swap3A_2358, %swap3A_2359, %swap3A_2360] : memref<8x4096x104xf32, #tpu.memory_space<vmem>>, vector<1x256x6xf32>
    %swap3A_2362 = vector.shape_cast %swap3A_2361 : vector<1x256x6xf32> to vector<256x6xf32>
    %swap3A_2363 = vector.shape_cast %get3A_2357 : vector<256x6xf32> to vector<1x256x6xf32>
    tpu.vector_store %arg3[%swap3A_2358, %swap3A_2359, %swap3A_2360], %swap3A_2363 {strides = array<i32>} : memref<8x4096x104xf32, #tpu.memory_space<vmem>>, vector<1x256x6xf32>,
    %mul3A_2364 = arith.mulf %get3A_2357, %get3A_2357 : vector<256x6xf32>
    %reduce_sum3A_2365 = arith.constant dense<0.000000e+00> : vector<256xf32>
    %reduce_sum3A_2366 = vector.multi_reduction <add>, %mul3A_2364, %reduce_sum3A_2365 [1] : vector<256x6xf32> to vector<256xf32>
    %broadcast_in_dim3A_2367 = vector.shape_cast %reduce_sum3A_2366 : vector<256xf32> to vector<256x1xf32>
    %swap3A_2368 = arith.constant 7 : index
    %swap3A_2369 = arith.constant 0 : index
    %swap3A_2370 = arith.constant 96 : index
    %swap3A_2371 = vector.load %arg3[%swap3A_2368, %swap3A_2369, %swap3A_2370] : memref<8x4096x104xf32, #tpu.memory_space<vmem>>, vector<1x256x1xf32>
    %swap3A_2372 = vector.shape_cast %swap3A_2371 : vector<1x256x1xf32> to vector<256x1xf32>
    %swap3A_2373 = vector.shape_cast %broadcast_in_dim3A_2367 : vector<256x1xf32> to vector<1x256x1xf32>
    tpu.vector_store %arg3[%swap3A_2368, %swap3A_2369, %swap3A_2370], %swap3A_2373 {strides = array<i32>} : memref<8x4096x104xf32, #tpu.memory_space<vmem>>, vector<1x256x1xf32>,
    %get3A_2374 = arith.constant 113 : index
    %get3A_2375 = arith.constant 0 : index
    %get3A_2376 = arith.constant 0 : index
    %get3A_2377 = vector.load %arg1[%get3A_2374, %get3A_2375, %get3A_2376] : memref<128x256x6xf32, #tpu.memory_space<vmem>>, vector<1x256x6xf32>
    %get3A_2378 = vector.shape_cast %get3A_2377 : vector<1x256x6xf32> to vector<256x6xf32>
    %swap3A_2379 = arith.constant 7 : index
    %swap3A_2380 = arith.constant 256 : index
    %swap3A_2381 = arith.constant 6 : index
    %swap3A_2382 = vector.load %arg3[%swap3A_2379, %swap3A_2380, %swap3A_2381] : memref<8x4096x104xf32, #tpu.memory_space<vmem>>, vector<1x256x6xf32>
    %swap3A_2383 = vector.shape_cast %swap3A_2382 : vector<1x256x6xf32> to vector<256x6xf32>
    %swap3A_2384 = vector.shape_cast %get3A_2378 : vector<256x6xf32> to vector<1x256x6xf32>
    tpu.vector_store %arg3[%swap3A_2379, %swap3A_2380, %swap3A_2381], %swap3A_2384 {strides = array<i32>} : memref<8x4096x104xf32, #tpu.memory_space<vmem>>, vector<1x256x6xf32>,
    %mul3A_2385 = arith.mulf %get3A_2378, %get3A_2378 : vector<256x6xf32>
    %reduce_sum3A_2386 = arith.constant dense<0.000000e+00> : vector<256xf32>
    %reduce_sum3A_2387 = vector.multi_reduction <add>, %mul3A_2385, %reduce_sum3A_2386 [1] : vector<256x6xf32> to vector<256xf32>
    %broadcast_in_dim3A_2388 = vector.shape_cast %reduce_sum3A_2387 : vector<256xf32> to vector<256x1xf32>
    %swap3A_2389 = arith.constant 7 : index
    %swap3A_2390 = arith.constant 256 : index
    %swap3A_2391 = arith.constant 96 : index
    %swap3A_2392 = vector.load %arg3[%swap3A_2389, %swap3A_2390, %swap3A_2391] : memref<8x4096x104xf32, #tpu.memory_space<vmem>>, vector<1x256x1xf32>
    %swap3A_2393 = vector.shape_cast %swap3A_2392 : vector<1x256x1xf32> to vector<256x1xf32>
    %swap3A_2394 = vector.shape_cast %broadcast_in_dim3A_2388 : vector<256x1xf32> to vector<1x256x1xf32>
    tpu.vector_store %arg3[%swap3A_2389, %swap3A_2390, %swap3A_2391], %swap3A_2394 {strides = array<i32>} : memref<8x4096x104xf32, #tpu.memory_space<vmem>>, vector<1x256x1xf32>,
    %get3A_2395 = arith.constant 114 : index
    %get3A_2396 = arith.constant 0 : index
    %get3A_2397 = arith.constant 0 : index
    %get3A_2398 = vector.load %arg1[%get3A_2395, %get3A_2396, %get3A_2397] : memref<128x256x6xf32, #tpu.memory_space<vmem>>, vector<1x256x6xf32>
    %get3A_2399 = vector.shape_cast %get3A_2398 : vector<1x256x6xf32> to vector<256x6xf32>
    %swap3A_2400 = arith.constant 7 : index
    %swap3A_2401 = arith.constant 512 : index
    %swap3A_2402 = arith.constant 12 : index
    %swap3A_2403 = vector.load %arg3[%swap3A_2400, %swap3A_2401, %swap3A_2402] : memref<8x4096x104xf32, #tpu.memory_space<vmem>>, vector<1x256x6xf32>
    %swap3A_2404 = vector.shape_cast %swap3A_2403 : vector<1x256x6xf32> to vector<256x6xf32>
    %swap3A_2405 = vector.shape_cast %get3A_2399 : vector<256x6xf32> to vector<1x256x6xf32>
    tpu.vector_store %arg3[%swap3A_2400, %swap3A_2401, %swap3A_2402], %swap3A_2405 {strides = array<i32>} : memref<8x4096x104xf32, #tpu.memory_space<vmem>>, vector<1x256x6xf32>,
    %mul3A_2406 = arith.mulf %get3A_2399, %get3A_2399 : vector<256x6xf32>
    %reduce_sum3A_2407 = arith.constant dense<0.000000e+00> : vector<256xf32>
    %reduce_sum3A_2408 = vector.multi_reduction <add>, %mul3A_2406, %reduce_sum3A_2407 [1] : vector<256x6xf32> to vector<256xf32>
    %broadcast_in_dim3A_2409 = vector.shape_cast %reduce_sum3A_2408 : vector<256xf32> to vector<256x1xf32>
    %swap3A_2410 = arith.constant 7 : index
    %swap3A_2411 = arith.constant 512 : index
    %swap3A_2412 = arith.constant 96 : index
    %swap3A_2413 = vector.load %arg3[%swap3A_2410, %swap3A_2411, %swap3A_2412] : memref<8x4096x104xf32, #tpu.memory_space<vmem>>, vector<1x256x1xf32>
    %swap3A_2414 = vector.shape_cast %swap3A_2413 : vector<1x256x1xf32> to vector<256x1xf32>
    %swap3A_2415 = vector.shape_cast %broadcast_in_dim3A_2409 : vector<256x1xf32> to vector<1x256x1xf32>
    tpu.vector_store %arg3[%swap3A_2410, %swap3A_2411, %swap3A_2412], %swap3A_2415 {strides = array<i32>} : memref<8x4096x104xf32, #tpu.memory_space<vmem>>, vector<1x256x1xf32>,
    %get3A_2416 = arith.constant 115 : index
    %get3A_2417 = arith.constant 0 : index
    %get3A_2418 = arith.constant 0 : index
    %get3A_2419 = vector.load %arg1[%get3A_2416, %get3A_2417, %get3A_2418] : memref<128x256x6xf32, #tpu.memory_space<vmem>>, vector<1x256x6xf32>
    %get3A_2420 = vector.shape_cast %get3A_2419 : vector<1x256x6xf32> to vector<256x6xf32>
    %swap3A_2421 = arith.constant 7 : index
    %swap3A_2422 = arith.constant 768 : index
    %swap3A_2423 = arith.constant 18 : index
    %swap3A_2424 = vector.load %arg3[%swap3A_2421, %swap3A_2422, %swap3A_2423] : memref<8x4096x104xf32, #tpu.memory_space<vmem>>, vector<1x256x6xf32>
    %swap3A_2425 = vector.shape_cast %swap3A_2424 : vector<1x256x6xf32> to vector<256x6xf32>
    %swap3A_2426 = vector.shape_cast %get3A_2420 : vector<256x6xf32> to vector<1x256x6xf32>
    tpu.vector_store %arg3[%swap3A_2421, %swap3A_2422, %swap3A_2423], %swap3A_2426 {strides = array<i32>} : memref<8x4096x104xf32, #tpu.memory_space<vmem>>, vector<1x256x6xf32>,
    %mul3A_2427 = arith.mulf %get3A_2420, %get3A_2420 : vector<256x6xf32>
    %reduce_sum3A_2428 = arith.constant dense<0.000000e+00> : vector<256xf32>
    %reduce_sum3A_2429 = vector.multi_reduction <add>, %mul3A_2427, %reduce_sum3A_2428 [1] : vector<256x6xf32> to vector<256xf32>
    %broadcast_in_dim3A_2430 = vector.shape_cast %reduce_sum3A_2429 : vector<256xf32> to vector<256x1xf32>
    %swap3A_2431 = arith.constant 7 : index
    %swap3A_2432 = arith.constant 768 : index
    %swap3A_2433 = arith.constant 96 : index
    %swap3A_2434 = vector.load %arg3[%swap3A_2431, %swap3A_2432, %swap3A_2433] : memref<8x4096x104xf32, #tpu.memory_space<vmem>>, vector<1x256x1xf32>
    %swap3A_2435 = vector.shape_cast %swap3A_2434 : vector<1x256x1xf32> to vector<256x1xf32>
    %swap3A_2436 = vector.shape_cast %broadcast_in_dim3A_2430 : vector<256x1xf32> to vector<1x256x1xf32>
    tpu.vector_store %arg3[%swap3A_2431, %swap3A_2432, %swap3A_2433], %swap3A_2436 {strides = array<i32>} : memref<8x4096x104xf32, #tpu.memory_space<vmem>>, vector<1x256x1xf32>,
    %get3A_2437 = arith.constant 116 : index
    %get3A_2438 = arith.constant 0 : index
    %get3A_2439 = arith.constant 0 : index
    %get3A_2440 = vector.load %arg1[%get3A_2437, %get3A_2438, %get3A_2439] : memref<128x256x6xf32, #tpu.memory_space<vmem>>, vector<1x256x6xf32>
    %get3A_2441 = vector.shape_cast %get3A_2440 : vector<1x256x6xf32> to vector<256x6xf32>
    %swap3A_2442 = arith.constant 7 : index
    %swap3A_2443 = arith.constant 1024 : index
    %swap3A_2444 = arith.constant 24 : index
    %swap3A_2445 = vector.load %arg3[%swap3A_2442, %swap3A_2443, %swap3A_2444] : memref<8x4096x104xf32, #tpu.memory_space<vmem>>, vector<1x256x6xf32>
    %swap3A_2446 = vector.shape_cast %swap3A_2445 : vector<1x256x6xf32> to vector<256x6xf32>
    %swap3A_2447 = vector.shape_cast %get3A_2441 : vector<256x6xf32> to vector<1x256x6xf32>
    tpu.vector_store %arg3[%swap3A_2442, %swap3A_2443, %swap3A_2444], %swap3A_2447 {strides = array<i32>} : memref<8x4096x104xf32, #tpu.memory_space<vmem>>, vector<1x256x6xf32>,
    %mul3A_2448 = arith.mulf %get3A_2441, %get3A_2441 : vector<256x6xf32>
    %reduce_sum3A_2449 = arith.constant dense<0.000000e+00> : vector<256xf32>
    %reduce_sum3A_2450 = vector.multi_reduction <add>, %mul3A_2448, %reduce_sum3A_2449 [1] : vector<256x6xf32> to vector<256xf32>
    %broadcast_in_dim3A_2451 = vector.shape_cast %reduce_sum3A_2450 : vector<256xf32> to vector<256x1xf32>
    %swap3A_2452 = arith.constant 7 : index
    %swap3A_2453 = arith.constant 1024 : index
    %swap3A_2454 = arith.constant 96 : index
    %swap3A_2455 = vector.load %arg3[%swap3A_2452, %swap3A_2453, %swap3A_2454] : memref<8x4096x104xf32, #tpu.memory_space<vmem>>, vector<1x256x1xf32>
    %swap3A_2456 = vector.shape_cast %swap3A_2455 : vector<1x256x1xf32> to vector<256x1xf32>
    %swap3A_2457 = vector.shape_cast %broadcast_in_dim3A_2451 : vector<256x1xf32> to vector<1x256x1xf32>
    tpu.vector_store %arg3[%swap3A_2452, %swap3A_2453, %swap3A_2454], %swap3A_2457 {strides = array<i32>} : memref<8x4096x104xf32, #tpu.memory_space<vmem>>, vector<1x256x1xf32>,
    %get3A_2458 = arith.constant 117 : index
    %get3A_2459 = arith.constant 0 : index
    %get3A_2460 = arith.constant 0 : index
    %get3A_2461 = vector.load %arg1[%get3A_2458, %get3A_2459, %get3A_2460] : memref<128x256x6xf32, #tpu.memory_space<vmem>>, vector<1x256x6xf32>
    %get3A_2462 = vector.shape_cast %get3A_2461 : vector<1x256x6xf32> to vector<256x6xf32>
    %swap3A_2463 = arith.constant 7 : index
    %swap3A_2464 = arith.constant 1280 : index
    %swap3A_2465 = arith.constant 30 : index
    %swap3A_2466 = vector.load %arg3[%swap3A_2463, %swap3A_2464, %swap3A_2465] : memref<8x4096x104xf32, #tpu.memory_space<vmem>>, vector<1x256x6xf32>
    %swap3A_2467 = vector.shape_cast %swap3A_2466 : vector<1x256x6xf32> to vector<256x6xf32>
    %swap3A_2468 = vector.shape_cast %get3A_2462 : vector<256x6xf32> to vector<1x256x6xf32>
    tpu.vector_store %arg3[%swap3A_2463, %swap3A_2464, %swap3A_2465], %swap3A_2468 {strides = array<i32>} : memref<8x4096x104xf32, #tpu.memory_space<vmem>>, vector<1x256x6xf32>,
    %mul3A_2469 = arith.mulf %get3A_2462, %get3A_2462 : vector<256x6xf32>
    %reduce_sum3A_2470 = arith.constant dense<0.000000e+00> : vector<256xf32>
    %reduce_sum3A_2471 = vector.multi_reduction <add>, %mul3A_2469, %reduce_sum3A_2470 [1] : vector<256x6xf32> to vector<256xf32>
    %broadcast_in_dim3A_2472 = vector.shape_cast %reduce_sum3A_2471 : vector<256xf32> to vector<256x1xf32>
    %swap3A_2473 = arith.constant 7 : index
    %swap3A_2474 = arith.constant 1280 : index
    %swap3A_2475 = arith.constant 96 : index
    %swap3A_2476 = vector.load %arg3[%swap3A_2473, %swap3A_2474, %swap3A_2475] : memref<8x4096x104xf32, #tpu.memory_space<vmem>>, vector<1x256x1xf32>
    %swap3A_2477 = vector.shape_cast %swap3A_2476 : vector<1x256x1xf32> to vector<256x1xf32>
    %swap3A_2478 = vector.shape_cast %broadcast_in_dim3A_2472 : vector<256x1xf32> to vector<1x256x1xf32>
    tpu.vector_store %arg3[%swap3A_2473, %swap3A_2474, %swap3A_2475], %swap3A_2478 {strides = array<i32>} : memref<8x4096x104xf32, #tpu.memory_space<vmem>>, vector<1x256x1xf32>,
    %get3A_2479 = arith.constant 118 : index
    %get3A_2480 = arith.constant 0 : index
    %get3A_2481 = arith.constant 0 : index
    %get3A_2482 = vector.load %arg1[%get3A_2479, %get3A_2480, %get3A_2481] : memref<128x256x6xf32, #tpu.memory_space<vmem>>, vector<1x256x6xf32>
    %get3A_2483 = vector.shape_cast %get3A_2482 : vector<1x256x6xf32> to vector<256x6xf32>
    %swap3A_2484 = arith.constant 7 : index
    %swap3A_2485 = arith.constant 1536 : index
    %swap3A_2486 = arith.constant 36 : index
    %swap3A_2487 = vector.load %arg3[%swap3A_2484, %swap3A_2485, %swap3A_2486] : memref<8x4096x104xf32, #tpu.memory_space<vmem>>, vector<1x256x6xf32>
    %swap3A_2488 = vector.shape_cast %swap3A_2487 : vector<1x256x6xf32> to vector<256x6xf32>
    %swap3A_2489 = vector.shape_cast %get3A_2483 : vector<256x6xf32> to vector<1x256x6xf32>
    tpu.vector_store %arg3[%swap3A_2484, %swap3A_2485, %swap3A_2486], %swap3A_2489 {strides = array<i32>} : memref<8x4096x104xf32, #tpu.memory_space<vmem>>, vector<1x256x6xf32>,
    %mul3A_2490 = arith.mulf %get3A_2483, %get3A_2483 : vector<256x6xf32>
    %reduce_sum3A_2491 = arith.constant dense<0.000000e+00> : vector<256xf32>
    %reduce_sum3A_2492 = vector.multi_reduction <add>, %mul3A_2490, %reduce_sum3A_2491 [1] : vector<256x6xf32> to vector<256xf32>
    %broadcast_in_dim3A_2493 = vector.shape_cast %reduce_sum3A_2492 : vector<256xf32> to vector<256x1xf32>
    %swap3A_2494 = arith.constant 7 : index
    %swap3A_2495 = arith.constant 1536 : index
    %swap3A_2496 = arith.constant 96 : index
    %swap3A_2497 = vector.load %arg3[%swap3A_2494, %swap3A_2495, %swap3A_2496] : memref<8x4096x104xf32, #tpu.memory_space<vmem>>, vector<1x256x1xf32>
    %swap3A_2498 = vector.shape_cast %swap3A_2497 : vector<1x256x1xf32> to vector<256x1xf32>
    %swap3A_2499 = vector.shape_cast %broadcast_in_dim3A_2493 : vector<256x1xf32> to vector<1x256x1xf32>
    tpu.vector_store %arg3[%swap3A_2494, %swap3A_2495, %swap3A_2496], %swap3A_2499 {strides = array<i32>} : memref<8x4096x104xf32, #tpu.memory_space<vmem>>, vector<1x256x1xf32>,
    %get3A_2500 = arith.constant 119 : index
    %get3A_2501 = arith.constant 0 : index
    %get3A_2502 = arith.constant 0 : index
    %get3A_2503 = vector.load %arg1[%get3A_2500, %get3A_2501, %get3A_2502] : memref<128x256x6xf32, #tpu.memory_space<vmem>>, vector<1x256x6xf32>
    %get3A_2504 = vector.shape_cast %get3A_2503 : vector<1x256x6xf32> to vector<256x6xf32>
    %swap3A_2505 = arith.constant 7 : index
    %swap3A_2506 = arith.constant 1792 : index
    %swap3A_2507 = arith.constant 42 : index
    %swap3A_2508 = vector.load %arg3[%swap3A_2505, %swap3A_2506, %swap3A_2507] : memref<8x4096x104xf32, #tpu.memory_space<vmem>>, vector<1x256x6xf32>
    %swap3A_2509 = vector.shape_cast %swap3A_2508 : vector<1x256x6xf32> to vector<256x6xf32>
    %swap3A_2510 = vector.shape_cast %get3A_2504 : vector<256x6xf32> to vector<1x256x6xf32>
    tpu.vector_store %arg3[%swap3A_2505, %swap3A_2506, %swap3A_2507], %swap3A_2510 {strides = array<i32>} : memref<8x4096x104xf32, #tpu.memory_space<vmem>>, vector<1x256x6xf32>,
    %mul3A_2511 = arith.mulf %get3A_2504, %get3A_2504 : vector<256x6xf32>
    %reduce_sum3A_2512 = arith.constant dense<0.000000e+00> : vector<256xf32>
    %reduce_sum3A_2513 = vector.multi_reduction <add>, %mul3A_2511, %reduce_sum3A_2512 [1] : vector<256x6xf32> to vector<256xf32>
    %broadcast_in_dim3A_2514 = vector.shape_cast %reduce_sum3A_2513 : vector<256xf32> to vector<256x1xf32>
    %swap3A_2515 = arith.constant 7 : index
    %swap3A_2516 = arith.constant 1792 : index
    %swap3A_2517 = arith.constant 96 : index
    %swap3A_2518 = vector.load %arg3[%swap3A_2515, %swap3A_2516, %swap3A_2517] : memref<8x4096x104xf32, #tpu.memory_space<vmem>>, vector<1x256x1xf32>
    %swap3A_2519 = vector.shape_cast %swap3A_2518 : vector<1x256x1xf32> to vector<256x1xf32>
    %swap3A_2520 = vector.shape_cast %broadcast_in_dim3A_2514 : vector<256x1xf32> to vector<1x256x1xf32>
    tpu.vector_store %arg3[%swap3A_2515, %swap3A_2516, %swap3A_2517], %swap3A_2520 {strides = array<i32>} : memref<8x4096x104xf32, #tpu.memory_space<vmem>>, vector<1x256x1xf32>,
    %get3A_2521 = arith.constant 120 : index
    %get3A_2522 = arith.constant 0 : index
    %get3A_2523 = arith.constant 0 : index
    %get3A_2524 = vector.load %arg1[%get3A_2521, %get3A_2522, %get3A_2523] : memref<128x256x6xf32, #tpu.memory_space<vmem>>, vector<1x256x6xf32>
    %get3A_2525 = vector.shape_cast %get3A_2524 : vector<1x256x6xf32> to vector<256x6xf32>
    %swap3A_2526 = arith.constant 7 : index
    %swap3A_2527 = arith.constant 2048 : index
    %swap3A_2528 = arith.constant 48 : index
    %swap3A_2529 = vector.load %arg3[%swap3A_2526, %swap3A_2527, %swap3A_2528] : memref<8x4096x104xf32, #tpu.memory_space<vmem>>, vector<1x256x6xf32>
    %swap3A_2530 = vector.shape_cast %swap3A_2529 : vector<1x256x6xf32> to vector<256x6xf32>
    %swap3A_2531 = vector.shape_cast %get3A_2525 : vector<256x6xf32> to vector<1x256x6xf32>
    tpu.vector_store %arg3[%swap3A_2526, %swap3A_2527, %swap3A_2528], %swap3A_2531 {strides = array<i32>} : memref<8x4096x104xf32, #tpu.memory_space<vmem>>, vector<1x256x6xf32>,
    %mul3A_2532 = arith.mulf %get3A_2525, %get3A_2525 : vector<256x6xf32>
    %reduce_sum3A_2533 = arith.constant dense<0.000000e+00> : vector<256xf32>
    %reduce_sum3A_2534 = vector.multi_reduction <add>, %mul3A_2532, %reduce_sum3A_2533 [1] : vector<256x6xf32> to vector<256xf32>
    %broadcast_in_dim3A_2535 = vector.shape_cast %reduce_sum3A_2534 : vector<256xf32> to vector<256x1xf32>
    %swap3A_2536 = arith.constant 7 : index
    %swap3A_2537 = arith.constant 2048 : index
    %swap3A_2538 = arith.constant 96 : index
    %swap3A_2539 = vector.load %arg3[%swap3A_2536, %swap3A_2537, %swap3A_2538] : memref<8x4096x104xf32, #tpu.memory_space<vmem>>, vector<1x256x1xf32>
    %swap3A_2540 = vector.shape_cast %swap3A_2539 : vector<1x256x1xf32> to vector<256x1xf32>
    %swap3A_2541 = vector.shape_cast %broadcast_in_dim3A_2535 : vector<256x1xf32> to vector<1x256x1xf32>
    tpu.vector_store %arg3[%swap3A_2536, %swap3A_2537, %swap3A_2538], %swap3A_2541 {strides = array<i32>} : memref<8x4096x104xf32, #tpu.memory_space<vmem>>, vector<1x256x1xf32>,
    %get3A_2542 = arith.constant 121 : index
    %get3A_2543 = arith.constant 0 : index
    %get3A_2544 = arith.constant 0 : index
    %get3A_2545 = vector.load %arg1[%get3A_2542, %get3A_2543, %get3A_2544] : memref<128x256x6xf32, #tpu.memory_space<vmem>>, vector<1x256x6xf32>
    %get3A_2546 = vector.shape_cast %get3A_2545 : vector<1x256x6xf32> to vector<256x6xf32>
    %swap3A_2547 = arith.constant 7 : index
    %swap3A_2548 = arith.constant 2304 : index
    %swap3A_2549 = arith.constant 54 : index
    %swap3A_2550 = vector.load %arg3[%swap3A_2547, %swap3A_2548, %swap3A_2549] : memref<8x4096x104xf32, #tpu.memory_space<vmem>>, vector<1x256x6xf32>
    %swap3A_2551 = vector.shape_cast %swap3A_2550 : vector<1x256x6xf32> to vector<256x6xf32>
    %swap3A_2552 = vector.shape_cast %get3A_2546 : vector<256x6xf32> to vector<1x256x6xf32>
    tpu.vector_store %arg3[%swap3A_2547, %swap3A_2548, %swap3A_2549], %swap3A_2552 {strides = array<i32>} : memref<8x4096x104xf32, #tpu.memory_space<vmem>>, vector<1x256x6xf32>,
    %mul3A_2553 = arith.mulf %get3A_2546, %get3A_2546 : vector<256x6xf32>
    %reduce_sum3A_2554 = arith.constant dense<0.000000e+00> : vector<256xf32>
    %reduce_sum3A_2555 = vector.multi_reduction <add>, %mul3A_2553, %reduce_sum3A_2554 [1] : vector<256x6xf32> to vector<256xf32>
    %broadcast_in_dim3A_2556 = vector.shape_cast %reduce_sum3A_2555 : vector<256xf32> to vector<256x1xf32>
    %swap3A_2557 = arith.constant 7 : index
    %swap3A_2558 = arith.constant 2304 : index
    %swap3A_2559 = arith.constant 96 : index
    %swap3A_2560 = vector.load %arg3[%swap3A_2557, %swap3A_2558, %swap3A_2559] : memref<8x4096x104xf32, #tpu.memory_space<vmem>>, vector<1x256x1xf32>
    %swap3A_2561 = vector.shape_cast %swap3A_2560 : vector<1x256x1xf32> to vector<256x1xf32>
    %swap3A_2562 = vector.shape_cast %broadcast_in_dim3A_2556 : vector<256x1xf32> to vector<1x256x1xf32>
    tpu.vector_store %arg3[%swap3A_2557, %swap3A_2558, %swap3A_2559], %swap3A_2562 {strides = array<i32>} : memref<8x4096x104xf32, #tpu.memory_space<vmem>>, vector<1x256x1xf32>,
    %get3A_2563 = arith.constant 122 : index
    %get3A_2564 = arith.constant 0 : index
    %get3A_2565 = arith.constant 0 : index
    %get3A_2566 = vector.load %arg1[%get3A_2563, %get3A_2564, %get3A_2565] : memref<128x256x6xf32, #tpu.memory_space<vmem>>, vector<1x256x6xf32>
    %get3A_2567 = vector.shape_cast %get3A_2566 : vector<1x256x6xf32> to vector<256x6xf32>
    %swap3A_2568 = arith.constant 7 : index
    %swap3A_2569 = arith.constant 2560 : index
    %swap3A_2570 = arith.constant 60 : index
    %swap3A_2571 = vector.load %arg3[%swap3A_2568, %swap3A_2569, %swap3A_2570] : memref<8x4096x104xf32, #tpu.memory_space<vmem>>, vector<1x256x6xf32>
    %swap3A_2572 = vector.shape_cast %swap3A_2571 : vector<1x256x6xf32> to vector<256x6xf32>
    %swap3A_2573 = vector.shape_cast %get3A_2567 : vector<256x6xf32> to vector<1x256x6xf32>
    tpu.vector_store %arg3[%swap3A_2568, %swap3A_2569, %swap3A_2570], %swap3A_2573 {strides = array<i32>} : memref<8x4096x104xf32, #tpu.memory_space<vmem>>, vector<1x256x6xf32>,
    %mul3A_2574 = arith.mulf %get3A_2567, %get3A_2567 : vector<256x6xf32>
    %reduce_sum3A_2575 = arith.constant dense<0.000000e+00> : vector<256xf32>
    %reduce_sum3A_2576 = vector.multi_reduction <add>, %mul3A_2574, %reduce_sum3A_2575 [1] : vector<256x6xf32> to vector<256xf32>
    %broadcast_in_dim3A_2577 = vector.shape_cast %reduce_sum3A_2576 : vector<256xf32> to vector<256x1xf32>
    %swap3A_2578 = arith.constant 7 : index
    %swap3A_2579 = arith.constant 2560 : index
    %swap3A_2580 = arith.constant 96 : index
    %swap3A_2581 = vector.load %arg3[%swap3A_2578, %swap3A_2579, %swap3A_2580] : memref<8x4096x104xf32, #tpu.memory_space<vmem>>, vector<1x256x1xf32>
    %swap3A_2582 = vector.shape_cast %swap3A_2581 : vector<1x256x1xf32> to vector<256x1xf32>
    %swap3A_2583 = vector.shape_cast %broadcast_in_dim3A_2577 : vector<256x1xf32> to vector<1x256x1xf32>
    tpu.vector_store %arg3[%swap3A_2578, %swap3A_2579, %swap3A_2580], %swap3A_2583 {strides = array<i32>} : memref<8x4096x104xf32, #tpu.memory_space<vmem>>, vector<1x256x1xf32>,
    %get3A_2584 = arith.constant 123 : index
    %get3A_2585 = arith.constant 0 : index
    %get3A_2586 = arith.constant 0 : index
    %get3A_2587 = vector.load %arg1[%get3A_2584, %get3A_2585, %get3A_2586] : memref<128x256x6xf32, #tpu.memory_space<vmem>>, vector<1x256x6xf32>
    %get3A_2588 = vector.shape_cast %get3A_2587 : vector<1x256x6xf32> to vector<256x6xf32>
    %swap3A_2589 = arith.constant 7 : index
    %swap3A_2590 = arith.constant 2816 : index
    %swap3A_2591 = arith.constant 66 : index
    %swap3A_2592 = vector.load %arg3[%swap3A_2589, %swap3A_2590, %swap3A_2591] : memref<8x4096x104xf32, #tpu.memory_space<vmem>>, vector<1x256x6xf32>
    %swap3A_2593 = vector.shape_cast %swap3A_2592 : vector<1x256x6xf32> to vector<256x6xf32>
    %swap3A_2594 = vector.shape_cast %get3A_2588 : vector<256x6xf32> to vector<1x256x6xf32>
    tpu.vector_store %arg3[%swap3A_2589, %swap3A_2590, %swap3A_2591], %swap3A_2594 {strides = array<i32>} : memref<8x4096x104xf32, #tpu.memory_space<vmem>>, vector<1x256x6xf32>,
    %mul3A_2595 = arith.mulf %get3A_2588, %get3A_2588 : vector<256x6xf32>
    %reduce_sum3A_2596 = arith.constant dense<0.000000e+00> : vector<256xf32>
    %reduce_sum3A_2597 = vector.multi_reduction <add>, %mul3A_2595, %reduce_sum3A_2596 [1] : vector<256x6xf32> to vector<256xf32>
    %broadcast_in_dim3A_2598 = vector.shape_cast %reduce_sum3A_2597 : vector<256xf32> to vector<256x1xf32>
    %swap3A_2599 = arith.constant 7 : index
    %swap3A_2600 = arith.constant 2816 : index
    %swap3A_2601 = arith.constant 96 : index
    %swap3A_2602 = vector.load %arg3[%swap3A_2599, %swap3A_2600, %swap3A_2601] : memref<8x4096x104xf32, #tpu.memory_space<vmem>>, vector<1x256x1xf32>
    %swap3A_2603 = vector.shape_cast %swap3A_2602 : vector<1x256x1xf32> to vector<256x1xf32>
    %swap3A_2604 = vector.shape_cast %broadcast_in_dim3A_2598 : vector<256x1xf32> to vector<1x256x1xf32>
    tpu.vector_store %arg3[%swap3A_2599, %swap3A_2600, %swap3A_2601], %swap3A_2604 {strides = array<i32>} : memref<8x4096x104xf32, #tpu.memory_space<vmem>>, vector<1x256x1xf32>,
    %get3A_2605 = arith.constant 124 : index
    %get3A_2606 = arith.constant 0 : index
    %get3A_2607 = arith.constant 0 : index
    %get3A_2608 = vector.load %arg1[%get3A_2605, %get3A_2606, %get3A_2607] : memref<128x256x6xf32, #tpu.memory_space<vmem>>, vector<1x256x6xf32>
    %get3A_2609 = vector.shape_cast %get3A_2608 : vector<1x256x6xf32> to vector<256x6xf32>
    %swap3A_2610 = arith.constant 7 : index
    %swap3A_2611 = arith.constant 3072 : index
    %swap3A_2612 = arith.constant 72 : index
    %swap3A_2613 = vector.load %arg3[%swap3A_2610, %swap3A_2611, %swap3A_2612] : memref<8x4096x104xf32, #tpu.memory_space<vmem>>, vector<1x256x6xf32>
    %swap3A_2614 = vector.shape_cast %swap3A_2613 : vector<1x256x6xf32> to vector<256x6xf32>
    %swap3A_2615 = vector.shape_cast %get3A_2609 : vector<256x6xf32> to vector<1x256x6xf32>
    tpu.vector_store %arg3[%swap3A_2610, %swap3A_2611, %swap3A_2612], %swap3A_2615 {strides = array<i32>} : memref<8x4096x104xf32, #tpu.memory_space<vmem>>, vector<1x256x6xf32>,
    %mul3A_2616 = arith.mulf %get3A_2609, %get3A_2609 : vector<256x6xf32>
    %reduce_sum3A_2617 = arith.constant dense<0.000000e+00> : vector<256xf32>
    %reduce_sum3A_2618 = vector.multi_reduction <add>, %mul3A_2616, %reduce_sum3A_2617 [1] : vector<256x6xf32> to vector<256xf32>
    %broadcast_in_dim3A_2619 = vector.shape_cast %reduce_sum3A_2618 : vector<256xf32> to vector<256x1xf32>
    %swap3A_2620 = arith.constant 7 : index
    %swap3A_2621 = arith.constant 3072 : index
    %swap3A_2622 = arith.constant 96 : index
    %swap3A_2623 = vector.load %arg3[%swap3A_2620, %swap3A_2621, %swap3A_2622] : memref<8x4096x104xf32, #tpu.memory_space<vmem>>, vector<1x256x1xf32>
    %swap3A_2624 = vector.shape_cast %swap3A_2623 : vector<1x256x1xf32> to vector<256x1xf32>
    %swap3A_2625 = vector.shape_cast %broadcast_in_dim3A_2619 : vector<256x1xf32> to vector<1x256x1xf32>
    tpu.vector_store %arg3[%swap3A_2620, %swap3A_2621, %swap3A_2622], %swap3A_2625 {strides = array<i32>} : memref<8x4096x104xf32, #tpu.memory_space<vmem>>, vector<1x256x1xf32>,
    %get3A_2626 = arith.constant 125 : index
    %get3A_2627 = arith.constant 0 : index
    %get3A_2628 = arith.constant 0 : index
    %get3A_2629 = vector.load %arg1[%get3A_2626, %get3A_2627, %get3A_2628] : memref<128x256x6xf32, #tpu.memory_space<vmem>>, vector<1x256x6xf32>
    %get3A_2630 = vector.shape_cast %get3A_2629 : vector<1x256x6xf32> to vector<256x6xf32>
    %swap3A_2631 = arith.constant 7 : index
    %swap3A_2632 = arith.constant 3328 : index
    %swap3A_2633 = arith.constant 78 : index
    %swap3A_2634 = vector.load %arg3[%swap3A_2631, %swap3A_2632, %swap3A_2633] : memref<8x4096x104xf32, #tpu.memory_space<vmem>>, vector<1x256x6xf32>
    %swap3A_2635 = vector.shape_cast %swap3A_2634 : vector<1x256x6xf32> to vector<256x6xf32>
    %swap3A_2636 = vector.shape_cast %get3A_2630 : vector<256x6xf32> to vector<1x256x6xf32>
    tpu.vector_store %arg3[%swap3A_2631, %swap3A_2632, %swap3A_2633], %swap3A_2636 {strides = array<i32>} : memref<8x4096x104xf32, #tpu.memory_space<vmem>>, vector<1x256x6xf32>,
    %mul3A_2637 = arith.mulf %get3A_2630, %get3A_2630 : vector<256x6xf32>
    %reduce_sum3A_2638 = arith.constant dense<0.000000e+00> : vector<256xf32>
    %reduce_sum3A_2639 = vector.multi_reduction <add>, %mul3A_2637, %reduce_sum3A_2638 [1] : vector<256x6xf32> to vector<256xf32>
    %broadcast_in_dim3A_2640 = vector.shape_cast %reduce_sum3A_2639 : vector<256xf32> to vector<256x1xf32>
    %swap3A_2641 = arith.constant 7 : index
    %swap3A_2642 = arith.constant 3328 : index
    %swap3A_2643 = arith.constant 96 : index
    %swap3A_2644 = vector.load %arg3[%swap3A_2641, %swap3A_2642, %swap3A_2643] : memref<8x4096x104xf32, #tpu.memory_space<vmem>>, vector<1x256x1xf32>
    %swap3A_2645 = vector.shape_cast %swap3A_2644 : vector<1x256x1xf32> to vector<256x1xf32>
    %swap3A_2646 = vector.shape_cast %broadcast_in_dim3A_2640 : vector<256x1xf32> to vector<1x256x1xf32>
    tpu.vector_store %arg3[%swap3A_2641, %swap3A_2642, %swap3A_2643], %swap3A_2646 {strides = array<i32>} : memref<8x4096x104xf32, #tpu.memory_space<vmem>>, vector<1x256x1xf32>,
    %get3A_2647 = arith.constant 126 : index
    %get3A_2648 = arith.constant 0 : index
    %get3A_2649 = arith.constant 0 : index
    %get3A_2650 = vector.load %arg1[%get3A_2647, %get3A_2648, %get3A_2649] : memref<128x256x6xf32, #tpu.memory_space<vmem>>, vector<1x256x6xf32>
    %get3A_2651 = vector.shape_cast %get3A_2650 : vector<1x256x6xf32> to vector<256x6xf32>
    %swap3A_2652 = arith.constant 7 : index
    %swap3A_2653 = arith.constant 3584 : index
    %swap3A_2654 = arith.constant 84 : index
    %swap3A_2655 = vector.load %arg3[%swap3A_2652, %swap3A_2653, %swap3A_2654] : memref<8x4096x104xf32, #tpu.memory_space<vmem>>, vector<1x256x6xf32>
    %swap3A_2656 = vector.shape_cast %swap3A_2655 : vector<1x256x6xf32> to vector<256x6xf32>
    %swap3A_2657 = vector.shape_cast %get3A_2651 : vector<256x6xf32> to vector<1x256x6xf32>
    tpu.vector_store %arg3[%swap3A_2652, %swap3A_2653, %swap3A_2654], %swap3A_2657 {strides = array<i32>} : memref<8x4096x104xf32, #tpu.memory_space<vmem>>, vector<1x256x6xf32>,
    %mul3A_2658 = arith.mulf %get3A_2651, %get3A_2651 : vector<256x6xf32>
    %reduce_sum3A_2659 = arith.constant dense<0.000000e+00> : vector<256xf32>
    %reduce_sum3A_2660 = vector.multi_reduction <add>, %mul3A_2658, %reduce_sum3A_2659 [1] : vector<256x6xf32> to vector<256xf32>
    %broadcast_in_dim3A_2661 = vector.shape_cast %reduce_sum3A_2660 : vector<256xf32> to vector<256x1xf32>
    %swap3A_2662 = arith.constant 7 : index
    %swap3A_2663 = arith.constant 3584 : index
    %swap3A_2664 = arith.constant 96 : index
    %swap3A_2665 = vector.load %arg3[%swap3A_2662, %swap3A_2663, %swap3A_2664] : memref<8x4096x104xf32, #tpu.memory_space<vmem>>, vector<1x256x1xf32>
    %swap3A_2666 = vector.shape_cast %swap3A_2665 : vector<1x256x1xf32> to vector<256x1xf32>
    %swap3A_2667 = vector.shape_cast %broadcast_in_dim3A_2661 : vector<256x1xf32> to vector<1x256x1xf32>
    tpu.vector_store %arg3[%swap3A_2662, %swap3A_2663, %swap3A_2664], %swap3A_2667 {strides = array<i32>} : memref<8x4096x104xf32, #tpu.memory_space<vmem>>, vector<1x256x1xf32>,
    %get3A_2668 = arith.constant 127 : index
    %get3A_2669 = arith.constant 0 : index
    %get3A_2670 = arith.constant 0 : index
    %get3A_2671 = vector.load %arg1[%get3A_2668, %get3A_2669, %get3A_2670] : memref<128x256x6xf32, #tpu.memory_space<vmem>>, vector<1x256x6xf32>
    %get3A_2672 = vector.shape_cast %get3A_2671 : vector<1x256x6xf32> to vector<256x6xf32>
    %swap3A_2673 = arith.constant 7 : index
    %swap3A_2674 = arith.constant 3840 : index
    %swap3A_2675 = arith.constant 90 : index
    %swap3A_2676 = vector.load %arg3[%swap3A_2673, %swap3A_2674, %swap3A_2675] : memref<8x4096x104xf32, #tpu.memory_space<vmem>>, vector<1x256x6xf32>
    %swap3A_2677 = vector.shape_cast %swap3A_2676 : vector<1x256x6xf32> to vector<256x6xf32>
    %swap3A_2678 = vector.shape_cast %get3A_2672 : vector<256x6xf32> to vector<1x256x6xf32>
    tpu.vector_store %arg3[%swap3A_2673, %swap3A_2674, %swap3A_2675], %swap3A_2678 {strides = array<i32>} : memref<8x4096x104xf32, #tpu.memory_space<vmem>>, vector<1x256x6xf32>,
    %mul3A_2679 = arith.mulf %get3A_2672, %get3A_2672 : vector<256x6xf32>
    %reduce_sum3A_2680 = arith.constant dense<0.000000e+00> : vector<256xf32>
    %reduce_sum3A_2681 = vector.multi_reduction <add>, %mul3A_2679, %reduce_sum3A_2680 [1] : vector<256x6xf32> to vector<256xf32>
    %broadcast_in_dim3A_2682 = vector.shape_cast %reduce_sum3A_2681 : vector<256xf32> to vector<256x1xf32>
    %swap3A_2683 = arith.constant 7 : index
    %swap3A_2684 = arith.constant 3840 : index
    %swap3A_2685 = arith.constant 96 : index
    %swap3A_2686 = vector.load %arg3[%swap3A_2683, %swap3A_2684, %swap3A_2685] : memref<8x4096x104xf32, #tpu.memory_space<vmem>>, vector<1x256x1xf32>
    %swap3A_2687 = vector.shape_cast %swap3A_2686 : vector<1x256x1xf32> to vector<256x1xf32>
    %swap3A_2688 = vector.shape_cast %broadcast_in_dim3A_2682 : vector<256x1xf32> to vector<1x256x1xf32>
    tpu.vector_store %arg3[%swap3A_2683, %swap3A_2684, %swap3A_2685], %swap3A_2688 {strides = array<i32>} : memref<8x4096x104xf32, #tpu.memory_space<vmem>>, vector<1x256x1xf32>,
    %get3A_2689 = arith.constant 0 : index
    %get3A_2690 = arith.constant 0 : index
    %get3A_2691 = vector.load %arg2[%get3A_2689, %get3A_2690] : memref<1024x768xf32, #tpu.memory_space<vmem>>, vector<1024x768xf32>
    %broadcast_in_dim3A_2692 = arith.constant 1.000000e+00 : f32
    %broadcast_in_dim3A_2693 = vector.broadcast %broadcast_in_dim3A_2692 : f32 to vector<8x768xf32>
    %mul3A_2694 = arith.mulf %get3A_2691, %get3A_2691 : vector<1024x768xf32>
    %dot_general3A = arith.constant dense<0.000000e+00> : vector<8x1024xf32>
    %dot_general3A_2695 = tpu.matmul %broadcast_in_dim3A_2693, %mul3A_2694, %dot_general3A {dimension_numbers = #tpu.dot_dimension_numbers<[1], [1], [0], [0], [0, 0, 1, 0], [], []>, precision = #tpu.contract_precision<fp32>, transpose_lhs_hint = false} : vector<8x768xf32>, vector<1024x768xf32>, vector<8x1024xf32> -> vector<8x1024xf32>
    %swap3A_2696 = arith.constant 0 : index
    %swap3A_2697 = arith.constant 0 : index
    %swap3A_2698 = vector.load %arg4[%swap3A_2696, %swap3A_2697] : memref<8x1024xf32, #tpu.memory_space<vmem>>, vector<8x1024xf32>
    tpu.vector_store %arg4[%swap3A_2696, %swap3A_2697], %dot_general3A_2695 {strides = array<i32>} : memref<8x1024xf32, #tpu.memory_space<vmem>>, vector<8x1024xf32>,
    return
  }
  func.func @transform_0(%arg0: i32) -> (i32, i32, i32) {
    %c0_i32 = arith.constant 0 : i32
    %c0_i32_0 = arith.constant 0 : i32
    %c0_i32_1 = arith.constant 0 : i32
    %c0_i32_2 = arith.constant 0 : i32
    return %c0_i32, %c0_i32_0, %c0_i32_1 : i32, i32, i32
  }
  func.func @transform_1(%arg0: i32) -> (i32, i32) {
    %c0_i32 = arith.constant 0 : i32
    %c0_i32_0 = arith.constant 0 : i32
    %c0_i32_1 = arith.constant 0 : i32
    return %c0_i32, %c0_i32_0 : i32, i32
  }
  func.func @transform_2(%arg0: i32) -> (i32, i32, i32) {
    %c0_i32 = arith.constant 0 : i32
    %c0_i32_0 = arith.constant 0 : i32
    %c0_i32_1 = arith.constant 0 : i32
    %c0_i32_2 = arith.constant 0 : i32
    return %c0_i32, %c0_i32_0, %c0_i32_1 : i32, i32, i32
  }
  func.func @transform_3(%arg0: i32) -> (i32, i32) {
    %c0_i32 = arith.constant 0 : i32
    %c0_i32_0 = arith.constant 0 : i32
    %c0_i32_1 = arith.constant 0 : i32
    return %c0_i32, %c0_i32_0 : i32, i32
  }
}

module attributes {stable_mosaic.version = 14 : i64} {
  func.func @_stage2(%arg0: i32, %arg1: i32, %arg2: memref<1x128x96xf32, #tpu.memory_space<vmem>>, %arg3: memref<1x4096x104xf32, #tpu.memory_space<vmem>>, %arg4: memref<128x4096xf32, #tpu.memory_space<vmem>>, %arg5: memref<1x128x96xf32, #tpu.memory_space<vmem>>) attributes {dimension_semantics = [#tpu.dimension_semantics<arbitrary>, #tpu.dimension_semantics<arbitrary>], iteration_bounds = array<i64: 8, 2>, scalar_prefetch = 0 : i64, scratch_operands = 0 : i64, tpu.core_type = #tpu.core_type<tc>, window_params = [{transform_indices = @transform_0, window_bounds = array<i64: 1, 128, 96>}, {transform_indices = @transform_1, window_bounds = array<i64: 1, 4096, 104>}, {transform_indices = @transform_2, window_bounds = array<i64: 128, 4096>}, {transform_indices = @transform_3, window_bounds = array<i64: 1, 128, 96>}]} {
    %get3A = arith.constant 0 : index
    %get3A_0 = arith.constant 0 : index
    %get3A_1 = arith.constant 0 : index
    %get3A_2 = vector.load %arg2[%get3A, %get3A_0, %get3A_1] : memref<1x128x96xf32, #tpu.memory_space<vmem>>, vector<1x128x96xf32>
    %get3A_3 = vector.shape_cast %get3A_2 : vector<1x128x96xf32> to vector<128x96xf32>
    %mul3A = arith.constant 2.000000e+02 : f32
    %mul3A_4 = vector.broadcast %mul3A : f32 to vector<128x96xf32>
    %mul3A_5 = arith.mulf %get3A_3, %mul3A_4 : vector<128x96xf32>
    %broadcast_in_dim3A = arith.constant -1.000000e+02 : f32
    %broadcast_in_dim3A_6 = vector.broadcast %broadcast_in_dim3A : f32 to vector<128x1xf32>
    %broadcast_in_dim3A_7 = arith.constant 0.000000e+00 : f32
    %broadcast_in_dim3A_8 = vector.broadcast %broadcast_in_dim3A_7 : f32 to vector<128x7xf32>
    %concatenate3A = tpu.concatenate %mul3A_5, %broadcast_in_dim3A_6, %broadcast_in_dim3A_8 in 1 : vector<128x96xf32>, vector<128x1xf32>, vector<128x7xf32> -> vector<128x104xf32>
    %get3A_9 = arith.constant 0 : index
    %get3A_10 = arith.constant 0 : index
    %get3A_11 = arith.constant 0 : index
    %get3A_12 = vector.load %arg3[%get3A_9, %get3A_10, %get3A_11] : memref<1x4096x104xf32, #tpu.memory_space<vmem>>, vector<1x4096x104xf32>
    %get3A_13 = vector.shape_cast %get3A_12 : vector<1x4096x104xf32> to vector<4096x104xf32>
    %dot_general3A = arith.constant dense<0.000000e+00> : vector<128x4096xf32>
    %dot_general3A_14 = tpu.matmul %concatenate3A, %get3A_13, %dot_general3A {dimension_numbers = #tpu.dot_dimension_numbers<[1], [1], [0], [0], [0, 0, 1, 0], [], []>, precision = #tpu.contract_precision<fp32>, transpose_lhs_hint = false} : vector<128x104xf32>, vector<4096x104xf32>, vector<128x4096xf32> -> vector<128x4096xf32>
    %iota3A = tpu.iota {dimensions = array<i32: 1>} : vector<128x256xi32>
    %slice3A = vector.extract_strided_slice %dot_general3A_14 {offsets = [0, 0], sizes = [128, 256], strides = [1, 1]} : vector<128x4096xf32> to vector<128x256xf32>
    %reduce_max3A = arith.constant dense<0xFF800000> : vector<128xf32>
    %reduce_max3A_15 = vector.multi_reduction <maximumf>, %slice3A, %reduce_max3A [1] : vector<128x256xf32> to vector<128xf32>
    %broadcast_in_dim3A_16 = vector.shape_cast %reduce_max3A_15 : vector<128xf32> to vector<128x1xf32>
    %sub3A = vector.broadcast %broadcast_in_dim3A_16 : vector<128x1xf32> to vector<128x256xf32>
    %sub3A_17 = arith.subf %slice3A, %sub3A : vector<128x256xf32>
    %exp3A = math.exp %sub3A_17 : vector<128x256xf32>
    %reduce_sum3A = arith.constant dense<0.000000e+00> : vector<128xf32>
    %reduce_sum3A_18 = vector.multi_reduction <add>, %exp3A, %reduce_sum3A [1] : vector<128x256xf32> to vector<128xf32>
    %broadcast_in_dim3A_19 = vector.shape_cast %reduce_sum3A_18 : vector<128xf32> to vector<128x1xf32>
    %div3A = vector.broadcast %broadcast_in_dim3A_19 : vector<128x1xf32> to vector<128x256xf32>
    %div3A_20 = arith.divf %exp3A, %div3A : vector<128x256xf32>
    %eq3A = vector.broadcast %broadcast_in_dim3A_16 : vector<128x1xf32> to vector<128x256xf32>
    %eq3A_21 = arith.cmpf oeq, %slice3A, %eq3A : vector<128x256xf32>
    %jit3A = arith.constant 256 : i32
    %broadcast_in_dim3A_22 = vector.broadcast %jit3A : i32 to vector<128x256xi32>
    %select_n3A = arith.select %eq3A_21, %iota3A, %broadcast_in_dim3A_22 : vector<128x256xi1>, vector<128x256xi32>
    %reduce_min3A = arith.constant dense<2147483647> : vector<128xi32>
    %reduce_min3A_23 = vector.multi_reduction <minsi>, %select_n3A, %reduce_min3A [1] : vector<128x256xi32> to vector<128xi32>
    %broadcast_in_dim3A_24 = vector.shape_cast %reduce_min3A_23 : vector<128xi32> to vector<128x1xi32>
    %eq3A_25 = vector.broadcast %broadcast_in_dim3A_24 : vector<128x1xi32> to vector<128x256xi32>
    %eq3A_26 = arith.cmpi eq, %iota3A, %eq3A_25 : vector<128x256xi32>
    %convert_element_type3A = arith.extui %eq3A_26 : vector<128x256xi1> to vector<128x256xi32>
    %convert_element_type3A_27 = arith.sitofp %convert_element_type3A : vector<128x256xi32> to vector<128x256xf32>
    %slice3A_28 = vector.extract_strided_slice %dot_general3A_14 {offsets = [0, 256], sizes = [128, 256], strides = [1, 1]} : vector<128x4096xf32> to vector<128x256xf32>
    %reduce_max3A_29 = arith.constant dense<0xFF800000> : vector<128xf32>
    %reduce_max3A_30 = vector.multi_reduction <maximumf>, %slice3A_28, %reduce_max3A_29 [1] : vector<128x256xf32> to vector<128xf32>
    %broadcast_in_dim3A_31 = vector.shape_cast %reduce_max3A_30 : vector<128xf32> to vector<128x1xf32>
    %sub3A_32 = vector.broadcast %broadcast_in_dim3A_31 : vector<128x1xf32> to vector<128x256xf32>
    %sub3A_33 = arith.subf %slice3A_28, %sub3A_32 : vector<128x256xf32>
    %exp3A_34 = math.exp %sub3A_33 : vector<128x256xf32>
    %reduce_sum3A_35 = arith.constant dense<0.000000e+00> : vector<128xf32>
    %reduce_sum3A_36 = vector.multi_reduction <add>, %exp3A_34, %reduce_sum3A_35 [1] : vector<128x256xf32> to vector<128xf32>
    %broadcast_in_dim3A_37 = vector.shape_cast %reduce_sum3A_36 : vector<128xf32> to vector<128x1xf32>
    %div3A_38 = vector.broadcast %broadcast_in_dim3A_37 : vector<128x1xf32> to vector<128x256xf32>
    %div3A_39 = arith.divf %exp3A_34, %div3A_38 : vector<128x256xf32>
    %eq3A_40 = vector.broadcast %broadcast_in_dim3A_31 : vector<128x1xf32> to vector<128x256xf32>
    %eq3A_41 = arith.cmpf oeq, %slice3A_28, %eq3A_40 : vector<128x256xf32>
    %jit3A_42 = arith.constant 256 : i32
    %broadcast_in_dim3A_43 = vector.broadcast %jit3A_42 : i32 to vector<128x256xi32>
    %select_n3A_44 = arith.select %eq3A_41, %iota3A, %broadcast_in_dim3A_43 : vector<128x256xi1>, vector<128x256xi32>
    %reduce_min3A_45 = arith.constant dense<2147483647> : vector<128xi32>
    %reduce_min3A_46 = vector.multi_reduction <minsi>, %select_n3A_44, %reduce_min3A_45 [1] : vector<128x256xi32> to vector<128xi32>
    %broadcast_in_dim3A_47 = vector.shape_cast %reduce_min3A_46 : vector<128xi32> to vector<128x1xi32>
    %eq3A_48 = vector.broadcast %broadcast_in_dim3A_47 : vector<128x1xi32> to vector<128x256xi32>
    %eq3A_49 = arith.cmpi eq, %iota3A, %eq3A_48 : vector<128x256xi32>
    %convert_element_type3A_50 = arith.extui %eq3A_49 : vector<128x256xi1> to vector<128x256xi32>
    %convert_element_type3A_51 = arith.sitofp %convert_element_type3A_50 : vector<128x256xi32> to vector<128x256xf32>
    %slice3A_52 = vector.extract_strided_slice %dot_general3A_14 {offsets = [0, 512], sizes = [128, 256], strides = [1, 1]} : vector<128x4096xf32> to vector<128x256xf32>
    %reduce_max3A_53 = arith.constant dense<0xFF800000> : vector<128xf32>
    %reduce_max3A_54 = vector.multi_reduction <maximumf>, %slice3A_52, %reduce_max3A_53 [1] : vector<128x256xf32> to vector<128xf32>
    %broadcast_in_dim3A_55 = vector.shape_cast %reduce_max3A_54 : vector<128xf32> to vector<128x1xf32>
    %sub3A_56 = vector.broadcast %broadcast_in_dim3A_55 : vector<128x1xf32> to vector<128x256xf32>
    %sub3A_57 = arith.subf %slice3A_52, %sub3A_56 : vector<128x256xf32>
    %exp3A_58 = math.exp %sub3A_57 : vector<128x256xf32>
    %reduce_sum3A_59 = arith.constant dense<0.000000e+00> : vector<128xf32>
    %reduce_sum3A_60 = vector.multi_reduction <add>, %exp3A_58, %reduce_sum3A_59 [1] : vector<128x256xf32> to vector<128xf32>
    %broadcast_in_dim3A_61 = vector.shape_cast %reduce_sum3A_60 : vector<128xf32> to vector<128x1xf32>
    %div3A_62 = vector.broadcast %broadcast_in_dim3A_61 : vector<128x1xf32> to vector<128x256xf32>
    %div3A_63 = arith.divf %exp3A_58, %div3A_62 : vector<128x256xf32>
    %eq3A_64 = vector.broadcast %broadcast_in_dim3A_55 : vector<128x1xf32> to vector<128x256xf32>
    %eq3A_65 = arith.cmpf oeq, %slice3A_52, %eq3A_64 : vector<128x256xf32>
    %jit3A_66 = arith.constant 256 : i32
    %broadcast_in_dim3A_67 = vector.broadcast %jit3A_66 : i32 to vector<128x256xi32>
    %select_n3A_68 = arith.select %eq3A_65, %iota3A, %broadcast_in_dim3A_67 : vector<128x256xi1>, vector<128x256xi32>
    %reduce_min3A_69 = arith.constant dense<2147483647> : vector<128xi32>
    %reduce_min3A_70 = vector.multi_reduction <minsi>, %select_n3A_68, %reduce_min3A_69 [1] : vector<128x256xi32> to vector<128xi32>
    %broadcast_in_dim3A_71 = vector.shape_cast %reduce_min3A_70 : vector<128xi32> to vector<128x1xi32>
    %eq3A_72 = vector.broadcast %broadcast_in_dim3A_71 : vector<128x1xi32> to vector<128x256xi32>
    %eq3A_73 = arith.cmpi eq, %iota3A, %eq3A_72 : vector<128x256xi32>
    %convert_element_type3A_74 = arith.extui %eq3A_73 : vector<128x256xi1> to vector<128x256xi32>
    %convert_element_type3A_75 = arith.sitofp %convert_element_type3A_74 : vector<128x256xi32> to vector<128x256xf32>
    %slice3A_76 = vector.extract_strided_slice %dot_general3A_14 {offsets = [0, 768], sizes = [128, 256], strides = [1, 1]} : vector<128x4096xf32> to vector<128x256xf32>
    %reduce_max3A_77 = arith.constant dense<0xFF800000> : vector<128xf32>
    %reduce_max3A_78 = vector.multi_reduction <maximumf>, %slice3A_76, %reduce_max3A_77 [1] : vector<128x256xf32> to vector<128xf32>
    %broadcast_in_dim3A_79 = vector.shape_cast %reduce_max3A_78 : vector<128xf32> to vector<128x1xf32>
    %sub3A_80 = vector.broadcast %broadcast_in_dim3A_79 : vector<128x1xf32> to vector<128x256xf32>
    %sub3A_81 = arith.subf %slice3A_76, %sub3A_80 : vector<128x256xf32>
    %exp3A_82 = math.exp %sub3A_81 : vector<128x256xf32>
    %reduce_sum3A_83 = arith.constant dense<0.000000e+00> : vector<128xf32>
    %reduce_sum3A_84 = vector.multi_reduction <add>, %exp3A_82, %reduce_sum3A_83 [1] : vector<128x256xf32> to vector<128xf32>
    %broadcast_in_dim3A_85 = vector.shape_cast %reduce_sum3A_84 : vector<128xf32> to vector<128x1xf32>
    %div3A_86 = vector.broadcast %broadcast_in_dim3A_85 : vector<128x1xf32> to vector<128x256xf32>
    %div3A_87 = arith.divf %exp3A_82, %div3A_86 : vector<128x256xf32>
    %eq3A_88 = vector.broadcast %broadcast_in_dim3A_79 : vector<128x1xf32> to vector<128x256xf32>
    %eq3A_89 = arith.cmpf oeq, %slice3A_76, %eq3A_88 : vector<128x256xf32>
    %jit3A_90 = arith.constant 256 : i32
    %broadcast_in_dim3A_91 = vector.broadcast %jit3A_90 : i32 to vector<128x256xi32>
    %select_n3A_92 = arith.select %eq3A_89, %iota3A, %broadcast_in_dim3A_91 : vector<128x256xi1>, vector<128x256xi32>
    %reduce_min3A_93 = arith.constant dense<2147483647> : vector<128xi32>
    %reduce_min3A_94 = vector.multi_reduction <minsi>, %select_n3A_92, %reduce_min3A_93 [1] : vector<128x256xi32> to vector<128xi32>
    %broadcast_in_dim3A_95 = vector.shape_cast %reduce_min3A_94 : vector<128xi32> to vector<128x1xi32>
    %eq3A_96 = vector.broadcast %broadcast_in_dim3A_95 : vector<128x1xi32> to vector<128x256xi32>
    %eq3A_97 = arith.cmpi eq, %iota3A, %eq3A_96 : vector<128x256xi32>
    %convert_element_type3A_98 = arith.extui %eq3A_97 : vector<128x256xi1> to vector<128x256xi32>
    %convert_element_type3A_99 = arith.sitofp %convert_element_type3A_98 : vector<128x256xi32> to vector<128x256xf32>
    %slice3A_100 = vector.extract_strided_slice %dot_general3A_14 {offsets = [0, 1024], sizes = [128, 256], strides = [1, 1]} : vector<128x4096xf32> to vector<128x256xf32>
    %reduce_max3A_101 = arith.constant dense<0xFF800000> : vector<128xf32>
    %reduce_max3A_102 = vector.multi_reduction <maximumf>, %slice3A_100, %reduce_max3A_101 [1] : vector<128x256xf32> to vector<128xf32>
    %broadcast_in_dim3A_103 = vector.shape_cast %reduce_max3A_102 : vector<128xf32> to vector<128x1xf32>
    %sub3A_104 = vector.broadcast %broadcast_in_dim3A_103 : vector<128x1xf32> to vector<128x256xf32>
    %sub3A_105 = arith.subf %slice3A_100, %sub3A_104 : vector<128x256xf32>
    %exp3A_106 = math.exp %sub3A_105 : vector<128x256xf32>
    %reduce_sum3A_107 = arith.constant dense<0.000000e+00> : vector<128xf32>
    %reduce_sum3A_108 = vector.multi_reduction <add>, %exp3A_106, %reduce_sum3A_107 [1] : vector<128x256xf32> to vector<128xf32>
    %broadcast_in_dim3A_109 = vector.shape_cast %reduce_sum3A_108 : vector<128xf32> to vector<128x1xf32>
    %div3A_110 = vector.broadcast %broadcast_in_dim3A_109 : vector<128x1xf32> to vector<128x256xf32>
    %div3A_111 = arith.divf %exp3A_106, %div3A_110 : vector<128x256xf32>
    %eq3A_112 = vector.broadcast %broadcast_in_dim3A_103 : vector<128x1xf32> to vector<128x256xf32>
    %eq3A_113 = arith.cmpf oeq, %slice3A_100, %eq3A_112 : vector<128x256xf32>
    %jit3A_114 = arith.constant 256 : i32
    %broadcast_in_dim3A_115 = vector.broadcast %jit3A_114 : i32 to vector<128x256xi32>
    %select_n3A_116 = arith.select %eq3A_113, %iota3A, %broadcast_in_dim3A_115 : vector<128x256xi1>, vector<128x256xi32>
    %reduce_min3A_117 = arith.constant dense<2147483647> : vector<128xi32>
    %reduce_min3A_118 = vector.multi_reduction <minsi>, %select_n3A_116, %reduce_min3A_117 [1] : vector<128x256xi32> to vector<128xi32>
    %broadcast_in_dim3A_119 = vector.shape_cast %reduce_min3A_118 : vector<128xi32> to vector<128x1xi32>
    %eq3A_120 = vector.broadcast %broadcast_in_dim3A_119 : vector<128x1xi32> to vector<128x256xi32>
    %eq3A_121 = arith.cmpi eq, %iota3A, %eq3A_120 : vector<128x256xi32>
    %convert_element_type3A_122 = arith.extui %eq3A_121 : vector<128x256xi1> to vector<128x256xi32>
    %convert_element_type3A_123 = arith.sitofp %convert_element_type3A_122 : vector<128x256xi32> to vector<128x256xf32>
    %slice3A_124 = vector.extract_strided_slice %dot_general3A_14 {offsets = [0, 1280], sizes = [128, 256], strides = [1, 1]} : vector<128x4096xf32> to vector<128x256xf32>
    %reduce_max3A_125 = arith.constant dense<0xFF800000> : vector<128xf32>
    %reduce_max3A_126 = vector.multi_reduction <maximumf>, %slice3A_124, %reduce_max3A_125 [1] : vector<128x256xf32> to vector<128xf32>
    %broadcast_in_dim3A_127 = vector.shape_cast %reduce_max3A_126 : vector<128xf32> to vector<128x1xf32>
    %sub3A_128 = vector.broadcast %broadcast_in_dim3A_127 : vector<128x1xf32> to vector<128x256xf32>
    %sub3A_129 = arith.subf %slice3A_124, %sub3A_128 : vector<128x256xf32>
    %exp3A_130 = math.exp %sub3A_129 : vector<128x256xf32>
    %reduce_sum3A_131 = arith.constant dense<0.000000e+00> : vector<128xf32>
    %reduce_sum3A_132 = vector.multi_reduction <add>, %exp3A_130, %reduce_sum3A_131 [1] : vector<128x256xf32> to vector<128xf32>
    %broadcast_in_dim3A_133 = vector.shape_cast %reduce_sum3A_132 : vector<128xf32> to vector<128x1xf32>
    %div3A_134 = vector.broadcast %broadcast_in_dim3A_133 : vector<128x1xf32> to vector<128x256xf32>
    %div3A_135 = arith.divf %exp3A_130, %div3A_134 : vector<128x256xf32>
    %eq3A_136 = vector.broadcast %broadcast_in_dim3A_127 : vector<128x1xf32> to vector<128x256xf32>
    %eq3A_137 = arith.cmpf oeq, %slice3A_124, %eq3A_136 : vector<128x256xf32>
    %jit3A_138 = arith.constant 256 : i32
    %broadcast_in_dim3A_139 = vector.broadcast %jit3A_138 : i32 to vector<128x256xi32>
    %select_n3A_140 = arith.select %eq3A_137, %iota3A, %broadcast_in_dim3A_139 : vector<128x256xi1>, vector<128x256xi32>
    %reduce_min3A_141 = arith.constant dense<2147483647> : vector<128xi32>
    %reduce_min3A_142 = vector.multi_reduction <minsi>, %select_n3A_140, %reduce_min3A_141 [1] : vector<128x256xi32> to vector<128xi32>
    %broadcast_in_dim3A_143 = vector.shape_cast %reduce_min3A_142 : vector<128xi32> to vector<128x1xi32>
    %eq3A_144 = vector.broadcast %broadcast_in_dim3A_143 : vector<128x1xi32> to vector<128x256xi32>
    %eq3A_145 = arith.cmpi eq, %iota3A, %eq3A_144 : vector<128x256xi32>
    %convert_element_type3A_146 = arith.extui %eq3A_145 : vector<128x256xi1> to vector<128x256xi32>
    %convert_element_type3A_147 = arith.sitofp %convert_element_type3A_146 : vector<128x256xi32> to vector<128x256xf32>
    %slice3A_148 = vector.extract_strided_slice %dot_general3A_14 {offsets = [0, 1536], sizes = [128, 256], strides = [1, 1]} : vector<128x4096xf32> to vector<128x256xf32>
    %reduce_max3A_149 = arith.constant dense<0xFF800000> : vector<128xf32>
    %reduce_max3A_150 = vector.multi_reduction <maximumf>, %slice3A_148, %reduce_max3A_149 [1] : vector<128x256xf32> to vector<128xf32>
    %broadcast_in_dim3A_151 = vector.shape_cast %reduce_max3A_150 : vector<128xf32> to vector<128x1xf32>
    %sub3A_152 = vector.broadcast %broadcast_in_dim3A_151 : vector<128x1xf32> to vector<128x256xf32>
    %sub3A_153 = arith.subf %slice3A_148, %sub3A_152 : vector<128x256xf32>
    %exp3A_154 = math.exp %sub3A_153 : vector<128x256xf32>
    %reduce_sum3A_155 = arith.constant dense<0.000000e+00> : vector<128xf32>
    %reduce_sum3A_156 = vector.multi_reduction <add>, %exp3A_154, %reduce_sum3A_155 [1] : vector<128x256xf32> to vector<128xf32>
    %broadcast_in_dim3A_157 = vector.shape_cast %reduce_sum3A_156 : vector<128xf32> to vector<128x1xf32>
    %div3A_158 = vector.broadcast %broadcast_in_dim3A_157 : vector<128x1xf32> to vector<128x256xf32>
    %div3A_159 = arith.divf %exp3A_154, %div3A_158 : vector<128x256xf32>
    %eq3A_160 = vector.broadcast %broadcast_in_dim3A_151 : vector<128x1xf32> to vector<128x256xf32>
    %eq3A_161 = arith.cmpf oeq, %slice3A_148, %eq3A_160 : vector<128x256xf32>
    %jit3A_162 = arith.constant 256 : i32
    %broadcast_in_dim3A_163 = vector.broadcast %jit3A_162 : i32 to vector<128x256xi32>
    %select_n3A_164 = arith.select %eq3A_161, %iota3A, %broadcast_in_dim3A_163 : vector<128x256xi1>, vector<128x256xi32>
    %reduce_min3A_165 = arith.constant dense<2147483647> : vector<128xi32>
    %reduce_min3A_166 = vector.multi_reduction <minsi>, %select_n3A_164, %reduce_min3A_165 [1] : vector<128x256xi32> to vector<128xi32>
    %broadcast_in_dim3A_167 = vector.shape_cast %reduce_min3A_166 : vector<128xi32> to vector<128x1xi32>
    %eq3A_168 = vector.broadcast %broadcast_in_dim3A_167 : vector<128x1xi32> to vector<128x256xi32>
    %eq3A_169 = arith.cmpi eq, %iota3A, %eq3A_168 : vector<128x256xi32>
    %convert_element_type3A_170 = arith.extui %eq3A_169 : vector<128x256xi1> to vector<128x256xi32>
    %convert_element_type3A_171 = arith.sitofp %convert_element_type3A_170 : vector<128x256xi32> to vector<128x256xf32>
    %slice3A_172 = vector.extract_strided_slice %dot_general3A_14 {offsets = [0, 1792], sizes = [128, 256], strides = [1, 1]} : vector<128x4096xf32> to vector<128x256xf32>
    %reduce_max3A_173 = arith.constant dense<0xFF800000> : vector<128xf32>
    %reduce_max3A_174 = vector.multi_reduction <maximumf>, %slice3A_172, %reduce_max3A_173 [1] : vector<128x256xf32> to vector<128xf32>
    %broadcast_in_dim3A_175 = vector.shape_cast %reduce_max3A_174 : vector<128xf32> to vector<128x1xf32>
    %sub3A_176 = vector.broadcast %broadcast_in_dim3A_175 : vector<128x1xf32> to vector<128x256xf32>
    %sub3A_177 = arith.subf %slice3A_172, %sub3A_176 : vector<128x256xf32>
    %exp3A_178 = math.exp %sub3A_177 : vector<128x256xf32>
    %reduce_sum3A_179 = arith.constant dense<0.000000e+00> : vector<128xf32>
    %reduce_sum3A_180 = vector.multi_reduction <add>, %exp3A_178, %reduce_sum3A_179 [1] : vector<128x256xf32> to vector<128xf32>
    %broadcast_in_dim3A_181 = vector.shape_cast %reduce_sum3A_180 : vector<128xf32> to vector<128x1xf32>
    %div3A_182 = vector.broadcast %broadcast_in_dim3A_181 : vector<128x1xf32> to vector<128x256xf32>
    %div3A_183 = arith.divf %exp3A_178, %div3A_182 : vector<128x256xf32>
    %eq3A_184 = vector.broadcast %broadcast_in_dim3A_175 : vector<128x1xf32> to vector<128x256xf32>
    %eq3A_185 = arith.cmpf oeq, %slice3A_172, %eq3A_184 : vector<128x256xf32>
    %jit3A_186 = arith.constant 256 : i32
    %broadcast_in_dim3A_187 = vector.broadcast %jit3A_186 : i32 to vector<128x256xi32>
    %select_n3A_188 = arith.select %eq3A_185, %iota3A, %broadcast_in_dim3A_187 : vector<128x256xi1>, vector<128x256xi32>
    %reduce_min3A_189 = arith.constant dense<2147483647> : vector<128xi32>
    %reduce_min3A_190 = vector.multi_reduction <minsi>, %select_n3A_188, %reduce_min3A_189 [1] : vector<128x256xi32> to vector<128xi32>
    %broadcast_in_dim3A_191 = vector.shape_cast %reduce_min3A_190 : vector<128xi32> to vector<128x1xi32>
    %eq3A_192 = vector.broadcast %broadcast_in_dim3A_191 : vector<128x1xi32> to vector<128x256xi32>
    %eq3A_193 = arith.cmpi eq, %iota3A, %eq3A_192 : vector<128x256xi32>
    %convert_element_type3A_194 = arith.extui %eq3A_193 : vector<128x256xi1> to vector<128x256xi32>
    %convert_element_type3A_195 = arith.sitofp %convert_element_type3A_194 : vector<128x256xi32> to vector<128x256xf32>
    %slice3A_196 = vector.extract_strided_slice %dot_general3A_14 {offsets = [0, 2048], sizes = [128, 256], strides = [1, 1]} : vector<128x4096xf32> to vector<128x256xf32>
    %reduce_max3A_197 = arith.constant dense<0xFF800000> : vector<128xf32>
    %reduce_max3A_198 = vector.multi_reduction <maximumf>, %slice3A_196, %reduce_max3A_197 [1] : vector<128x256xf32> to vector<128xf32>
    %broadcast_in_dim3A_199 = vector.shape_cast %reduce_max3A_198 : vector<128xf32> to vector<128x1xf32>
    %sub3A_200 = vector.broadcast %broadcast_in_dim3A_199 : vector<128x1xf32> to vector<128x256xf32>
    %sub3A_201 = arith.subf %slice3A_196, %sub3A_200 : vector<128x256xf32>
    %exp3A_202 = math.exp %sub3A_201 : vector<128x256xf32>
    %reduce_sum3A_203 = arith.constant dense<0.000000e+00> : vector<128xf32>
    %reduce_sum3A_204 = vector.multi_reduction <add>, %exp3A_202, %reduce_sum3A_203 [1] : vector<128x256xf32> to vector<128xf32>
    %broadcast_in_dim3A_205 = vector.shape_cast %reduce_sum3A_204 : vector<128xf32> to vector<128x1xf32>
    %div3A_206 = vector.broadcast %broadcast_in_dim3A_205 : vector<128x1xf32> to vector<128x256xf32>
    %div3A_207 = arith.divf %exp3A_202, %div3A_206 : vector<128x256xf32>
    %eq3A_208 = vector.broadcast %broadcast_in_dim3A_199 : vector<128x1xf32> to vector<128x256xf32>
    %eq3A_209 = arith.cmpf oeq, %slice3A_196, %eq3A_208 : vector<128x256xf32>
    %jit3A_210 = arith.constant 256 : i32
    %broadcast_in_dim3A_211 = vector.broadcast %jit3A_210 : i32 to vector<128x256xi32>
    %select_n3A_212 = arith.select %eq3A_209, %iota3A, %broadcast_in_dim3A_211 : vector<128x256xi1>, vector<128x256xi32>
    %reduce_min3A_213 = arith.constant dense<2147483647> : vector<128xi32>
    %reduce_min3A_214 = vector.multi_reduction <minsi>, %select_n3A_212, %reduce_min3A_213 [1] : vector<128x256xi32> to vector<128xi32>
    %broadcast_in_dim3A_215 = vector.shape_cast %reduce_min3A_214 : vector<128xi32> to vector<128x1xi32>
    %eq3A_216 = vector.broadcast %broadcast_in_dim3A_215 : vector<128x1xi32> to vector<128x256xi32>
    %eq3A_217 = arith.cmpi eq, %iota3A, %eq3A_216 : vector<128x256xi32>
    %convert_element_type3A_218 = arith.extui %eq3A_217 : vector<128x256xi1> to vector<128x256xi32>
    %convert_element_type3A_219 = arith.sitofp %convert_element_type3A_218 : vector<128x256xi32> to vector<128x256xf32>
    %slice3A_220 = vector.extract_strided_slice %dot_general3A_14 {offsets = [0, 2304], sizes = [128, 256], strides = [1, 1]} : vector<128x4096xf32> to vector<128x256xf32>
    %reduce_max3A_221 = arith.constant dense<0xFF800000> : vector<128xf32>
    %reduce_max3A_222 = vector.multi_reduction <maximumf>, %slice3A_220, %reduce_max3A_221 [1] : vector<128x256xf32> to vector<128xf32>
    %broadcast_in_dim3A_223 = vector.shape_cast %reduce_max3A_222 : vector<128xf32> to vector<128x1xf32>
    %sub3A_224 = vector.broadcast %broadcast_in_dim3A_223 : vector<128x1xf32> to vector<128x256xf32>
    %sub3A_225 = arith.subf %slice3A_220, %sub3A_224 : vector<128x256xf32>
    %exp3A_226 = math.exp %sub3A_225 : vector<128x256xf32>
    %reduce_sum3A_227 = arith.constant dense<0.000000e+00> : vector<128xf32>
    %reduce_sum3A_228 = vector.multi_reduction <add>, %exp3A_226, %reduce_sum3A_227 [1] : vector<128x256xf32> to vector<128xf32>
    %broadcast_in_dim3A_229 = vector.shape_cast %reduce_sum3A_228 : vector<128xf32> to vector<128x1xf32>
    %div3A_230 = vector.broadcast %broadcast_in_dim3A_229 : vector<128x1xf32> to vector<128x256xf32>
    %div3A_231 = arith.divf %exp3A_226, %div3A_230 : vector<128x256xf32>
    %eq3A_232 = vector.broadcast %broadcast_in_dim3A_223 : vector<128x1xf32> to vector<128x256xf32>
    %eq3A_233 = arith.cmpf oeq, %slice3A_220, %eq3A_232 : vector<128x256xf32>
    %jit3A_234 = arith.constant 256 : i32
    %broadcast_in_dim3A_235 = vector.broadcast %jit3A_234 : i32 to vector<128x256xi32>
    %select_n3A_236 = arith.select %eq3A_233, %iota3A, %broadcast_in_dim3A_235 : vector<128x256xi1>, vector<128x256xi32>
    %reduce_min3A_237 = arith.constant dense<2147483647> : vector<128xi32>
    %reduce_min3A_238 = vector.multi_reduction <minsi>, %select_n3A_236, %reduce_min3A_237 [1] : vector<128x256xi32> to vector<128xi32>
    %broadcast_in_dim3A_239 = vector.shape_cast %reduce_min3A_238 : vector<128xi32> to vector<128x1xi32>
    %eq3A_240 = vector.broadcast %broadcast_in_dim3A_239 : vector<128x1xi32> to vector<128x256xi32>
    %eq3A_241 = arith.cmpi eq, %iota3A, %eq3A_240 : vector<128x256xi32>
    %convert_element_type3A_242 = arith.extui %eq3A_241 : vector<128x256xi1> to vector<128x256xi32>
    %convert_element_type3A_243 = arith.sitofp %convert_element_type3A_242 : vector<128x256xi32> to vector<128x256xf32>
    %slice3A_244 = vector.extract_strided_slice %dot_general3A_14 {offsets = [0, 2560], sizes = [128, 256], strides = [1, 1]} : vector<128x4096xf32> to vector<128x256xf32>
    %reduce_max3A_245 = arith.constant dense<0xFF800000> : vector<128xf32>
    %reduce_max3A_246 = vector.multi_reduction <maximumf>, %slice3A_244, %reduce_max3A_245 [1] : vector<128x256xf32> to vector<128xf32>
    %broadcast_in_dim3A_247 = vector.shape_cast %reduce_max3A_246 : vector<128xf32> to vector<128x1xf32>
    %sub3A_248 = vector.broadcast %broadcast_in_dim3A_247 : vector<128x1xf32> to vector<128x256xf32>
    %sub3A_249 = arith.subf %slice3A_244, %sub3A_248 : vector<128x256xf32>
    %exp3A_250 = math.exp %sub3A_249 : vector<128x256xf32>
    %reduce_sum3A_251 = arith.constant dense<0.000000e+00> : vector<128xf32>
    %reduce_sum3A_252 = vector.multi_reduction <add>, %exp3A_250, %reduce_sum3A_251 [1] : vector<128x256xf32> to vector<128xf32>
    %broadcast_in_dim3A_253 = vector.shape_cast %reduce_sum3A_252 : vector<128xf32> to vector<128x1xf32>
    %div3A_254 = vector.broadcast %broadcast_in_dim3A_253 : vector<128x1xf32> to vector<128x256xf32>
    %div3A_255 = arith.divf %exp3A_250, %div3A_254 : vector<128x256xf32>
    %eq3A_256 = vector.broadcast %broadcast_in_dim3A_247 : vector<128x1xf32> to vector<128x256xf32>
    %eq3A_257 = arith.cmpf oeq, %slice3A_244, %eq3A_256 : vector<128x256xf32>
    %jit3A_258 = arith.constant 256 : i32
    %broadcast_in_dim3A_259 = vector.broadcast %jit3A_258 : i32 to vector<128x256xi32>
    %select_n3A_260 = arith.select %eq3A_257, %iota3A, %broadcast_in_dim3A_259 : vector<128x256xi1>, vector<128x256xi32>
    %reduce_min3A_261 = arith.constant dense<2147483647> : vector<128xi32>
    %reduce_min3A_262 = vector.multi_reduction <minsi>, %select_n3A_260, %reduce_min3A_261 [1] : vector<128x256xi32> to vector<128xi32>
    %broadcast_in_dim3A_263 = vector.shape_cast %reduce_min3A_262 : vector<128xi32> to vector<128x1xi32>
    %eq3A_264 = vector.broadcast %broadcast_in_dim3A_263 : vector<128x1xi32> to vector<128x256xi32>
    %eq3A_265 = arith.cmpi eq, %iota3A, %eq3A_264 : vector<128x256xi32>
    %convert_element_type3A_266 = arith.extui %eq3A_265 : vector<128x256xi1> to vector<128x256xi32>
    %convert_element_type3A_267 = arith.sitofp %convert_element_type3A_266 : vector<128x256xi32> to vector<128x256xf32>
    %slice3A_268 = vector.extract_strided_slice %dot_general3A_14 {offsets = [0, 2816], sizes = [128, 256], strides = [1, 1]} : vector<128x4096xf32> to vector<128x256xf32>
    %reduce_max3A_269 = arith.constant dense<0xFF800000> : vector<128xf32>
    %reduce_max3A_270 = vector.multi_reduction <maximumf>, %slice3A_268, %reduce_max3A_269 [1] : vector<128x256xf32> to vector<128xf32>
    %broadcast_in_dim3A_271 = vector.shape_cast %reduce_max3A_270 : vector<128xf32> to vector<128x1xf32>
    %sub3A_272 = vector.broadcast %broadcast_in_dim3A_271 : vector<128x1xf32> to vector<128x256xf32>
    %sub3A_273 = arith.subf %slice3A_268, %sub3A_272 : vector<128x256xf32>
    %exp3A_274 = math.exp %sub3A_273 : vector<128x256xf32>
    %reduce_sum3A_275 = arith.constant dense<0.000000e+00> : vector<128xf32>
    %reduce_sum3A_276 = vector.multi_reduction <add>, %exp3A_274, %reduce_sum3A_275 [1] : vector<128x256xf32> to vector<128xf32>
    %broadcast_in_dim3A_277 = vector.shape_cast %reduce_sum3A_276 : vector<128xf32> to vector<128x1xf32>
    %div3A_278 = vector.broadcast %broadcast_in_dim3A_277 : vector<128x1xf32> to vector<128x256xf32>
    %div3A_279 = arith.divf %exp3A_274, %div3A_278 : vector<128x256xf32>
    %eq3A_280 = vector.broadcast %broadcast_in_dim3A_271 : vector<128x1xf32> to vector<128x256xf32>
    %eq3A_281 = arith.cmpf oeq, %slice3A_268, %eq3A_280 : vector<128x256xf32>
    %jit3A_282 = arith.constant 256 : i32
    %broadcast_in_dim3A_283 = vector.broadcast %jit3A_282 : i32 to vector<128x256xi32>
    %select_n3A_284 = arith.select %eq3A_281, %iota3A, %broadcast_in_dim3A_283 : vector<128x256xi1>, vector<128x256xi32>
    %reduce_min3A_285 = arith.constant dense<2147483647> : vector<128xi32>
    %reduce_min3A_286 = vector.multi_reduction <minsi>, %select_n3A_284, %reduce_min3A_285 [1] : vector<128x256xi32> to vector<128xi32>
    %broadcast_in_dim3A_287 = vector.shape_cast %reduce_min3A_286 : vector<128xi32> to vector<128x1xi32>
    %eq3A_288 = vector.broadcast %broadcast_in_dim3A_287 : vector<128x1xi32> to vector<128x256xi32>
    %eq3A_289 = arith.cmpi eq, %iota3A, %eq3A_288 : vector<128x256xi32>
    %convert_element_type3A_290 = arith.extui %eq3A_289 : vector<128x256xi1> to vector<128x256xi32>
    %convert_element_type3A_291 = arith.sitofp %convert_element_type3A_290 : vector<128x256xi32> to vector<128x256xf32>
    %slice3A_292 = vector.extract_strided_slice %dot_general3A_14 {offsets = [0, 3072], sizes = [128, 256], strides = [1, 1]} : vector<128x4096xf32> to vector<128x256xf32>
    %reduce_max3A_293 = arith.constant dense<0xFF800000> : vector<128xf32>
    %reduce_max3A_294 = vector.multi_reduction <maximumf>, %slice3A_292, %reduce_max3A_293 [1] : vector<128x256xf32> to vector<128xf32>
    %broadcast_in_dim3A_295 = vector.shape_cast %reduce_max3A_294 : vector<128xf32> to vector<128x1xf32>
    %sub3A_296 = vector.broadcast %broadcast_in_dim3A_295 : vector<128x1xf32> to vector<128x256xf32>
    %sub3A_297 = arith.subf %slice3A_292, %sub3A_296 : vector<128x256xf32>
    %exp3A_298 = math.exp %sub3A_297 : vector<128x256xf32>
    %reduce_sum3A_299 = arith.constant dense<0.000000e+00> : vector<128xf32>
    %reduce_sum3A_300 = vector.multi_reduction <add>, %exp3A_298, %reduce_sum3A_299 [1] : vector<128x256xf32> to vector<128xf32>
    %broadcast_in_dim3A_301 = vector.shape_cast %reduce_sum3A_300 : vector<128xf32> to vector<128x1xf32>
    %div3A_302 = vector.broadcast %broadcast_in_dim3A_301 : vector<128x1xf32> to vector<128x256xf32>
    %div3A_303 = arith.divf %exp3A_298, %div3A_302 : vector<128x256xf32>
    %eq3A_304 = vector.broadcast %broadcast_in_dim3A_295 : vector<128x1xf32> to vector<128x256xf32>
    %eq3A_305 = arith.cmpf oeq, %slice3A_292, %eq3A_304 : vector<128x256xf32>
    %jit3A_306 = arith.constant 256 : i32
    %broadcast_in_dim3A_307 = vector.broadcast %jit3A_306 : i32 to vector<128x256xi32>
    %select_n3A_308 = arith.select %eq3A_305, %iota3A, %broadcast_in_dim3A_307 : vector<128x256xi1>, vector<128x256xi32>
    %reduce_min3A_309 = arith.constant dense<2147483647> : vector<128xi32>
    %reduce_min3A_310 = vector.multi_reduction <minsi>, %select_n3A_308, %reduce_min3A_309 [1] : vector<128x256xi32> to vector<128xi32>
    %broadcast_in_dim3A_311 = vector.shape_cast %reduce_min3A_310 : vector<128xi32> to vector<128x1xi32>
    %eq3A_312 = vector.broadcast %broadcast_in_dim3A_311 : vector<128x1xi32> to vector<128x256xi32>
    %eq3A_313 = arith.cmpi eq, %iota3A, %eq3A_312 : vector<128x256xi32>
    %convert_element_type3A_314 = arith.extui %eq3A_313 : vector<128x256xi1> to vector<128x256xi32>
    %convert_element_type3A_315 = arith.sitofp %convert_element_type3A_314 : vector<128x256xi32> to vector<128x256xf32>
    %slice3A_316 = vector.extract_strided_slice %dot_general3A_14 {offsets = [0, 3328], sizes = [128, 256], strides = [1, 1]} : vector<128x4096xf32> to vector<128x256xf32>
    %reduce_max3A_317 = arith.constant dense<0xFF800000> : vector<128xf32>
    %reduce_max3A_318 = vector.multi_reduction <maximumf>, %slice3A_316, %reduce_max3A_317 [1] : vector<128x256xf32> to vector<128xf32>
    %broadcast_in_dim3A_319 = vector.shape_cast %reduce_max3A_318 : vector<128xf32> to vector<128x1xf32>
    %sub3A_320 = vector.broadcast %broadcast_in_dim3A_319 : vector<128x1xf32> to vector<128x256xf32>
    %sub3A_321 = arith.subf %slice3A_316, %sub3A_320 : vector<128x256xf32>
    %exp3A_322 = math.exp %sub3A_321 : vector<128x256xf32>
    %reduce_sum3A_323 = arith.constant dense<0.000000e+00> : vector<128xf32>
    %reduce_sum3A_324 = vector.multi_reduction <add>, %exp3A_322, %reduce_sum3A_323 [1] : vector<128x256xf32> to vector<128xf32>
    %broadcast_in_dim3A_325 = vector.shape_cast %reduce_sum3A_324 : vector<128xf32> to vector<128x1xf32>
    %div3A_326 = vector.broadcast %broadcast_in_dim3A_325 : vector<128x1xf32> to vector<128x256xf32>
    %div3A_327 = arith.divf %exp3A_322, %div3A_326 : vector<128x256xf32>
    %eq3A_328 = vector.broadcast %broadcast_in_dim3A_319 : vector<128x1xf32> to vector<128x256xf32>
    %eq3A_329 = arith.cmpf oeq, %slice3A_316, %eq3A_328 : vector<128x256xf32>
    %jit3A_330 = arith.constant 256 : i32
    %broadcast_in_dim3A_331 = vector.broadcast %jit3A_330 : i32 to vector<128x256xi32>
    %select_n3A_332 = arith.select %eq3A_329, %iota3A, %broadcast_in_dim3A_331 : vector<128x256xi1>, vector<128x256xi32>
    %reduce_min3A_333 = arith.constant dense<2147483647> : vector<128xi32>
    %reduce_min3A_334 = vector.multi_reduction <minsi>, %select_n3A_332, %reduce_min3A_333 [1] : vector<128x256xi32> to vector<128xi32>
    %broadcast_in_dim3A_335 = vector.shape_cast %reduce_min3A_334 : vector<128xi32> to vector<128x1xi32>
    %eq3A_336 = vector.broadcast %broadcast_in_dim3A_335 : vector<128x1xi32> to vector<128x256xi32>
    %eq3A_337 = arith.cmpi eq, %iota3A, %eq3A_336 : vector<128x256xi32>
    %convert_element_type3A_338 = arith.extui %eq3A_337 : vector<128x256xi1> to vector<128x256xi32>
    %convert_element_type3A_339 = arith.sitofp %convert_element_type3A_338 : vector<128x256xi32> to vector<128x256xf32>
    %slice3A_340 = vector.extract_strided_slice %dot_general3A_14 {offsets = [0, 3584], sizes = [128, 256], strides = [1, 1]} : vector<128x4096xf32> to vector<128x256xf32>
    %reduce_max3A_341 = arith.constant dense<0xFF800000> : vector<128xf32>
    %reduce_max3A_342 = vector.multi_reduction <maximumf>, %slice3A_340, %reduce_max3A_341 [1] : vector<128x256xf32> to vector<128xf32>
    %broadcast_in_dim3A_343 = vector.shape_cast %reduce_max3A_342 : vector<128xf32> to vector<128x1xf32>
    %sub3A_344 = vector.broadcast %broadcast_in_dim3A_343 : vector<128x1xf32> to vector<128x256xf32>
    %sub3A_345 = arith.subf %slice3A_340, %sub3A_344 : vector<128x256xf32>
    %exp3A_346 = math.exp %sub3A_345 : vector<128x256xf32>
    %reduce_sum3A_347 = arith.constant dense<0.000000e+00> : vector<128xf32>
    %reduce_sum3A_348 = vector.multi_reduction <add>, %exp3A_346, %reduce_sum3A_347 [1] : vector<128x256xf32> to vector<128xf32>
    %broadcast_in_dim3A_349 = vector.shape_cast %reduce_sum3A_348 : vector<128xf32> to vector<128x1xf32>
    %div3A_350 = vector.broadcast %broadcast_in_dim3A_349 : vector<128x1xf32> to vector<128x256xf32>
    %div3A_351 = arith.divf %exp3A_346, %div3A_350 : vector<128x256xf32>
    %eq3A_352 = vector.broadcast %broadcast_in_dim3A_343 : vector<128x1xf32> to vector<128x256xf32>
    %eq3A_353 = arith.cmpf oeq, %slice3A_340, %eq3A_352 : vector<128x256xf32>
    %jit3A_354 = arith.constant 256 : i32
    %broadcast_in_dim3A_355 = vector.broadcast %jit3A_354 : i32 to vector<128x256xi32>
    %select_n3A_356 = arith.select %eq3A_353, %iota3A, %broadcast_in_dim3A_355 : vector<128x256xi1>, vector<128x256xi32>
    %reduce_min3A_357 = arith.constant dense<2147483647> : vector<128xi32>
    %reduce_min3A_358 = vector.multi_reduction <minsi>, %select_n3A_356, %reduce_min3A_357 [1] : vector<128x256xi32> to vector<128xi32>
    %broadcast_in_dim3A_359 = vector.shape_cast %reduce_min3A_358 : vector<128xi32> to vector<128x1xi32>
    %eq3A_360 = vector.broadcast %broadcast_in_dim3A_359 : vector<128x1xi32> to vector<128x256xi32>
    %eq3A_361 = arith.cmpi eq, %iota3A, %eq3A_360 : vector<128x256xi32>
    %convert_element_type3A_362 = arith.extui %eq3A_361 : vector<128x256xi1> to vector<128x256xi32>
    %convert_element_type3A_363 = arith.sitofp %convert_element_type3A_362 : vector<128x256xi32> to vector<128x256xf32>
    %slice3A_364 = vector.extract_strided_slice %dot_general3A_14 {offsets = [0, 3840], sizes = [128, 256], strides = [1, 1]} : vector<128x4096xf32> to vector<128x256xf32>
    %reduce_max3A_365 = arith.constant dense<0xFF800000> : vector<128xf32>
    %reduce_max3A_366 = vector.multi_reduction <maximumf>, %slice3A_364, %reduce_max3A_365 [1] : vector<128x256xf32> to vector<128xf32>
    %broadcast_in_dim3A_367 = vector.shape_cast %reduce_max3A_366 : vector<128xf32> to vector<128x1xf32>
    %sub3A_368 = vector.broadcast %broadcast_in_dim3A_367 : vector<128x1xf32> to vector<128x256xf32>
    %sub3A_369 = arith.subf %slice3A_364, %sub3A_368 : vector<128x256xf32>
    %exp3A_370 = math.exp %sub3A_369 : vector<128x256xf32>
    %reduce_sum3A_371 = arith.constant dense<0.000000e+00> : vector<128xf32>
    %reduce_sum3A_372 = vector.multi_reduction <add>, %exp3A_370, %reduce_sum3A_371 [1] : vector<128x256xf32> to vector<128xf32>
    %broadcast_in_dim3A_373 = vector.shape_cast %reduce_sum3A_372 : vector<128xf32> to vector<128x1xf32>
    %div3A_374 = vector.broadcast %broadcast_in_dim3A_373 : vector<128x1xf32> to vector<128x256xf32>
    %div3A_375 = arith.divf %exp3A_370, %div3A_374 : vector<128x256xf32>
    %eq3A_376 = vector.broadcast %broadcast_in_dim3A_367 : vector<128x1xf32> to vector<128x256xf32>
    %eq3A_377 = arith.cmpf oeq, %slice3A_364, %eq3A_376 : vector<128x256xf32>
    %jit3A_378 = arith.constant 256 : i32
    %broadcast_in_dim3A_379 = vector.broadcast %jit3A_378 : i32 to vector<128x256xi32>
    %select_n3A_380 = arith.select %eq3A_377, %iota3A, %broadcast_in_dim3A_379 : vector<128x256xi1>, vector<128x256xi32>
    %reduce_min3A_381 = arith.constant dense<2147483647> : vector<128xi32>
    %reduce_min3A_382 = vector.multi_reduction <minsi>, %select_n3A_380, %reduce_min3A_381 [1] : vector<128x256xi32> to vector<128xi32>
    %broadcast_in_dim3A_383 = vector.shape_cast %reduce_min3A_382 : vector<128xi32> to vector<128x1xi32>
    %eq3A_384 = vector.broadcast %broadcast_in_dim3A_383 : vector<128x1xi32> to vector<128x256xi32>
    %eq3A_385 = arith.cmpi eq, %iota3A, %eq3A_384 : vector<128x256xi32>
    %convert_element_type3A_386 = arith.extui %eq3A_385 : vector<128x256xi1> to vector<128x256xi32>
    %convert_element_type3A_387 = arith.sitofp %convert_element_type3A_386 : vector<128x256xi32> to vector<128x256xf32>
    %concatenate3A_388 = tpu.concatenate %div3A_20, %div3A_39, %div3A_63, %div3A_87, %div3A_111, %div3A_135, %div3A_159, %div3A_183, %div3A_207, %div3A_231, %div3A_255, %div3A_279, %div3A_303, %div3A_327, %div3A_351, %div3A_375 in 1 : vector<128x256xf32>, vector<128x256xf32>, vector<128x256xf32>, vector<128x256xf32>, vector<128x256xf32>, vector<128x256xf32>, vector<128x256xf32>, vector<128x256xf32>, vector<128x256xf32>, vector<128x256xf32>, vector<128x256xf32>, vector<128x256xf32>, vector<128x256xf32>, vector<128x256xf32>, vector<128x256xf32>, vector<128x256xf32> -> vector<128x4096xf32>
    %swap3A = arith.constant 0 : index
    %swap3A_389 = arith.constant 0 : index
    %swap3A_390 = vector.load %arg4[%swap3A, %swap3A_389] : memref<128x4096xf32, #tpu.memory_space<vmem>>, vector<128x4096xf32>
    tpu.vector_store %arg4[%swap3A, %swap3A_389], %concatenate3A_388 {strides = array<i32>} : memref<128x4096xf32, #tpu.memory_space<vmem>>, vector<128x4096xf32>,
    %concatenate3A_391 = tpu.concatenate %convert_element_type3A_27, %convert_element_type3A_51, %convert_element_type3A_75, %convert_element_type3A_99, %convert_element_type3A_123, %convert_element_type3A_147, %convert_element_type3A_171, %convert_element_type3A_195, %convert_element_type3A_219, %convert_element_type3A_243, %convert_element_type3A_267, %convert_element_type3A_291, %convert_element_type3A_315, %convert_element_type3A_339, %convert_element_type3A_363, %convert_element_type3A_387 in 1 : vector<128x256xf32>, vector<128x256xf32>, vector<128x256xf32>, vector<128x256xf32>, vector<128x256xf32>, vector<128x256xf32>, vector<128x256xf32>, vector<128x256xf32>, vector<128x256xf32>, vector<128x256xf32>, vector<128x256xf32>, vector<128x256xf32>, vector<128x256xf32>, vector<128x256xf32>, vector<128x256xf32>, vector<128x256xf32> -> vector<128x4096xf32>
    %slice3A_392 = vector.extract_strided_slice %get3A_13 {offsets = [0, 0], sizes = [4096, 96], strides = [1, 1]} : vector<4096x104xf32> to vector<4096x96xf32>
    %dot_general3A_393 = arith.constant dense<0.000000e+00> : vector<128x96xf32>
    %dot_general3A_394 = tpu.matmul %concatenate3A_391, %slice3A_392, %dot_general3A_393 {dimension_numbers = #tpu.dot_dimension_numbers<[1], [0], [0], [1], [0, 0, 1, 1], [], []>, transpose_lhs_hint = false} : vector<128x4096xf32>, vector<4096x96xf32>, vector<128x96xf32> -> vector<128x96xf32>
    %swap3A_395 = arith.constant 0 : index
    %swap3A_396 = arith.constant 0 : index
    %swap3A_397 = arith.constant 0 : index
    %swap3A_398 = vector.load %arg5[%swap3A_395, %swap3A_396, %swap3A_397] : memref<1x128x96xf32, #tpu.memory_space<vmem>>, vector<1x128x96xf32>
    %swap3A_399 = vector.shape_cast %swap3A_398 : vector<1x128x96xf32> to vector<128x96xf32>
    %swap3A_400 = vector.shape_cast %dot_general3A_394 : vector<128x96xf32> to vector<1x128x96xf32>
    tpu.vector_store %arg5[%swap3A_395, %swap3A_396, %swap3A_397], %swap3A_400 {strides = array<i32>} : memref<1x128x96xf32, #tpu.memory_space<vmem>>, vector<1x128x96xf32>,
    return
  }
  func.func @transform_0(%arg0: i32, %arg1: i32) -> (i32, i32, i32) {
    %add3A = arith.constant 4 : i32
    %add3A_0 = arith.addi %add3A, %arg1 : i32
    %c0_i32 = arith.constant 0 : i32
    %c0_i32_1 = arith.constant 0 : i32
    return %arg0, %add3A_0, %c0_i32 : i32, i32, i32
  }
  func.func @transform_1(%arg0: i32, %arg1: i32) -> (i32, i32, i32) {
    %c0_i32 = arith.constant 0 : i32
    %c0_i32_0 = arith.constant 0 : i32
    %c0_i32_1 = arith.constant 0 : i32
    return %arg0, %c0_i32, %c0_i32_0 : i32, i32, i32
  }
  func.func @transform_2(%arg0: i32, %arg1: i32) -> (i32, i32) {
    %c0_i32 = arith.constant 0 : i32
    return %arg1, %arg0 : i32, i32
  }
  func.func @transform_3(%arg0: i32, %arg1: i32) -> (i32, i32, i32) {
    %c0_i32 = arith.constant 0 : i32
    %c0_i32_0 = arith.constant 0 : i32
    return %arg0, %arg1, %c0_i32 : i32, i32, i32
  }
}

module attributes {stable_mosaic.version = 14 : i64} {
  func.func @_stage2(%arg0: i32, %arg1: i32, %arg2: memref<1x128x96xf32, #tpu.memory_space<vmem>>, %arg3: memref<1x4096x104xf32, #tpu.memory_space<vmem>>, %arg4: memref<128x4096xf32, #tpu.memory_space<vmem>>, %arg5: memref<1x128x96xf32, #tpu.memory_space<vmem>>) attributes {dimension_semantics = [#tpu.dimension_semantics<arbitrary>, #tpu.dimension_semantics<arbitrary>], iteration_bounds = array<i64: 8, 2>, scalar_prefetch = 0 : i64, scratch_operands = 0 : i64, tpu.core_type = #tpu.core_type<tc>, window_params = [{transform_indices = @transform_0, window_bounds = array<i64: 1, 128, 96>}, {transform_indices = @transform_1, window_bounds = array<i64: 1, 4096, 104>}, {transform_indices = @transform_2, window_bounds = array<i64: 128, 4096>}, {transform_indices = @transform_3, window_bounds = array<i64: 1, 128, 96>}]} {
    %get3A = arith.constant 0 : index
    %get3A_0 = arith.constant 0 : index
    %get3A_1 = arith.constant 0 : index
    %get3A_2 = vector.load %arg2[%get3A, %get3A_0, %get3A_1] : memref<1x128x96xf32, #tpu.memory_space<vmem>>, vector<1x128x96xf32>
    %get3A_3 = vector.shape_cast %get3A_2 : vector<1x128x96xf32> to vector<128x96xf32>
    %mul3A = arith.constant 2.000000e+02 : f32
    %mul3A_4 = vector.broadcast %mul3A : f32 to vector<128x96xf32>
    %mul3A_5 = arith.mulf %get3A_3, %mul3A_4 : vector<128x96xf32>
    %broadcast_in_dim3A = arith.constant -1.000000e+02 : f32
    %broadcast_in_dim3A_6 = vector.broadcast %broadcast_in_dim3A : f32 to vector<128x1xf32>
    %broadcast_in_dim3A_7 = arith.constant 0.000000e+00 : f32
    %broadcast_in_dim3A_8 = vector.broadcast %broadcast_in_dim3A_7 : f32 to vector<128x7xf32>
    %concatenate3A = tpu.concatenate %mul3A_5, %broadcast_in_dim3A_6, %broadcast_in_dim3A_8 in 1 : vector<128x96xf32>, vector<128x1xf32>, vector<128x7xf32> -> vector<128x104xf32>
    %get3A_9 = arith.constant 0 : index
    %get3A_10 = arith.constant 0 : index
    %get3A_11 = arith.constant 0 : index
    %get3A_12 = vector.load %arg3[%get3A_9, %get3A_10, %get3A_11] : memref<1x4096x104xf32, #tpu.memory_space<vmem>>, vector<1x4096x104xf32>
    %get3A_13 = vector.shape_cast %get3A_12 : vector<1x4096x104xf32> to vector<4096x104xf32>
    %dot_general3A = arith.constant dense<0.000000e+00> : vector<128x4096xf32>
    %dot_general3A_14 = tpu.matmul %concatenate3A, %get3A_13, %dot_general3A {dimension_numbers = #tpu.dot_dimension_numbers<[1], [1], [0], [0], [0, 0, 1, 0], [], []>, precision = #tpu.contract_precision<fp32>, transpose_lhs_hint = false} : vector<128x104xf32>, vector<4096x104xf32>, vector<128x4096xf32> -> vector<128x4096xf32>
    %iota3A = tpu.iota {dimensions = array<i32: 1>} : vector<128x256xi32>
    %slice3A = vector.extract_strided_slice %dot_general3A_14 {offsets = [0, 0], sizes = [128, 256], strides = [1, 1]} : vector<128x4096xf32> to vector<128x256xf32>
    %reduce_max3A = arith.constant dense<0xFF800000> : vector<128xf32>
    %reduce_max3A_15 = vector.multi_reduction <maximumf>, %slice3A, %reduce_max3A [1] : vector<128x256xf32> to vector<128xf32>
    %broadcast_in_dim3A_16 = vector.shape_cast %reduce_max3A_15 : vector<128xf32> to vector<128x1xf32>
    %sub3A = vector.broadcast %broadcast_in_dim3A_16 : vector<128x1xf32> to vector<128x256xf32>
    %sub3A_17 = arith.subf %slice3A, %sub3A : vector<128x256xf32>
    %exp3A = math.exp %sub3A_17 : vector<128x256xf32>
    %reduce_sum3A = arith.constant dense<0.000000e+00> : vector<128xf32>
    %reduce_sum3A_18 = vector.multi_reduction <add>, %exp3A, %reduce_sum3A [1] : vector<128x256xf32> to vector<128xf32>
    %broadcast_in_dim3A_19 = vector.shape_cast %reduce_sum3A_18 : vector<128xf32> to vector<128x1xf32>
    %div3A = vector.broadcast %broadcast_in_dim3A_19 : vector<128x1xf32> to vector<128x256xf32>
    %div3A_20 = arith.divf %exp3A, %div3A : vector<128x256xf32>
    %eq3A = vector.broadcast %broadcast_in_dim3A_16 : vector<128x1xf32> to vector<128x256xf32>
    %eq3A_21 = arith.cmpf oeq, %slice3A, %eq3A : vector<128x256xf32>
    %jit3A = arith.constant 256 : i32
    %broadcast_in_dim3A_22 = vector.broadcast %jit3A : i32 to vector<128x256xi32>
    %select_n3A = arith.select %eq3A_21, %iota3A, %broadcast_in_dim3A_22 : vector<128x256xi1>, vector<128x256xi32>
    %reduce_min3A = arith.constant dense<2147483647> : vector<128xi32>
    %reduce_min3A_23 = vector.multi_reduction <minsi>, %select_n3A, %reduce_min3A [1] : vector<128x256xi32> to vector<128xi32>
    %broadcast_in_dim3A_24 = vector.shape_cast %reduce_min3A_23 : vector<128xi32> to vector<128x1xi32>
    %eq3A_25 = vector.broadcast %broadcast_in_dim3A_24 : vector<128x1xi32> to vector<128x256xi32>
    %eq3A_26 = arith.cmpi eq, %iota3A, %eq3A_25 : vector<128x256xi32>
    %convert_element_type3A = arith.extui %eq3A_26 : vector<128x256xi1> to vector<128x256xi32>
    %convert_element_type3A_27 = arith.sitofp %convert_element_type3A : vector<128x256xi32> to vector<128x256xf32>
    %slice3A_28 = vector.extract_strided_slice %dot_general3A_14 {offsets = [0, 256], sizes = [128, 256], strides = [1, 1]} : vector<128x4096xf32> to vector<128x256xf32>
    %reduce_max3A_29 = arith.constant dense<0xFF800000> : vector<128xf32>
    %reduce_max3A_30 = vector.multi_reduction <maximumf>, %slice3A_28, %reduce_max3A_29 [1] : vector<128x256xf32> to vector<128xf32>
    %broadcast_in_dim3A_31 = vector.shape_cast %reduce_max3A_30 : vector<128xf32> to vector<128x1xf32>
    %sub3A_32 = vector.broadcast %broadcast_in_dim3A_31 : vector<128x1xf32> to vector<128x256xf32>
    %sub3A_33 = arith.subf %slice3A_28, %sub3A_32 : vector<128x256xf32>
    %exp3A_34 = math.exp %sub3A_33 : vector<128x256xf32>
    %reduce_sum3A_35 = arith.constant dense<0.000000e+00> : vector<128xf32>
    %reduce_sum3A_36 = vector.multi_reduction <add>, %exp3A_34, %reduce_sum3A_35 [1] : vector<128x256xf32> to vector<128xf32>
    %broadcast_in_dim3A_37 = vector.shape_cast %reduce_sum3A_36 : vector<128xf32> to vector<128x1xf32>
    %div3A_38 = vector.broadcast %broadcast_in_dim3A_37 : vector<128x1xf32> to vector<128x256xf32>
    %div3A_39 = arith.divf %exp3A_34, %div3A_38 : vector<128x256xf32>
    %eq3A_40 = vector.broadcast %broadcast_in_dim3A_31 : vector<128x1xf32> to vector<128x256xf32>
    %eq3A_41 = arith.cmpf oeq, %slice3A_28, %eq3A_40 : vector<128x256xf32>
    %jit3A_42 = arith.constant 256 : i32
    %broadcast_in_dim3A_43 = vector.broadcast %jit3A_42 : i32 to vector<128x256xi32>
    %select_n3A_44 = arith.select %eq3A_41, %iota3A, %broadcast_in_dim3A_43 : vector<128x256xi1>, vector<128x256xi32>
    %reduce_min3A_45 = arith.constant dense<2147483647> : vector<128xi32>
    %reduce_min3A_46 = vector.multi_reduction <minsi>, %select_n3A_44, %reduce_min3A_45 [1] : vector<128x256xi32> to vector<128xi32>
    %broadcast_in_dim3A_47 = vector.shape_cast %reduce_min3A_46 : vector<128xi32> to vector<128x1xi32>
    %eq3A_48 = vector.broadcast %broadcast_in_dim3A_47 : vector<128x1xi32> to vector<128x256xi32>
    %eq3A_49 = arith.cmpi eq, %iota3A, %eq3A_48 : vector<128x256xi32>
    %convert_element_type3A_50 = arith.extui %eq3A_49 : vector<128x256xi1> to vector<128x256xi32>
    %convert_element_type3A_51 = arith.sitofp %convert_element_type3A_50 : vector<128x256xi32> to vector<128x256xf32>
    %slice3A_52 = vector.extract_strided_slice %dot_general3A_14 {offsets = [0, 512], sizes = [128, 256], strides = [1, 1]} : vector<128x4096xf32> to vector<128x256xf32>
    %reduce_max3A_53 = arith.constant dense<0xFF800000> : vector<128xf32>
    %reduce_max3A_54 = vector.multi_reduction <maximumf>, %slice3A_52, %reduce_max3A_53 [1] : vector<128x256xf32> to vector<128xf32>
    %broadcast_in_dim3A_55 = vector.shape_cast %reduce_max3A_54 : vector<128xf32> to vector<128x1xf32>
    %sub3A_56 = vector.broadcast %broadcast_in_dim3A_55 : vector<128x1xf32> to vector<128x256xf32>
    %sub3A_57 = arith.subf %slice3A_52, %sub3A_56 : vector<128x256xf32>
    %exp3A_58 = math.exp %sub3A_57 : vector<128x256xf32>
    %reduce_sum3A_59 = arith.constant dense<0.000000e+00> : vector<128xf32>
    %reduce_sum3A_60 = vector.multi_reduction <add>, %exp3A_58, %reduce_sum3A_59 [1] : vector<128x256xf32> to vector<128xf32>
    %broadcast_in_dim3A_61 = vector.shape_cast %reduce_sum3A_60 : vector<128xf32> to vector<128x1xf32>
    %div3A_62 = vector.broadcast %broadcast_in_dim3A_61 : vector<128x1xf32> to vector<128x256xf32>
    %div3A_63 = arith.divf %exp3A_58, %div3A_62 : vector<128x256xf32>
    %eq3A_64 = vector.broadcast %broadcast_in_dim3A_55 : vector<128x1xf32> to vector<128x256xf32>
    %eq3A_65 = arith.cmpf oeq, %slice3A_52, %eq3A_64 : vector<128x256xf32>
    %jit3A_66 = arith.constant 256 : i32
    %broadcast_in_dim3A_67 = vector.broadcast %jit3A_66 : i32 to vector<128x256xi32>
    %select_n3A_68 = arith.select %eq3A_65, %iota3A, %broadcast_in_dim3A_67 : vector<128x256xi1>, vector<128x256xi32>
    %reduce_min3A_69 = arith.constant dense<2147483647> : vector<128xi32>
    %reduce_min3A_70 = vector.multi_reduction <minsi>, %select_n3A_68, %reduce_min3A_69 [1] : vector<128x256xi32> to vector<128xi32>
    %broadcast_in_dim3A_71 = vector.shape_cast %reduce_min3A_70 : vector<128xi32> to vector<128x1xi32>
    %eq3A_72 = vector.broadcast %broadcast_in_dim3A_71 : vector<128x1xi32> to vector<128x256xi32>
    %eq3A_73 = arith.cmpi eq, %iota3A, %eq3A_72 : vector<128x256xi32>
    %convert_element_type3A_74 = arith.extui %eq3A_73 : vector<128x256xi1> to vector<128x256xi32>
    %convert_element_type3A_75 = arith.sitofp %convert_element_type3A_74 : vector<128x256xi32> to vector<128x256xf32>
    %slice3A_76 = vector.extract_strided_slice %dot_general3A_14 {offsets = [0, 768], sizes = [128, 256], strides = [1, 1]} : vector<128x4096xf32> to vector<128x256xf32>
    %reduce_max3A_77 = arith.constant dense<0xFF800000> : vector<128xf32>
    %reduce_max3A_78 = vector.multi_reduction <maximumf>, %slice3A_76, %reduce_max3A_77 [1] : vector<128x256xf32> to vector<128xf32>
    %broadcast_in_dim3A_79 = vector.shape_cast %reduce_max3A_78 : vector<128xf32> to vector<128x1xf32>
    %sub3A_80 = vector.broadcast %broadcast_in_dim3A_79 : vector<128x1xf32> to vector<128x256xf32>
    %sub3A_81 = arith.subf %slice3A_76, %sub3A_80 : vector<128x256xf32>
    %exp3A_82 = math.exp %sub3A_81 : vector<128x256xf32>
    %reduce_sum3A_83 = arith.constant dense<0.000000e+00> : vector<128xf32>
    %reduce_sum3A_84 = vector.multi_reduction <add>, %exp3A_82, %reduce_sum3A_83 [1] : vector<128x256xf32> to vector<128xf32>
    %broadcast_in_dim3A_85 = vector.shape_cast %reduce_sum3A_84 : vector<128xf32> to vector<128x1xf32>
    %div3A_86 = vector.broadcast %broadcast_in_dim3A_85 : vector<128x1xf32> to vector<128x256xf32>
    %div3A_87 = arith.divf %exp3A_82, %div3A_86 : vector<128x256xf32>
    %eq3A_88 = vector.broadcast %broadcast_in_dim3A_79 : vector<128x1xf32> to vector<128x256xf32>
    %eq3A_89 = arith.cmpf oeq, %slice3A_76, %eq3A_88 : vector<128x256xf32>
    %jit3A_90 = arith.constant 256 : i32
    %broadcast_in_dim3A_91 = vector.broadcast %jit3A_90 : i32 to vector<128x256xi32>
    %select_n3A_92 = arith.select %eq3A_89, %iota3A, %broadcast_in_dim3A_91 : vector<128x256xi1>, vector<128x256xi32>
    %reduce_min3A_93 = arith.constant dense<2147483647> : vector<128xi32>
    %reduce_min3A_94 = vector.multi_reduction <minsi>, %select_n3A_92, %reduce_min3A_93 [1] : vector<128x256xi32> to vector<128xi32>
    %broadcast_in_dim3A_95 = vector.shape_cast %reduce_min3A_94 : vector<128xi32> to vector<128x1xi32>
    %eq3A_96 = vector.broadcast %broadcast_in_dim3A_95 : vector<128x1xi32> to vector<128x256xi32>
    %eq3A_97 = arith.cmpi eq, %iota3A, %eq3A_96 : vector<128x256xi32>
    %convert_element_type3A_98 = arith.extui %eq3A_97 : vector<128x256xi1> to vector<128x256xi32>
    %convert_element_type3A_99 = arith.sitofp %convert_element_type3A_98 : vector<128x256xi32> to vector<128x256xf32>
    %slice3A_100 = vector.extract_strided_slice %dot_general3A_14 {offsets = [0, 1024], sizes = [128, 256], strides = [1, 1]} : vector<128x4096xf32> to vector<128x256xf32>
    %reduce_max3A_101 = arith.constant dense<0xFF800000> : vector<128xf32>
    %reduce_max3A_102 = vector.multi_reduction <maximumf>, %slice3A_100, %reduce_max3A_101 [1] : vector<128x256xf32> to vector<128xf32>
    %broadcast_in_dim3A_103 = vector.shape_cast %reduce_max3A_102 : vector<128xf32> to vector<128x1xf32>
    %sub3A_104 = vector.broadcast %broadcast_in_dim3A_103 : vector<128x1xf32> to vector<128x256xf32>
    %sub3A_105 = arith.subf %slice3A_100, %sub3A_104 : vector<128x256xf32>
    %exp3A_106 = math.exp %sub3A_105 : vector<128x256xf32>
    %reduce_sum3A_107 = arith.constant dense<0.000000e+00> : vector<128xf32>
    %reduce_sum3A_108 = vector.multi_reduction <add>, %exp3A_106, %reduce_sum3A_107 [1] : vector<128x256xf32> to vector<128xf32>
    %broadcast_in_dim3A_109 = vector.shape_cast %reduce_sum3A_108 : vector<128xf32> to vector<128x1xf32>
    %div3A_110 = vector.broadcast %broadcast_in_dim3A_109 : vector<128x1xf32> to vector<128x256xf32>
    %div3A_111 = arith.divf %exp3A_106, %div3A_110 : vector<128x256xf32>
    %eq3A_112 = vector.broadcast %broadcast_in_dim3A_103 : vector<128x1xf32> to vector<128x256xf32>
    %eq3A_113 = arith.cmpf oeq, %slice3A_100, %eq3A_112 : vector<128x256xf32>
    %jit3A_114 = arith.constant 256 : i32
    %broadcast_in_dim3A_115 = vector.broadcast %jit3A_114 : i32 to vector<128x256xi32>
    %select_n3A_116 = arith.select %eq3A_113, %iota3A, %broadcast_in_dim3A_115 : vector<128x256xi1>, vector<128x256xi32>
    %reduce_min3A_117 = arith.constant dense<2147483647> : vector<128xi32>
    %reduce_min3A_118 = vector.multi_reduction <minsi>, %select_n3A_116, %reduce_min3A_117 [1] : vector<128x256xi32> to vector<128xi32>
    %broadcast_in_dim3A_119 = vector.shape_cast %reduce_min3A_118 : vector<128xi32> to vector<128x1xi32>
    %eq3A_120 = vector.broadcast %broadcast_in_dim3A_119 : vector<128x1xi32> to vector<128x256xi32>
    %eq3A_121 = arith.cmpi eq, %iota3A, %eq3A_120 : vector<128x256xi32>
    %convert_element_type3A_122 = arith.extui %eq3A_121 : vector<128x256xi1> to vector<128x256xi32>
    %convert_element_type3A_123 = arith.sitofp %convert_element_type3A_122 : vector<128x256xi32> to vector<128x256xf32>
    %slice3A_124 = vector.extract_strided_slice %dot_general3A_14 {offsets = [0, 1280], sizes = [128, 256], strides = [1, 1]} : vector<128x4096xf32> to vector<128x256xf32>
    %reduce_max3A_125 = arith.constant dense<0xFF800000> : vector<128xf32>
    %reduce_max3A_126 = vector.multi_reduction <maximumf>, %slice3A_124, %reduce_max3A_125 [1] : vector<128x256xf32> to vector<128xf32>
    %broadcast_in_dim3A_127 = vector.shape_cast %reduce_max3A_126 : vector<128xf32> to vector<128x1xf32>
    %sub3A_128 = vector.broadcast %broadcast_in_dim3A_127 : vector<128x1xf32> to vector<128x256xf32>
    %sub3A_129 = arith.subf %slice3A_124, %sub3A_128 : vector<128x256xf32>
    %exp3A_130 = math.exp %sub3A_129 : vector<128x256xf32>
    %reduce_sum3A_131 = arith.constant dense<0.000000e+00> : vector<128xf32>
    %reduce_sum3A_132 = vector.multi_reduction <add>, %exp3A_130, %reduce_sum3A_131 [1] : vector<128x256xf32> to vector<128xf32>
    %broadcast_in_dim3A_133 = vector.shape_cast %reduce_sum3A_132 : vector<128xf32> to vector<128x1xf32>
    %div3A_134 = vector.broadcast %broadcast_in_dim3A_133 : vector<128x1xf32> to vector<128x256xf32>
    %div3A_135 = arith.divf %exp3A_130, %div3A_134 : vector<128x256xf32>
    %eq3A_136 = vector.broadcast %broadcast_in_dim3A_127 : vector<128x1xf32> to vector<128x256xf32>
    %eq3A_137 = arith.cmpf oeq, %slice3A_124, %eq3A_136 : vector<128x256xf32>
    %jit3A_138 = arith.constant 256 : i32
    %broadcast_in_dim3A_139 = vector.broadcast %jit3A_138 : i32 to vector<128x256xi32>
    %select_n3A_140 = arith.select %eq3A_137, %iota3A, %broadcast_in_dim3A_139 : vector<128x256xi1>, vector<128x256xi32>
    %reduce_min3A_141 = arith.constant dense<2147483647> : vector<128xi32>
    %reduce_min3A_142 = vector.multi_reduction <minsi>, %select_n3A_140, %reduce_min3A_141 [1] : vector<128x256xi32> to vector<128xi32>
    %broadcast_in_dim3A_143 = vector.shape_cast %reduce_min3A_142 : vector<128xi32> to vector<128x1xi32>
    %eq3A_144 = vector.broadcast %broadcast_in_dim3A_143 : vector<128x1xi32> to vector<128x256xi32>
    %eq3A_145 = arith.cmpi eq, %iota3A, %eq3A_144 : vector<128x256xi32>
    %convert_element_type3A_146 = arith.extui %eq3A_145 : vector<128x256xi1> to vector<128x256xi32>
    %convert_element_type3A_147 = arith.sitofp %convert_element_type3A_146 : vector<128x256xi32> to vector<128x256xf32>
    %slice3A_148 = vector.extract_strided_slice %dot_general3A_14 {offsets = [0, 1536], sizes = [128, 256], strides = [1, 1]} : vector<128x4096xf32> to vector<128x256xf32>
    %reduce_max3A_149 = arith.constant dense<0xFF800000> : vector<128xf32>
    %reduce_max3A_150 = vector.multi_reduction <maximumf>, %slice3A_148, %reduce_max3A_149 [1] : vector<128x256xf32> to vector<128xf32>
    %broadcast_in_dim3A_151 = vector.shape_cast %reduce_max3A_150 : vector<128xf32> to vector<128x1xf32>
    %sub3A_152 = vector.broadcast %broadcast_in_dim3A_151 : vector<128x1xf32> to vector<128x256xf32>
    %sub3A_153 = arith.subf %slice3A_148, %sub3A_152 : vector<128x256xf32>
    %exp3A_154 = math.exp %sub3A_153 : vector<128x256xf32>
    %reduce_sum3A_155 = arith.constant dense<0.000000e+00> : vector<128xf32>
    %reduce_sum3A_156 = vector.multi_reduction <add>, %exp3A_154, %reduce_sum3A_155 [1] : vector<128x256xf32> to vector<128xf32>
    %broadcast_in_dim3A_157 = vector.shape_cast %reduce_sum3A_156 : vector<128xf32> to vector<128x1xf32>
    %div3A_158 = vector.broadcast %broadcast_in_dim3A_157 : vector<128x1xf32> to vector<128x256xf32>
    %div3A_159 = arith.divf %exp3A_154, %div3A_158 : vector<128x256xf32>
    %eq3A_160 = vector.broadcast %broadcast_in_dim3A_151 : vector<128x1xf32> to vector<128x256xf32>
    %eq3A_161 = arith.cmpf oeq, %slice3A_148, %eq3A_160 : vector<128x256xf32>
    %jit3A_162 = arith.constant 256 : i32
    %broadcast_in_dim3A_163 = vector.broadcast %jit3A_162 : i32 to vector<128x256xi32>
    %select_n3A_164 = arith.select %eq3A_161, %iota3A, %broadcast_in_dim3A_163 : vector<128x256xi1>, vector<128x256xi32>
    %reduce_min3A_165 = arith.constant dense<2147483647> : vector<128xi32>
    %reduce_min3A_166 = vector.multi_reduction <minsi>, %select_n3A_164, %reduce_min3A_165 [1] : vector<128x256xi32> to vector<128xi32>
    %broadcast_in_dim3A_167 = vector.shape_cast %reduce_min3A_166 : vector<128xi32> to vector<128x1xi32>
    %eq3A_168 = vector.broadcast %broadcast_in_dim3A_167 : vector<128x1xi32> to vector<128x256xi32>
    %eq3A_169 = arith.cmpi eq, %iota3A, %eq3A_168 : vector<128x256xi32>
    %convert_element_type3A_170 = arith.extui %eq3A_169 : vector<128x256xi1> to vector<128x256xi32>
    %convert_element_type3A_171 = arith.sitofp %convert_element_type3A_170 : vector<128x256xi32> to vector<128x256xf32>
    %slice3A_172 = vector.extract_strided_slice %dot_general3A_14 {offsets = [0, 1792], sizes = [128, 256], strides = [1, 1]} : vector<128x4096xf32> to vector<128x256xf32>
    %reduce_max3A_173 = arith.constant dense<0xFF800000> : vector<128xf32>
    %reduce_max3A_174 = vector.multi_reduction <maximumf>, %slice3A_172, %reduce_max3A_173 [1] : vector<128x256xf32> to vector<128xf32>
    %broadcast_in_dim3A_175 = vector.shape_cast %reduce_max3A_174 : vector<128xf32> to vector<128x1xf32>
    %sub3A_176 = vector.broadcast %broadcast_in_dim3A_175 : vector<128x1xf32> to vector<128x256xf32>
    %sub3A_177 = arith.subf %slice3A_172, %sub3A_176 : vector<128x256xf32>
    %exp3A_178 = math.exp %sub3A_177 : vector<128x256xf32>
    %reduce_sum3A_179 = arith.constant dense<0.000000e+00> : vector<128xf32>
    %reduce_sum3A_180 = vector.multi_reduction <add>, %exp3A_178, %reduce_sum3A_179 [1] : vector<128x256xf32> to vector<128xf32>
    %broadcast_in_dim3A_181 = vector.shape_cast %reduce_sum3A_180 : vector<128xf32> to vector<128x1xf32>
    %div3A_182 = vector.broadcast %broadcast_in_dim3A_181 : vector<128x1xf32> to vector<128x256xf32>
    %div3A_183 = arith.divf %exp3A_178, %div3A_182 : vector<128x256xf32>
    %eq3A_184 = vector.broadcast %broadcast_in_dim3A_175 : vector<128x1xf32> to vector<128x256xf32>
    %eq3A_185 = arith.cmpf oeq, %slice3A_172, %eq3A_184 : vector<128x256xf32>
    %jit3A_186 = arith.constant 256 : i32
    %broadcast_in_dim3A_187 = vector.broadcast %jit3A_186 : i32 to vector<128x256xi32>
    %select_n3A_188 = arith.select %eq3A_185, %iota3A, %broadcast_in_dim3A_187 : vector<128x256xi1>, vector<128x256xi32>
    %reduce_min3A_189 = arith.constant dense<2147483647> : vector<128xi32>
    %reduce_min3A_190 = vector.multi_reduction <minsi>, %select_n3A_188, %reduce_min3A_189 [1] : vector<128x256xi32> to vector<128xi32>
    %broadcast_in_dim3A_191 = vector.shape_cast %reduce_min3A_190 : vector<128xi32> to vector<128x1xi32>
    %eq3A_192 = vector.broadcast %broadcast_in_dim3A_191 : vector<128x1xi32> to vector<128x256xi32>
    %eq3A_193 = arith.cmpi eq, %iota3A, %eq3A_192 : vector<128x256xi32>
    %convert_element_type3A_194 = arith.extui %eq3A_193 : vector<128x256xi1> to vector<128x256xi32>
    %convert_element_type3A_195 = arith.sitofp %convert_element_type3A_194 : vector<128x256xi32> to vector<128x256xf32>
    %slice3A_196 = vector.extract_strided_slice %dot_general3A_14 {offsets = [0, 2048], sizes = [128, 256], strides = [1, 1]} : vector<128x4096xf32> to vector<128x256xf32>
    %reduce_max3A_197 = arith.constant dense<0xFF800000> : vector<128xf32>
    %reduce_max3A_198 = vector.multi_reduction <maximumf>, %slice3A_196, %reduce_max3A_197 [1] : vector<128x256xf32> to vector<128xf32>
    %broadcast_in_dim3A_199 = vector.shape_cast %reduce_max3A_198 : vector<128xf32> to vector<128x1xf32>
    %sub3A_200 = vector.broadcast %broadcast_in_dim3A_199 : vector<128x1xf32> to vector<128x256xf32>
    %sub3A_201 = arith.subf %slice3A_196, %sub3A_200 : vector<128x256xf32>
    %exp3A_202 = math.exp %sub3A_201 : vector<128x256xf32>
    %reduce_sum3A_203 = arith.constant dense<0.000000e+00> : vector<128xf32>
    %reduce_sum3A_204 = vector.multi_reduction <add>, %exp3A_202, %reduce_sum3A_203 [1] : vector<128x256xf32> to vector<128xf32>
    %broadcast_in_dim3A_205 = vector.shape_cast %reduce_sum3A_204 : vector<128xf32> to vector<128x1xf32>
    %div3A_206 = vector.broadcast %broadcast_in_dim3A_205 : vector<128x1xf32> to vector<128x256xf32>
    %div3A_207 = arith.divf %exp3A_202, %div3A_206 : vector<128x256xf32>
    %eq3A_208 = vector.broadcast %broadcast_in_dim3A_199 : vector<128x1xf32> to vector<128x256xf32>
    %eq3A_209 = arith.cmpf oeq, %slice3A_196, %eq3A_208 : vector<128x256xf32>
    %jit3A_210 = arith.constant 256 : i32
    %broadcast_in_dim3A_211 = vector.broadcast %jit3A_210 : i32 to vector<128x256xi32>
    %select_n3A_212 = arith.select %eq3A_209, %iota3A, %broadcast_in_dim3A_211 : vector<128x256xi1>, vector<128x256xi32>
    %reduce_min3A_213 = arith.constant dense<2147483647> : vector<128xi32>
    %reduce_min3A_214 = vector.multi_reduction <minsi>, %select_n3A_212, %reduce_min3A_213 [1] : vector<128x256xi32> to vector<128xi32>
    %broadcast_in_dim3A_215 = vector.shape_cast %reduce_min3A_214 : vector<128xi32> to vector<128x1xi32>
    %eq3A_216 = vector.broadcast %broadcast_in_dim3A_215 : vector<128x1xi32> to vector<128x256xi32>
    %eq3A_217 = arith.cmpi eq, %iota3A, %eq3A_216 : vector<128x256xi32>
    %convert_element_type3A_218 = arith.extui %eq3A_217 : vector<128x256xi1> to vector<128x256xi32>
    %convert_element_type3A_219 = arith.sitofp %convert_element_type3A_218 : vector<128x256xi32> to vector<128x256xf32>
    %slice3A_220 = vector.extract_strided_slice %dot_general3A_14 {offsets = [0, 2304], sizes = [128, 256], strides = [1, 1]} : vector<128x4096xf32> to vector<128x256xf32>
    %reduce_max3A_221 = arith.constant dense<0xFF800000> : vector<128xf32>
    %reduce_max3A_222 = vector.multi_reduction <maximumf>, %slice3A_220, %reduce_max3A_221 [1] : vector<128x256xf32> to vector<128xf32>
    %broadcast_in_dim3A_223 = vector.shape_cast %reduce_max3A_222 : vector<128xf32> to vector<128x1xf32>
    %sub3A_224 = vector.broadcast %broadcast_in_dim3A_223 : vector<128x1xf32> to vector<128x256xf32>
    %sub3A_225 = arith.subf %slice3A_220, %sub3A_224 : vector<128x256xf32>
    %exp3A_226 = math.exp %sub3A_225 : vector<128x256xf32>
    %reduce_sum3A_227 = arith.constant dense<0.000000e+00> : vector<128xf32>
    %reduce_sum3A_228 = vector.multi_reduction <add>, %exp3A_226, %reduce_sum3A_227 [1] : vector<128x256xf32> to vector<128xf32>
    %broadcast_in_dim3A_229 = vector.shape_cast %reduce_sum3A_228 : vector<128xf32> to vector<128x1xf32>
    %div3A_230 = vector.broadcast %broadcast_in_dim3A_229 : vector<128x1xf32> to vector<128x256xf32>
    %div3A_231 = arith.divf %exp3A_226, %div3A_230 : vector<128x256xf32>
    %eq3A_232 = vector.broadcast %broadcast_in_dim3A_223 : vector<128x1xf32> to vector<128x256xf32>
    %eq3A_233 = arith.cmpf oeq, %slice3A_220, %eq3A_232 : vector<128x256xf32>
    %jit3A_234 = arith.constant 256 : i32
    %broadcast_in_dim3A_235 = vector.broadcast %jit3A_234 : i32 to vector<128x256xi32>
    %select_n3A_236 = arith.select %eq3A_233, %iota3A, %broadcast_in_dim3A_235 : vector<128x256xi1>, vector<128x256xi32>
    %reduce_min3A_237 = arith.constant dense<2147483647> : vector<128xi32>
    %reduce_min3A_238 = vector.multi_reduction <minsi>, %select_n3A_236, %reduce_min3A_237 [1] : vector<128x256xi32> to vector<128xi32>
    %broadcast_in_dim3A_239 = vector.shape_cast %reduce_min3A_238 : vector<128xi32> to vector<128x1xi32>
    %eq3A_240 = vector.broadcast %broadcast_in_dim3A_239 : vector<128x1xi32> to vector<128x256xi32>
    %eq3A_241 = arith.cmpi eq, %iota3A, %eq3A_240 : vector<128x256xi32>
    %convert_element_type3A_242 = arith.extui %eq3A_241 : vector<128x256xi1> to vector<128x256xi32>
    %convert_element_type3A_243 = arith.sitofp %convert_element_type3A_242 : vector<128x256xi32> to vector<128x256xf32>
    %slice3A_244 = vector.extract_strided_slice %dot_general3A_14 {offsets = [0, 2560], sizes = [128, 256], strides = [1, 1]} : vector<128x4096xf32> to vector<128x256xf32>
    %reduce_max3A_245 = arith.constant dense<0xFF800000> : vector<128xf32>
    %reduce_max3A_246 = vector.multi_reduction <maximumf>, %slice3A_244, %reduce_max3A_245 [1] : vector<128x256xf32> to vector<128xf32>
    %broadcast_in_dim3A_247 = vector.shape_cast %reduce_max3A_246 : vector<128xf32> to vector<128x1xf32>
    %sub3A_248 = vector.broadcast %broadcast_in_dim3A_247 : vector<128x1xf32> to vector<128x256xf32>
    %sub3A_249 = arith.subf %slice3A_244, %sub3A_248 : vector<128x256xf32>
    %exp3A_250 = math.exp %sub3A_249 : vector<128x256xf32>
    %reduce_sum3A_251 = arith.constant dense<0.000000e+00> : vector<128xf32>
    %reduce_sum3A_252 = vector.multi_reduction <add>, %exp3A_250, %reduce_sum3A_251 [1] : vector<128x256xf32> to vector<128xf32>
    %broadcast_in_dim3A_253 = vector.shape_cast %reduce_sum3A_252 : vector<128xf32> to vector<128x1xf32>
    %div3A_254 = vector.broadcast %broadcast_in_dim3A_253 : vector<128x1xf32> to vector<128x256xf32>
    %div3A_255 = arith.divf %exp3A_250, %div3A_254 : vector<128x256xf32>
    %eq3A_256 = vector.broadcast %broadcast_in_dim3A_247 : vector<128x1xf32> to vector<128x256xf32>
    %eq3A_257 = arith.cmpf oeq, %slice3A_244, %eq3A_256 : vector<128x256xf32>
    %jit3A_258 = arith.constant 256 : i32
    %broadcast_in_dim3A_259 = vector.broadcast %jit3A_258 : i32 to vector<128x256xi32>
    %select_n3A_260 = arith.select %eq3A_257, %iota3A, %broadcast_in_dim3A_259 : vector<128x256xi1>, vector<128x256xi32>
    %reduce_min3A_261 = arith.constant dense<2147483647> : vector<128xi32>
    %reduce_min3A_262 = vector.multi_reduction <minsi>, %select_n3A_260, %reduce_min3A_261 [1] : vector<128x256xi32> to vector<128xi32>
    %broadcast_in_dim3A_263 = vector.shape_cast %reduce_min3A_262 : vector<128xi32> to vector<128x1xi32>
    %eq3A_264 = vector.broadcast %broadcast_in_dim3A_263 : vector<128x1xi32> to vector<128x256xi32>
    %eq3A_265 = arith.cmpi eq, %iota3A, %eq3A_264 : vector<128x256xi32>
    %convert_element_type3A_266 = arith.extui %eq3A_265 : vector<128x256xi1> to vector<128x256xi32>
    %convert_element_type3A_267 = arith.sitofp %convert_element_type3A_266 : vector<128x256xi32> to vector<128x256xf32>
    %slice3A_268 = vector.extract_strided_slice %dot_general3A_14 {offsets = [0, 2816], sizes = [128, 256], strides = [1, 1]} : vector<128x4096xf32> to vector<128x256xf32>
    %reduce_max3A_269 = arith.constant dense<0xFF800000> : vector<128xf32>
    %reduce_max3A_270 = vector.multi_reduction <maximumf>, %slice3A_268, %reduce_max3A_269 [1] : vector<128x256xf32> to vector<128xf32>
    %broadcast_in_dim3A_271 = vector.shape_cast %reduce_max3A_270 : vector<128xf32> to vector<128x1xf32>
    %sub3A_272 = vector.broadcast %broadcast_in_dim3A_271 : vector<128x1xf32> to vector<128x256xf32>
    %sub3A_273 = arith.subf %slice3A_268, %sub3A_272 : vector<128x256xf32>
    %exp3A_274 = math.exp %sub3A_273 : vector<128x256xf32>
    %reduce_sum3A_275 = arith.constant dense<0.000000e+00> : vector<128xf32>
    %reduce_sum3A_276 = vector.multi_reduction <add>, %exp3A_274, %reduce_sum3A_275 [1] : vector<128x256xf32> to vector<128xf32>
    %broadcast_in_dim3A_277 = vector.shape_cast %reduce_sum3A_276 : vector<128xf32> to vector<128x1xf32>
    %div3A_278 = vector.broadcast %broadcast_in_dim3A_277 : vector<128x1xf32> to vector<128x256xf32>
    %div3A_279 = arith.divf %exp3A_274, %div3A_278 : vector<128x256xf32>
    %eq3A_280 = vector.broadcast %broadcast_in_dim3A_271 : vector<128x1xf32> to vector<128x256xf32>
    %eq3A_281 = arith.cmpf oeq, %slice3A_268, %eq3A_280 : vector<128x256xf32>
    %jit3A_282 = arith.constant 256 : i32
    %broadcast_in_dim3A_283 = vector.broadcast %jit3A_282 : i32 to vector<128x256xi32>
    %select_n3A_284 = arith.select %eq3A_281, %iota3A, %broadcast_in_dim3A_283 : vector<128x256xi1>, vector<128x256xi32>
    %reduce_min3A_285 = arith.constant dense<2147483647> : vector<128xi32>
    %reduce_min3A_286 = vector.multi_reduction <minsi>, %select_n3A_284, %reduce_min3A_285 [1] : vector<128x256xi32> to vector<128xi32>
    %broadcast_in_dim3A_287 = vector.shape_cast %reduce_min3A_286 : vector<128xi32> to vector<128x1xi32>
    %eq3A_288 = vector.broadcast %broadcast_in_dim3A_287 : vector<128x1xi32> to vector<128x256xi32>
    %eq3A_289 = arith.cmpi eq, %iota3A, %eq3A_288 : vector<128x256xi32>
    %convert_element_type3A_290 = arith.extui %eq3A_289 : vector<128x256xi1> to vector<128x256xi32>
    %convert_element_type3A_291 = arith.sitofp %convert_element_type3A_290 : vector<128x256xi32> to vector<128x256xf32>
    %slice3A_292 = vector.extract_strided_slice %dot_general3A_14 {offsets = [0, 3072], sizes = [128, 256], strides = [1, 1]} : vector<128x4096xf32> to vector<128x256xf32>
    %reduce_max3A_293 = arith.constant dense<0xFF800000> : vector<128xf32>
    %reduce_max3A_294 = vector.multi_reduction <maximumf>, %slice3A_292, %reduce_max3A_293 [1] : vector<128x256xf32> to vector<128xf32>
    %broadcast_in_dim3A_295 = vector.shape_cast %reduce_max3A_294 : vector<128xf32> to vector<128x1xf32>
    %sub3A_296 = vector.broadcast %broadcast_in_dim3A_295 : vector<128x1xf32> to vector<128x256xf32>
    %sub3A_297 = arith.subf %slice3A_292, %sub3A_296 : vector<128x256xf32>
    %exp3A_298 = math.exp %sub3A_297 : vector<128x256xf32>
    %reduce_sum3A_299 = arith.constant dense<0.000000e+00> : vector<128xf32>
    %reduce_sum3A_300 = vector.multi_reduction <add>, %exp3A_298, %reduce_sum3A_299 [1] : vector<128x256xf32> to vector<128xf32>
    %broadcast_in_dim3A_301 = vector.shape_cast %reduce_sum3A_300 : vector<128xf32> to vector<128x1xf32>
    %div3A_302 = vector.broadcast %broadcast_in_dim3A_301 : vector<128x1xf32> to vector<128x256xf32>
    %div3A_303 = arith.divf %exp3A_298, %div3A_302 : vector<128x256xf32>
    %eq3A_304 = vector.broadcast %broadcast_in_dim3A_295 : vector<128x1xf32> to vector<128x256xf32>
    %eq3A_305 = arith.cmpf oeq, %slice3A_292, %eq3A_304 : vector<128x256xf32>
    %jit3A_306 = arith.constant 256 : i32
    %broadcast_in_dim3A_307 = vector.broadcast %jit3A_306 : i32 to vector<128x256xi32>
    %select_n3A_308 = arith.select %eq3A_305, %iota3A, %broadcast_in_dim3A_307 : vector<128x256xi1>, vector<128x256xi32>
    %reduce_min3A_309 = arith.constant dense<2147483647> : vector<128xi32>
    %reduce_min3A_310 = vector.multi_reduction <minsi>, %select_n3A_308, %reduce_min3A_309 [1] : vector<128x256xi32> to vector<128xi32>
    %broadcast_in_dim3A_311 = vector.shape_cast %reduce_min3A_310 : vector<128xi32> to vector<128x1xi32>
    %eq3A_312 = vector.broadcast %broadcast_in_dim3A_311 : vector<128x1xi32> to vector<128x256xi32>
    %eq3A_313 = arith.cmpi eq, %iota3A, %eq3A_312 : vector<128x256xi32>
    %convert_element_type3A_314 = arith.extui %eq3A_313 : vector<128x256xi1> to vector<128x256xi32>
    %convert_element_type3A_315 = arith.sitofp %convert_element_type3A_314 : vector<128x256xi32> to vector<128x256xf32>
    %slice3A_316 = vector.extract_strided_slice %dot_general3A_14 {offsets = [0, 3328], sizes = [128, 256], strides = [1, 1]} : vector<128x4096xf32> to vector<128x256xf32>
    %reduce_max3A_317 = arith.constant dense<0xFF800000> : vector<128xf32>
    %reduce_max3A_318 = vector.multi_reduction <maximumf>, %slice3A_316, %reduce_max3A_317 [1] : vector<128x256xf32> to vector<128xf32>
    %broadcast_in_dim3A_319 = vector.shape_cast %reduce_max3A_318 : vector<128xf32> to vector<128x1xf32>
    %sub3A_320 = vector.broadcast %broadcast_in_dim3A_319 : vector<128x1xf32> to vector<128x256xf32>
    %sub3A_321 = arith.subf %slice3A_316, %sub3A_320 : vector<128x256xf32>
    %exp3A_322 = math.exp %sub3A_321 : vector<128x256xf32>
    %reduce_sum3A_323 = arith.constant dense<0.000000e+00> : vector<128xf32>
    %reduce_sum3A_324 = vector.multi_reduction <add>, %exp3A_322, %reduce_sum3A_323 [1] : vector<128x256xf32> to vector<128xf32>
    %broadcast_in_dim3A_325 = vector.shape_cast %reduce_sum3A_324 : vector<128xf32> to vector<128x1xf32>
    %div3A_326 = vector.broadcast %broadcast_in_dim3A_325 : vector<128x1xf32> to vector<128x256xf32>
    %div3A_327 = arith.divf %exp3A_322, %div3A_326 : vector<128x256xf32>
    %eq3A_328 = vector.broadcast %broadcast_in_dim3A_319 : vector<128x1xf32> to vector<128x256xf32>
    %eq3A_329 = arith.cmpf oeq, %slice3A_316, %eq3A_328 : vector<128x256xf32>
    %jit3A_330 = arith.constant 256 : i32
    %broadcast_in_dim3A_331 = vector.broadcast %jit3A_330 : i32 to vector<128x256xi32>
    %select_n3A_332 = arith.select %eq3A_329, %iota3A, %broadcast_in_dim3A_331 : vector<128x256xi1>, vector<128x256xi32>
    %reduce_min3A_333 = arith.constant dense<2147483647> : vector<128xi32>
    %reduce_min3A_334 = vector.multi_reduction <minsi>, %select_n3A_332, %reduce_min3A_333 [1] : vector<128x256xi32> to vector<128xi32>
    %broadcast_in_dim3A_335 = vector.shape_cast %reduce_min3A_334 : vector<128xi32> to vector<128x1xi32>
    %eq3A_336 = vector.broadcast %broadcast_in_dim3A_335 : vector<128x1xi32> to vector<128x256xi32>
    %eq3A_337 = arith.cmpi eq, %iota3A, %eq3A_336 : vector<128x256xi32>
    %convert_element_type3A_338 = arith.extui %eq3A_337 : vector<128x256xi1> to vector<128x256xi32>
    %convert_element_type3A_339 = arith.sitofp %convert_element_type3A_338 : vector<128x256xi32> to vector<128x256xf32>
    %slice3A_340 = vector.extract_strided_slice %dot_general3A_14 {offsets = [0, 3584], sizes = [128, 256], strides = [1, 1]} : vector<128x4096xf32> to vector<128x256xf32>
    %reduce_max3A_341 = arith.constant dense<0xFF800000> : vector<128xf32>
    %reduce_max3A_342 = vector.multi_reduction <maximumf>, %slice3A_340, %reduce_max3A_341 [1] : vector<128x256xf32> to vector<128xf32>
    %broadcast_in_dim3A_343 = vector.shape_cast %reduce_max3A_342 : vector<128xf32> to vector<128x1xf32>
    %sub3A_344 = vector.broadcast %broadcast_in_dim3A_343 : vector<128x1xf32> to vector<128x256xf32>
    %sub3A_345 = arith.subf %slice3A_340, %sub3A_344 : vector<128x256xf32>
    %exp3A_346 = math.exp %sub3A_345 : vector<128x256xf32>
    %reduce_sum3A_347 = arith.constant dense<0.000000e+00> : vector<128xf32>
    %reduce_sum3A_348 = vector.multi_reduction <add>, %exp3A_346, %reduce_sum3A_347 [1] : vector<128x256xf32> to vector<128xf32>
    %broadcast_in_dim3A_349 = vector.shape_cast %reduce_sum3A_348 : vector<128xf32> to vector<128x1xf32>
    %div3A_350 = vector.broadcast %broadcast_in_dim3A_349 : vector<128x1xf32> to vector<128x256xf32>
    %div3A_351 = arith.divf %exp3A_346, %div3A_350 : vector<128x256xf32>
    %eq3A_352 = vector.broadcast %broadcast_in_dim3A_343 : vector<128x1xf32> to vector<128x256xf32>
    %eq3A_353 = arith.cmpf oeq, %slice3A_340, %eq3A_352 : vector<128x256xf32>
    %jit3A_354 = arith.constant 256 : i32
    %broadcast_in_dim3A_355 = vector.broadcast %jit3A_354 : i32 to vector<128x256xi32>
    %select_n3A_356 = arith.select %eq3A_353, %iota3A, %broadcast_in_dim3A_355 : vector<128x256xi1>, vector<128x256xi32>
    %reduce_min3A_357 = arith.constant dense<2147483647> : vector<128xi32>
    %reduce_min3A_358 = vector.multi_reduction <minsi>, %select_n3A_356, %reduce_min3A_357 [1] : vector<128x256xi32> to vector<128xi32>
    %broadcast_in_dim3A_359 = vector.shape_cast %reduce_min3A_358 : vector<128xi32> to vector<128x1xi32>
    %eq3A_360 = vector.broadcast %broadcast_in_dim3A_359 : vector<128x1xi32> to vector<128x256xi32>
    %eq3A_361 = arith.cmpi eq, %iota3A, %eq3A_360 : vector<128x256xi32>
    %convert_element_type3A_362 = arith.extui %eq3A_361 : vector<128x256xi1> to vector<128x256xi32>
    %convert_element_type3A_363 = arith.sitofp %convert_element_type3A_362 : vector<128x256xi32> to vector<128x256xf32>
    %slice3A_364 = vector.extract_strided_slice %dot_general3A_14 {offsets = [0, 3840], sizes = [128, 256], strides = [1, 1]} : vector<128x4096xf32> to vector<128x256xf32>
    %reduce_max3A_365 = arith.constant dense<0xFF800000> : vector<128xf32>
    %reduce_max3A_366 = vector.multi_reduction <maximumf>, %slice3A_364, %reduce_max3A_365 [1] : vector<128x256xf32> to vector<128xf32>
    %broadcast_in_dim3A_367 = vector.shape_cast %reduce_max3A_366 : vector<128xf32> to vector<128x1xf32>
    %sub3A_368 = vector.broadcast %broadcast_in_dim3A_367 : vector<128x1xf32> to vector<128x256xf32>
    %sub3A_369 = arith.subf %slice3A_364, %sub3A_368 : vector<128x256xf32>
    %exp3A_370 = math.exp %sub3A_369 : vector<128x256xf32>
    %reduce_sum3A_371 = arith.constant dense<0.000000e+00> : vector<128xf32>
    %reduce_sum3A_372 = vector.multi_reduction <add>, %exp3A_370, %reduce_sum3A_371 [1] : vector<128x256xf32> to vector<128xf32>
    %broadcast_in_dim3A_373 = vector.shape_cast %reduce_sum3A_372 : vector<128xf32> to vector<128x1xf32>
    %div3A_374 = vector.broadcast %broadcast_in_dim3A_373 : vector<128x1xf32> to vector<128x256xf32>
    %div3A_375 = arith.divf %exp3A_370, %div3A_374 : vector<128x256xf32>
    %eq3A_376 = vector.broadcast %broadcast_in_dim3A_367 : vector<128x1xf32> to vector<128x256xf32>
    %eq3A_377 = arith.cmpf oeq, %slice3A_364, %eq3A_376 : vector<128x256xf32>
    %jit3A_378 = arith.constant 256 : i32
    %broadcast_in_dim3A_379 = vector.broadcast %jit3A_378 : i32 to vector<128x256xi32>
    %select_n3A_380 = arith.select %eq3A_377, %iota3A, %broadcast_in_dim3A_379 : vector<128x256xi1>, vector<128x256xi32>
    %reduce_min3A_381 = arith.constant dense<2147483647> : vector<128xi32>
    %reduce_min3A_382 = vector.multi_reduction <minsi>, %select_n3A_380, %reduce_min3A_381 [1] : vector<128x256xi32> to vector<128xi32>
    %broadcast_in_dim3A_383 = vector.shape_cast %reduce_min3A_382 : vector<128xi32> to vector<128x1xi32>
    %eq3A_384 = vector.broadcast %broadcast_in_dim3A_383 : vector<128x1xi32> to vector<128x256xi32>
    %eq3A_385 = arith.cmpi eq, %iota3A, %eq3A_384 : vector<128x256xi32>
    %convert_element_type3A_386 = arith.extui %eq3A_385 : vector<128x256xi1> to vector<128x256xi32>
    %convert_element_type3A_387 = arith.sitofp %convert_element_type3A_386 : vector<128x256xi32> to vector<128x256xf32>
    %concatenate3A_388 = tpu.concatenate %div3A_20, %div3A_39, %div3A_63, %div3A_87, %div3A_111, %div3A_135, %div3A_159, %div3A_183, %div3A_207, %div3A_231, %div3A_255, %div3A_279, %div3A_303, %div3A_327, %div3A_351, %div3A_375 in 1 : vector<128x256xf32>, vector<128x256xf32>, vector<128x256xf32>, vector<128x256xf32>, vector<128x256xf32>, vector<128x256xf32>, vector<128x256xf32>, vector<128x256xf32>, vector<128x256xf32>, vector<128x256xf32>, vector<128x256xf32>, vector<128x256xf32>, vector<128x256xf32>, vector<128x256xf32>, vector<128x256xf32>, vector<128x256xf32> -> vector<128x4096xf32>
    %swap3A = arith.constant 0 : index
    %swap3A_389 = arith.constant 0 : index
    %swap3A_390 = vector.load %arg4[%swap3A, %swap3A_389] : memref<128x4096xf32, #tpu.memory_space<vmem>>, vector<128x4096xf32>
    tpu.vector_store %arg4[%swap3A, %swap3A_389], %concatenate3A_388 {strides = array<i32>} : memref<128x4096xf32, #tpu.memory_space<vmem>>, vector<128x4096xf32>,
    %concatenate3A_391 = tpu.concatenate %convert_element_type3A_27, %convert_element_type3A_51, %convert_element_type3A_75, %convert_element_type3A_99, %convert_element_type3A_123, %convert_element_type3A_147, %convert_element_type3A_171, %convert_element_type3A_195, %convert_element_type3A_219, %convert_element_type3A_243, %convert_element_type3A_267, %convert_element_type3A_291, %convert_element_type3A_315, %convert_element_type3A_339, %convert_element_type3A_363, %convert_element_type3A_387 in 1 : vector<128x256xf32>, vector<128x256xf32>, vector<128x256xf32>, vector<128x256xf32>, vector<128x256xf32>, vector<128x256xf32>, vector<128x256xf32>, vector<128x256xf32>, vector<128x256xf32>, vector<128x256xf32>, vector<128x256xf32>, vector<128x256xf32>, vector<128x256xf32>, vector<128x256xf32>, vector<128x256xf32>, vector<128x256xf32> -> vector<128x4096xf32>
    %slice3A_392 = vector.extract_strided_slice %get3A_13 {offsets = [0, 0], sizes = [4096, 96], strides = [1, 1]} : vector<4096x104xf32> to vector<4096x96xf32>
    %dot_general3A_393 = arith.constant dense<0.000000e+00> : vector<128x96xf32>
    %dot_general3A_394 = tpu.matmul %concatenate3A_391, %slice3A_392, %dot_general3A_393 {dimension_numbers = #tpu.dot_dimension_numbers<[1], [0], [0], [1], [0, 0, 1, 1], [], []>, transpose_lhs_hint = false} : vector<128x4096xf32>, vector<4096x96xf32>, vector<128x96xf32> -> vector<128x96xf32>
    %swap3A_395 = arith.constant 0 : index
    %swap3A_396 = arith.constant 0 : index
    %swap3A_397 = arith.constant 0 : index
    %swap3A_398 = vector.load %arg5[%swap3A_395, %swap3A_396, %swap3A_397] : memref<1x128x96xf32, #tpu.memory_space<vmem>>, vector<1x128x96xf32>
    %swap3A_399 = vector.shape_cast %swap3A_398 : vector<1x128x96xf32> to vector<128x96xf32>
    %swap3A_400 = vector.shape_cast %dot_general3A_394 : vector<128x96xf32> to vector<1x128x96xf32>
    tpu.vector_store %arg5[%swap3A_395, %swap3A_396, %swap3A_397], %swap3A_400 {strides = array<i32>} : memref<1x128x96xf32, #tpu.memory_space<vmem>>, vector<1x128x96xf32>,
    return
  }
  func.func @transform_0(%arg0: i32, %arg1: i32) -> (i32, i32, i32) {
    %add3A = arith.constant 0 : i32
    %add3A_0 = arith.addi %add3A, %arg1 : i32
    %c0_i32 = arith.constant 0 : i32
    %c0_i32_1 = arith.constant 0 : i32
    return %arg0, %add3A_0, %c0_i32 : i32, i32, i32
  }
  func.func @transform_1(%arg0: i32, %arg1: i32) -> (i32, i32, i32) {
    %c0_i32 = arith.constant 0 : i32
    %c0_i32_0 = arith.constant 0 : i32
    %c0_i32_1 = arith.constant 0 : i32
    return %arg0, %c0_i32, %c0_i32_0 : i32, i32, i32
  }
  func.func @transform_2(%arg0: i32, %arg1: i32) -> (i32, i32) {
    %c0_i32 = arith.constant 0 : i32
    return %arg1, %arg0 : i32, i32
  }
  func.func @transform_3(%arg0: i32, %arg1: i32) -> (i32, i32, i32) {
    %c0_i32 = arith.constant 0 : i32
    %c0_i32_0 = arith.constant 0 : i32
    return %arg0, %arg1, %c0_i32 : i32, i32, i32
  }
}

module attributes {stable_mosaic.version = 14 : i64} {
  func.func @_stage2(%arg0: i32, %arg1: i32, %arg2: memref<1x128x96xf32, #tpu.memory_space<vmem>>, %arg3: memref<1x4096x104xf32, #tpu.memory_space<vmem>>, %arg4: memref<128x4096xf32, #tpu.memory_space<vmem>>, %arg5: memref<1x128x96xf32, #tpu.memory_space<vmem>>) attributes {dimension_semantics = [#tpu.dimension_semantics<arbitrary>, #tpu.dimension_semantics<arbitrary>], iteration_bounds = array<i64: 8, 2>, scalar_prefetch = 0 : i64, scratch_operands = 0 : i64, tpu.core_type = #tpu.core_type<tc>, window_params = [{transform_indices = @transform_0, window_bounds = array<i64: 1, 128, 96>}, {transform_indices = @transform_1, window_bounds = array<i64: 1, 4096, 104>}, {transform_indices = @transform_2, window_bounds = array<i64: 128, 4096>}, {transform_indices = @transform_3, window_bounds = array<i64: 1, 128, 96>}]} {
    %get3A = arith.constant 0 : index
    %get3A_0 = arith.constant 0 : index
    %get3A_1 = arith.constant 0 : index
    %get3A_2 = vector.load %arg2[%get3A, %get3A_0, %get3A_1] : memref<1x128x96xf32, #tpu.memory_space<vmem>>, vector<1x128x96xf32>
    %get3A_3 = vector.shape_cast %get3A_2 : vector<1x128x96xf32> to vector<128x96xf32>
    %mul3A = arith.constant 2.000000e+02 : f32
    %mul3A_4 = vector.broadcast %mul3A : f32 to vector<128x96xf32>
    %mul3A_5 = arith.mulf %get3A_3, %mul3A_4 : vector<128x96xf32>
    %broadcast_in_dim3A = arith.constant -1.000000e+02 : f32
    %broadcast_in_dim3A_6 = vector.broadcast %broadcast_in_dim3A : f32 to vector<128x1xf32>
    %broadcast_in_dim3A_7 = arith.constant 0.000000e+00 : f32
    %broadcast_in_dim3A_8 = vector.broadcast %broadcast_in_dim3A_7 : f32 to vector<128x7xf32>
    %concatenate3A = tpu.concatenate %mul3A_5, %broadcast_in_dim3A_6, %broadcast_in_dim3A_8 in 1 : vector<128x96xf32>, vector<128x1xf32>, vector<128x7xf32> -> vector<128x104xf32>
    %get3A_9 = arith.constant 0 : index
    %get3A_10 = arith.constant 0 : index
    %get3A_11 = arith.constant 0 : index
    %get3A_12 = vector.load %arg3[%get3A_9, %get3A_10, %get3A_11] : memref<1x4096x104xf32, #tpu.memory_space<vmem>>, vector<1x4096x104xf32>
    %get3A_13 = vector.shape_cast %get3A_12 : vector<1x4096x104xf32> to vector<4096x104xf32>
    %dot_general3A = arith.constant dense<0.000000e+00> : vector<128x4096xf32>
    %dot_general3A_14 = tpu.matmul %concatenate3A, %get3A_13, %dot_general3A {dimension_numbers = #tpu.dot_dimension_numbers<[1], [1], [0], [0], [0, 0, 1, 0], [], []>, precision = #tpu.contract_precision<fp32>, transpose_lhs_hint = false} : vector<128x104xf32>, vector<4096x104xf32>, vector<128x4096xf32> -> vector<128x4096xf32>
    %iota3A = tpu.iota {dimensions = array<i32: 1>} : vector<128x256xi32>
    %slice3A = vector.extract_strided_slice %dot_general3A_14 {offsets = [0, 0], sizes = [128, 256], strides = [1, 1]} : vector<128x4096xf32> to vector<128x256xf32>
    %reduce_max3A = arith.constant dense<0xFF800000> : vector<128xf32>
    %reduce_max3A_15 = vector.multi_reduction <maximumf>, %slice3A, %reduce_max3A [1] : vector<128x256xf32> to vector<128xf32>
    %broadcast_in_dim3A_16 = vector.shape_cast %reduce_max3A_15 : vector<128xf32> to vector<128x1xf32>
    %sub3A = vector.broadcast %broadcast_in_dim3A_16 : vector<128x1xf32> to vector<128x256xf32>
    %sub3A_17 = arith.subf %slice3A, %sub3A : vector<128x256xf32>
    %exp3A = math.exp %sub3A_17 : vector<128x256xf32>
    %reduce_sum3A = arith.constant dense<0.000000e+00> : vector<128xf32>
    %reduce_sum3A_18 = vector.multi_reduction <add>, %exp3A, %reduce_sum3A [1] : vector<128x256xf32> to vector<128xf32>
    %broadcast_in_dim3A_19 = vector.shape_cast %reduce_sum3A_18 : vector<128xf32> to vector<128x1xf32>
    %div3A = vector.broadcast %broadcast_in_dim3A_19 : vector<128x1xf32> to vector<128x256xf32>
    %div3A_20 = arith.divf %exp3A, %div3A : vector<128x256xf32>
    %eq3A = vector.broadcast %broadcast_in_dim3A_16 : vector<128x1xf32> to vector<128x256xf32>
    %eq3A_21 = arith.cmpf oeq, %slice3A, %eq3A : vector<128x256xf32>
    %jit3A = arith.constant 256 : i32
    %broadcast_in_dim3A_22 = vector.broadcast %jit3A : i32 to vector<128x256xi32>
    %select_n3A = arith.select %eq3A_21, %iota3A, %broadcast_in_dim3A_22 : vector<128x256xi1>, vector<128x256xi32>
    %reduce_min3A = arith.constant dense<2147483647> : vector<128xi32>
    %reduce_min3A_23 = vector.multi_reduction <minsi>, %select_n3A, %reduce_min3A [1] : vector<128x256xi32> to vector<128xi32>
    %broadcast_in_dim3A_24 = vector.shape_cast %reduce_min3A_23 : vector<128xi32> to vector<128x1xi32>
    %eq3A_25 = vector.broadcast %broadcast_in_dim3A_24 : vector<128x1xi32> to vector<128x256xi32>
    %eq3A_26 = arith.cmpi eq, %iota3A, %eq3A_25 : vector<128x256xi32>
    %convert_element_type3A = arith.extui %eq3A_26 : vector<128x256xi1> to vector<128x256xi32>
    %convert_element_type3A_27 = arith.sitofp %convert_element_type3A : vector<128x256xi32> to vector<128x256xf32>
    %slice3A_28 = vector.extract_strided_slice %dot_general3A_14 {offsets = [0, 256], sizes = [128, 256], strides = [1, 1]} : vector<128x4096xf32> to vector<128x256xf32>
    %reduce_max3A_29 = arith.constant dense<0xFF800000> : vector<128xf32>
    %reduce_max3A_30 = vector.multi_reduction <maximumf>, %slice3A_28, %reduce_max3A_29 [1] : vector<128x256xf32> to vector<128xf32>
    %broadcast_in_dim3A_31 = vector.shape_cast %reduce_max3A_30 : vector<128xf32> to vector<128x1xf32>
    %sub3A_32 = vector.broadcast %broadcast_in_dim3A_31 : vector<128x1xf32> to vector<128x256xf32>
    %sub3A_33 = arith.subf %slice3A_28, %sub3A_32 : vector<128x256xf32>
    %exp3A_34 = math.exp %sub3A_33 : vector<128x256xf32>
    %reduce_sum3A_35 = arith.constant dense<0.000000e+00> : vector<128xf32>
    %reduce_sum3A_36 = vector.multi_reduction <add>, %exp3A_34, %reduce_sum3A_35 [1] : vector<128x256xf32> to vector<128xf32>
    %broadcast_in_dim3A_37 = vector.shape_cast %reduce_sum3A_36 : vector<128xf32> to vector<128x1xf32>
    %div3A_38 = vector.broadcast %broadcast_in_dim3A_37 : vector<128x1xf32> to vector<128x256xf32>
    %div3A_39 = arith.divf %exp3A_34, %div3A_38 : vector<128x256xf32>
    %eq3A_40 = vector.broadcast %broadcast_in_dim3A_31 : vector<128x1xf32> to vector<128x256xf32>
    %eq3A_41 = arith.cmpf oeq, %slice3A_28, %eq3A_40 : vector<128x256xf32>
    %jit3A_42 = arith.constant 256 : i32
    %broadcast_in_dim3A_43 = vector.broadcast %jit3A_42 : i32 to vector<128x256xi32>
    %select_n3A_44 = arith.select %eq3A_41, %iota3A, %broadcast_in_dim3A_43 : vector<128x256xi1>, vector<128x256xi32>
    %reduce_min3A_45 = arith.constant dense<2147483647> : vector<128xi32>
    %reduce_min3A_46 = vector.multi_reduction <minsi>, %select_n3A_44, %reduce_min3A_45 [1] : vector<128x256xi32> to vector<128xi32>
    %broadcast_in_dim3A_47 = vector.shape_cast %reduce_min3A_46 : vector<128xi32> to vector<128x1xi32>
    %eq3A_48 = vector.broadcast %broadcast_in_dim3A_47 : vector<128x1xi32> to vector<128x256xi32>
    %eq3A_49 = arith.cmpi eq, %iota3A, %eq3A_48 : vector<128x256xi32>
    %convert_element_type3A_50 = arith.extui %eq3A_49 : vector<128x256xi1> to vector<128x256xi32>
    %convert_element_type3A_51 = arith.sitofp %convert_element_type3A_50 : vector<128x256xi32> to vector<128x256xf32>
    %slice3A_52 = vector.extract_strided_slice %dot_general3A_14 {offsets = [0, 512], sizes = [128, 256], strides = [1, 1]} : vector<128x4096xf32> to vector<128x256xf32>
    %reduce_max3A_53 = arith.constant dense<0xFF800000> : vector<128xf32>
    %reduce_max3A_54 = vector.multi_reduction <maximumf>, %slice3A_52, %reduce_max3A_53 [1] : vector<128x256xf32> to vector<128xf32>
    %broadcast_in_dim3A_55 = vector.shape_cast %reduce_max3A_54 : vector<128xf32> to vector<128x1xf32>
    %sub3A_56 = vector.broadcast %broadcast_in_dim3A_55 : vector<128x1xf32> to vector<128x256xf32>
    %sub3A_57 = arith.subf %slice3A_52, %sub3A_56 : vector<128x256xf32>
    %exp3A_58 = math.exp %sub3A_57 : vector<128x256xf32>
    %reduce_sum3A_59 = arith.constant dense<0.000000e+00> : vector<128xf32>
    %reduce_sum3A_60 = vector.multi_reduction <add>, %exp3A_58, %reduce_sum3A_59 [1] : vector<128x256xf32> to vector<128xf32>
    %broadcast_in_dim3A_61 = vector.shape_cast %reduce_sum3A_60 : vector<128xf32> to vector<128x1xf32>
    %div3A_62 = vector.broadcast %broadcast_in_dim3A_61 : vector<128x1xf32> to vector<128x256xf32>
    %div3A_63 = arith.divf %exp3A_58, %div3A_62 : vector<128x256xf32>
    %eq3A_64 = vector.broadcast %broadcast_in_dim3A_55 : vector<128x1xf32> to vector<128x256xf32>
    %eq3A_65 = arith.cmpf oeq, %slice3A_52, %eq3A_64 : vector<128x256xf32>
    %jit3A_66 = arith.constant 256 : i32
    %broadcast_in_dim3A_67 = vector.broadcast %jit3A_66 : i32 to vector<128x256xi32>
    %select_n3A_68 = arith.select %eq3A_65, %iota3A, %broadcast_in_dim3A_67 : vector<128x256xi1>, vector<128x256xi32>
    %reduce_min3A_69 = arith.constant dense<2147483647> : vector<128xi32>
    %reduce_min3A_70 = vector.multi_reduction <minsi>, %select_n3A_68, %reduce_min3A_69 [1] : vector<128x256xi32> to vector<128xi32>
    %broadcast_in_dim3A_71 = vector.shape_cast %reduce_min3A_70 : vector<128xi32> to vector<128x1xi32>
    %eq3A_72 = vector.broadcast %broadcast_in_dim3A_71 : vector<128x1xi32> to vector<128x256xi32>
    %eq3A_73 = arith.cmpi eq, %iota3A, %eq3A_72 : vector<128x256xi32>
    %convert_element_type3A_74 = arith.extui %eq3A_73 : vector<128x256xi1> to vector<128x256xi32>
    %convert_element_type3A_75 = arith.sitofp %convert_element_type3A_74 : vector<128x256xi32> to vector<128x256xf32>
    %slice3A_76 = vector.extract_strided_slice %dot_general3A_14 {offsets = [0, 768], sizes = [128, 256], strides = [1, 1]} : vector<128x4096xf32> to vector<128x256xf32>
    %reduce_max3A_77 = arith.constant dense<0xFF800000> : vector<128xf32>
    %reduce_max3A_78 = vector.multi_reduction <maximumf>, %slice3A_76, %reduce_max3A_77 [1] : vector<128x256xf32> to vector<128xf32>
    %broadcast_in_dim3A_79 = vector.shape_cast %reduce_max3A_78 : vector<128xf32> to vector<128x1xf32>
    %sub3A_80 = vector.broadcast %broadcast_in_dim3A_79 : vector<128x1xf32> to vector<128x256xf32>
    %sub3A_81 = arith.subf %slice3A_76, %sub3A_80 : vector<128x256xf32>
    %exp3A_82 = math.exp %sub3A_81 : vector<128x256xf32>
    %reduce_sum3A_83 = arith.constant dense<0.000000e+00> : vector<128xf32>
    %reduce_sum3A_84 = vector.multi_reduction <add>, %exp3A_82, %reduce_sum3A_83 [1] : vector<128x256xf32> to vector<128xf32>
    %broadcast_in_dim3A_85 = vector.shape_cast %reduce_sum3A_84 : vector<128xf32> to vector<128x1xf32>
    %div3A_86 = vector.broadcast %broadcast_in_dim3A_85 : vector<128x1xf32> to vector<128x256xf32>
    %div3A_87 = arith.divf %exp3A_82, %div3A_86 : vector<128x256xf32>
    %eq3A_88 = vector.broadcast %broadcast_in_dim3A_79 : vector<128x1xf32> to vector<128x256xf32>
    %eq3A_89 = arith.cmpf oeq, %slice3A_76, %eq3A_88 : vector<128x256xf32>
    %jit3A_90 = arith.constant 256 : i32
    %broadcast_in_dim3A_91 = vector.broadcast %jit3A_90 : i32 to vector<128x256xi32>
    %select_n3A_92 = arith.select %eq3A_89, %iota3A, %broadcast_in_dim3A_91 : vector<128x256xi1>, vector<128x256xi32>
    %reduce_min3A_93 = arith.constant dense<2147483647> : vector<128xi32>
    %reduce_min3A_94 = vector.multi_reduction <minsi>, %select_n3A_92, %reduce_min3A_93 [1] : vector<128x256xi32> to vector<128xi32>
    %broadcast_in_dim3A_95 = vector.shape_cast %reduce_min3A_94 : vector<128xi32> to vector<128x1xi32>
    %eq3A_96 = vector.broadcast %broadcast_in_dim3A_95 : vector<128x1xi32> to vector<128x256xi32>
    %eq3A_97 = arith.cmpi eq, %iota3A, %eq3A_96 : vector<128x256xi32>
    %convert_element_type3A_98 = arith.extui %eq3A_97 : vector<128x256xi1> to vector<128x256xi32>
    %convert_element_type3A_99 = arith.sitofp %convert_element_type3A_98 : vector<128x256xi32> to vector<128x256xf32>
    %slice3A_100 = vector.extract_strided_slice %dot_general3A_14 {offsets = [0, 1024], sizes = [128, 256], strides = [1, 1]} : vector<128x4096xf32> to vector<128x256xf32>
    %reduce_max3A_101 = arith.constant dense<0xFF800000> : vector<128xf32>
    %reduce_max3A_102 = vector.multi_reduction <maximumf>, %slice3A_100, %reduce_max3A_101 [1] : vector<128x256xf32> to vector<128xf32>
    %broadcast_in_dim3A_103 = vector.shape_cast %reduce_max3A_102 : vector<128xf32> to vector<128x1xf32>
    %sub3A_104 = vector.broadcast %broadcast_in_dim3A_103 : vector<128x1xf32> to vector<128x256xf32>
    %sub3A_105 = arith.subf %slice3A_100, %sub3A_104 : vector<128x256xf32>
    %exp3A_106 = math.exp %sub3A_105 : vector<128x256xf32>
    %reduce_sum3A_107 = arith.constant dense<0.000000e+00> : vector<128xf32>
    %reduce_sum3A_108 = vector.multi_reduction <add>, %exp3A_106, %reduce_sum3A_107 [1] : vector<128x256xf32> to vector<128xf32>
    %broadcast_in_dim3A_109 = vector.shape_cast %reduce_sum3A_108 : vector<128xf32> to vector<128x1xf32>
    %div3A_110 = vector.broadcast %broadcast_in_dim3A_109 : vector<128x1xf32> to vector<128x256xf32>
    %div3A_111 = arith.divf %exp3A_106, %div3A_110 : vector<128x256xf32>
    %eq3A_112 = vector.broadcast %broadcast_in_dim3A_103 : vector<128x1xf32> to vector<128x256xf32>
    %eq3A_113 = arith.cmpf oeq, %slice3A_100, %eq3A_112 : vector<128x256xf32>
    %jit3A_114 = arith.constant 256 : i32
    %broadcast_in_dim3A_115 = vector.broadcast %jit3A_114 : i32 to vector<128x256xi32>
    %select_n3A_116 = arith.select %eq3A_113, %iota3A, %broadcast_in_dim3A_115 : vector<128x256xi1>, vector<128x256xi32>
    %reduce_min3A_117 = arith.constant dense<2147483647> : vector<128xi32>
    %reduce_min3A_118 = vector.multi_reduction <minsi>, %select_n3A_116, %reduce_min3A_117 [1] : vector<128x256xi32> to vector<128xi32>
    %broadcast_in_dim3A_119 = vector.shape_cast %reduce_min3A_118 : vector<128xi32> to vector<128x1xi32>
    %eq3A_120 = vector.broadcast %broadcast_in_dim3A_119 : vector<128x1xi32> to vector<128x256xi32>
    %eq3A_121 = arith.cmpi eq, %iota3A, %eq3A_120 : vector<128x256xi32>
    %convert_element_type3A_122 = arith.extui %eq3A_121 : vector<128x256xi1> to vector<128x256xi32>
    %convert_element_type3A_123 = arith.sitofp %convert_element_type3A_122 : vector<128x256xi32> to vector<128x256xf32>
    %slice3A_124 = vector.extract_strided_slice %dot_general3A_14 {offsets = [0, 1280], sizes = [128, 256], strides = [1, 1]} : vector<128x4096xf32> to vector<128x256xf32>
    %reduce_max3A_125 = arith.constant dense<0xFF800000> : vector<128xf32>
    %reduce_max3A_126 = vector.multi_reduction <maximumf>, %slice3A_124, %reduce_max3A_125 [1] : vector<128x256xf32> to vector<128xf32>
    %broadcast_in_dim3A_127 = vector.shape_cast %reduce_max3A_126 : vector<128xf32> to vector<128x1xf32>
    %sub3A_128 = vector.broadcast %broadcast_in_dim3A_127 : vector<128x1xf32> to vector<128x256xf32>
    %sub3A_129 = arith.subf %slice3A_124, %sub3A_128 : vector<128x256xf32>
    %exp3A_130 = math.exp %sub3A_129 : vector<128x256xf32>
    %reduce_sum3A_131 = arith.constant dense<0.000000e+00> : vector<128xf32>
    %reduce_sum3A_132 = vector.multi_reduction <add>, %exp3A_130, %reduce_sum3A_131 [1] : vector<128x256xf32> to vector<128xf32>
    %broadcast_in_dim3A_133 = vector.shape_cast %reduce_sum3A_132 : vector<128xf32> to vector<128x1xf32>
    %div3A_134 = vector.broadcast %broadcast_in_dim3A_133 : vector<128x1xf32> to vector<128x256xf32>
    %div3A_135 = arith.divf %exp3A_130, %div3A_134 : vector<128x256xf32>
    %eq3A_136 = vector.broadcast %broadcast_in_dim3A_127 : vector<128x1xf32> to vector<128x256xf32>
    %eq3A_137 = arith.cmpf oeq, %slice3A_124, %eq3A_136 : vector<128x256xf32>
    %jit3A_138 = arith.constant 256 : i32
    %broadcast_in_dim3A_139 = vector.broadcast %jit3A_138 : i32 to vector<128x256xi32>
    %select_n3A_140 = arith.select %eq3A_137, %iota3A, %broadcast_in_dim3A_139 : vector<128x256xi1>, vector<128x256xi32>
    %reduce_min3A_141 = arith.constant dense<2147483647> : vector<128xi32>
    %reduce_min3A_142 = vector.multi_reduction <minsi>, %select_n3A_140, %reduce_min3A_141 [1] : vector<128x256xi32> to vector<128xi32>
    %broadcast_in_dim3A_143 = vector.shape_cast %reduce_min3A_142 : vector<128xi32> to vector<128x1xi32>
    %eq3A_144 = vector.broadcast %broadcast_in_dim3A_143 : vector<128x1xi32> to vector<128x256xi32>
    %eq3A_145 = arith.cmpi eq, %iota3A, %eq3A_144 : vector<128x256xi32>
    %convert_element_type3A_146 = arith.extui %eq3A_145 : vector<128x256xi1> to vector<128x256xi32>
    %convert_element_type3A_147 = arith.sitofp %convert_element_type3A_146 : vector<128x256xi32> to vector<128x256xf32>
    %slice3A_148 = vector.extract_strided_slice %dot_general3A_14 {offsets = [0, 1536], sizes = [128, 256], strides = [1, 1]} : vector<128x4096xf32> to vector<128x256xf32>
    %reduce_max3A_149 = arith.constant dense<0xFF800000> : vector<128xf32>
    %reduce_max3A_150 = vector.multi_reduction <maximumf>, %slice3A_148, %reduce_max3A_149 [1] : vector<128x256xf32> to vector<128xf32>
    %broadcast_in_dim3A_151 = vector.shape_cast %reduce_max3A_150 : vector<128xf32> to vector<128x1xf32>
    %sub3A_152 = vector.broadcast %broadcast_in_dim3A_151 : vector<128x1xf32> to vector<128x256xf32>
    %sub3A_153 = arith.subf %slice3A_148, %sub3A_152 : vector<128x256xf32>
    %exp3A_154 = math.exp %sub3A_153 : vector<128x256xf32>
    %reduce_sum3A_155 = arith.constant dense<0.000000e+00> : vector<128xf32>
    %reduce_sum3A_156 = vector.multi_reduction <add>, %exp3A_154, %reduce_sum3A_155 [1] : vector<128x256xf32> to vector<128xf32>
    %broadcast_in_dim3A_157 = vector.shape_cast %reduce_sum3A_156 : vector<128xf32> to vector<128x1xf32>
    %div3A_158 = vector.broadcast %broadcast_in_dim3A_157 : vector<128x1xf32> to vector<128x256xf32>
    %div3A_159 = arith.divf %exp3A_154, %div3A_158 : vector<128x256xf32>
    %eq3A_160 = vector.broadcast %broadcast_in_dim3A_151 : vector<128x1xf32> to vector<128x256xf32>
    %eq3A_161 = arith.cmpf oeq, %slice3A_148, %eq3A_160 : vector<128x256xf32>
    %jit3A_162 = arith.constant 256 : i32
    %broadcast_in_dim3A_163 = vector.broadcast %jit3A_162 : i32 to vector<128x256xi32>
    %select_n3A_164 = arith.select %eq3A_161, %iota3A, %broadcast_in_dim3A_163 : vector<128x256xi1>, vector<128x256xi32>
    %reduce_min3A_165 = arith.constant dense<2147483647> : vector<128xi32>
    %reduce_min3A_166 = vector.multi_reduction <minsi>, %select_n3A_164, %reduce_min3A_165 [1] : vector<128x256xi32> to vector<128xi32>
    %broadcast_in_dim3A_167 = vector.shape_cast %reduce_min3A_166 : vector<128xi32> to vector<128x1xi32>
    %eq3A_168 = vector.broadcast %broadcast_in_dim3A_167 : vector<128x1xi32> to vector<128x256xi32>
    %eq3A_169 = arith.cmpi eq, %iota3A, %eq3A_168 : vector<128x256xi32>
    %convert_element_type3A_170 = arith.extui %eq3A_169 : vector<128x256xi1> to vector<128x256xi32>
    %convert_element_type3A_171 = arith.sitofp %convert_element_type3A_170 : vector<128x256xi32> to vector<128x256xf32>
    %slice3A_172 = vector.extract_strided_slice %dot_general3A_14 {offsets = [0, 1792], sizes = [128, 256], strides = [1, 1]} : vector<128x4096xf32> to vector<128x256xf32>
    %reduce_max3A_173 = arith.constant dense<0xFF800000> : vector<128xf32>
    %reduce_max3A_174 = vector.multi_reduction <maximumf>, %slice3A_172, %reduce_max3A_173 [1] : vector<128x256xf32> to vector<128xf32>
    %broadcast_in_dim3A_175 = vector.shape_cast %reduce_max3A_174 : vector<128xf32> to vector<128x1xf32>
    %sub3A_176 = vector.broadcast %broadcast_in_dim3A_175 : vector<128x1xf32> to vector<128x256xf32>
    %sub3A_177 = arith.subf %slice3A_172, %sub3A_176 : vector<128x256xf32>
    %exp3A_178 = math.exp %sub3A_177 : vector<128x256xf32>
    %reduce_sum3A_179 = arith.constant dense<0.000000e+00> : vector<128xf32>
    %reduce_sum3A_180 = vector.multi_reduction <add>, %exp3A_178, %reduce_sum3A_179 [1] : vector<128x256xf32> to vector<128xf32>
    %broadcast_in_dim3A_181 = vector.shape_cast %reduce_sum3A_180 : vector<128xf32> to vector<128x1xf32>
    %div3A_182 = vector.broadcast %broadcast_in_dim3A_181 : vector<128x1xf32> to vector<128x256xf32>
    %div3A_183 = arith.divf %exp3A_178, %div3A_182 : vector<128x256xf32>
    %eq3A_184 = vector.broadcast %broadcast_in_dim3A_175 : vector<128x1xf32> to vector<128x256xf32>
    %eq3A_185 = arith.cmpf oeq, %slice3A_172, %eq3A_184 : vector<128x256xf32>
    %jit3A_186 = arith.constant 256 : i32
    %broadcast_in_dim3A_187 = vector.broadcast %jit3A_186 : i32 to vector<128x256xi32>
    %select_n3A_188 = arith.select %eq3A_185, %iota3A, %broadcast_in_dim3A_187 : vector<128x256xi1>, vector<128x256xi32>
    %reduce_min3A_189 = arith.constant dense<2147483647> : vector<128xi32>
    %reduce_min3A_190 = vector.multi_reduction <minsi>, %select_n3A_188, %reduce_min3A_189 [1] : vector<128x256xi32> to vector<128xi32>
    %broadcast_in_dim3A_191 = vector.shape_cast %reduce_min3A_190 : vector<128xi32> to vector<128x1xi32>
    %eq3A_192 = vector.broadcast %broadcast_in_dim3A_191 : vector<128x1xi32> to vector<128x256xi32>
    %eq3A_193 = arith.cmpi eq, %iota3A, %eq3A_192 : vector<128x256xi32>
    %convert_element_type3A_194 = arith.extui %eq3A_193 : vector<128x256xi1> to vector<128x256xi32>
    %convert_element_type3A_195 = arith.sitofp %convert_element_type3A_194 : vector<128x256xi32> to vector<128x256xf32>
    %slice3A_196 = vector.extract_strided_slice %dot_general3A_14 {offsets = [0, 2048], sizes = [128, 256], strides = [1, 1]} : vector<128x4096xf32> to vector<128x256xf32>
    %reduce_max3A_197 = arith.constant dense<0xFF800000> : vector<128xf32>
    %reduce_max3A_198 = vector.multi_reduction <maximumf>, %slice3A_196, %reduce_max3A_197 [1] : vector<128x256xf32> to vector<128xf32>
    %broadcast_in_dim3A_199 = vector.shape_cast %reduce_max3A_198 : vector<128xf32> to vector<128x1xf32>
    %sub3A_200 = vector.broadcast %broadcast_in_dim3A_199 : vector<128x1xf32> to vector<128x256xf32>
    %sub3A_201 = arith.subf %slice3A_196, %sub3A_200 : vector<128x256xf32>
    %exp3A_202 = math.exp %sub3A_201 : vector<128x256xf32>
    %reduce_sum3A_203 = arith.constant dense<0.000000e+00> : vector<128xf32>
    %reduce_sum3A_204 = vector.multi_reduction <add>, %exp3A_202, %reduce_sum3A_203 [1] : vector<128x256xf32> to vector<128xf32>
    %broadcast_in_dim3A_205 = vector.shape_cast %reduce_sum3A_204 : vector<128xf32> to vector<128x1xf32>
    %div3A_206 = vector.broadcast %broadcast_in_dim3A_205 : vector<128x1xf32> to vector<128x256xf32>
    %div3A_207 = arith.divf %exp3A_202, %div3A_206 : vector<128x256xf32>
    %eq3A_208 = vector.broadcast %broadcast_in_dim3A_199 : vector<128x1xf32> to vector<128x256xf32>
    %eq3A_209 = arith.cmpf oeq, %slice3A_196, %eq3A_208 : vector<128x256xf32>
    %jit3A_210 = arith.constant 256 : i32
    %broadcast_in_dim3A_211 = vector.broadcast %jit3A_210 : i32 to vector<128x256xi32>
    %select_n3A_212 = arith.select %eq3A_209, %iota3A, %broadcast_in_dim3A_211 : vector<128x256xi1>, vector<128x256xi32>
    %reduce_min3A_213 = arith.constant dense<2147483647> : vector<128xi32>
    %reduce_min3A_214 = vector.multi_reduction <minsi>, %select_n3A_212, %reduce_min3A_213 [1] : vector<128x256xi32> to vector<128xi32>
    %broadcast_in_dim3A_215 = vector.shape_cast %reduce_min3A_214 : vector<128xi32> to vector<128x1xi32>
    %eq3A_216 = vector.broadcast %broadcast_in_dim3A_215 : vector<128x1xi32> to vector<128x256xi32>
    %eq3A_217 = arith.cmpi eq, %iota3A, %eq3A_216 : vector<128x256xi32>
    %convert_element_type3A_218 = arith.extui %eq3A_217 : vector<128x256xi1> to vector<128x256xi32>
    %convert_element_type3A_219 = arith.sitofp %convert_element_type3A_218 : vector<128x256xi32> to vector<128x256xf32>
    %slice3A_220 = vector.extract_strided_slice %dot_general3A_14 {offsets = [0, 2304], sizes = [128, 256], strides = [1, 1]} : vector<128x4096xf32> to vector<128x256xf32>
    %reduce_max3A_221 = arith.constant dense<0xFF800000> : vector<128xf32>
    %reduce_max3A_222 = vector.multi_reduction <maximumf>, %slice3A_220, %reduce_max3A_221 [1] : vector<128x256xf32> to vector<128xf32>
    %broadcast_in_dim3A_223 = vector.shape_cast %reduce_max3A_222 : vector<128xf32> to vector<128x1xf32>
    %sub3A_224 = vector.broadcast %broadcast_in_dim3A_223 : vector<128x1xf32> to vector<128x256xf32>
    %sub3A_225 = arith.subf %slice3A_220, %sub3A_224 : vector<128x256xf32>
    %exp3A_226 = math.exp %sub3A_225 : vector<128x256xf32>
    %reduce_sum3A_227 = arith.constant dense<0.000000e+00> : vector<128xf32>
    %reduce_sum3A_228 = vector.multi_reduction <add>, %exp3A_226, %reduce_sum3A_227 [1] : vector<128x256xf32> to vector<128xf32>
    %broadcast_in_dim3A_229 = vector.shape_cast %reduce_sum3A_228 : vector<128xf32> to vector<128x1xf32>
    %div3A_230 = vector.broadcast %broadcast_in_dim3A_229 : vector<128x1xf32> to vector<128x256xf32>
    %div3A_231 = arith.divf %exp3A_226, %div3A_230 : vector<128x256xf32>
    %eq3A_232 = vector.broadcast %broadcast_in_dim3A_223 : vector<128x1xf32> to vector<128x256xf32>
    %eq3A_233 = arith.cmpf oeq, %slice3A_220, %eq3A_232 : vector<128x256xf32>
    %jit3A_234 = arith.constant 256 : i32
    %broadcast_in_dim3A_235 = vector.broadcast %jit3A_234 : i32 to vector<128x256xi32>
    %select_n3A_236 = arith.select %eq3A_233, %iota3A, %broadcast_in_dim3A_235 : vector<128x256xi1>, vector<128x256xi32>
    %reduce_min3A_237 = arith.constant dense<2147483647> : vector<128xi32>
    %reduce_min3A_238 = vector.multi_reduction <minsi>, %select_n3A_236, %reduce_min3A_237 [1] : vector<128x256xi32> to vector<128xi32>
    %broadcast_in_dim3A_239 = vector.shape_cast %reduce_min3A_238 : vector<128xi32> to vector<128x1xi32>
    %eq3A_240 = vector.broadcast %broadcast_in_dim3A_239 : vector<128x1xi32> to vector<128x256xi32>
    %eq3A_241 = arith.cmpi eq, %iota3A, %eq3A_240 : vector<128x256xi32>
    %convert_element_type3A_242 = arith.extui %eq3A_241 : vector<128x256xi1> to vector<128x256xi32>
    %convert_element_type3A_243 = arith.sitofp %convert_element_type3A_242 : vector<128x256xi32> to vector<128x256xf32>
    %slice3A_244 = vector.extract_strided_slice %dot_general3A_14 {offsets = [0, 2560], sizes = [128, 256], strides = [1, 1]} : vector<128x4096xf32> to vector<128x256xf32>
    %reduce_max3A_245 = arith.constant dense<0xFF800000> : vector<128xf32>
    %reduce_max3A_246 = vector.multi_reduction <maximumf>, %slice3A_244, %reduce_max3A_245 [1] : vector<128x256xf32> to vector<128xf32>
    %broadcast_in_dim3A_247 = vector.shape_cast %reduce_max3A_246 : vector<128xf32> to vector<128x1xf32>
    %sub3A_248 = vector.broadcast %broadcast_in_dim3A_247 : vector<128x1xf32> to vector<128x256xf32>
    %sub3A_249 = arith.subf %slice3A_244, %sub3A_248 : vector<128x256xf32>
    %exp3A_250 = math.exp %sub3A_249 : vector<128x256xf32>
    %reduce_sum3A_251 = arith.constant dense<0.000000e+00> : vector<128xf32>
    %reduce_sum3A_252 = vector.multi_reduction <add>, %exp3A_250, %reduce_sum3A_251 [1] : vector<128x256xf32> to vector<128xf32>
    %broadcast_in_dim3A_253 = vector.shape_cast %reduce_sum3A_252 : vector<128xf32> to vector<128x1xf32>
    %div3A_254 = vector.broadcast %broadcast_in_dim3A_253 : vector<128x1xf32> to vector<128x256xf32>
    %div3A_255 = arith.divf %exp3A_250, %div3A_254 : vector<128x256xf32>
    %eq3A_256 = vector.broadcast %broadcast_in_dim3A_247 : vector<128x1xf32> to vector<128x256xf32>
    %eq3A_257 = arith.cmpf oeq, %slice3A_244, %eq3A_256 : vector<128x256xf32>
    %jit3A_258 = arith.constant 256 : i32
    %broadcast_in_dim3A_259 = vector.broadcast %jit3A_258 : i32 to vector<128x256xi32>
    %select_n3A_260 = arith.select %eq3A_257, %iota3A, %broadcast_in_dim3A_259 : vector<128x256xi1>, vector<128x256xi32>
    %reduce_min3A_261 = arith.constant dense<2147483647> : vector<128xi32>
    %reduce_min3A_262 = vector.multi_reduction <minsi>, %select_n3A_260, %reduce_min3A_261 [1] : vector<128x256xi32> to vector<128xi32>
    %broadcast_in_dim3A_263 = vector.shape_cast %reduce_min3A_262 : vector<128xi32> to vector<128x1xi32>
    %eq3A_264 = vector.broadcast %broadcast_in_dim3A_263 : vector<128x1xi32> to vector<128x256xi32>
    %eq3A_265 = arith.cmpi eq, %iota3A, %eq3A_264 : vector<128x256xi32>
    %convert_element_type3A_266 = arith.extui %eq3A_265 : vector<128x256xi1> to vector<128x256xi32>
    %convert_element_type3A_267 = arith.sitofp %convert_element_type3A_266 : vector<128x256xi32> to vector<128x256xf32>
    %slice3A_268 = vector.extract_strided_slice %dot_general3A_14 {offsets = [0, 2816], sizes = [128, 256], strides = [1, 1]} : vector<128x4096xf32> to vector<128x256xf32>
    %reduce_max3A_269 = arith.constant dense<0xFF800000> : vector<128xf32>
    %reduce_max3A_270 = vector.multi_reduction <maximumf>, %slice3A_268, %reduce_max3A_269 [1] : vector<128x256xf32> to vector<128xf32>
    %broadcast_in_dim3A_271 = vector.shape_cast %reduce_max3A_270 : vector<128xf32> to vector<128x1xf32>
    %sub3A_272 = vector.broadcast %broadcast_in_dim3A_271 : vector<128x1xf32> to vector<128x256xf32>
    %sub3A_273 = arith.subf %slice3A_268, %sub3A_272 : vector<128x256xf32>
    %exp3A_274 = math.exp %sub3A_273 : vector<128x256xf32>
    %reduce_sum3A_275 = arith.constant dense<0.000000e+00> : vector<128xf32>
    %reduce_sum3A_276 = vector.multi_reduction <add>, %exp3A_274, %reduce_sum3A_275 [1] : vector<128x256xf32> to vector<128xf32>
    %broadcast_in_dim3A_277 = vector.shape_cast %reduce_sum3A_276 : vector<128xf32> to vector<128x1xf32>
    %div3A_278 = vector.broadcast %broadcast_in_dim3A_277 : vector<128x1xf32> to vector<128x256xf32>
    %div3A_279 = arith.divf %exp3A_274, %div3A_278 : vector<128x256xf32>
    %eq3A_280 = vector.broadcast %broadcast_in_dim3A_271 : vector<128x1xf32> to vector<128x256xf32>
    %eq3A_281 = arith.cmpf oeq, %slice3A_268, %eq3A_280 : vector<128x256xf32>
    %jit3A_282 = arith.constant 256 : i32
    %broadcast_in_dim3A_283 = vector.broadcast %jit3A_282 : i32 to vector<128x256xi32>
    %select_n3A_284 = arith.select %eq3A_281, %iota3A, %broadcast_in_dim3A_283 : vector<128x256xi1>, vector<128x256xi32>
    %reduce_min3A_285 = arith.constant dense<2147483647> : vector<128xi32>
    %reduce_min3A_286 = vector.multi_reduction <minsi>, %select_n3A_284, %reduce_min3A_285 [1] : vector<128x256xi32> to vector<128xi32>
    %broadcast_in_dim3A_287 = vector.shape_cast %reduce_min3A_286 : vector<128xi32> to vector<128x1xi32>
    %eq3A_288 = vector.broadcast %broadcast_in_dim3A_287 : vector<128x1xi32> to vector<128x256xi32>
    %eq3A_289 = arith.cmpi eq, %iota3A, %eq3A_288 : vector<128x256xi32>
    %convert_element_type3A_290 = arith.extui %eq3A_289 : vector<128x256xi1> to vector<128x256xi32>
    %convert_element_type3A_291 = arith.sitofp %convert_element_type3A_290 : vector<128x256xi32> to vector<128x256xf32>
    %slice3A_292 = vector.extract_strided_slice %dot_general3A_14 {offsets = [0, 3072], sizes = [128, 256], strides = [1, 1]} : vector<128x4096xf32> to vector<128x256xf32>
    %reduce_max3A_293 = arith.constant dense<0xFF800000> : vector<128xf32>
    %reduce_max3A_294 = vector.multi_reduction <maximumf>, %slice3A_292, %reduce_max3A_293 [1] : vector<128x256xf32> to vector<128xf32>
    %broadcast_in_dim3A_295 = vector.shape_cast %reduce_max3A_294 : vector<128xf32> to vector<128x1xf32>
    %sub3A_296 = vector.broadcast %broadcast_in_dim3A_295 : vector<128x1xf32> to vector<128x256xf32>
    %sub3A_297 = arith.subf %slice3A_292, %sub3A_296 : vector<128x256xf32>
    %exp3A_298 = math.exp %sub3A_297 : vector<128x256xf32>
    %reduce_sum3A_299 = arith.constant dense<0.000000e+00> : vector<128xf32>
    %reduce_sum3A_300 = vector.multi_reduction <add>, %exp3A_298, %reduce_sum3A_299 [1] : vector<128x256xf32> to vector<128xf32>
    %broadcast_in_dim3A_301 = vector.shape_cast %reduce_sum3A_300 : vector<128xf32> to vector<128x1xf32>
    %div3A_302 = vector.broadcast %broadcast_in_dim3A_301 : vector<128x1xf32> to vector<128x256xf32>
    %div3A_303 = arith.divf %exp3A_298, %div3A_302 : vector<128x256xf32>
    %eq3A_304 = vector.broadcast %broadcast_in_dim3A_295 : vector<128x1xf32> to vector<128x256xf32>
    %eq3A_305 = arith.cmpf oeq, %slice3A_292, %eq3A_304 : vector<128x256xf32>
    %jit3A_306 = arith.constant 256 : i32
    %broadcast_in_dim3A_307 = vector.broadcast %jit3A_306 : i32 to vector<128x256xi32>
    %select_n3A_308 = arith.select %eq3A_305, %iota3A, %broadcast_in_dim3A_307 : vector<128x256xi1>, vector<128x256xi32>
    %reduce_min3A_309 = arith.constant dense<2147483647> : vector<128xi32>
    %reduce_min3A_310 = vector.multi_reduction <minsi>, %select_n3A_308, %reduce_min3A_309 [1] : vector<128x256xi32> to vector<128xi32>
    %broadcast_in_dim3A_311 = vector.shape_cast %reduce_min3A_310 : vector<128xi32> to vector<128x1xi32>
    %eq3A_312 = vector.broadcast %broadcast_in_dim3A_311 : vector<128x1xi32> to vector<128x256xi32>
    %eq3A_313 = arith.cmpi eq, %iota3A, %eq3A_312 : vector<128x256xi32>
    %convert_element_type3A_314 = arith.extui %eq3A_313 : vector<128x256xi1> to vector<128x256xi32>
    %convert_element_type3A_315 = arith.sitofp %convert_element_type3A_314 : vector<128x256xi32> to vector<128x256xf32>
    %slice3A_316 = vector.extract_strided_slice %dot_general3A_14 {offsets = [0, 3328], sizes = [128, 256], strides = [1, 1]} : vector<128x4096xf32> to vector<128x256xf32>
    %reduce_max3A_317 = arith.constant dense<0xFF800000> : vector<128xf32>
    %reduce_max3A_318 = vector.multi_reduction <maximumf>, %slice3A_316, %reduce_max3A_317 [1] : vector<128x256xf32> to vector<128xf32>
    %broadcast_in_dim3A_319 = vector.shape_cast %reduce_max3A_318 : vector<128xf32> to vector<128x1xf32>
    %sub3A_320 = vector.broadcast %broadcast_in_dim3A_319 : vector<128x1xf32> to vector<128x256xf32>
    %sub3A_321 = arith.subf %slice3A_316, %sub3A_320 : vector<128x256xf32>
    %exp3A_322 = math.exp %sub3A_321 : vector<128x256xf32>
    %reduce_sum3A_323 = arith.constant dense<0.000000e+00> : vector<128xf32>
    %reduce_sum3A_324 = vector.multi_reduction <add>, %exp3A_322, %reduce_sum3A_323 [1] : vector<128x256xf32> to vector<128xf32>
    %broadcast_in_dim3A_325 = vector.shape_cast %reduce_sum3A_324 : vector<128xf32> to vector<128x1xf32>
    %div3A_326 = vector.broadcast %broadcast_in_dim3A_325 : vector<128x1xf32> to vector<128x256xf32>
    %div3A_327 = arith.divf %exp3A_322, %div3A_326 : vector<128x256xf32>
    %eq3A_328 = vector.broadcast %broadcast_in_dim3A_319 : vector<128x1xf32> to vector<128x256xf32>
    %eq3A_329 = arith.cmpf oeq, %slice3A_316, %eq3A_328 : vector<128x256xf32>
    %jit3A_330 = arith.constant 256 : i32
    %broadcast_in_dim3A_331 = vector.broadcast %jit3A_330 : i32 to vector<128x256xi32>
    %select_n3A_332 = arith.select %eq3A_329, %iota3A, %broadcast_in_dim3A_331 : vector<128x256xi1>, vector<128x256xi32>
    %reduce_min3A_333 = arith.constant dense<2147483647> : vector<128xi32>
    %reduce_min3A_334 = vector.multi_reduction <minsi>, %select_n3A_332, %reduce_min3A_333 [1] : vector<128x256xi32> to vector<128xi32>
    %broadcast_in_dim3A_335 = vector.shape_cast %reduce_min3A_334 : vector<128xi32> to vector<128x1xi32>
    %eq3A_336 = vector.broadcast %broadcast_in_dim3A_335 : vector<128x1xi32> to vector<128x256xi32>
    %eq3A_337 = arith.cmpi eq, %iota3A, %eq3A_336 : vector<128x256xi32>
    %convert_element_type3A_338 = arith.extui %eq3A_337 : vector<128x256xi1> to vector<128x256xi32>
    %convert_element_type3A_339 = arith.sitofp %convert_element_type3A_338 : vector<128x256xi32> to vector<128x256xf32>
    %slice3A_340 = vector.extract_strided_slice %dot_general3A_14 {offsets = [0, 3584], sizes = [128, 256], strides = [1, 1]} : vector<128x4096xf32> to vector<128x256xf32>
    %reduce_max3A_341 = arith.constant dense<0xFF800000> : vector<128xf32>
    %reduce_max3A_342 = vector.multi_reduction <maximumf>, %slice3A_340, %reduce_max3A_341 [1] : vector<128x256xf32> to vector<128xf32>
    %broadcast_in_dim3A_343 = vector.shape_cast %reduce_max3A_342 : vector<128xf32> to vector<128x1xf32>
    %sub3A_344 = vector.broadcast %broadcast_in_dim3A_343 : vector<128x1xf32> to vector<128x256xf32>
    %sub3A_345 = arith.subf %slice3A_340, %sub3A_344 : vector<128x256xf32>
    %exp3A_346 = math.exp %sub3A_345 : vector<128x256xf32>
    %reduce_sum3A_347 = arith.constant dense<0.000000e+00> : vector<128xf32>
    %reduce_sum3A_348 = vector.multi_reduction <add>, %exp3A_346, %reduce_sum3A_347 [1] : vector<128x256xf32> to vector<128xf32>
    %broadcast_in_dim3A_349 = vector.shape_cast %reduce_sum3A_348 : vector<128xf32> to vector<128x1xf32>
    %div3A_350 = vector.broadcast %broadcast_in_dim3A_349 : vector<128x1xf32> to vector<128x256xf32>
    %div3A_351 = arith.divf %exp3A_346, %div3A_350 : vector<128x256xf32>
    %eq3A_352 = vector.broadcast %broadcast_in_dim3A_343 : vector<128x1xf32> to vector<128x256xf32>
    %eq3A_353 = arith.cmpf oeq, %slice3A_340, %eq3A_352 : vector<128x256xf32>
    %jit3A_354 = arith.constant 256 : i32
    %broadcast_in_dim3A_355 = vector.broadcast %jit3A_354 : i32 to vector<128x256xi32>
    %select_n3A_356 = arith.select %eq3A_353, %iota3A, %broadcast_in_dim3A_355 : vector<128x256xi1>, vector<128x256xi32>
    %reduce_min3A_357 = arith.constant dense<2147483647> : vector<128xi32>
    %reduce_min3A_358 = vector.multi_reduction <minsi>, %select_n3A_356, %reduce_min3A_357 [1] : vector<128x256xi32> to vector<128xi32>
    %broadcast_in_dim3A_359 = vector.shape_cast %reduce_min3A_358 : vector<128xi32> to vector<128x1xi32>
    %eq3A_360 = vector.broadcast %broadcast_in_dim3A_359 : vector<128x1xi32> to vector<128x256xi32>
    %eq3A_361 = arith.cmpi eq, %iota3A, %eq3A_360 : vector<128x256xi32>
    %convert_element_type3A_362 = arith.extui %eq3A_361 : vector<128x256xi1> to vector<128x256xi32>
    %convert_element_type3A_363 = arith.sitofp %convert_element_type3A_362 : vector<128x256xi32> to vector<128x256xf32>
    %slice3A_364 = vector.extract_strided_slice %dot_general3A_14 {offsets = [0, 3840], sizes = [128, 256], strides = [1, 1]} : vector<128x4096xf32> to vector<128x256xf32>
    %reduce_max3A_365 = arith.constant dense<0xFF800000> : vector<128xf32>
    %reduce_max3A_366 = vector.multi_reduction <maximumf>, %slice3A_364, %reduce_max3A_365 [1] : vector<128x256xf32> to vector<128xf32>
    %broadcast_in_dim3A_367 = vector.shape_cast %reduce_max3A_366 : vector<128xf32> to vector<128x1xf32>
    %sub3A_368 = vector.broadcast %broadcast_in_dim3A_367 : vector<128x1xf32> to vector<128x256xf32>
    %sub3A_369 = arith.subf %slice3A_364, %sub3A_368 : vector<128x256xf32>
    %exp3A_370 = math.exp %sub3A_369 : vector<128x256xf32>
    %reduce_sum3A_371 = arith.constant dense<0.000000e+00> : vector<128xf32>
    %reduce_sum3A_372 = vector.multi_reduction <add>, %exp3A_370, %reduce_sum3A_371 [1] : vector<128x256xf32> to vector<128xf32>
    %broadcast_in_dim3A_373 = vector.shape_cast %reduce_sum3A_372 : vector<128xf32> to vector<128x1xf32>
    %div3A_374 = vector.broadcast %broadcast_in_dim3A_373 : vector<128x1xf32> to vector<128x256xf32>
    %div3A_375 = arith.divf %exp3A_370, %div3A_374 : vector<128x256xf32>
    %eq3A_376 = vector.broadcast %broadcast_in_dim3A_367 : vector<128x1xf32> to vector<128x256xf32>
    %eq3A_377 = arith.cmpf oeq, %slice3A_364, %eq3A_376 : vector<128x256xf32>
    %jit3A_378 = arith.constant 256 : i32
    %broadcast_in_dim3A_379 = vector.broadcast %jit3A_378 : i32 to vector<128x256xi32>
    %select_n3A_380 = arith.select %eq3A_377, %iota3A, %broadcast_in_dim3A_379 : vector<128x256xi1>, vector<128x256xi32>
    %reduce_min3A_381 = arith.constant dense<2147483647> : vector<128xi32>
    %reduce_min3A_382 = vector.multi_reduction <minsi>, %select_n3A_380, %reduce_min3A_381 [1] : vector<128x256xi32> to vector<128xi32>
    %broadcast_in_dim3A_383 = vector.shape_cast %reduce_min3A_382 : vector<128xi32> to vector<128x1xi32>
    %eq3A_384 = vector.broadcast %broadcast_in_dim3A_383 : vector<128x1xi32> to vector<128x256xi32>
    %eq3A_385 = arith.cmpi eq, %iota3A, %eq3A_384 : vector<128x256xi32>
    %convert_element_type3A_386 = arith.extui %eq3A_385 : vector<128x256xi1> to vector<128x256xi32>
    %convert_element_type3A_387 = arith.sitofp %convert_element_type3A_386 : vector<128x256xi32> to vector<128x256xf32>
    %concatenate3A_388 = tpu.concatenate %div3A_20, %div3A_39, %div3A_63, %div3A_87, %div3A_111, %div3A_135, %div3A_159, %div3A_183, %div3A_207, %div3A_231, %div3A_255, %div3A_279, %div3A_303, %div3A_327, %div3A_351, %div3A_375 in 1 : vector<128x256xf32>, vector<128x256xf32>, vector<128x256xf32>, vector<128x256xf32>, vector<128x256xf32>, vector<128x256xf32>, vector<128x256xf32>, vector<128x256xf32>, vector<128x256xf32>, vector<128x256xf32>, vector<128x256xf32>, vector<128x256xf32>, vector<128x256xf32>, vector<128x256xf32>, vector<128x256xf32>, vector<128x256xf32> -> vector<128x4096xf32>
    %swap3A = arith.constant 0 : index
    %swap3A_389 = arith.constant 0 : index
    %swap3A_390 = vector.load %arg4[%swap3A, %swap3A_389] : memref<128x4096xf32, #tpu.memory_space<vmem>>, vector<128x4096xf32>
    tpu.vector_store %arg4[%swap3A, %swap3A_389], %concatenate3A_388 {strides = array<i32>} : memref<128x4096xf32, #tpu.memory_space<vmem>>, vector<128x4096xf32>,
    %concatenate3A_391 = tpu.concatenate %convert_element_type3A_27, %convert_element_type3A_51, %convert_element_type3A_75, %convert_element_type3A_99, %convert_element_type3A_123, %convert_element_type3A_147, %convert_element_type3A_171, %convert_element_type3A_195, %convert_element_type3A_219, %convert_element_type3A_243, %convert_element_type3A_267, %convert_element_type3A_291, %convert_element_type3A_315, %convert_element_type3A_339, %convert_element_type3A_363, %convert_element_type3A_387 in 1 : vector<128x256xf32>, vector<128x256xf32>, vector<128x256xf32>, vector<128x256xf32>, vector<128x256xf32>, vector<128x256xf32>, vector<128x256xf32>, vector<128x256xf32>, vector<128x256xf32>, vector<128x256xf32>, vector<128x256xf32>, vector<128x256xf32>, vector<128x256xf32>, vector<128x256xf32>, vector<128x256xf32>, vector<128x256xf32> -> vector<128x4096xf32>
    %slice3A_392 = vector.extract_strided_slice %get3A_13 {offsets = [0, 0], sizes = [4096, 96], strides = [1, 1]} : vector<4096x104xf32> to vector<4096x96xf32>
    %dot_general3A_393 = arith.constant dense<0.000000e+00> : vector<128x96xf32>
    %dot_general3A_394 = tpu.matmul %concatenate3A_391, %slice3A_392, %dot_general3A_393 {dimension_numbers = #tpu.dot_dimension_numbers<[1], [0], [0], [1], [0, 0, 1, 1], [], []>, transpose_lhs_hint = false} : vector<128x4096xf32>, vector<4096x96xf32>, vector<128x96xf32> -> vector<128x96xf32>
    %swap3A_395 = arith.constant 0 : index
    %swap3A_396 = arith.constant 0 : index
    %swap3A_397 = arith.constant 0 : index
    %swap3A_398 = vector.load %arg5[%swap3A_395, %swap3A_396, %swap3A_397] : memref<1x128x96xf32, #tpu.memory_space<vmem>>, vector<1x128x96xf32>
    %swap3A_399 = vector.shape_cast %swap3A_398 : vector<1x128x96xf32> to vector<128x96xf32>
    %swap3A_400 = vector.shape_cast %dot_general3A_394 : vector<128x96xf32> to vector<1x128x96xf32>
    tpu.vector_store %arg5[%swap3A_395, %swap3A_396, %swap3A_397], %swap3A_400 {strides = array<i32>} : memref<1x128x96xf32, #tpu.memory_space<vmem>>, vector<1x128x96xf32>,
    return
  }
  func.func @transform_0(%arg0: i32, %arg1: i32) -> (i32, i32, i32) {
    %add3A = arith.constant 2 : i32
    %add3A_0 = arith.addi %add3A, %arg1 : i32
    %c0_i32 = arith.constant 0 : i32
    %c0_i32_1 = arith.constant 0 : i32
    return %arg0, %add3A_0, %c0_i32 : i32, i32, i32
  }
  func.func @transform_1(%arg0: i32, %arg1: i32) -> (i32, i32, i32) {
    %c0_i32 = arith.constant 0 : i32
    %c0_i32_0 = arith.constant 0 : i32
    %c0_i32_1 = arith.constant 0 : i32
    return %arg0, %c0_i32, %c0_i32_0 : i32, i32, i32
  }
  func.func @transform_2(%arg0: i32, %arg1: i32) -> (i32, i32) {
    %c0_i32 = arith.constant 0 : i32
    return %arg1, %arg0 : i32, i32
  }
  func.func @transform_3(%arg0: i32, %arg1: i32) -> (i32, i32, i32) {
    %c0_i32 = arith.constant 0 : i32
    %c0_i32_0 = arith.constant 0 : i32
    return %arg0, %arg1, %c0_i32 : i32, i32, i32
  }
}

module attributes {stable_mosaic.version = 14 : i64} {
  func.func @_stage3(%arg0: i32, %arg1: memref<128x768xf32, #tpu.memory_space<vmem>>, %arg2: memref<8x128x96xf32, #tpu.memory_space<vmem>>, %arg3: memref<128x768xf32, #tpu.memory_space<vmem>>) attributes {dimension_semantics = [#tpu.dimension_semantics<arbitrary>], iteration_bounds = array<i64: 2>, scalar_prefetch = 0 : i64, scratch_operands = 0 : i64, tpu.core_type = #tpu.core_type<tc>, window_params = [{transform_indices = @transform_0, window_bounds = array<i64: 128, 768>}, {transform_indices = @transform_1, window_bounds = array<i64: 8, 128, 96>}, {transform_indices = @transform_2, window_bounds = array<i64: 128, 768>}]} {
    %get3A = arith.constant 0 : index
    %get3A_0 = arith.constant 0 : index
    %get3A_1 = arith.constant 0 : index
    %get3A_2 = vector.load %arg2[%get3A, %get3A_0, %get3A_1] : memref<8x128x96xf32, #tpu.memory_space<vmem>>, vector<1x128x96xf32>
    %get3A_3 = vector.shape_cast %get3A_2 : vector<1x128x96xf32> to vector<128x96xf32>
    %get3A_4 = arith.constant 1 : index
    %get3A_5 = arith.constant 0 : index
    %get3A_6 = arith.constant 0 : index
    %get3A_7 = vector.load %arg2[%get3A_4, %get3A_5, %get3A_6] : memref<8x128x96xf32, #tpu.memory_space<vmem>>, vector<1x128x96xf32>
    %get3A_8 = vector.shape_cast %get3A_7 : vector<1x128x96xf32> to vector<128x96xf32>
    %get3A_9 = arith.constant 2 : index
    %get3A_10 = arith.constant 0 : index
    %get3A_11 = arith.constant 0 : index
    %get3A_12 = vector.load %arg2[%get3A_9, %get3A_10, %get3A_11] : memref<8x128x96xf32, #tpu.memory_space<vmem>>, vector<1x128x96xf32>
    %get3A_13 = vector.shape_cast %get3A_12 : vector<1x128x96xf32> to vector<128x96xf32>
    %get3A_14 = arith.constant 3 : index
    %get3A_15 = arith.constant 0 : index
    %get3A_16 = arith.constant 0 : index
    %get3A_17 = vector.load %arg2[%get3A_14, %get3A_15, %get3A_16] : memref<8x128x96xf32, #tpu.memory_space<vmem>>, vector<1x128x96xf32>
    %get3A_18 = vector.shape_cast %get3A_17 : vector<1x128x96xf32> to vector<128x96xf32>
    %get3A_19 = arith.constant 4 : index
    %get3A_20 = arith.constant 0 : index
    %get3A_21 = arith.constant 0 : index
    %get3A_22 = vector.load %arg2[%get3A_19, %get3A_20, %get3A_21] : memref<8x128x96xf32, #tpu.memory_space<vmem>>, vector<1x128x96xf32>
    %get3A_23 = vector.shape_cast %get3A_22 : vector<1x128x96xf32> to vector<128x96xf32>
    %get3A_24 = arith.constant 5 : index
    %get3A_25 = arith.constant 0 : index
    %get3A_26 = arith.constant 0 : index
    %get3A_27 = vector.load %arg2[%get3A_24, %get3A_25, %get3A_26] : memref<8x128x96xf32, #tpu.memory_space<vmem>>, vector<1x128x96xf32>
    %get3A_28 = vector.shape_cast %get3A_27 : vector<1x128x96xf32> to vector<128x96xf32>
    %get3A_29 = arith.constant 6 : index
    %get3A_30 = arith.constant 0 : index
    %get3A_31 = arith.constant 0 : index
    %get3A_32 = vector.load %arg2[%get3A_29, %get3A_30, %get3A_31] : memref<8x128x96xf32, #tpu.memory_space<vmem>>, vector<1x128x96xf32>
    %get3A_33 = vector.shape_cast %get3A_32 : vector<1x128x96xf32> to vector<128x96xf32>
    %get3A_34 = arith.constant 7 : index
    %get3A_35 = arith.constant 0 : index
    %get3A_36 = arith.constant 0 : index
    %get3A_37 = vector.load %arg2[%get3A_34, %get3A_35, %get3A_36] : memref<8x128x96xf32, #tpu.memory_space<vmem>>, vector<1x128x96xf32>
    %get3A_38 = vector.shape_cast %get3A_37 : vector<1x128x96xf32> to vector<128x96xf32>
    %concatenate3A = tpu.concatenate %get3A_3, %get3A_8, %get3A_13, %get3A_18, %get3A_23, %get3A_28, %get3A_33, %get3A_38 in 1 : vector<128x96xf32>, vector<128x96xf32>, vector<128x96xf32>, vector<128x96xf32>, vector<128x96xf32>, vector<128x96xf32>, vector<128x96xf32>, vector<128x96xf32> -> vector<128x768xf32>
    %get3A_39 = arith.constant 0 : index
    %get3A_40 = arith.constant 0 : index
    %get3A_41 = vector.load %arg1[%get3A_39, %get3A_40] : memref<128x768xf32, #tpu.memory_space<vmem>>, vector<128x768xf32>
    %add3A = arith.addf %get3A_41, %concatenate3A : vector<128x768xf32>
    %mul3A = arith.mulf %add3A, %add3A : vector<128x768xf32>
    %reduce_sum3A = arith.constant dense<0.000000e+00> : vector<128xf32>
    %reduce_sum3A_42 = vector.multi_reduction <add>, %mul3A, %reduce_sum3A [1] : vector<128x768xf32> to vector<128xf32>
    %broadcast_in_dim3A = vector.shape_cast %reduce_sum3A_42 : vector<128xf32> to vector<128x1xf32>
    %sqrt3A = math.sqrt %broadcast_in_dim3A : vector<128x1xf32>
    %max3A = arith.constant 9.99999996E-13 : f32
    %max3A_43 = vector.broadcast %max3A : f32 to vector<128x1xf32>
    %max3A_44 = arith.maximumf %sqrt3A, %max3A_43 : vector<128x1xf32>
    %div3A = vector.broadcast %max3A_44 : vector<128x1xf32> to vector<128x768xf32>
    %div3A_45 = arith.divf %add3A, %div3A : vector<128x768xf32>
    %swap3A = arith.constant 0 : index
    %swap3A_46 = arith.constant 0 : index
    %swap3A_47 = vector.load %arg3[%swap3A, %swap3A_46] : memref<128x768xf32, #tpu.memory_space<vmem>>, vector<128x768xf32>
    tpu.vector_store %arg3[%swap3A, %swap3A_46], %div3A_45 {strides = array<i32>} : memref<128x768xf32, #tpu.memory_space<vmem>>, vector<128x768xf32>,
    return
  }
  func.func @transform_0(%arg0: i32) -> (i32, i32) {
    %add3A = arith.constant 6 : i32
    %add3A_0 = arith.addi %add3A, %arg0 : i32
    %c0_i32 = arith.constant 0 : i32
    %c0_i32_1 = arith.constant 0 : i32
    return %add3A_0, %c0_i32 : i32, i32
  }
  func.func @transform_1(%arg0: i32) -> (i32, i32, i32) {
    %c0_i32 = arith.constant 0 : i32
    %c0_i32_0 = arith.constant 0 : i32
    %c0_i32_1 = arith.constant 0 : i32
    return %c0_i32, %arg0, %c0_i32_0 : i32, i32, i32
  }
  func.func @transform_2(%arg0: i32) -> (i32, i32) {
    %c0_i32 = arith.constant 0 : i32
    %c0_i32_0 = arith.constant 0 : i32
    return %arg0, %c0_i32 : i32, i32
  }
}

module attributes {stable_mosaic.version = 14 : i64} {
  func.func @_stage3(%arg0: i32, %arg1: memref<128x768xf32, #tpu.memory_space<vmem>>, %arg2: memref<8x128x96xf32, #tpu.memory_space<vmem>>, %arg3: memref<128x768xf32, #tpu.memory_space<vmem>>) attributes {dimension_semantics = [#tpu.dimension_semantics<arbitrary>], iteration_bounds = array<i64: 2>, scalar_prefetch = 0 : i64, scratch_operands = 0 : i64, tpu.core_type = #tpu.core_type<tc>, window_params = [{transform_indices = @transform_0, window_bounds = array<i64: 128, 768>}, {transform_indices = @transform_1, window_bounds = array<i64: 8, 128, 96>}, {transform_indices = @transform_2, window_bounds = array<i64: 128, 768>}]} {
    %get3A = arith.constant 0 : index
    %get3A_0 = arith.constant 0 : index
    %get3A_1 = arith.constant 0 : index
    %get3A_2 = vector.load %arg2[%get3A, %get3A_0, %get3A_1] : memref<8x128x96xf32, #tpu.memory_space<vmem>>, vector<1x128x96xf32>
    %get3A_3 = vector.shape_cast %get3A_2 : vector<1x128x96xf32> to vector<128x96xf32>
    %get3A_4 = arith.constant 1 : index
    %get3A_5 = arith.constant 0 : index
    %get3A_6 = arith.constant 0 : index
    %get3A_7 = vector.load %arg2[%get3A_4, %get3A_5, %get3A_6] : memref<8x128x96xf32, #tpu.memory_space<vmem>>, vector<1x128x96xf32>
    %get3A_8 = vector.shape_cast %get3A_7 : vector<1x128x96xf32> to vector<128x96xf32>
    %get3A_9 = arith.constant 2 : index
    %get3A_10 = arith.constant 0 : index
    %get3A_11 = arith.constant 0 : index
    %get3A_12 = vector.load %arg2[%get3A_9, %get3A_10, %get3A_11] : memref<8x128x96xf32, #tpu.memory_space<vmem>>, vector<1x128x96xf32>
    %get3A_13 = vector.shape_cast %get3A_12 : vector<1x128x96xf32> to vector<128x96xf32>
    %get3A_14 = arith.constant 3 : index
    %get3A_15 = arith.constant 0 : index
    %get3A_16 = arith.constant 0 : index
    %get3A_17 = vector.load %arg2[%get3A_14, %get3A_15, %get3A_16] : memref<8x128x96xf32, #tpu.memory_space<vmem>>, vector<1x128x96xf32>
    %get3A_18 = vector.shape_cast %get3A_17 : vector<1x128x96xf32> to vector<128x96xf32>
    %get3A_19 = arith.constant 4 : index
    %get3A_20 = arith.constant 0 : index
    %get3A_21 = arith.constant 0 : index
    %get3A_22 = vector.load %arg2[%get3A_19, %get3A_20, %get3A_21] : memref<8x128x96xf32, #tpu.memory_space<vmem>>, vector<1x128x96xf32>
    %get3A_23 = vector.shape_cast %get3A_22 : vector<1x128x96xf32> to vector<128x96xf32>
    %get3A_24 = arith.constant 5 : index
    %get3A_25 = arith.constant 0 : index
    %get3A_26 = arith.constant 0 : index
    %get3A_27 = vector.load %arg2[%get3A_24, %get3A_25, %get3A_26] : memref<8x128x96xf32, #tpu.memory_space<vmem>>, vector<1x128x96xf32>
    %get3A_28 = vector.shape_cast %get3A_27 : vector<1x128x96xf32> to vector<128x96xf32>
    %get3A_29 = arith.constant 6 : index
    %get3A_30 = arith.constant 0 : index
    %get3A_31 = arith.constant 0 : index
    %get3A_32 = vector.load %arg2[%get3A_29, %get3A_30, %get3A_31] : memref<8x128x96xf32, #tpu.memory_space<vmem>>, vector<1x128x96xf32>
    %get3A_33 = vector.shape_cast %get3A_32 : vector<1x128x96xf32> to vector<128x96xf32>
    %get3A_34 = arith.constant 7 : index
    %get3A_35 = arith.constant 0 : index
    %get3A_36 = arith.constant 0 : index
    %get3A_37 = vector.load %arg2[%get3A_34, %get3A_35, %get3A_36] : memref<8x128x96xf32, #tpu.memory_space<vmem>>, vector<1x128x96xf32>
    %get3A_38 = vector.shape_cast %get3A_37 : vector<1x128x96xf32> to vector<128x96xf32>
    %concatenate3A = tpu.concatenate %get3A_3, %get3A_8, %get3A_13, %get3A_18, %get3A_23, %get3A_28, %get3A_33, %get3A_38 in 1 : vector<128x96xf32>, vector<128x96xf32>, vector<128x96xf32>, vector<128x96xf32>, vector<128x96xf32>, vector<128x96xf32>, vector<128x96xf32>, vector<128x96xf32> -> vector<128x768xf32>
    %get3A_39 = arith.constant 0 : index
    %get3A_40 = arith.constant 0 : index
    %get3A_41 = vector.load %arg1[%get3A_39, %get3A_40] : memref<128x768xf32, #tpu.memory_space<vmem>>, vector<128x768xf32>
    %add3A = arith.addf %get3A_41, %concatenate3A : vector<128x768xf32>
    %mul3A = arith.mulf %add3A, %add3A : vector<128x768xf32>
    %reduce_sum3A = arith.constant dense<0.000000e+00> : vector<128xf32>
    %reduce_sum3A_42 = vector.multi_reduction <add>, %mul3A, %reduce_sum3A [1] : vector<128x768xf32> to vector<128xf32>
    %broadcast_in_dim3A = vector.shape_cast %reduce_sum3A_42 : vector<128xf32> to vector<128x1xf32>
    %sqrt3A = math.sqrt %broadcast_in_dim3A : vector<128x1xf32>
    %max3A = arith.constant 9.99999996E-13 : f32
    %max3A_43 = vector.broadcast %max3A : f32 to vector<128x1xf32>
    %max3A_44 = arith.maximumf %sqrt3A, %max3A_43 : vector<128x1xf32>
    %div3A = vector.broadcast %max3A_44 : vector<128x1xf32> to vector<128x768xf32>
    %div3A_45 = arith.divf %add3A, %div3A : vector<128x768xf32>
    %swap3A = arith.constant 0 : index
    %swap3A_46 = arith.constant 0 : index
    %swap3A_47 = vector.load %arg3[%swap3A, %swap3A_46] : memref<128x768xf32, #tpu.memory_space<vmem>>, vector<128x768xf32>
    tpu.vector_store %arg3[%swap3A, %swap3A_46], %div3A_45 {strides = array<i32>} : memref<128x768xf32, #tpu.memory_space<vmem>>, vector<128x768xf32>,
    return
  }
  func.func @transform_0(%arg0: i32) -> (i32, i32) {
    %add3A = arith.constant 4 : i32
    %add3A_0 = arith.addi %add3A, %arg0 : i32
    %c0_i32 = arith.constant 0 : i32
    %c0_i32_1 = arith.constant 0 : i32
    return %add3A_0, %c0_i32 : i32, i32
  }
  func.func @transform_1(%arg0: i32) -> (i32, i32, i32) {
    %c0_i32 = arith.constant 0 : i32
    %c0_i32_0 = arith.constant 0 : i32
    %c0_i32_1 = arith.constant 0 : i32
    return %c0_i32, %arg0, %c0_i32_0 : i32, i32, i32
  }
  func.func @transform_2(%arg0: i32) -> (i32, i32) {
    %c0_i32 = arith.constant 0 : i32
    %c0_i32_0 = arith.constant 0 : i32
    return %arg0, %c0_i32 : i32, i32
  }
}

module attributes {stable_mosaic.version = 14 : i64} {
  func.func @_stage3(%arg0: i32, %arg1: memref<128x768xf32, #tpu.memory_space<vmem>>, %arg2: memref<8x128x96xf32, #tpu.memory_space<vmem>>, %arg3: memref<128x768xf32, #tpu.memory_space<vmem>>) attributes {dimension_semantics = [#tpu.dimension_semantics<arbitrary>], iteration_bounds = array<i64: 2>, scalar_prefetch = 0 : i64, scratch_operands = 0 : i64, tpu.core_type = #tpu.core_type<tc>, window_params = [{transform_indices = @transform_0, window_bounds = array<i64: 128, 768>}, {transform_indices = @transform_1, window_bounds = array<i64: 8, 128, 96>}, {transform_indices = @transform_2, window_bounds = array<i64: 128, 768>}]} {
    %get3A = arith.constant 0 : index
    %get3A_0 = arith.constant 0 : index
    %get3A_1 = arith.constant 0 : index
    %get3A_2 = vector.load %arg2[%get3A, %get3A_0, %get3A_1] : memref<8x128x96xf32, #tpu.memory_space<vmem>>, vector<1x128x96xf32>
    %get3A_3 = vector.shape_cast %get3A_2 : vector<1x128x96xf32> to vector<128x96xf32>
    %get3A_4 = arith.constant 1 : index
    %get3A_5 = arith.constant 0 : index
    %get3A_6 = arith.constant 0 : index
    %get3A_7 = vector.load %arg2[%get3A_4, %get3A_5, %get3A_6] : memref<8x128x96xf32, #tpu.memory_space<vmem>>, vector<1x128x96xf32>
    %get3A_8 = vector.shape_cast %get3A_7 : vector<1x128x96xf32> to vector<128x96xf32>
    %get3A_9 = arith.constant 2 : index
    %get3A_10 = arith.constant 0 : index
    %get3A_11 = arith.constant 0 : index
    %get3A_12 = vector.load %arg2[%get3A_9, %get3A_10, %get3A_11] : memref<8x128x96xf32, #tpu.memory_space<vmem>>, vector<1x128x96xf32>
    %get3A_13 = vector.shape_cast %get3A_12 : vector<1x128x96xf32> to vector<128x96xf32>
    %get3A_14 = arith.constant 3 : index
    %get3A_15 = arith.constant 0 : index
    %get3A_16 = arith.constant 0 : index
    %get3A_17 = vector.load %arg2[%get3A_14, %get3A_15, %get3A_16] : memref<8x128x96xf32, #tpu.memory_space<vmem>>, vector<1x128x96xf32>
    %get3A_18 = vector.shape_cast %get3A_17 : vector<1x128x96xf32> to vector<128x96xf32>
    %get3A_19 = arith.constant 4 : index
    %get3A_20 = arith.constant 0 : index
    %get3A_21 = arith.constant 0 : index
    %get3A_22 = vector.load %arg2[%get3A_19, %get3A_20, %get3A_21] : memref<8x128x96xf32, #tpu.memory_space<vmem>>, vector<1x128x96xf32>
    %get3A_23 = vector.shape_cast %get3A_22 : vector<1x128x96xf32> to vector<128x96xf32>
    %get3A_24 = arith.constant 5 : index
    %get3A_25 = arith.constant 0 : index
    %get3A_26 = arith.constant 0 : index
    %get3A_27 = vector.load %arg2[%get3A_24, %get3A_25, %get3A_26] : memref<8x128x96xf32, #tpu.memory_space<vmem>>, vector<1x128x96xf32>
    %get3A_28 = vector.shape_cast %get3A_27 : vector<1x128x96xf32> to vector<128x96xf32>
    %get3A_29 = arith.constant 6 : index
    %get3A_30 = arith.constant 0 : index
    %get3A_31 = arith.constant 0 : index
    %get3A_32 = vector.load %arg2[%get3A_29, %get3A_30, %get3A_31] : memref<8x128x96xf32, #tpu.memory_space<vmem>>, vector<1x128x96xf32>
    %get3A_33 = vector.shape_cast %get3A_32 : vector<1x128x96xf32> to vector<128x96xf32>
    %get3A_34 = arith.constant 7 : index
    %get3A_35 = arith.constant 0 : index
    %get3A_36 = arith.constant 0 : index
    %get3A_37 = vector.load %arg2[%get3A_34, %get3A_35, %get3A_36] : memref<8x128x96xf32, #tpu.memory_space<vmem>>, vector<1x128x96xf32>
    %get3A_38 = vector.shape_cast %get3A_37 : vector<1x128x96xf32> to vector<128x96xf32>
    %concatenate3A = tpu.concatenate %get3A_3, %get3A_8, %get3A_13, %get3A_18, %get3A_23, %get3A_28, %get3A_33, %get3A_38 in 1 : vector<128x96xf32>, vector<128x96xf32>, vector<128x96xf32>, vector<128x96xf32>, vector<128x96xf32>, vector<128x96xf32>, vector<128x96xf32>, vector<128x96xf32> -> vector<128x768xf32>
    %get3A_39 = arith.constant 0 : index
    %get3A_40 = arith.constant 0 : index
    %get3A_41 = vector.load %arg1[%get3A_39, %get3A_40] : memref<128x768xf32, #tpu.memory_space<vmem>>, vector<128x768xf32>
    %add3A = arith.addf %get3A_41, %concatenate3A : vector<128x768xf32>
    %mul3A = arith.mulf %add3A, %add3A : vector<128x768xf32>
    %reduce_sum3A = arith.constant dense<0.000000e+00> : vector<128xf32>
    %reduce_sum3A_42 = vector.multi_reduction <add>, %mul3A, %reduce_sum3A [1] : vector<128x768xf32> to vector<128xf32>
    %broadcast_in_dim3A = vector.shape_cast %reduce_sum3A_42 : vector<128xf32> to vector<128x1xf32>
    %sqrt3A = math.sqrt %broadcast_in_dim3A : vector<128x1xf32>
    %max3A = arith.constant 9.99999996E-13 : f32
    %max3A_43 = vector.broadcast %max3A : f32 to vector<128x1xf32>
    %max3A_44 = arith.maximumf %sqrt3A, %max3A_43 : vector<128x1xf32>
    %div3A = vector.broadcast %max3A_44 : vector<128x1xf32> to vector<128x768xf32>
    %div3A_45 = arith.divf %add3A, %div3A : vector<128x768xf32>
    %swap3A = arith.constant 0 : index
    %swap3A_46 = arith.constant 0 : index
    %swap3A_47 = vector.load %arg3[%swap3A, %swap3A_46] : memref<128x768xf32, #tpu.memory_space<vmem>>, vector<128x768xf32>
    tpu.vector_store %arg3[%swap3A, %swap3A_46], %div3A_45 {strides = array<i32>} : memref<128x768xf32, #tpu.memory_space<vmem>>, vector<128x768xf32>,
    return
  }
  func.func @transform_0(%arg0: i32) -> (i32, i32) {
    %add3A = arith.constant 2 : i32
    %add3A_0 = arith.addi %add3A, %arg0 : i32
    %c0_i32 = arith.constant 0 : i32
    %c0_i32_1 = arith.constant 0 : i32
    return %add3A_0, %c0_i32 : i32, i32
  }
  func.func @transform_1(%arg0: i32) -> (i32, i32, i32) {
    %c0_i32 = arith.constant 0 : i32
    %c0_i32_0 = arith.constant 0 : i32
    %c0_i32_1 = arith.constant 0 : i32
    return %c0_i32, %arg0, %c0_i32_0 : i32, i32, i32
  }
  func.func @transform_2(%arg0: i32) -> (i32, i32) {
    %c0_i32 = arith.constant 0 : i32
    %c0_i32_0 = arith.constant 0 : i32
    return %arg0, %c0_i32 : i32, i32
  }
}

module attributes {stable_mosaic.version = 14 : i64} {
  func.func @_stage3(%arg0: i32, %arg1: memref<128x768xf32, #tpu.memory_space<vmem>>, %arg2: memref<8x128x96xf32, #tpu.memory_space<vmem>>, %arg3: memref<128x768xf32, #tpu.memory_space<vmem>>) attributes {dimension_semantics = [#tpu.dimension_semantics<arbitrary>], iteration_bounds = array<i64: 2>, scalar_prefetch = 0 : i64, scratch_operands = 0 : i64, tpu.core_type = #tpu.core_type<tc>, window_params = [{transform_indices = @transform_0, window_bounds = array<i64: 128, 768>}, {transform_indices = @transform_1, window_bounds = array<i64: 8, 128, 96>}, {transform_indices = @transform_2, window_bounds = array<i64: 128, 768>}]} {
    %get3A = arith.constant 0 : index
    %get3A_0 = arith.constant 0 : index
    %get3A_1 = arith.constant 0 : index
    %get3A_2 = vector.load %arg2[%get3A, %get3A_0, %get3A_1] : memref<8x128x96xf32, #tpu.memory_space<vmem>>, vector<1x128x96xf32>
    %get3A_3 = vector.shape_cast %get3A_2 : vector<1x128x96xf32> to vector<128x96xf32>
    %get3A_4 = arith.constant 1 : index
    %get3A_5 = arith.constant 0 : index
    %get3A_6 = arith.constant 0 : index
    %get3A_7 = vector.load %arg2[%get3A_4, %get3A_5, %get3A_6] : memref<8x128x96xf32, #tpu.memory_space<vmem>>, vector<1x128x96xf32>
    %get3A_8 = vector.shape_cast %get3A_7 : vector<1x128x96xf32> to vector<128x96xf32>
    %get3A_9 = arith.constant 2 : index
    %get3A_10 = arith.constant 0 : index
    %get3A_11 = arith.constant 0 : index
    %get3A_12 = vector.load %arg2[%get3A_9, %get3A_10, %get3A_11] : memref<8x128x96xf32, #tpu.memory_space<vmem>>, vector<1x128x96xf32>
    %get3A_13 = vector.shape_cast %get3A_12 : vector<1x128x96xf32> to vector<128x96xf32>
    %get3A_14 = arith.constant 3 : index
    %get3A_15 = arith.constant 0 : index
    %get3A_16 = arith.constant 0 : index
    %get3A_17 = vector.load %arg2[%get3A_14, %get3A_15, %get3A_16] : memref<8x128x96xf32, #tpu.memory_space<vmem>>, vector<1x128x96xf32>
    %get3A_18 = vector.shape_cast %get3A_17 : vector<1x128x96xf32> to vector<128x96xf32>
    %get3A_19 = arith.constant 4 : index
    %get3A_20 = arith.constant 0 : index
    %get3A_21 = arith.constant 0 : index
    %get3A_22 = vector.load %arg2[%get3A_19, %get3A_20, %get3A_21] : memref<8x128x96xf32, #tpu.memory_space<vmem>>, vector<1x128x96xf32>
    %get3A_23 = vector.shape_cast %get3A_22 : vector<1x128x96xf32> to vector<128x96xf32>
    %get3A_24 = arith.constant 5 : index
    %get3A_25 = arith.constant 0 : index
    %get3A_26 = arith.constant 0 : index
    %get3A_27 = vector.load %arg2[%get3A_24, %get3A_25, %get3A_26] : memref<8x128x96xf32, #tpu.memory_space<vmem>>, vector<1x128x96xf32>
    %get3A_28 = vector.shape_cast %get3A_27 : vector<1x128x96xf32> to vector<128x96xf32>
    %get3A_29 = arith.constant 6 : index
    %get3A_30 = arith.constant 0 : index
    %get3A_31 = arith.constant 0 : index
    %get3A_32 = vector.load %arg2[%get3A_29, %get3A_30, %get3A_31] : memref<8x128x96xf32, #tpu.memory_space<vmem>>, vector<1x128x96xf32>
    %get3A_33 = vector.shape_cast %get3A_32 : vector<1x128x96xf32> to vector<128x96xf32>
    %get3A_34 = arith.constant 7 : index
    %get3A_35 = arith.constant 0 : index
    %get3A_36 = arith.constant 0 : index
    %get3A_37 = vector.load %arg2[%get3A_34, %get3A_35, %get3A_36] : memref<8x128x96xf32, #tpu.memory_space<vmem>>, vector<1x128x96xf32>
    %get3A_38 = vector.shape_cast %get3A_37 : vector<1x128x96xf32> to vector<128x96xf32>
    %concatenate3A = tpu.concatenate %get3A_3, %get3A_8, %get3A_13, %get3A_18, %get3A_23, %get3A_28, %get3A_33, %get3A_38 in 1 : vector<128x96xf32>, vector<128x96xf32>, vector<128x96xf32>, vector<128x96xf32>, vector<128x96xf32>, vector<128x96xf32>, vector<128x96xf32>, vector<128x96xf32> -> vector<128x768xf32>
    %get3A_39 = arith.constant 0 : index
    %get3A_40 = arith.constant 0 : index
    %get3A_41 = vector.load %arg1[%get3A_39, %get3A_40] : memref<128x768xf32, #tpu.memory_space<vmem>>, vector<128x768xf32>
    %add3A = arith.addf %get3A_41, %concatenate3A : vector<128x768xf32>
    %mul3A = arith.mulf %add3A, %add3A : vector<128x768xf32>
    %reduce_sum3A = arith.constant dense<0.000000e+00> : vector<128xf32>
    %reduce_sum3A_42 = vector.multi_reduction <add>, %mul3A, %reduce_sum3A [1] : vector<128x768xf32> to vector<128xf32>
    %broadcast_in_dim3A = vector.shape_cast %reduce_sum3A_42 : vector<128xf32> to vector<128x1xf32>
    %sqrt3A = math.sqrt %broadcast_in_dim3A : vector<128x1xf32>
    %max3A = arith.constant 9.99999996E-13 : f32
    %max3A_43 = vector.broadcast %max3A : f32 to vector<128x1xf32>
    %max3A_44 = arith.maximumf %sqrt3A, %max3A_43 : vector<128x1xf32>
    %div3A = vector.broadcast %max3A_44 : vector<128x1xf32> to vector<128x768xf32>
    %div3A_45 = arith.divf %add3A, %div3A : vector<128x768xf32>
    %swap3A = arith.constant 0 : index
    %swap3A_46 = arith.constant 0 : index
    %swap3A_47 = vector.load %arg3[%swap3A, %swap3A_46] : memref<128x768xf32, #tpu.memory_space<vmem>>, vector<128x768xf32>
    tpu.vector_store %arg3[%swap3A, %swap3A_46], %div3A_45 {strides = array<i32>} : memref<128x768xf32, #tpu.memory_space<vmem>>, vector<128x768xf32>,
    return
  }
  func.func @transform_0(%arg0: i32) -> (i32, i32) {
    %add3A = arith.constant 0 : i32
    %add3A_0 = arith.addi %add3A, %arg0 : i32
    %c0_i32 = arith.constant 0 : i32
    %c0_i32_1 = arith.constant 0 : i32
    return %add3A_0, %c0_i32 : i32, i32
  }
  func.func @transform_1(%arg0: i32) -> (i32, i32, i32) {
    %c0_i32 = arith.constant 0 : i32
    %c0_i32_0 = arith.constant 0 : i32
    %c0_i32_1 = arith.constant 0 : i32
    return %c0_i32, %arg0, %c0_i32_0 : i32, i32, i32
  }
  func.func @transform_2(%arg0: i32) -> (i32, i32) {
    %c0_i32 = arith.constant 0 : i32
    %c0_i32_0 = arith.constant 0 : i32
    return %arg0, %c0_i32 : i32, i32
  }
}

</mosaic_0001>

<sc_bundles>
// kernel: sparse-core-data-format-call.1.cloned.1.call-start
scs
called_computation.1_lowered:
.L_overlay_start_0:
0x0: {  	s2 =	sld [smem:$0x3FD9]  }
0x1: {  	s3 =	sld [smem:$0x3FFE];
	_ =	sdelay $0x1  }
0x2: {  	s1 =	srdreg.scid  }
0x3: {  	s0 =	sand.u32 $0x1, s1  }
0x4: {  	s18 =	sshll.u32 s0, $0xA;
	s2 =	sadd.s32 s3, s2  }
0x5: {  	s2 =	sadd.s32 s2, s18  }
0x6: {  	[smem:$0x3FC5] =	sst s2  }
0x7: {  	_ = 	snop  }
0x8: {  	(tm) =	ssettm $0x1  }
0x9: {  	s19 =	sld [smem:$0x3FFB];
	_ =	sdelay $0x3  }
0xa: {  	_ =	strace s19  }
0xb: {  	s2 =	sld [smem:$0x3FFC];
	_ =	sdelay $0x3  }
0xc: {  	_ =	strace s2  }
0xd: {  	s2 =	sld [smem:$0x3FFD];
	_ =	sdelay $0x3  }
0xe: {  	_ =	strace s2  }
0xf: {  	_ =	strace $0x8FFFFFFF  }
0x10: {  	s20 =	sld [smem:$0x3FDB];
	_ =	sdelay $0x1  }
0x11: {  	s21 =	simm.s32 $_scs_section_size  }
0x12: {  	s4 =	simm.s32 $_size__tile_overlayer_lowered;
	s5 =	simm.s32 $_tile_overlayer_lowered  }
0x13: {  	s6 =	simm.s32 $0x1BFF;
	s22 =	sshll.u32 s5, $0x1;
	s3 =	sadd.s32 s21, s20  }
0x14: {  	s23 =	simm.s32 $0x0;
	s4 =	sshll.u32 s4, $0x1;
	s5 =	sadd.s32 s22, s3  }
0x15: {  	[timem:s23], [sflag:s6] =	dma.local [hbm:s5], s4  }
0x16: {  	_ =	swait.ge [sflag:s6], s4  }
0x17: {  	s4 =	ssub.s32 $0x0, s4;
	[sflag:s6] =	ssyncset.done $0x0  }
0x18: {  	[sflag:s6] =	ssyncadd.s32 s4;
	_ =	sdelay $0x1  }
0x19: {  	s24 =	simm.s32 $0x1B8B  }
0x1a: {  	_ =	swait.ge [sflag:s24], $0x1  }
0x1b: {  	[sflag:s24] =	ssyncset.done $0x0  }
0x1c: {  	[sflag:s24] =	ssyncadd.s32 $0xFFFFFFFF  }
0x1d: {  	s4 =	sld [smem:$0x0]  }
0x1e: {  	s5 =	sand.u32 $0xFFFFFFFE, s1  }
0x1f: {  	p0 =	sne.s32 s1, s5  }
0x20: {  	s5 =	sshll.u32 @p0 s5, $0xE  }
0x21: {  	s5 =	sadd.s32 @p0 $0x11B8D, s5;
	s6 =	sshll.u32 @p0 s4, $0x11  }
0x22: {  	s5 =	sor.u32 @p0 s6, s5  }
0x23: {  	[sflag:s5] =	ssyncadd.remote.s32 @p0 $0x1;
	_ =	sdelay $0x1  }
0x24: {  	s5 =	simm.s32 @p0 $0x1B8D  }
0x25: {  	_ =	swait.eq @p0 [sflag:s5], $0x1  }
0x26: {  	[sflag:s5] =	ssyncadd.s32 @p0 $0xFFFFFFFF  }
0x27: {  	s6 =	sshll.u32 @!p0 s1, $0xE  }
0x28: {  	s6 =	sor.u32 @!p0 $0x4000, s6;
	s5 =	simm.s32 @!p0 $0x1B8D  }
0x29: {  	s4 =	sshll.u32 @!p0 s4, $0x11;
	s6 =	sadd.s32 @!p0 $0x11B8D, s6;
	_ =	swait.eq @!p0 [sflag:s5], $0x1  }
0x2a: {  	s4 =	sor.u32 @!p0 s4, s6;
	[sflag:s5] =	ssyncadd.s32 @!p0 $0xFFFFFFFF  }
0x2b: {  	s26 =	simm.s32 $0x1B8E;
	s25 =	sld [smem:$0x3FFE];
	[sflag:s4] =	ssyncadd.remote.s32 @!p0 $0x1  }
0x2c: {  	s27 =	simm.s32 $execute0_lowered;
	[smem:$0x3FD2] =	sst s26  }
0x2d: {  	s5 =	sshll.u32 s27, $0x1;
	_ =	strace $0x8000004F;
	[dreg:$0x1] =	wrdreg $0xFFFFFFFF  }
0x2e: {  	s28 =	simm.s32 $_size_execute0_lowered;
	s3 =	sadd.s32 s3, s5;
	[dreg:$0x0] =	wrdreg $0x0  }
0x2f: {  	s5 =	sshll.u32 s28, $0x1;
	[dreg:$0x2] =	wrdreg s3  }
0x30: {  	[dreg:$0x3] =	wrdreg s5  }
0x31: {  	[dreg:$0x4] =	wrdreg $0xC0  }
0x32: {  	_ =	task [dreg:s23], $0x5FFFF  }
0x33: {  	[dreg:$0x1] =	wrdreg $0xFFFFFFFF  }
0x34: {  	[dreg:$0x0] =	wrdreg $0x60  }
0x35: {  	[dreg:$0x2] =	wrdreg s25  }
0x36: {  	[dreg:$0x3] =	wrdreg $0xA  }
0x37: {  	_ =	task.clear_ibuf [dreg:s23], $0x4FFFF;
	_ =	strace $0x9000004F  }
0x38: {  	s29 =	simm.s32 $0xA;
	_ =	strace $0x80000051  }
0x39: {  	_ =	swait.ge [sflag:s29], $0x1  }
0x3a: {  	[sflag:s29] =	ssyncadd.s32 $0xFFFFFFFF  }
0x3b: {  	_ =	strace $0x90000051  }
0x3c: {  	_ =	sfence  }
0x3d: {  	s30 =	sld [smem:$0x0];
	_ =	sdelay $0x2  }
0x3e: {  	s31 =	sshll.u32 s1, $0xD;
	s1 =	sshrl.u32 s1, $0x2  }
0x3f: {  	s4 =	sand.u32 $0x4000, s31;
	s1 =	sadd.s32 s1, s30  }
0x40: {  	s0 =	sor.u32 s4, s0;
	s1 =	sshll.u32 s1, $0x11  }
0x41: {  	s0 =	sor.u32 s1, s0  }
0x42: {  	s0 =	sadd.s32 $0x8F2B, s0  }
0x43: {  	[sflag:s0] =	ssyncadd.remote.s32 $0x1  }
0x44: {  	_ =	sfence.sel $0xFFFF  }
0x45: {  	[dreg:$0x0] =	wrdreg $0xFFFFFFFF;
	(pc) =	sbr.abs _section_cstart, $3  }
0x46: {  	[dreg:$0x1] =	wrdreg $0xFFFFFFFF  }
0x47: {  	_ =	task.clear_ibuf [dreg:s23], $0x2FFFF;
	_ =	strace $0x9FFFFFFF  }
0x48: {  	(tm) =	ssettm $0x7FFFFFFF  }
0x49: {  	_ =	shalt  }
tec
execute0_lowered:
.L_overlay_start_1:
0x0: {  	(tag) =	ssettag $0x1  }
0x1: {  	s1 =	rddreg [dreg:$0x0]  }
0x2: {  	s0 =	rddreg [dreg:$0x1];
	_ =	strace $0x80000050  }
0x3: {  	s4 =	srdreg.scid;
	s6 =	simm.s32 $0x2;
	s11 =	simm.s32 $0x0  }
0x4: {  	p0 =	por $0x0, $0x0;
	s7 =	simm.s32 $0x8000;
	s12 =	simm.s32 $0x0  }
.Ltmp0:
0x5: {  	s9 =	simm.s32 $0x0;
	s8 =	simm.s32 $0x0;
	(pc) =	sbr.rel .LBB1_1-.Ltmp0, $4  }
0x6: {  	s2 =	sadd.s32 $0x50AE00, s1;
	s3 =	sadd.s32 $0x60AE00, s1;
	s5 =	sshll.u32 s4, $0x4  }
0x7: {  	s1 =	stileid.u32;
	s4 =	simm.s32 $0x1;
	s5 =	sand.u32 $0x10, s5  }
0x8: {  	s18 =	simm.s32 $0x0;
	[sflag:s4] =	ssyncpa.u1 $0x0;
	s5 =	sor.u32 s1, s5  }
0x9: {  	[sflag:s6] =	ssyncpa.u1 $0x0;
	s6 =	simm.s32 $0x800;
	s10 =	smov.u32 s5  }
.LBB1_7:
0xa: {  	s13 =	sadd.s32 $0x8, s9  }
0xb: {  	s11 =	sadd.s32 $0x20, s10;
	s15 =	smov.u32 s10;
	p2 =	sgt.s32 s13, $0x7F  }
0xc: {  	p1 =	slt.u32 s8, $0x2;
	s15 =	smov.u32 @p2 s11  }
0xd: {  	s8 =	sadd.s32 $0x1, s8;
	s13 =	simm.s32 @p2 $0x0;
	p2 =	sgt.s32 s15, $0x1F  }
0xe: {  	s15 =	smov.u32 @p2 s5;
	p2 =	sne.s32 s8, $0x12  }
.Ltmp1:
0xf: {  	_ = 	snop;
	(pc) =	sbr.rel @!p2 .LBB1_8-.Ltmp1, $4  }
0x10: {  	s14 =	simm.s32 @!p1 $0x2  }
0x11: {  	s12 =	smov.u32 s10;
	_ =	swait.ge @!p1 [sflag:s14], $0x4000  }
0x12: {  	p0 =	por !p0, !p0;
	s11 =	smov.u32 s9;
	[sflag:s14] =	ssyncset.done @!p1 $0x0  }
0x13: {  	s9 =	smov.u32 s13;
	[sflag:s14] =	ssyncadd.s32 @!p1 $0xFFFFC000;
	s10 =	smov.u32 s15  }
.LBB1_1:
0x14: {  	p1 =	sgt.u32 s8, $0xF  }
0x15: {  	s13 =	sxor.u32 @!p1 $0xFFFFFFFF, s8;
	s14 =	sshll.u32 @!p1 s10, $0xF  }
0x16: {  	s15 =	sshll.u32 @!p1 s9, $0x8;
	s13 =	sshll.u32 @!p1 s13, $0xE;
	s14 =	sadd.s32 @!p1 s2, s14  }
0x17: {  	s13 =	sand.u32 @!p1 $0x4000, s13;
	s14 =	sadd.s32 @!p1 s15, s14;
	s15 =	simm.s32 @!p1 $0x0  }
0x18: {  	[tilespmem:s13], [sflag:$0x1] =	stream.linear.gather @!p1 [hbm4b:s14+s15], $0x4000, $0x38;
	[tilespmem:$0x10000] =	vst v63  }
0x19: {  	p1 =	seq.s32 s8, $0x0  }
0x1a: {  	p2 =	seq.s32 @!p1 s8, $0x11  }
0x1b: {  	p1 =	por p1, p2  }
.Ltmp2:
0x1c: {  	_ = 	snop;
	(pc) =	sbr.rel @p1 .LBB1_7-.Ltmp2, $1  }
0x1d: {  	_ =	sdelay $0x3  }
0x1e: {  	s13 =	simm.s32 $0x1  }
0x1f: {  	_ =	swait.ge [sflag:s4], $0x4000;
	s31 =	sshll.u32 s8, $0xE;
	p1 =	por $0x0, $0x0  }
0x20: {  	s19 =	simm.s32 $0x0;
	s20 =	simm.s32 $0x0;
	s13 =	simm.s32 @!p0 $0x0  }
0x21: {  	[sflag:s4] =	ssyncset.done $0x0;
	s16 =	sand.u32 $0x4000, s31;
	s13 =	sshll.u32 s13, $0x10  }
0x22: {  	[sflag:s4] =	ssyncadd.s32 $0xFFFFC000;
	s17 =	sshrl.u32 s13, $0x2;
	s13 =	sor.u32 $0x8000, s16  }
0x23: {  	s14 =	sor.u32 $0x40, s17;
	s15 =	sor.u32 $0x8410, s17;
	s17 =	sadd.s32 $0x8400, s17  }
.LBB1_3:
0x24: {  	v1 =	vld [tilespmem:s14+$0xFFFFFFD0]  }
0x25: {  	v2 =	vld [tilespmem:s14+$0x430]  }
0x26: {  	s21 =	sshll.u32 s20, $0xB;
	v4 =	vld [tilespmem:s14+$0xFFFFFFE0]  }
0x27: {  	v7 =	vld [tilespmem:s14+$0xFFFFFFF0];
	v0 =	vmov s21  }
0x28: {  	v8 =	vld [tilespmem:s14+$0x0]  }
0x29: {  	s30 =	sand.u32 $0x300, s18;
	v9 =	vld [tilespmem:s14+$0x10]  }
0x2a: {  	s22 =	sand.u32 $0x80, s18;
	v10 =	vld [tilespmem:s14+$0x20];
	s21 =	sadd.s32 s30, s16  }
0x2b: {  	v11 =	vld [tilespmem:s14+$0x30];
	s21 =	sadd.s32 s22, s21;
	s22 =	simm.s32 $0x1;
	[tilespmem:s15+$0x60] =	vst v2  }
0x2c: {  	s31 =	sshll.u32 s19, $0x2;
	s22 =	simm.s32 @!p1 $0x0;
	[tilespmem:s15+$0xFFFFFC00] =	vst v1;
	v3 =	vld.idx.msk [tilespmem:v0+s21+$0x400 ss:$0x1], $0xffff  }
0x2d: {  	v6 =	vld [tilespmem:s14+$0x3D0];
	s22 =	sshll.u32 s22, $0x9;
	[tilespmem:s15+$0xFFFFFC10] =	vst v4;
	s21 =	sand.u32 $0xFFFFFC00, s31  }
0x2e: {  	v5 =	vld [tilespmem:s14+$0x3E0];
	[tilespmem:s15+$0xFFFFFC20] =	vst v7;
	s21 =	sor.u32 s22, s21  }
0x2f: {  	[tilespmem:s15+$0xFFFFFC30] =	vst v8;
	v4 =	vld [tilespmem:s14+$0x400];
	s21 =	sshrl.u32 s21, $0x2  }
0x30: {  	[tilespmem:s15+$0xFFFFFC40] =	vst v9;
	v1 =	vld [tilespmem:s14+$0x410];
	s21 =	sadd.s32 s21, s17  }
0x31: {  	[tilespmem:s21+$0x0] =	vst v3;
	v3 =	vld [tilespmem:s14+$0x3F0]  }
0x32: {  	s25 =	simm.s32 $0x80;
	s24 =	simm.s32 $0x100;
	[tilespmem:s15+$0xFFFFFC50] =	vst v10;
	v2 =	vld [tilespmem:s14+$0x420]  }
0x33: {  	s23 =	smov.u32 s15;
	s26 =	sand.u32 $0x300, s25;
	v7 =	vld [tilespmem:s14+$0xFFFFFFC0];
	[tilespmem:s15+$0xFFFFFC60] =	vst v11;
	s22 =	sadd.s32 $0x80, s14  }
.LBB1_4:
0x34: {  	p2 =	sne.s32 s24, $0x380;
	v8 =	vld [tilespmem:s22+$0xFFFFFFD0];
	s25 =	sand.u32 $0x80, s25;
	s26 =	sadd.s32 s26, s16;
	[tilespmem:s23+$0x0] =	vst v6  }
0x35: {  	s26 =	sadd.s32 s25, s26;
	v6 =	vld [tilespmem:s22+$0x430];
	[tilespmem:s23+$0x10] =	vst v5;
	s25 =	smov.u32 s24  }
0x36: {  	v5 =	vld.idx.msk [tilespmem:v0+s26+$0x400 ss:$0x1], $0xffff;
	[tilespmem:s23+$0x20] =	vst v3  }
0x37: {  	v3 =	vld [tilespmem:s22+$0xFFFFFFE0];
	[tilespmem:s23+$0x30] =	vst v4  }
0x38: {  	v4 =	vld [tilespmem:s22+$0xFFFFFFF0];
	[tilespmem:s23+$0xFFFFFBF0] =	vst v7  }
0x39: {  	v7 =	vld [tilespmem:s22+$0x0];
	[tilespmem:s23+$0x40] =	vst v1  }
0x3a: {  	v1 =	vld [tilespmem:s22+$0x10];
	[tilespmem:s23+$0x50] =	vst v2;
	s23 =	sadd.s32 $0x800, s23  }
0x3b: {  	s21 =	sadd.s32 $0x800, s21;
	v2 =	vld [tilespmem:s22+$0x20];
	[tilespmem:s23+$0x60] =	vst v6  }
0x3c: {  	v9 =	vld [tilespmem:s22+$0x30];
	[tilespmem:s21+$0x0] =	vst v5  }
0x3d: {  	[tilespmem:s23+$0xFFFFFC00] =	vst v8;
	v6 =	vld [tilespmem:s22+$0x3D0]  }
0x3e: {  	[tilespmem:s23+$0xFFFFFC10] =	vst v3;
	v5 =	vld [tilespmem:s22+$0x3E0]  }
.Ltmp3:
0x3f: {  	[tilespmem:s23+$0xFFFFFC20] =	vst v4;
	v3 =	vld [tilespmem:s22+$0x3F0];
	(pc) =	sbr.rel @p2 .LBB1_4-.Ltmp3, $4  }
0x40: {  	[tilespmem:s23+$0xFFFFFC30] =	vst v7;
	v4 =	vld [tilespmem:s22+$0x400]  }
0x41: {  	[tilespmem:s23+$0xFFFFFC40] =	vst v1;
	v1 =	vld [tilespmem:s22+$0x410]  }
0x42: {  	[tilespmem:s23+$0xFFFFFC50] =	vst v2;
	v2 =	vld [tilespmem:s22+$0x420]  }
0x43: {  	s24 =	sadd.s32 $0x80, s24;
	s26 =	sand.u32 $0x300, s25;
	v7 =	vld [tilespmem:s22+$0xFFFFFFC0];
	[tilespmem:s23+$0xFFFFFC60] =	vst v9;
	s22 =	sadd.s32 $0x80, s22  }
0x44: {  	[tilespmem:s23+$0x0] =	vst v6  }
0x45: {  	[tilespmem:s23+$0x10] =	vst v5  }
0x46: {  	v49 =	vld [tilespmem:s22+$0x430];
	[tilespmem:s23+$0x20] =	vst v3  }
0x47: {  	v50 =	vld [tilespmem:s22+$0xFFFFFFD0];
	[tilespmem:s23+$0x30] =	vst v4  }
0x48: {  	v51 =	vld [tilespmem:s22+$0xFFFFFFE0];
	[tilespmem:s23+$0x40] =	vst v1  }
0x49: {  	v52 =	vld [tilespmem:s22+$0xFFFFFFF0];
	[tilespmem:s23+$0x50] =	vst v2  }
0x4a: {  	s31 =	sadd.s32 $0x800, s23;
	v53 =	vld [tilespmem:s22+$0x0];
	[tilespmem:s23+$0xFFFFFBF0] =	vst v7  }
0x4b: {  	v54 =	vld [tilespmem:s22+$0x10];
	[tilespmem:s31+$0x60] =	vst v49  }
0x4c: {  	v55 =	vld [tilespmem:s22+$0x20];
	[tilespmem:s31+$0xFFFFFC00] =	vst v50  }
0x4d: {  	v56 =	vld [tilespmem:s22+$0x30];
	[tilespmem:s31+$0xFFFFFC10] =	vst v51  }
0x4e: {  	v57 =	vld [tilespmem:s22+$0x3D0];
	[tilespmem:s31+$0xFFFFFC20] =	vst v52  }
0x4f: {  	v58 =	vld [tilespmem:s22+$0x3E0];
	[tilespmem:s31+$0xFFFFFC30] =	vst v53  }
0x50: {  	v59 =	vld [tilespmem:s22+$0x3F0];
	[tilespmem:s31+$0xFFFFFC40] =	vst v54  }
0x51: {  	v60 =	vld [tilespmem:s22+$0x400];
	[tilespmem:s31+$0xFFFFFC50] =	vst v55  }
0x52: {  	v61 =	vld [tilespmem:s22+$0xFFFFFFC0];
	[tilespmem:s31+$0xFFFFFC60] =	vst v56  }
0x53: {  	s24 =	sand.u32 $0x80, s25;
	s30 =	sadd.s32 s26, s16;
	v62 =	vld [tilespmem:s22+$0x410];
	[tilespmem:s31+$0x0] =	vst v57  }
0x54: {  	v63 =	vld [tilespmem:s22+$0x420];
	s20 =	sadd.s32 $0x1, s20;
	s24 =	sadd.s32 s24, s30;
	[tilespmem:s31+$0x10] =	vst v58  }
0x55: {  	p2 =	sne.s32 s20, $0x8;
	v0 =	vld.idx.msk [tilespmem:v0+s24+$0x400 ss:$0x1], $0xffff;
	[tilespmem:s31+$0x20] =	vst v59  }
.Ltmp4:
0x56: {  	[tilespmem:s31+$0x30] =	vst v60;
	(pc) =	sbr.rel @p2 .LBB1_3-.Ltmp4, $4  }
0x57: {  	[tilespmem:s31+$0xFFFFFBF0] =	vst v61  }
0x58: {  	[tilespmem:s31+$0x40] =	vst v62  }
0x59: {  	s21 =	sadd.s32 $0x800, s21;
	s14 =	sadd.s32 $0x800, s14;
	[tilespmem:s31+$0x50] =	vst v63  }
0x5a: {  	s19 =	sadd.s32 $0x80, s19;
	p1 =	por !p1, !p1;
	s15 =	sadd.s32 $0x80, s15;
	[tilespmem:s21+$0x0] =	vst v0  }
0x5b: {  	s14 =	sshll.u32 s11, $0x8;
	s31 =	sshll.u32 s11, $0x7  }
.Ltmp5:
0x5c: {  	s14 =	sand.u32 $0x7800, s14;
	s11 =	sand.u32 $0x380, s31;
	(pc) =	sbr.rel .LBB1_7-.Ltmp5, $4  }
0x5d: {  	s12 =	sshll.u32 s12, $0xF;
	s11 =	sor.u32 s11, s14  }
0x5e: {  	s12 =	sadd.s32 s3, s12;
	s11 =	sshrl.u32 s11, $0x3  }
0x5f: {  	s11 =	sadd.s32 s11, s12  }
0x60: {  	[hbm4b:s11+s6] =	stream.strided.scatter [tilespmem:s13], [sflag:$0x2], $0x4000, s7, s6, $0x38;
	[tilespmem:$0x10000] =	vst v63  }
.LBB1_8:
0x61: {  	_ =	sfence.sel $0x180000  }
0x62: {  	s2 =	simm.s32 $0x1;
	[bflag:$0x0] =	sbarrier.arrive $0xFFFF  }
0x63: {  	s31 =	simm.s32 $0x2;
	[sflag:s2] =	ssyncpa.u1 $0x1  }
0x64: {  	[sflag:s31] =	ssyncpa.u1 $0x1  }
0x65: {  	p0 =	sne.s32 s1, $0x0;
	_ =	strace $0x90000050  }
0x66: {  	s0 =	sadd.s32 @!p0 $0x100000, s0;
	[bflag:$0x2] =	sbarrier.arrive $0xFFFF  }
0x67: {  	[sflag:s0] =	ssyncadd.tile.s32 @!p0 $0x1;
	_ =	shalt  }
.Lfunc_end1:
_tile_overlayer_lowered:
.L_overlay_start_2:
0x68: {  	(tag) =	ssettag $0x2  }
0x69: {  	s0 =	rddreg [dreg:$0x0];
	s2 =	stileid.u32  }
0x6a: {  	s1 =	rddreg [dreg:$0x1];
	p0 =	sne.s32 s2, $0x0  }
0x6b: {  	s3 =	rddreg [dreg:$0x2];
	[bflag:$0x3] =	sbarrier.arrive $0xFFFF;
	s2 =	simm.s32 @!p0 $0x1C01  }
0x6c: {  	[timem:s3], [sflag:s2] =	dma.local @!p0 [hbm:s0], s1  }
0x6d: {  	s0 =	simm.s32 @!p0 $0x1  }
0x6e: {  	_ =	swait.ge @!p0 [sflag:s0], s1  }
0x6f: {  	s1 =	ssub.s32 @!p0 $0x0, s1;
	[sflag:s0] =	ssyncset.done @!p0 $0x0  }
0x70: {  	[sflag:s0] =	ssyncadd.s32 @!p0 s1  }
0x71: {  	[bflag:$0x3] =	sbarrier.arrive $0xFFFF  }
0x72: {  	_ =	shalt  }

// kernel: sparse-core-data-format-call.2.cloned.1.call-start
scs
called_computation.2_lowered:
.L_overlay_start_0:
0x0: {  	s2 =	sld [smem:$0x3FD9]  }
0x1: {  	s3 =	sld [smem:$0x3FFE];
	_ =	sdelay $0x1  }
0x2: {  	s1 =	srdreg.scid  }
0x3: {  	s0 =	sand.u32 $0x1, s1  }
0x4: {  	s18 =	sshll.u32 s0, $0xA;
	s2 =	sadd.s32 s3, s2  }
0x5: {  	s2 =	sadd.s32 s2, s18  }
0x6: {  	[smem:$0x3FC5] =	sst s2  }
0x7: {  	_ = 	snop  }
0x8: {  	(tm) =	ssettm $0x1  }
0x9: {  	s19 =	sld [smem:$0x3FFB];
	_ =	sdelay $0x3  }
0xa: {  	_ =	strace s19  }
0xb: {  	s2 =	sld [smem:$0x3FFC];
	_ =	sdelay $0x3  }
0xc: {  	_ =	strace s2  }
0xd: {  	s2 =	sld [smem:$0x3FFD];
	_ =	sdelay $0x3  }
0xe: {  	_ =	strace s2  }
0xf: {  	_ =	strace $0x8FFFFFFF  }
0x10: {  	s20 =	sld [smem:$0x3FDB];
	_ =	sdelay $0x1  }
0x11: {  	s21 =	simm.s32 $_scs_section_size  }
0x12: {  	s4 =	simm.s32 $_size__tile_overlayer_lowered;
	s5 =	simm.s32 $_tile_overlayer_lowered  }
0x13: {  	s6 =	simm.s32 $0x1BFF;
	s22 =	sshll.u32 s5, $0x1;
	s3 =	sadd.s32 s21, s20  }
0x14: {  	s23 =	simm.s32 $0x0;
	s4 =	sshll.u32 s4, $0x1;
	s5 =	sadd.s32 s22, s3  }
0x15: {  	[timem:s23], [sflag:s6] =	dma.local [hbm:s5], s4  }
0x16: {  	_ =	swait.ge [sflag:s6], s4  }
0x17: {  	s4 =	ssub.s32 $0x0, s4;
	[sflag:s6] =	ssyncset.done $0x0  }
0x18: {  	[sflag:s6] =	ssyncadd.s32 s4;
	_ =	sdelay $0x1  }
0x19: {  	s24 =	simm.s32 $0x1B8B  }
0x1a: {  	_ =	swait.ge [sflag:s24], $0x1  }
0x1b: {  	[sflag:s24] =	ssyncset.done $0x0  }
0x1c: {  	[sflag:s24] =	ssyncadd.s32 $0xFFFFFFFF  }
0x1d: {  	s4 =	sld [smem:$0x0]  }
0x1e: {  	s5 =	sand.u32 $0xFFFFFFFE, s1  }
0x1f: {  	p0 =	sne.s32 s1, s5  }
0x20: {  	s5 =	sshll.u32 @p0 s5, $0xE  }
0x21: {  	s5 =	sadd.s32 @p0 $0x11B8D, s5;
	s6 =	sshll.u32 @p0 s4, $0x11  }
0x22: {  	s5 =	sor.u32 @p0 s6, s5  }
0x23: {  	[sflag:s5] =	ssyncadd.remote.s32 @p0 $0x1;
	_ =	sdelay $0x1  }
0x24: {  	s5 =	simm.s32 @p0 $0x1B8D  }
0x25: {  	_ =	swait.eq @p0 [sflag:s5], $0x1  }
0x26: {  	[sflag:s5] =	ssyncadd.s32 @p0 $0xFFFFFFFF  }
0x27: {  	s6 =	sshll.u32 @!p0 s1, $0xE  }
0x28: {  	s6 =	sor.u32 @!p0 $0x4000, s6;
	s5 =	simm.s32 @!p0 $0x1B8D  }
0x29: {  	s4 =	sshll.u32 @!p0 s4, $0x11;
	s6 =	sadd.s32 @!p0 $0x11B8D, s6;
	_ =	swait.eq @!p0 [sflag:s5], $0x1  }
0x2a: {  	s4 =	sor.u32 @!p0 s4, s6;
	[sflag:s5] =	ssyncadd.s32 @!p0 $0xFFFFFFFF  }
0x2b: {  	s26 =	simm.s32 $0x1B8E;
	s25 =	sld [smem:$0x3FFE];
	[sflag:s4] =	ssyncadd.remote.s32 @!p0 $0x1  }
0x2c: {  	s27 =	simm.s32 $execute0_lowered;
	[smem:$0x3FD2] =	sst s26  }
0x2d: {  	s5 =	sshll.u32 s27, $0x1;
	_ =	strace $0x80000049;
	[dreg:$0x1] =	wrdreg $0xFFFFFFFF  }
0x2e: {  	s28 =	simm.s32 $_size_execute0_lowered;
	s3 =	sadd.s32 s3, s5;
	[dreg:$0x0] =	wrdreg $0x0  }
0x2f: {  	s5 =	sshll.u32 s28, $0x1;
	[dreg:$0x2] =	wrdreg s3  }
0x30: {  	[dreg:$0x3] =	wrdreg s5  }
0x31: {  	[dreg:$0x4] =	wrdreg $0xC0  }
0x32: {  	_ =	task [dreg:s23], $0x5FFFF  }
0x33: {  	[dreg:$0x1] =	wrdreg $0xFFFFFFFF  }
0x34: {  	[dreg:$0x0] =	wrdreg $0x60  }
0x35: {  	[dreg:$0x2] =	wrdreg s25  }
0x36: {  	[dreg:$0x3] =	wrdreg $0xB  }
0x37: {  	_ =	task.clear_ibuf [dreg:s23], $0x4FFFF;
	_ =	strace $0x90000049  }
0x38: {  	s29 =	simm.s32 $0xB;
	_ =	strace $0x8000004B  }
0x39: {  	_ =	swait.ge [sflag:s29], $0x1  }
0x3a: {  	[sflag:s29] =	ssyncadd.s32 $0xFFFFFFFF  }
0x3b: {  	_ =	strace $0x9000004B  }
0x3c: {  	_ =	sfence  }
0x3d: {  	s30 =	sld [smem:$0x0];
	_ =	sdelay $0x2  }
0x3e: {  	s31 =	sshll.u32 s1, $0xD;
	s1 =	sshrl.u32 s1, $0x2  }
0x3f: {  	s4 =	sand.u32 $0x4000, s31;
	s1 =	sadd.s32 s1, s30  }
0x40: {  	s0 =	sor.u32 s4, s0;
	s1 =	sshll.u32 s1, $0x11  }
0x41: {  	s0 =	sor.u32 s1, s0  }
0x42: {  	s0 =	sadd.s32 $0x8F2B, s0  }
0x43: {  	[sflag:s0] =	ssyncadd.remote.s32 $0x1  }
0x44: {  	_ =	sfence.sel $0xFFFF  }
0x45: {  	[dreg:$0x0] =	wrdreg $0xFFFFFFFF;
	(pc) =	sbr.abs _section_cstart, $3  }
0x46: {  	[dreg:$0x1] =	wrdreg $0xFFFFFFFF  }
0x47: {  	_ =	task.clear_ibuf [dreg:s23], $0x2FFFF;
	_ =	strace $0x9FFFFFFF  }
0x48: {  	(tm) =	ssettm $0x7FFFFFFF  }
0x49: {  	_ =	shalt  }
tec
execute0_lowered:
.L_overlay_start_1:
0x0: {  	(tag) =	ssettag $0x1  }
0x1: {  	s1 =	rddreg [dreg:$0x0]  }
0x2: {  	s0 =	rddreg [dreg:$0x1];
	_ =	strace $0x8000004A  }
0x3: {  	s4 =	srdreg.scid;
	s6 =	simm.s32 $0x2;
	s11 =	simm.s32 $0x0  }
0x4: {  	p0 =	por $0x0, $0x0;
	s7 =	simm.s32 $0x8000;
	s12 =	simm.s32 $0x0  }
.Ltmp0:
0x5: {  	s9 =	simm.s32 $0x0;
	s8 =	simm.s32 $0x0;
	(pc) =	sbr.rel .LBB1_1-.Ltmp0, $4  }
0x6: {  	s2 =	sadd.s32 $0x102E00, s1;
	s3 =	sadd.s32 $0x20AE00, s1;
	s5 =	sshll.u32 s4, $0x4  }
0x7: {  	s1 =	stileid.u32;
	s4 =	simm.s32 $0x1;
	s5 =	sand.u32 $0x10, s5  }
0x8: {  	s18 =	simm.s32 $0x0;
	[sflag:s4] =	ssyncpa.u1 $0x0;
	s5 =	sor.u32 s1, s5  }
0x9: {  	[sflag:s6] =	ssyncpa.u1 $0x0;
	s6 =	simm.s32 $0x800;
	s10 =	smov.u32 s5  }
.LBB1_7:
0xa: {  	s13 =	sadd.s32 $0x8, s9  }
0xb: {  	s11 =	sadd.s32 $0x20, s10;
	s15 =	smov.u32 s10;
	p2 =	sgt.s32 s13, $0x7F  }
0xc: {  	p1 =	slt.u32 s8, $0x2;
	s15 =	smov.u32 @p2 s11  }
0xd: {  	s8 =	sadd.s32 $0x1, s8;
	s13 =	simm.s32 @p2 $0x0;
	p2 =	sgt.s32 s15, $0x1F  }
0xe: {  	s15 =	smov.u32 @p2 s5;
	p2 =	sne.s32 s8, $0x12  }
.Ltmp1:
0xf: {  	_ = 	snop;
	(pc) =	sbr.rel @!p2 .LBB1_8-.Ltmp1, $4  }
0x10: {  	s14 =	simm.s32 @!p1 $0x2  }
0x11: {  	s12 =	smov.u32 s10;
	_ =	swait.ge @!p1 [sflag:s14], $0x4000  }
0x12: {  	p0 =	por !p0, !p0;
	s11 =	smov.u32 s9;
	[sflag:s14] =	ssyncset.done @!p1 $0x0  }
0x13: {  	s9 =	smov.u32 s13;
	[sflag:s14] =	ssyncadd.s32 @!p1 $0xFFFFC000;
	s10 =	smov.u32 s15  }
.LBB1_1:
0x14: {  	p1 =	sgt.u32 s8, $0xF  }
0x15: {  	s13 =	sxor.u32 @!p1 $0xFFFFFFFF, s8;
	s14 =	sshll.u32 @!p1 s10, $0xF  }
0x16: {  	s15 =	sshll.u32 @!p1 s9, $0x8;
	s13 =	sshll.u32 @!p1 s13, $0xE;
	s14 =	sadd.s32 @!p1 s2, s14  }
0x17: {  	s13 =	sand.u32 @!p1 $0x4000, s13;
	s14 =	sadd.s32 @!p1 s15, s14;
	s15 =	simm.s32 @!p1 $0x0  }
0x18: {  	[tilespmem:s13], [sflag:$0x1] =	stream.linear.gather @!p1 [hbm4b:s14+s15], $0x4000, $0x38;
	[tilespmem:$0x10000] =	vst v63  }
0x19: {  	p1 =	seq.s32 s8, $0x0  }
0x1a: {  	p2 =	seq.s32 @!p1 s8, $0x11  }
0x1b: {  	p1 =	por p1, p2  }
.Ltmp2:
0x1c: {  	_ = 	snop;
	(pc) =	sbr.rel @p1 .LBB1_7-.Ltmp2, $1  }
0x1d: {  	_ =	sdelay $0x3  }
0x1e: {  	s13 =	simm.s32 $0x1  }
0x1f: {  	_ =	swait.ge [sflag:s4], $0x4000;
	s31 =	sshll.u32 s8, $0xE;
	p1 =	por $0x0, $0x0  }
0x20: {  	s19 =	simm.s32 $0x0;
	s20 =	simm.s32 $0x0;
	s13 =	simm.s32 @!p0 $0x0  }
0x21: {  	[sflag:s4] =	ssyncset.done $0x0;
	s16 =	sand.u32 $0x4000, s31;
	s13 =	sshll.u32 s13, $0x10  }
0x22: {  	[sflag:s4] =	ssyncadd.s32 $0xFFFFC000;
	s17 =	sshrl.u32 s13, $0x2;
	s13 =	sor.u32 $0x8000, s16  }
0x23: {  	s14 =	sor.u32 $0x40, s17;
	s15 =	sor.u32 $0x8410, s17;
	s17 =	sadd.s32 $0x8400, s17  }
.LBB1_3:
0x24: {  	v1 =	vld [tilespmem:s14+$0xFFFFFFD0]  }
0x25: {  	v2 =	vld [tilespmem:s14+$0x430]  }
0x26: {  	s21 =	sshll.u32 s20, $0xB;
	v4 =	vld [tilespmem:s14+$0xFFFFFFE0]  }
0x27: {  	v7 =	vld [tilespmem:s14+$0xFFFFFFF0];
	v0 =	vmov s21  }
0x28: {  	v8 =	vld [tilespmem:s14+$0x0]  }
0x29: {  	s30 =	sand.u32 $0x300, s18;
	v9 =	vld [tilespmem:s14+$0x10]  }
0x2a: {  	s22 =	sand.u32 $0x80, s18;
	v10 =	vld [tilespmem:s14+$0x20];
	s21 =	sadd.s32 s30, s16  }
0x2b: {  	v11 =	vld [tilespmem:s14+$0x30];
	s21 =	sadd.s32 s22, s21;
	s22 =	simm.s32 $0x1;
	[tilespmem:s15+$0x60] =	vst v2  }
0x2c: {  	s31 =	sshll.u32 s19, $0x2;
	s22 =	simm.s32 @!p1 $0x0;
	[tilespmem:s15+$0xFFFFFC00] =	vst v1;
	v3 =	vld.idx.msk [tilespmem:v0+s21+$0x400 ss:$0x1], $0xffff  }
0x2d: {  	v6 =	vld [tilespmem:s14+$0x3D0];
	s22 =	sshll.u32 s22, $0x9;
	[tilespmem:s15+$0xFFFFFC10] =	vst v4;
	s21 =	sand.u32 $0xFFFFFC00, s31  }
0x2e: {  	v5 =	vld [tilespmem:s14+$0x3E0];
	[tilespmem:s15+$0xFFFFFC20] =	vst v7;
	s21 =	sor.u32 s22, s21  }
0x2f: {  	[tilespmem:s15+$0xFFFFFC30] =	vst v8;
	v4 =	vld [tilespmem:s14+$0x400];
	s21 =	sshrl.u32 s21, $0x2  }
0x30: {  	[tilespmem:s15+$0xFFFFFC40] =	vst v9;
	v1 =	vld [tilespmem:s14+$0x410];
	s21 =	sadd.s32 s21, s17  }
0x31: {  	[tilespmem:s21+$0x0] =	vst v3;
	v3 =	vld [tilespmem:s14+$0x3F0]  }
0x32: {  	s25 =	simm.s32 $0x80;
	s24 =	simm.s32 $0x100;
	[tilespmem:s15+$0xFFFFFC50] =	vst v10;
	v2 =	vld [tilespmem:s14+$0x420]  }
0x33: {  	s23 =	smov.u32 s15;
	s26 =	sand.u32 $0x300, s25;
	v7 =	vld [tilespmem:s14+$0xFFFFFFC0];
	[tilespmem:s15+$0xFFFFFC60] =	vst v11;
	s22 =	sadd.s32 $0x80, s14  }
.LBB1_4:
0x34: {  	p2 =	sne.s32 s24, $0x380;
	v8 =	vld [tilespmem:s22+$0xFFFFFFD0];
	s25 =	sand.u32 $0x80, s25;
	s26 =	sadd.s32 s26, s16;
	[tilespmem:s23+$0x0] =	vst v6  }
0x35: {  	s26 =	sadd.s32 s25, s26;
	v6 =	vld [tilespmem:s22+$0x430];
	[tilespmem:s23+$0x10] =	vst v5;
	s25 =	smov.u32 s24  }
0x36: {  	v5 =	vld.idx.msk [tilespmem:v0+s26+$0x400 ss:$0x1], $0xffff;
	[tilespmem:s23+$0x20] =	vst v3  }
0x37: {  	v3 =	vld [tilespmem:s22+$0xFFFFFFE0];
	[tilespmem:s23+$0x30] =	vst v4  }
0x38: {  	v4 =	vld [tilespmem:s22+$0xFFFFFFF0];
	[tilespmem:s23+$0xFFFFFBF0] =	vst v7  }
0x39: {  	v7 =	vld [tilespmem:s22+$0x0];
	[tilespmem:s23+$0x40] =	vst v1  }
0x3a: {  	v1 =	vld [tilespmem:s22+$0x10];
	[tilespmem:s23+$0x50] =	vst v2;
	s23 =	sadd.s32 $0x800, s23  }
0x3b: {  	s21 =	sadd.s32 $0x800, s21;
	v2 =	vld [tilespmem:s22+$0x20];
	[tilespmem:s23+$0x60] =	vst v6  }
0x3c: {  	v9 =	vld [tilespmem:s22+$0x30];
	[tilespmem:s21+$0x0] =	vst v5  }
0x3d: {  	[tilespmem:s23+$0xFFFFFC00] =	vst v8;
	v6 =	vld [tilespmem:s22+$0x3D0]  }
0x3e: {  	[tilespmem:s23+$0xFFFFFC10] =	vst v3;
	v5 =	vld [tilespmem:s22+$0x3E0]  }
.Ltmp3:
0x3f: {  	[tilespmem:s23+$0xFFFFFC20] =	vst v4;
	v3 =	vld [tilespmem:s22+$0x3F0];
	(pc) =	sbr.rel @p2 .LBB1_4-.Ltmp3, $4  }
0x40: {  	[tilespmem:s23+$0xFFFFFC30] =	vst v7;
	v4 =	vld [tilespmem:s22+$0x400]  }
0x41: {  	[tilespmem:s23+$0xFFFFFC40] =	vst v1;
	v1 =	vld [tilespmem:s22+$0x410]  }
0x42: {  	[tilespmem:s23+$0xFFFFFC50] =	vst v2;
	v2 =	vld [tilespmem:s22+$0x420]  }
0x43: {  	s24 =	sadd.s32 $0x80, s24;
	s26 =	sand.u32 $0x300, s25;
	v7 =	vld [tilespmem:s22+$0xFFFFFFC0];
	[tilespmem:s23+$0xFFFFFC60] =	vst v9;
	s22 =	sadd.s32 $0x80, s22  }
0x44: {  	[tilespmem:s23+$0x0] =	vst v6  }
0x45: {  	[tilespmem:s23+$0x10] =	vst v5  }
0x46: {  	v49 =	vld [tilespmem:s22+$0x430];
	[tilespmem:s23+$0x20] =	vst v3  }
0x47: {  	v50 =	vld [tilespmem:s22+$0xFFFFFFD0];
	[tilespmem:s23+$0x30] =	vst v4  }
0x48: {  	v51 =	vld [tilespmem:s22+$0xFFFFFFE0];
	[tilespmem:s23+$0x40] =	vst v1  }
0x49: {  	v52 =	vld [tilespmem:s22+$0xFFFFFFF0];
	[tilespmem:s23+$0x50] =	vst v2  }
0x4a: {  	s31 =	sadd.s32 $0x800, s23;
	v53 =	vld [tilespmem:s22+$0x0];
	[tilespmem:s23+$0xFFFFFBF0] =	vst v7  }
0x4b: {  	v54 =	vld [tilespmem:s22+$0x10];
	[tilespmem:s31+$0x60] =	vst v49  }
0x4c: {  	v55 =	vld [tilespmem:s22+$0x20];
	[tilespmem:s31+$0xFFFFFC00] =	vst v50  }
0x4d: {  	v56 =	vld [tilespmem:s22+$0x30];
	[tilespmem:s31+$0xFFFFFC10] =	vst v51  }
0x4e: {  	v57 =	vld [tilespmem:s22+$0x3D0];
	[tilespmem:s31+$0xFFFFFC20] =	vst v52  }
0x4f: {  	v58 =	vld [tilespmem:s22+$0x3E0];
	[tilespmem:s31+$0xFFFFFC30] =	vst v53  }
0x50: {  	v59 =	vld [tilespmem:s22+$0x3F0];
	[tilespmem:s31+$0xFFFFFC40] =	vst v54  }
0x51: {  	v60 =	vld [tilespmem:s22+$0x400];
	[tilespmem:s31+$0xFFFFFC50] =	vst v55  }
0x52: {  	v61 =	vld [tilespmem:s22+$0xFFFFFFC0];
	[tilespmem:s31+$0xFFFFFC60] =	vst v56  }
0x53: {  	s24 =	sand.u32 $0x80, s25;
	s30 =	sadd.s32 s26, s16;
	v62 =	vld [tilespmem:s22+$0x410];
	[tilespmem:s31+$0x0] =	vst v57  }
0x54: {  	v63 =	vld [tilespmem:s22+$0x420];
	s20 =	sadd.s32 $0x1, s20;
	s24 =	sadd.s32 s24, s30;
	[tilespmem:s31+$0x10] =	vst v58  }
0x55: {  	p2 =	sne.s32 s20, $0x8;
	v0 =	vld.idx.msk [tilespmem:v0+s24+$0x400 ss:$0x1], $0xffff;
	[tilespmem:s31+$0x20] =	vst v59  }
.Ltmp4:
0x56: {  	[tilespmem:s31+$0x30] =	vst v60;
	(pc) =	sbr.rel @p2 .LBB1_3-.Ltmp4, $4  }
0x57: {  	[tilespmem:s31+$0xFFFFFBF0] =	vst v61  }
0x58: {  	[tilespmem:s31+$0x40] =	vst v62  }
0x59: {  	s21 =	sadd.s32 $0x800, s21;
	s14 =	sadd.s32 $0x800, s14;
	[tilespmem:s31+$0x50] =	vst v63  }
0x5a: {  	s19 =	sadd.s32 $0x80, s19;
	p1 =	por !p1, !p1;
	s15 =	sadd.s32 $0x80, s15;
	[tilespmem:s21+$0x0] =	vst v0  }
0x5b: {  	s14 =	sshll.u32 s11, $0x8;
	s31 =	sshll.u32 s11, $0x7  }
.Ltmp5:
0x5c: {  	s14 =	sand.u32 $0x7800, s14;
	s11 =	sand.u32 $0x380, s31;
	(pc) =	sbr.rel .LBB1_7-.Ltmp5, $4  }
0x5d: {  	s12 =	sshll.u32 s12, $0xF;
	s11 =	sor.u32 s11, s14  }
0x5e: {  	s12 =	sadd.s32 s3, s12;
	s11 =	sshrl.u32 s11, $0x3  }
0x5f: {  	s11 =	sadd.s32 s11, s12  }
0x60: {  	[hbm4b:s11+s6] =	stream.strided.scatter [tilespmem:s13], [sflag:$0x2], $0x4000, s7, s6, $0x38;
	[tilespmem:$0x10000] =	vst v63  }
.LBB1_8:
0x61: {  	_ =	sfence.sel $0x180000  }
0x62: {  	s2 =	simm.s32 $0x1;
	[bflag:$0x0] =	sbarrier.arrive $0xFFFF  }
0x63: {  	s31 =	simm.s32 $0x2;
	[sflag:s2] =	ssyncpa.u1 $0x1  }
0x64: {  	[sflag:s31] =	ssyncpa.u1 $0x1  }
0x65: {  	p0 =	sne.s32 s1, $0x0;
	_ =	strace $0x9000004A  }
0x66: {  	s0 =	sadd.s32 @!p0 $0x100000, s0;
	[bflag:$0x2] =	sbarrier.arrive $0xFFFF  }
0x67: {  	[sflag:s0] =	ssyncadd.tile.s32 @!p0 $0x1;
	_ =	shalt  }
.Lfunc_end1:
_tile_overlayer_lowered:
.L_overlay_start_2:
0x68: {  	(tag) =	ssettag $0x2  }
0x69: {  	s0 =	rddreg [dreg:$0x0];
	s2 =	stileid.u32  }
0x6a: {  	s1 =	rddreg [dreg:$0x1];
	p0 =	sne.s32 s2, $0x0  }
0x6b: {  	s3 =	rddreg [dreg:$0x2];
	[bflag:$0x3] =	sbarrier.arrive $0xFFFF;
	s2 =	simm.s32 @!p0 $0x1C01  }
0x6c: {  	[timem:s3], [sflag:s2] =	dma.local @!p0 [hbm:s0], s1  }
0x6d: {  	s0 =	simm.s32 @!p0 $0x1  }
0x6e: {  	_ =	swait.ge @!p0 [sflag:s0], s1  }
0x6f: {  	s1 =	ssub.s32 @!p0 $0x0, s1;
	[sflag:s0] =	ssyncset.done @!p0 $0x0  }
0x70: {  	[sflag:s0] =	ssyncadd.s32 @!p0 s1  }
0x71: {  	[bflag:$0x3] =	sbarrier.arrive $0xFFFF  }
0x72: {  	_ =	shalt  }

// kernel: sparse-core-data-format-call.3.cloned.1.call-start
scs
called_computation.3_lowered:
.L_overlay_start_0:
0x0: {  	s2 =	sld [smem:$0x3FD9]  }
0x1: {  	s3 =	sld [smem:$0x3FFE];
	_ =	sdelay $0x1  }
0x2: {  	s1 =	srdreg.scid  }
0x3: {  	s0 =	sand.u32 $0x1, s1  }
0x4: {  	s15 =	sshll.u32 s0, $0xA;
	s2 =	sadd.s32 s3, s2  }
0x5: {  	s2 =	sadd.s32 s2, s15  }
0x6: {  	[smem:$0x3FC5] =	sst s2  }
0x7: {  	_ = 	snop  }
0x8: {  	s2 =	sld [smem:$0x3FD0];
	_ =	sdelay $0x2  }
0x9: {  	s16 =	simm.s32 $0xD;
	s4 =	simm.s32 $0x10  }
0xa: {  	[smem:s4], [sflag:s16] =	dma.local [hbm:s2], $0x1  }
0xb: {  	_ =	swait.eq [sflag:s16], $0x1  }
0xc: {  	[sflag:s16] =	ssyncset.done $0x0  }
0xd: {  	[sflag:s16] =	ssyncadd.s32 $0xFFFFFFFF  }
0xe: {  	s17 =	sld [smem:$0x12];
	(tm) =	ssettm $0x1  }
0xf: {  	s18 =	sld [smem:$0x3FFB];
	_ =	sdelay $0x3  }
0x10: {  	_ =	strace s18  }
0x11: {  	s3 =	sld [smem:$0x3FFC];
	_ =	sdelay $0x3  }
0x12: {  	_ =	strace s3  }
0x13: {  	s3 =	sld [smem:$0x3FFD];
	_ =	sdelay $0x3  }
0x14: {  	_ =	strace s3  }
0x15: {  	_ =	strace $0x8FFFFFFF  }
0x16: {  	s19 =	sld [smem:$0x3FDB];
	_ =	sdelay $0x1  }
0x17: {  	s20 =	simm.s32 $_scs_section_size  }
0x18: {  	s5 =	simm.s32 $_size__tile_overlayer_lowered;
	s6 =	simm.s32 $_tile_overlayer_lowered  }
0x19: {  	s23 =	simm.s32 $0x1BFF;
	s22 =	sshll.u32 s6, $0x1;
	s3 =	sadd.s32 s20, s19  }
0x1a: {  	s7 =	simm.s32 $0x0;
	s21 =	sshll.u32 s5, $0x1;
	s5 =	sadd.s32 s22, s3  }
0x1b: {  	[timem:s7], [sflag:s23] =	dma.local [hbm:s5], s21  }
0x1c: {  	_ =	swait.ge [sflag:s23], s21  }
0x1d: {  	s4 =	ssub.s32 $0x0, s21;
	[sflag:s23] =	ssyncset.done $0x0  }
0x1e: {  	[sflag:s23] =	ssyncadd.s32 s4;
	_ =	sdelay $0x1  }
0x1f: {  	s24 =	simm.s32 $0x1B8B  }
0x20: {  	_ =	swait.ge [sflag:s24], $0x1  }
0x21: {  	[sflag:s24] =	ssyncset.done $0x0  }
0x22: {  	s26 =	simm.s32 $0x1B8E;
	s25 =	sld [smem:$0x3FFE];
	[sflag:s24] =	ssyncadd.s32 $0xFFFFFFFF  }
0x23: {  	s27 =	simm.s32 $execute0_lowered;
	[smem:$0x3FD2] =	sst s26  }
0x24: {  	s5 =	sshll.u32 s27, $0x1;
	_ =	strace $0x80000046;
	[dreg:$0x1] =	wrdreg $0xFFFFFFFF  }
0x25: {  	s28 =	simm.s32 $_size_execute0_lowered;
	s3 =	sadd.s32 s3, s5;
	[dreg:$0x0] =	wrdreg $0x0  }
0x26: {  	s5 =	sshll.u32 s28, $0x1;
	[dreg:$0x2] =	wrdreg s3  }
0x27: {  	[dreg:$0x3] =	wrdreg s5  }
0x28: {  	[dreg:$0x4] =	wrdreg $0xC0  }
0x29: {  	_ =	task [dreg:s7], $0x5FFFF  }
0x2a: {  	[dreg:$0x1] =	wrdreg $0xFFFFFFFF  }
0x2b: {  	[dreg:$0x0] =	wrdreg $0x60  }
0x2c: {  	[dreg:$0x2] =	wrdreg s17  }
0x2d: {  	[dreg:$0x3] =	wrdreg s25  }
0x2e: {  	[dreg:$0x4] =	wrdreg $0xC  }
0x2f: {  	_ =	task.clear_ibuf [dreg:s7], $0x5FFFF;
	_ =	strace $0x90000046  }
0x30: {  	s29 =	simm.s32 $0xC;
	_ =	strace $0x80000048  }
0x31: {  	_ =	swait.ge [sflag:s29], $0x1  }
0x32: {  	[sflag:s29] =	ssyncadd.s32 $0xFFFFFFFF  }
0x33: {  	_ =	strace $0x90000048  }
0x34: {  	_ =	sfence  }
0x35: {  	s30 =	sld [smem:$0x0];
	_ =	sdelay $0x2  }
0x36: {  	s31 =	sshll.u32 s1, $0xD;
	s1 =	sshrl.u32 s1, $0x2  }
0x37: {  	s3 =	sand.u32 $0x4000, s31;
	s1 =	sadd.s32 s1, s30  }
0x38: {  	s0 =	sor.u32 s3, s0;
	s1 =	sshll.u32 s1, $0x11  }
0x39: {  	s0 =	sor.u32 s1, s0  }
0x3a: {  	s0 =	sadd.s32 $0x8F2B, s0  }
0x3b: {  	[sflag:s0] =	ssyncadd.remote.s32 $0x1  }
0x3c: {  	_ =	sfence.sel $0xFFFF  }
0x3d: {  	[dreg:$0x0] =	wrdreg $0xFFFFFFFF;
	(pc) =	sbr.abs _section_cstart, $3  }
0x3e: {  	[dreg:$0x1] =	wrdreg $0xFFFFFFFF  }
0x3f: {  	_ =	task.clear_ibuf [dreg:s7], $0x2FFFF;
	_ =	strace $0x9FFFFFFF  }
0x40: {  	(tm) =	ssettm $0x7FFFFFFF  }
0x41: {  	_ =	shalt  }
tec
execute0_lowered:
.L_overlay_start_1:
0x0: {  	(tag) =	ssettag $0x1  }
0x1: {  	s2 =	rddreg [dreg:$0x0]  }
0x2: {  	s1 =	rddreg [dreg:$0x1]  }
0x3: {  	s0 =	rddreg [dreg:$0x2]  }
0x4: {  	_ =	strace $0x80000047;
	s4 =	srdreg.scid;
	s6 =	simm.s32 $0x2  }
0x5: {  	s11 =	simm.s32 $0x0;
	p0 =	por $0x0, $0x0;
	s7 =	simm.s32 $0x8000  }
.Ltmp0:
0x6: {  	s12 =	simm.s32 $0x0;
	s9 =	simm.s32 $0x0;
	(pc) =	sbr.rel .LBB1_1-.Ltmp0, $4  }
0x7: {  	s8 =	simm.s32 $0x0;
	s3 =	sadd.s32 $0x2E00, s1;
	s5 =	sshll.u32 s4, $0x4  }
0x8: {  	s1 =	stileid.u32;
	s4 =	simm.s32 $0x1;
	s5 =	sand.u32 $0x10, s5  }
0x9: {  	s18 =	simm.s32 $0x0;
	[sflag:s4] =	ssyncpa.u1 $0x0;
	s5 =	sor.u32 s1, s5  }
0xa: {  	[sflag:s6] =	ssyncpa.u1 $0x0;
	s6 =	simm.s32 $0x800;
	s10 =	smov.u32 s5  }
.LBB1_7:
0xb: {  	s13 =	sadd.s32 $0x8, s9  }
0xc: {  	s11 =	sadd.s32 $0x20, s10;
	s15 =	smov.u32 s10;
	p2 =	sgt.s32 s13, $0x7F  }
0xd: {  	p1 =	slt.u32 s8, $0x2;
	s15 =	smov.u32 @p2 s11  }
0xe: {  	s8 =	sadd.s32 $0x1, s8;
	s13 =	simm.s32 @p2 $0x0;
	p2 =	sgt.s32 s15, $0x1F  }
0xf: {  	s15 =	smov.u32 @p2 s5;
	p2 =	sne.s32 s8, $0x12  }
.Ltmp1:
0x10: {  	_ = 	snop;
	(pc) =	sbr.rel @!p2 .LBB1_8-.Ltmp1, $4  }
0x11: {  	s14 =	simm.s32 @!p1 $0x2  }
0x12: {  	s12 =	smov.u32 s10;
	_ =	swait.ge @!p1 [sflag:s14], $0x4000  }
0x13: {  	p0 =	por !p0, !p0;
	s11 =	smov.u32 s9;
	[sflag:s14] =	ssyncset.done @!p1 $0x0  }
0x14: {  	s9 =	smov.u32 s13;
	[sflag:s14] =	ssyncadd.s32 @!p1 $0xFFFFC000;
	s10 =	smov.u32 s15  }
.LBB1_1:
0x15: {  	p1 =	sgt.u32 s8, $0xF  }
0x16: {  	s13 =	sxor.u32 @!p1 $0xFFFFFFFF, s8;
	s14 =	sshll.u32 @!p1 s10, $0xF  }
0x17: {  	s15 =	sshll.u32 @!p1 s9, $0x8;
	s13 =	sshll.u32 @!p1 s13, $0xE;
	s14 =	sadd.s32 @!p1 s2, s14  }
0x18: {  	s13 =	sand.u32 @!p1 $0x4000, s13;
	s14 =	sadd.s32 @!p1 s15, s14;
	s15 =	simm.s32 @!p1 $0x0  }
0x19: {  	[tilespmem:s13], [sflag:$0x1] =	stream.linear.gather @!p1 [hbm4b:s14+s15], $0x4000, $0x38;
	[tilespmem:$0x10000] =	vst v63  }
0x1a: {  	p1 =	seq.s32 s8, $0x0  }
0x1b: {  	p2 =	seq.s32 @!p1 s8, $0x11  }
0x1c: {  	p1 =	por p1, p2  }
.Ltmp2:
0x1d: {  	_ = 	snop;
	(pc) =	sbr.rel @p1 .LBB1_7-.Ltmp2, $1  }
0x1e: {  	_ =	sdelay $0x3  }
0x1f: {  	s13 =	simm.s32 $0x1  }
0x20: {  	_ =	swait.ge [sflag:s4], $0x4000;
	s31 =	sshll.u32 s8, $0xE;
	p1 =	por $0x0, $0x0  }
0x21: {  	s19 =	simm.s32 $0x0;
	s20 =	simm.s32 $0x0;
	s13 =	simm.s32 @!p0 $0x0  }
0x22: {  	[sflag:s4] =	ssyncset.done $0x0;
	s16 =	sand.u32 $0x4000, s31;
	s13 =	sshll.u32 s13, $0x10  }
0x23: {  	[sflag:s4] =	ssyncadd.s32 $0xFFFFC000;
	s17 =	sshrl.u32 s13, $0x2;
	s13 =	sor.u32 $0x8000, s16  }
0x24: {  	s14 =	sor.u32 $0x40, s17;
	s15 =	sor.u32 $0x8410, s17;
	s17 =	sadd.s32 $0x8400, s17  }
.LBB1_3:
0x25: {  	v1 =	vld [tilespmem:s14+$0xFFFFFFD0]  }
0x26: {  	v2 =	vld [tilespmem:s14+$0x430]  }
0x27: {  	s21 =	sshll.u32 s20, $0xB;
	v4 =	vld [tilespmem:s14+$0xFFFFFFE0]  }
0x28: {  	v7 =	vld [tilespmem:s14+$0xFFFFFFF0];
	v0 =	vmov s21  }
0x29: {  	v8 =	vld [tilespmem:s14+$0x0]  }
0x2a: {  	s30 =	sand.u32 $0x300, s18;
	v9 =	vld [tilespmem:s14+$0x10]  }
0x2b: {  	s22 =	sand.u32 $0x80, s18;
	v10 =	vld [tilespmem:s14+$0x20];
	s21 =	sadd.s32 s30, s16  }
0x2c: {  	v11 =	vld [tilespmem:s14+$0x30];
	s21 =	sadd.s32 s22, s21;
	s22 =	simm.s32 $0x1;
	[tilespmem:s15+$0x60] =	vst v2  }
0x2d: {  	s31 =	sshll.u32 s19, $0x2;
	s22 =	simm.s32 @!p1 $0x0;
	[tilespmem:s15+$0xFFFFFC00] =	vst v1;
	v3 =	vld.idx.msk [tilespmem:v0+s21+$0x400 ss:$0x1], $0xffff  }
0x2e: {  	v6 =	vld [tilespmem:s14+$0x3D0];
	s22 =	sshll.u32 s22, $0x9;
	[tilespmem:s15+$0xFFFFFC10] =	vst v4;
	s21 =	sand.u32 $0xFFFFFC00, s31  }
0x2f: {  	v5 =	vld [tilespmem:s14+$0x3E0];
	[tilespmem:s15+$0xFFFFFC20] =	vst v7;
	s21 =	sor.u32 s22, s21  }
0x30: {  	[tilespmem:s15+$0xFFFFFC30] =	vst v8;
	v4 =	vld [tilespmem:s14+$0x400];
	s21 =	sshrl.u32 s21, $0x2  }
0x31: {  	[tilespmem:s15+$0xFFFFFC40] =	vst v9;
	v1 =	vld [tilespmem:s14+$0x410];
	s21 =	sadd.s32 s21, s17  }
0x32: {  	[tilespmem:s21+$0x0] =	vst v3;
	v3 =	vld [tilespmem:s14+$0x3F0]  }
0x33: {  	s25 =	simm.s32 $0x80;
	s24 =	simm.s32 $0x100;
	[tilespmem:s15+$0xFFFFFC50] =	vst v10;
	v2 =	vld [tilespmem:s14+$0x420]  }
0x34: {  	s23 =	smov.u32 s15;
	s26 =	sand.u32 $0x300, s25;
	v7 =	vld [tilespmem:s14+$0xFFFFFFC0];
	[tilespmem:s15+$0xFFFFFC60] =	vst v11;
	s22 =	sadd.s32 $0x80, s14  }
.LBB1_4:
0x35: {  	p2 =	sne.s32 s24, $0x380;
	v8 =	vld [tilespmem:s22+$0xFFFFFFD0];
	s25 =	sand.u32 $0x80, s25;
	s26 =	sadd.s32 s26, s16;
	[tilespmem:s23+$0x0] =	vst v6  }
0x36: {  	s26 =	sadd.s32 s25, s26;
	v6 =	vld [tilespmem:s22+$0x430];
	[tilespmem:s23+$0x10] =	vst v5;
	s25 =	smov.u32 s24  }
0x37: {  	v5 =	vld.idx.msk [tilespmem:v0+s26+$0x400 ss:$0x1], $0xffff;
	[tilespmem:s23+$0x20] =	vst v3  }
0x38: {  	v3 =	vld [tilespmem:s22+$0xFFFFFFE0];
	[tilespmem:s23+$0x30] =	vst v4  }
0x39: {  	v4 =	vld [tilespmem:s22+$0xFFFFFFF0];
	[tilespmem:s23+$0xFFFFFBF0] =	vst v7  }
0x3a: {  	v7 =	vld [tilespmem:s22+$0x0];
	[tilespmem:s23+$0x40] =	vst v1  }
0x3b: {  	v1 =	vld [tilespmem:s22+$0x10];
	[tilespmem:s23+$0x50] =	vst v2;
	s23 =	sadd.s32 $0x800, s23  }
0x3c: {  	s21 =	sadd.s32 $0x800, s21;
	v2 =	vld [tilespmem:s22+$0x20];
	[tilespmem:s23+$0x60] =	vst v6  }
0x3d: {  	v9 =	vld [tilespmem:s22+$0x30];
	[tilespmem:s21+$0x0] =	vst v5  }
0x3e: {  	[tilespmem:s23+$0xFFFFFC00] =	vst v8;
	v6 =	vld [tilespmem:s22+$0x3D0]  }
0x3f: {  	[tilespmem:s23+$0xFFFFFC10] =	vst v3;
	v5 =	vld [tilespmem:s22+$0x3E0]  }
.Ltmp3:
0x40: {  	[tilespmem:s23+$0xFFFFFC20] =	vst v4;
	v3 =	vld [tilespmem:s22+$0x3F0];
	(pc) =	sbr.rel @p2 .LBB1_4-.Ltmp3, $4  }
0x41: {  	[tilespmem:s23+$0xFFFFFC30] =	vst v7;
	v4 =	vld [tilespmem:s22+$0x400]  }
0x42: {  	[tilespmem:s23+$0xFFFFFC40] =	vst v1;
	v1 =	vld [tilespmem:s22+$0x410]  }
0x43: {  	[tilespmem:s23+$0xFFFFFC50] =	vst v2;
	v2 =	vld [tilespmem:s22+$0x420]  }
0x44: {  	s24 =	sadd.s32 $0x80, s24;
	s26 =	sand.u32 $0x300, s25;
	v7 =	vld [tilespmem:s22+$0xFFFFFFC0];
	[tilespmem:s23+$0xFFFFFC60] =	vst v9;
	s22 =	sadd.s32 $0x80, s22  }
0x45: {  	[tilespmem:s23+$0x0] =	vst v6  }
0x46: {  	[tilespmem:s23+$0x10] =	vst v5  }
0x47: {  	v49 =	vld [tilespmem:s22+$0x430];
	[tilespmem:s23+$0x20] =	vst v3  }
0x48: {  	v50 =	vld [tilespmem:s22+$0xFFFFFFD0];
	[tilespmem:s23+$0x30] =	vst v4  }
0x49: {  	v51 =	vld [tilespmem:s22+$0xFFFFFFE0];
	[tilespmem:s23+$0x40] =	vst v1  }
0x4a: {  	v52 =	vld [tilespmem:s22+$0xFFFFFFF0];
	[tilespmem:s23+$0x50] =	vst v2  }
0x4b: {  	s31 =	sadd.s32 $0x800, s23;
	v53 =	vld [tilespmem:s22+$0x0];
	[tilespmem:s23+$0xFFFFFBF0] =	vst v7  }
0x4c: {  	v54 =	vld [tilespmem:s22+$0x10];
	[tilespmem:s31+$0x60] =	vst v49  }
0x4d: {  	v55 =	vld [tilespmem:s22+$0x20];
	[tilespmem:s31+$0xFFFFFC00] =	vst v50  }
0x4e: {  	v56 =	vld [tilespmem:s22+$0x30];
	[tilespmem:s31+$0xFFFFFC10] =	vst v51  }
0x4f: {  	v57 =	vld [tilespmem:s22+$0x3D0];
	[tilespmem:s31+$0xFFFFFC20] =	vst v52  }
0x50: {  	v58 =	vld [tilespmem:s22+$0x3E0];
	[tilespmem:s31+$0xFFFFFC30] =	vst v53  }
0x51: {  	v59 =	vld [tilespmem:s22+$0x3F0];
	[tilespmem:s31+$0xFFFFFC40] =	vst v54  }
0x52: {  	v60 =	vld [tilespmem:s22+$0x400];
	[tilespmem:s31+$0xFFFFFC50] =	vst v55  }
0x53: {  	v61 =	vld [tilespmem:s22+$0xFFFFFFC0];
	[tilespmem:s31+$0xFFFFFC60] =	vst v56  }
0x54: {  	s24 =	sand.u32 $0x80, s25;
	s30 =	sadd.s32 s26, s16;
	v62 =	vld [tilespmem:s22+$0x410];
	[tilespmem:s31+$0x0] =	vst v57  }
0x55: {  	v63 =	vld [tilespmem:s22+$0x420];
	s20 =	sadd.s32 $0x1, s20;
	s24 =	sadd.s32 s24, s30;
	[tilespmem:s31+$0x10] =	vst v58  }
0x56: {  	p2 =	sne.s32 s20, $0x8;
	v0 =	vld.idx.msk [tilespmem:v0+s24+$0x400 ss:$0x1], $0xffff;
	[tilespmem:s31+$0x20] =	vst v59  }
.Ltmp4:
0x57: {  	[tilespmem:s31+$0x30] =	vst v60;
	(pc) =	sbr.rel @p2 .LBB1_3-.Ltmp4, $4  }
0x58: {  	[tilespmem:s31+$0xFFFFFBF0] =	vst v61  }
0x59: {  	[tilespmem:s31+$0x40] =	vst v62  }
0x5a: {  	s21 =	sadd.s32 $0x800, s21;
	s14 =	sadd.s32 $0x800, s14;
	[tilespmem:s31+$0x50] =	vst v63  }
0x5b: {  	s19 =	sadd.s32 $0x80, s19;
	p1 =	por !p1, !p1;
	s15 =	sadd.s32 $0x80, s15;
	[tilespmem:s21+$0x0] =	vst v0  }
0x5c: {  	s14 =	sshll.u32 s11, $0x8;
	s31 =	sshll.u32 s11, $0x7  }
.Ltmp5:
0x5d: {  	s14 =	sand.u32 $0x7800, s14;
	s11 =	sand.u32 $0x380, s31;
	(pc) =	sbr.rel .LBB1_7-.Ltmp5, $4  }
0x5e: {  	s12 =	sshll.u32 s12, $0xF;
	s11 =	sor.u32 s11, s14  }
0x5f: {  	s12 =	sadd.s32 s3, s12;
	s11 =	sshrl.u32 s11, $0x3  }
0x60: {  	s11 =	sadd.s32 s11, s12  }
0x61: {  	[hbm4b:s11+s6] =	stream.strided.scatter [tilespmem:s13], [sflag:$0x2], $0x4000, s7, s6, $0x38;
	[tilespmem:$0x10000] =	vst v63  }
.LBB1_8:
0x62: {  	_ =	sfence.sel $0x180000  }
0x63: {  	s2 =	simm.s32 $0x1;
	[bflag:$0x0] =	sbarrier.arrive $0xFFFF  }
0x64: {  	s31 =	simm.s32 $0x2;
	[sflag:s2] =	ssyncpa.u1 $0x1  }
0x65: {  	[sflag:s31] =	ssyncpa.u1 $0x1  }
0x66: {  	p0 =	sne.s32 s1, $0x0;
	_ =	strace $0x90000047  }
0x67: {  	s0 =	sadd.s32 @!p0 $0x100000, s0;
	[bflag:$0x2] =	sbarrier.arrive $0xFFFF  }
0x68: {  	[sflag:s0] =	ssyncadd.tile.s32 @!p0 $0x1;
	_ =	shalt  }
.Lfunc_end1:
_tile_overlayer_lowered:
.L_overlay_start_2:
0x69: {  	(tag) =	ssettag $0x2  }
0x6a: {  	s0 =	rddreg [dreg:$0x0];
	s2 =	stileid.u32  }
0x6b: {  	s1 =	rddreg [dreg:$0x1];
	p0 =	sne.s32 s2, $0x0  }
0x6c: {  	s3 =	rddreg [dreg:$0x2];
	[bflag:$0x3] =	sbarrier.arrive $0xFFFF;
	s2 =	simm.s32 @!p0 $0x1C01  }
0x6d: {  	[timem:s3], [sflag:s2] =	dma.local @!p0 [hbm:s0], s1  }
0x6e: {  	s0 =	simm.s32 @!p0 $0x1  }
0x6f: {  	_ =	swait.ge @!p0 [sflag:s0], s1  }
0x70: {  	s1 =	ssub.s32 @!p0 $0x0, s1;
	[sflag:s0] =	ssyncset.done @!p0 $0x0  }
0x71: {  	[sflag:s0] =	ssyncadd.s32 @!p0 s1  }
0x72: {  	[bflag:$0x3] =	sbarrier.arrive $0xFFFF  }
0x73: {  	_ =	shalt  }

// kernel: sparse-core-data-format-call.cloned.1.call-start
scs
called_computation_lowered:
.L_overlay_start_0:
0x0: {  	s2 =	sld [smem:$0x3FD9]  }
0x1: {  	s3 =	sld [smem:$0x3FFE];
	_ =	sdelay $0x1  }
0x2: {  	s1 =	srdreg.scid  }
0x3: {  	s0 =	sand.u32 $0x1, s1  }
0x4: {  	s18 =	sshll.u32 s0, $0xA;
	s2 =	sadd.s32 s3, s2  }
0x5: {  	s2 =	sadd.s32 s2, s18  }
0x6: {  	[smem:$0x3FC5] =	sst s2  }
0x7: {  	_ = 	snop  }
0x8: {  	(tm) =	ssettm $0x1  }
0x9: {  	s19 =	sld [smem:$0x3FFB];
	_ =	sdelay $0x3  }
0xa: {  	_ =	strace s19  }
0xb: {  	s2 =	sld [smem:$0x3FFC];
	_ =	sdelay $0x3  }
0xc: {  	_ =	strace s2  }
0xd: {  	s2 =	sld [smem:$0x3FFD];
	_ =	sdelay $0x3  }
0xe: {  	_ =	strace s2  }
0xf: {  	_ =	strace $0x8FFFFFFF  }
0x10: {  	s20 =	sld [smem:$0x3FDB];
	_ =	sdelay $0x1  }
0x11: {  	s21 =	simm.s32 $_scs_section_size  }
0x12: {  	s4 =	simm.s32 $_size__tile_overlayer_lowered;
	s5 =	simm.s32 $_tile_overlayer_lowered  }
0x13: {  	s6 =	simm.s32 $0x1BFF;
	s22 =	sshll.u32 s5, $0x1;
	s3 =	sadd.s32 s21, s20  }
0x14: {  	s23 =	simm.s32 $0x0;
	s4 =	sshll.u32 s4, $0x1;
	s5 =	sadd.s32 s22, s3  }
0x15: {  	[timem:s23], [sflag:s6] =	dma.local [hbm:s5], s4  }
0x16: {  	_ =	swait.ge [sflag:s6], s4  }
0x17: {  	s4 =	ssub.s32 $0x0, s4;
	[sflag:s6] =	ssyncset.done $0x0  }
0x18: {  	[sflag:s6] =	ssyncadd.s32 s4;
	_ =	sdelay $0x1  }
0x19: {  	s24 =	simm.s32 $0x1B8B  }
0x1a: {  	_ =	swait.ge [sflag:s24], $0x1  }
0x1b: {  	[sflag:s24] =	ssyncset.done $0x0  }
0x1c: {  	[sflag:s24] =	ssyncadd.s32 $0xFFFFFFFF  }
0x1d: {  	s4 =	sld [smem:$0x0]  }
0x1e: {  	s5 =	sand.u32 $0xFFFFFFFE, s1  }
0x1f: {  	p0 =	sne.s32 s1, s5  }
0x20: {  	s5 =	sshll.u32 @p0 s5, $0xE  }
0x21: {  	s5 =	sadd.s32 @p0 $0x11B8D, s5;
	s6 =	sshll.u32 @p0 s4, $0x11  }
0x22: {  	s5 =	sor.u32 @p0 s6, s5  }
0x23: {  	[sflag:s5] =	ssyncadd.remote.s32 @p0 $0x1;
	_ =	sdelay $0x1  }
0x24: {  	s5 =	simm.s32 @p0 $0x1B8D  }
0x25: {  	_ =	swait.eq @p0 [sflag:s5], $0x1  }
0x26: {  	[sflag:s5] =	ssyncadd.s32 @p0 $0xFFFFFFFF  }
0x27: {  	s6 =	sshll.u32 @!p0 s1, $0xE  }
0x28: {  	s6 =	sor.u32 @!p0 $0x4000, s6;
	s5 =	simm.s32 @!p0 $0x1B8D  }
0x29: {  	s4 =	sshll.u32 @!p0 s4, $0x11;
	s6 =	sadd.s32 @!p0 $0x11B8D, s6;
	_ =	swait.eq @!p0 [sflag:s5], $0x1  }
0x2a: {  	s4 =	sor.u32 @!p0 s4, s6;
	[sflag:s5] =	ssyncadd.s32 @!p0 $0xFFFFFFFF  }
0x2b: {  	s26 =	simm.s32 $0x1B8E;
	s25 =	sld [smem:$0x3FFE];
	[sflag:s4] =	ssyncadd.remote.s32 @!p0 $0x1  }
0x2c: {  	s27 =	simm.s32 $execute0_lowered;
	[smem:$0x3FD2] =	sst s26  }
0x2d: {  	s5 =	sshll.u32 s27, $0x1;
	_ =	strace $0x8000004C;
	[dreg:$0x1] =	wrdreg $0xFFFFFFFF  }
0x2e: {  	s28 =	simm.s32 $_size_execute0_lowered;
	s3 =	sadd.s32 s3, s5;
	[dreg:$0x0] =	wrdreg $0x0  }
0x2f: {  	s5 =	sshll.u32 s28, $0x1;
	[dreg:$0x2] =	wrdreg s3  }
0x30: {  	[dreg:$0x3] =	wrdreg s5  }
0x31: {  	[dreg:$0x4] =	wrdreg $0xC0  }
0x32: {  	_ =	task [dreg:s23], $0x5FFFF  }
0x33: {  	[dreg:$0x1] =	wrdreg $0xFFFFFFFF  }
0x34: {  	[dreg:$0x0] =	wrdreg $0x60  }
0x35: {  	[dreg:$0x2] =	wrdreg s25  }
0x36: {  	[dreg:$0x3] =	wrdreg $0x9  }
0x37: {  	_ =	task.clear_ibuf [dreg:s23], $0x4FFFF;
	_ =	strace $0x9000004C  }
0x38: {  	s29 =	simm.s32 $0x9;
	_ =	strace $0x8000004E  }
0x39: {  	_ =	swait.ge [sflag:s29], $0x1  }
0x3a: {  	[sflag:s29] =	ssyncadd.s32 $0xFFFFFFFF  }
0x3b: {  	_ =	strace $0x9000004E  }
0x3c: {  	_ =	sfence  }
0x3d: {  	s30 =	sld [smem:$0x0];
	_ =	sdelay $0x2  }
0x3e: {  	s31 =	sshll.u32 s1, $0xD;
	s1 =	sshrl.u32 s1, $0x2  }
0x3f: {  	s4 =	sand.u32 $0x4000, s31;
	s1 =	sadd.s32 s1, s30  }
0x40: {  	s0 =	sor.u32 s4, s0;
	s1 =	sshll.u32 s1, $0x11  }
0x41: {  	s0 =	sor.u32 s1, s0  }
0x42: {  	s0 =	sadd.s32 $0x8F2B, s0  }
0x43: {  	[sflag:s0] =	ssyncadd.remote.s32 $0x1  }
0x44: {  	_ =	sfence.sel $0xFFFF  }
0x45: {  	[dreg:$0x0] =	wrdreg $0xFFFFFFFF;
	(pc) =	sbr.abs _section_cstart, $3  }
0x46: {  	[dreg:$0x1] =	wrdreg $0xFFFFFFFF  }
0x47: {  	_ =	task.clear_ibuf [dreg:s23], $0x2FFFF;
	_ =	strace $0x9FFFFFFF  }
0x48: {  	(tm) =	ssettm $0x7FFFFFFF  }
0x49: {  	_ =	shalt  }
tec
execute0_lowered:
.L_overlay_start_1:
0x0: {  	(tag) =	ssettag $0x1  }
0x1: {  	s1 =	rddreg [dreg:$0x0]  }
0x2: {  	s0 =	rddreg [dreg:$0x1];
	_ =	strace $0x8000004D  }
0x3: {  	s4 =	srdreg.scid;
	s6 =	simm.s32 $0x2;
	s11 =	simm.s32 $0x0  }
0x4: {  	p0 =	por $0x0, $0x0;
	s7 =	simm.s32 $0x8000;
	s12 =	simm.s32 $0x0  }
.Ltmp0:
0x5: {  	s9 =	simm.s32 $0x0;
	s8 =	simm.s32 $0x0;
	(pc) =	sbr.rel .LBB1_1-.Ltmp0, $4  }
0x6: {  	s2 =	sadd.s32 $0x30AE00, s1;
	s3 =	sadd.s32 $0x40AE00, s1;
	s5 =	sshll.u32 s4, $0x4  }
0x7: {  	s1 =	stileid.u32;
	s4 =	simm.s32 $0x1;
	s5 =	sand.u32 $0x10, s5  }
0x8: {  	s18 =	simm.s32 $0x0;
	[sflag:s4] =	ssyncpa.u1 $0x0;
	s5 =	sor.u32 s1, s5  }
0x9: {  	[sflag:s6] =	ssyncpa.u1 $0x0;
	s6 =	simm.s32 $0x800;
	s10 =	smov.u32 s5  }
.LBB1_7:
0xa: {  	s13 =	sadd.s32 $0x8, s9  }
0xb: {  	s11 =	sadd.s32 $0x20, s10;
	s15 =	smov.u32 s10;
	p2 =	sgt.s32 s13, $0x7F  }
0xc: {  	p1 =	slt.u32 s8, $0x2;
	s15 =	smov.u32 @p2 s11  }
0xd: {  	s8 =	sadd.s32 $0x1, s8;
	s13 =	simm.s32 @p2 $0x0;
	p2 =	sgt.s32 s15, $0x1F  }
0xe: {  	s15 =	smov.u32 @p2 s5;
	p2 =	sne.s32 s8, $0x12  }
.Ltmp1:
0xf: {  	_ = 	snop;
	(pc) =	sbr.rel @!p2 .LBB1_8-.Ltmp1, $4  }
0x10: {  	s14 =	simm.s32 @!p1 $0x2  }
0x11: {  	s12 =	smov.u32 s10;
	_ =	swait.ge @!p1 [sflag:s14], $0x4000  }
0x12: {  	p0 =	por !p0, !p0;
	s11 =	smov.u32 s9;
	[sflag:s14] =	ssyncset.done @!p1 $0x0  }
0x13: {  	s9 =	smov.u32 s13;
	[sflag:s14] =	ssyncadd.s32 @!p1 $0xFFFFC000;
	s10 =	smov.u32 s15  }
.LBB1_1:
0x14: {  	p1 =	sgt.u32 s8, $0xF  }
0x15: {  	s13 =	sxor.u32 @!p1 $0xFFFFFFFF, s8;
	s14 =	sshll.u32 @!p1 s10, $0xF  }
0x16: {  	s15 =	sshll.u32 @!p1 s9, $0x8;
	s13 =	sshll.u32 @!p1 s13, $0xE;
	s14 =	sadd.s32 @!p1 s2, s14  }
0x17: {  	s13 =	sand.u32 @!p1 $0x4000, s13;
	s14 =	sadd.s32 @!p1 s15, s14;
	s15 =	simm.s32 @!p1 $0x0  }
0x18: {  	[tilespmem:s13], [sflag:$0x1] =	stream.linear.gather @!p1 [hbm4b:s14+s15], $0x4000, $0x38;
	[tilespmem:$0x10000] =	vst v63  }
0x19: {  	p1 =	seq.s32 s8, $0x0  }
0x1a: {  	p2 =	seq.s32 @!p1 s8, $0x11  }
0x1b: {  	p1 =	por p1, p2  }
.Ltmp2:
0x1c: {  	_ = 	snop;
	(pc) =	sbr.rel @p1 .LBB1_7-.Ltmp2, $1  }
0x1d: {  	_ =	sdelay $0x3  }
0x1e: {  	s13 =	simm.s32 $0x1  }
0x1f: {  	_ =	swait.ge [sflag:s4], $0x4000;
	s31 =	sshll.u32 s8, $0xE;
	p1 =	por $0x0, $0x0  }
0x20: {  	s19 =	simm.s32 $0x0;
	s20 =	simm.s32 $0x0;
	s13 =	simm.s32 @!p0 $0x0  }
0x21: {  	[sflag:s4] =	ssyncset.done $0x0;
	s16 =	sand.u32 $0x4000, s31;
	s13 =	sshll.u32 s13, $0x10  }
0x22: {  	[sflag:s4] =	ssyncadd.s32 $0xFFFFC000;
	s17 =	sshrl.u32 s13, $0x2;
	s13 =	sor.u32 $0x8000, s16  }
0x23: {  	s14 =	sor.u32 $0x40, s17;
	s15 =	sor.u32 $0x8410, s17;
	s17 =	sadd.s32 $0x8400, s17  }
.LBB1_3:
0x24: {  	v1 =	vld [tilespmem:s14+$0xFFFFFFD0]  }
0x25: {  	v2 =	vld [tilespmem:s14+$0x430]  }
0x26: {  	s21 =	sshll.u32 s20, $0xB;
	v4 =	vld [tilespmem:s14+$0xFFFFFFE0]  }
0x27: {  	v7 =	vld [tilespmem:s14+$0xFFFFFFF0];
	v0 =	vmov s21  }
0x28: {  	v8 =	vld [tilespmem:s14+$0x0]  }
0x29: {  	s30 =	sand.u32 $0x300, s18;
	v9 =	vld [tilespmem:s14+$0x10]  }
0x2a: {  	s22 =	sand.u32 $0x80, s18;
	v10 =	vld [tilespmem:s14+$0x20];
	s21 =	sadd.s32 s30, s16  }
0x2b: {  	v11 =	vld [tilespmem:s14+$0x30];
	s21 =	sadd.s32 s22, s21;
	s22 =	simm.s32 $0x1;
	[tilespmem:s15+$0x60] =	vst v2  }
0x2c: {  	s31 =	sshll.u32 s19, $0x2;
	s22 =	simm.s32 @!p1 $0x0;
	[tilespmem:s15+$0xFFFFFC00] =	vst v1;
	v3 =	vld.idx.msk [tilespmem:v0+s21+$0x400 ss:$0x1], $0xffff  }
0x2d: {  	v6 =	vld [tilespmem:s14+$0x3D0];
	s22 =	sshll.u32 s22, $0x9;
	[tilespmem:s15+$0xFFFFFC10] =	vst v4;
	s21 =	sand.u32 $0xFFFFFC00, s31  }
0x2e: {  	v5 =	vld [tilespmem:s14+$0x3E0];
	[tilespmem:s15+$0xFFFFFC20] =	vst v7;
	s21 =	sor.u32 s22, s21  }
0x2f: {  	[tilespmem:s15+$0xFFFFFC30] =	vst v8;
	v4 =	vld [tilespmem:s14+$0x400];
	s21 =	sshrl.u32 s21, $0x2  }
0x30: {  	[tilespmem:s15+$0xFFFFFC40] =	vst v9;
	v1 =	vld [tilespmem:s14+$0x410];
	s21 =	sadd.s32 s21, s17  }
0x31: {  	[tilespmem:s21+$0x0] =	vst v3;
	v3 =	vld [tilespmem:s14+$0x3F0]  }
0x32: {  	s25 =	simm.s32 $0x80;
	s24 =	simm.s32 $0x100;
	[tilespmem:s15+$0xFFFFFC50] =	vst v10;
	v2 =	vld [tilespmem:s14+$0x420]  }
0x33: {  	s23 =	smov.u32 s15;
	s26 =	sand.u32 $0x300, s25;
	v7 =	vld [tilespmem:s14+$0xFFFFFFC0];
	[tilespmem:s15+$0xFFFFFC60] =	vst v11;
	s22 =	sadd.s32 $0x80, s14  }
.LBB1_4:
0x34: {  	p2 =	sne.s32 s24, $0x380;
	v8 =	vld [tilespmem:s22+$0xFFFFFFD0];
	s25 =	sand.u32 $0x80, s25;
	s26 =	sadd.s32 s26, s16;
	[tilespmem:s23+$0x0] =	vst v6  }
0x35: {  	s26 =	sadd.s32 s25, s26;
	v6 =	vld [tilespmem:s22+$0x430];
	[tilespmem:s23+$0x10] =	vst v5;
	s25 =	smov.u32 s24  }
0x36: {  	v5 =	vld.idx.msk [tilespmem:v0+s26+$0x400 ss:$0x1], $0xffff;
	[tilespmem:s23+$0x20] =	vst v3  }
0x37: {  	v3 =	vld [tilespmem:s22+$0xFFFFFFE0];
	[tilespmem:s23+$0x30] =	vst v4  }
0x38: {  	v4 =	vld [tilespmem:s22+$0xFFFFFFF0];
	[tilespmem:s23+$0xFFFFFBF0] =	vst v7  }
0x39: {  	v7 =	vld [tilespmem:s22+$0x0];
	[tilespmem:s23+$0x40] =	vst v1  }
0x3a: {  	v1 =	vld [tilespmem:s22+$0x10];
	[tilespmem:s23+$0x50] =	vst v2;
	s23 =	sadd.s32 $0x800, s23  }
0x3b: {  	s21 =	sadd.s32 $0x800, s21;
	v2 =	vld [tilespmem:s22+$0x20];
	[tilespmem:s23+$0x60] =	vst v6  }
0x3c: {  	v9 =	vld [tilespmem:s22+$0x30];
	[tilespmem:s21+$0x0] =	vst v5  }
0x3d: {  	[tilespmem:s23+$0xFFFFFC00] =	vst v8;
	v6 =	vld [tilespmem:s22+$0x3D0]  }
0x3e: {  	[tilespmem:s23+$0xFFFFFC10] =	vst v3;
	v5 =	vld [tilespmem:s22+$0x3E0]  }
.Ltmp3:
0x3f: {  	[tilespmem:s23+$0xFFFFFC20] =	vst v4;
	v3 =	vld [tilespmem:s22+$0x3F0];
	(pc) =	sbr.rel @p2 .LBB1_4-.Ltmp3, $4  }
0x40: {  	[tilespmem:s23+$0xFFFFFC30] =	vst v7;
	v4 =	vld [tilespmem:s22+$0x400]  }
0x41: {  	[tilespmem:s23+$0xFFFFFC40] =	vst v1;
	v1 =	vld [tilespmem:s22+$0x410]  }
0x42: {  	[tilespmem:s23+$0xFFFFFC50] =	vst v2;
	v2 =	vld [tilespmem:s22+$0x420]  }
0x43: {  	s24 =	sadd.s32 $0x80, s24;
	s26 =	sand.u32 $0x300, s25;
	v7 =	vld [tilespmem:s22+$0xFFFFFFC0];
	[tilespmem:s23+$0xFFFFFC60] =	vst v9;
	s22 =	sadd.s32 $0x80, s22  }
0x44: {  	[tilespmem:s23+$0x0] =	vst v6  }
0x45: {  	[tilespmem:s23+$0x10] =	vst v5  }
0x46: {  	v49 =	vld [tilespmem:s22+$0x430];
	[tilespmem:s23+$0x20] =	vst v3  }
0x47: {  	v50 =	vld [tilespmem:s22+$0xFFFFFFD0];
	[tilespmem:s23+$0x30] =	vst v4  }
0x48: {  	v51 =	vld [tilespmem:s22+$0xFFFFFFE0];
	[tilespmem:s23+$0x40] =	vst v1  }
0x49: {  	v52 =	vld [tilespmem:s22+$0xFFFFFFF0];
	[tilespmem:s23+$0x50] =	vst v2  }
0x4a: {  	s31 =	sadd.s32 $0x800, s23;
	v53 =	vld [tilespmem:s22+$0x0];
	[tilespmem:s23+$0xFFFFFBF0] =	vst v7  }
0x4b: {  	v54 =	vld [tilespmem:s22+$0x10];
	[tilespmem:s31+$0x60] =	vst v49  }
0x4c: {  	v55 =	vld [tilespmem:s22+$0x20];
	[tilespmem:s31+$0xFFFFFC00] =	vst v50  }
0x4d: {  	v56 =	vld [tilespmem:s22+$0x30];
	[tilespmem:s31+$0xFFFFFC10] =	vst v51  }
0x4e: {  	v57 =	vld [tilespmem:s22+$0x3D0];
	[tilespmem:s31+$0xFFFFFC20] =	vst v52  }
0x4f: {  	v58 =	vld [tilespmem:s22+$0x3E0];
	[tilespmem:s31+$0xFFFFFC30] =	vst v53  }
0x50: {  	v59 =	vld [tilespmem:s22+$0x3F0];
	[tilespmem:s31+$0xFFFFFC40] =	vst v54  }
0x51: {  	v60 =	vld [tilespmem:s22+$0x400];
	[tilespmem:s31+$0xFFFFFC50] =	vst v55  }
0x52: {  	v61 =	vld [tilespmem:s22+$0xFFFFFFC0];
	[tilespmem:s31+$0xFFFFFC60] =	vst v56  }
0x53: {  	s24 =	sand.u32 $0x80, s25;
	s30 =	sadd.s32 s26, s16;
	v62 =	vld [tilespmem:s22+$0x410];
	[tilespmem:s31+$0x0] =	vst v57  }
0x54: {  	v63 =	vld [tilespmem:s22+$0x420];
	s20 =	sadd.s32 $0x1, s20;
	s24 =	sadd.s32 s24, s30;
	[tilespmem:s31+$0x10] =	vst v58  }
0x55: {  	p2 =	sne.s32 s20, $0x8;
	v0 =	vld.idx.msk [tilespmem:v0+s24+$0x400 ss:$0x1], $0xffff;
	[tilespmem:s31+$0x20] =	vst v59  }
.Ltmp4:
0x56: {  	[tilespmem:s31+$0x30] =	vst v60;
	(pc) =	sbr.rel @p2 .LBB1_3-.Ltmp4, $4  }
0x57: {  	[tilespmem:s31+$0xFFFFFBF0] =	vst v61  }
0x58: {  	[tilespmem:s31+$0x40] =	vst v62  }
0x59: {  	s21 =	sadd.s32 $0x800, s21;
	s14 =	sadd.s32 $0x800, s14;
	[tilespmem:s31+$0x50] =	vst v63  }
0x5a: {  	s19 =	sadd.s32 $0x80, s19;
	p1 =	por !p1, !p1;
	s15 =	sadd.s32 $0x80, s15;
	[tilespmem:s21+$0x0] =	vst v0  }
0x5b: {  	s14 =	sshll.u32 s11, $0x8;
	s31 =	sshll.u32 s11, $0x7  }
.Ltmp5:
0x5c: {  	s14 =	sand.u32 $0x7800, s14;
	s11 =	sand.u32 $0x380, s31;
	(pc) =	sbr.rel .LBB1_7-.Ltmp5, $4  }
0x5d: {  	s12 =	sshll.u32 s12, $0xF;
	s11 =	sor.u32 s11, s14  }
0x5e: {  	s12 =	sadd.s32 s3, s12;
	s11 =	sshrl.u32 s11, $0x3  }
0x5f: {  	s11 =	sadd.s32 s11, s12  }
0x60: {  	[hbm4b:s11+s6] =	stream.strided.scatter [tilespmem:s13], [sflag:$0x2], $0x4000, s7, s6, $0x38;
	[tilespmem:$0x10000] =	vst v63  }
.LBB1_8:
0x61: {  	_ =	sfence.sel $0x180000  }
0x62: {  	s2 =	simm.s32 $0x1;
	[bflag:$0x0] =	sbarrier.arrive $0xFFFF  }
0x63: {  	s31 =	simm.s32 $0x2;
	[sflag:s2] =	ssyncpa.u1 $0x1  }
0x64: {  	[sflag:s31] =	ssyncpa.u1 $0x1  }
0x65: {  	p0 =	sne.s32 s1, $0x0;
	_ =	strace $0x9000004D  }
0x66: {  	s0 =	sadd.s32 @!p0 $0x100000, s0;
	[bflag:$0x2] =	sbarrier.arrive $0xFFFF  }
0x67: {  	[sflag:s0] =	ssyncadd.tile.s32 @!p0 $0x1;
	_ =	shalt  }
.Lfunc_end1:
_tile_overlayer_lowered:
.L_overlay_start_2:
0x68: {  	(tag) =	ssettag $0x2  }
0x69: {  	s0 =	rddreg [dreg:$0x0];
	s2 =	stileid.u32  }
0x6a: {  	s1 =	rddreg [dreg:$0x1];
	p0 =	sne.s32 s2, $0x0  }
0x6b: {  	s3 =	rddreg [dreg:$0x2];
	[bflag:$0x3] =	sbarrier.arrive $0xFFFF;
	s2 =	simm.s32 @!p0 $0x1C01  }
0x6c: {  	[timem:s3], [sflag:s2] =	dma.local @!p0 [hbm:s0], s1  }
0x6d: {  	s0 =	simm.s32 @!p0 $0x1  }
0x6e: {  	_ =	swait.ge @!p0 [sflag:s0], s1  }
0x6f: {  	s1 =	ssub.s32 @!p0 $0x0, s1;
	[sflag:s0] =	ssyncset.done @!p0 $0x0  }
0x70: {  	[sflag:s0] =	ssyncadd.s32 @!p0 s1  }
0x71: {  	[bflag:$0x3] =	sbarrier.arrive $0xFFFF  }
0x72: {  	_ =	shalt  }

</sc_bundles>
